<compile_context>
chip_gen: v7x
topology: tpu7x:2x2x1
jax: 0.10.2.dev20260603
libtpu: 0.0.44.dev20260713+nightly
codegen_flags: <defaults>
</compile_context>

<pallas_src>
import functools

import jax
import jax.numpy as jnp
from jax import lax
from jax.experimental import pallas as pl
from jax.experimental.pallas import tpu as pltpu
from jax.experimental.pallas import tpu_sc as plsc

_TAU = 0.07
_N_STATES = 4096


def _leaky_relu(x):
    return jnp.where(x >= 0, x, 0.01 * x)


def _cosine_sim(a, b, eps=1e-8):
    num = jnp.sum(a * b, axis=1)
    na = jnp.maximum(jnp.sqrt(jnp.sum(a * a, axis=1)), eps)
    nb = jnp.maximum(jnp.sqrt(jnp.sum(b * b, axis=1)), eps)
    return num / (na * nb)


def _row_col_to_seq(rc, num_cols):
    return (rc[:, 0] * num_cols + rc[:, 1]).astype(jnp.int32)


def _sample_middle_state(base_key, s_, g_, code, ms_w1, ms_b1, ms_w2, ms_b2,
                         states, num_cols):
    k_noise = jax.random.fold_in(base_key, 2 * code)
    k_gumbel = jax.random.fold_in(base_key, 2 * code + 1)
    noise = jax.random.normal(k_noise, s_.shape, dtype=jnp.float32)
    x = jnp.concatenate([s_, g_, noise], axis=1)
    m = _leaky_relu(x @ ms_w1 + ms_b1) @ ms_w2 + ms_b2
    rep = jnp.tile(m, (states.shape[0], 1))
    sim = _cosine_sim(rep, states)
    u = jax.random.uniform(k_gumbel, sim.shape, minval=1e-10, maxval=1.0)
    gn = -jnp.log(-jnp.log(u))
    z = (sim + gn) / _TAU
    zmax = jnp.max(z, -1, initial=-jnp.inf, keepdims=True)
    unnorm = jnp.exp(z - jax.lax.stop_gradient(zmax))
    ssum = jnp.sum(unnorm, -1, keepdims=True)[0]
    am = jnp.argmax(unnorm)
    ya = 1.0 / ssum
    pa = (1.0 + ya) - ya
    m2 = pa * states[am]
    m_idx = _row_col_to_seq(m2[None, :], num_cols)
    return m2[None, :], m_idx


_NC, _NS = 2, 16


def _sc_kernel(sf_hbm, si_hbm, wp_hbm, vf_hbm, out_hbm,
               sf, si, wp, idxv, vg, ob, semw, semg):
    cid = lax.axis_index("c")
    sid = lax.axis_index("s")

    @pl.when(jnp.logical_and(cid == 0, sid == 0))
    def _():
        cpw = pltpu.make_async_copy(wp_hbm, wp, semw)
        cpw.start()
        pltpu.sync_copy(sf_hbm, sf)
        pltpu.sync_copy(si_hbm, si)

        sfv = sf[...]
        s0 = sfv[0]
        s1 = sfv[1]
        g0 = sfv[2]
        g1 = sfv[3]
        rA = sfv[4]
        cA = sfv[5]
        rB = sfv[6]
        cB = sfv[7]
        rC = sfv[8]
        cC = sfv[9]
        eb2 = sfv[10]

        siv = si[...]
        sidx = siv[0]
        gidx = siv[1]
        iA = siv[2]
        iB = siv[3]
        iC = siv[4]

        pairs = [
            (sidx, gidx),
            (sidx, iA),
            (sidx, iB),
            (iB, iA),
            (iA, gidx),
            (iA, iC),
            (iC, gidx),
        ]
        io = lax.iota(jnp.int32, 16)
        rows = jnp.zeros((16,), jnp.int32)
        for k, (a, b) in enumerate(pairs):
            rows = jnp.where(io == k, a * jnp.int32(_N_STATES) + b, rows)
        idxv[...] = rows
        cpg = pltpu.make_async_copy(vf_hbm.at[idxv], vg, semg)
        cpg.start()

        xs = [
            (s0, s1, g0, g1),
            (s0, s1, rA, cA),
            (s0, s1, rB, cB),
            (rB, cB, rA, cA),
            (rA, cA, g0, g1),
            (rA, cA, rC, cC),
            (rC, cC, g0, g1),
        ]
        def _round_bf16(v):
            c = jnp.float32(65537.0)
            p = v * c
            q = p - v
            return p - q

        cpw.wait()
        accs = [jnp.zeros((16,), jnp.float32) for _ in range(7)]
        for j in range(16):
            sl = pl.ds(j * 16, 16)
            w1r = [wp[k, sl] for k in range(4)]
            bj = wp[4, sl]
            w2j = wp[5, sl]
            for t in range(7):
                x0, x1, x2, x3 = xs[t]
                h = bj + x0 * w1r[0] + x1 * w1r[1] + x2 * w1r[2] + x3 * w1r[3]
                h = jnp.where(h >= 0, h, jnp.float32(0.01) * h)
                accs[t] = accs[t] + _round_bf16(h) * w2j
        def _lanesum(a):
            parts = [a[k] for k in range(16)]
            while len(parts) > 1:
                parts = [parts[i] + parts[i + 1]
                         for i in range(0, len(parts), 2)]
            return parts[0]

        ys = [_lanesum(a) + eb2 for a in accs]

        cpg.wait()
        vgv = vg[...]
        vs = [vgv[k] for k in range(7)]
        ls = [jnp.abs(y - v) for y, v in zip(ys, vs)]

        condA = jnp.logical_or(iA == gidx, iA == sidx)
        condB = jnp.logical_or(iB == iA, iB == sidx)
        condC = jnp.logical_or(iC == gidx, iC == iA)

        def comb(vals):
            resB = jnp.where(condB, vals[1], vals[2] + vals[3])
            resC = jnp.where(condC, vals[4], vals[5] + vals[6])
            return jnp.where(condA, vals[0], resB + resC)

        yo = comb(ys)
        vo = comb(vs)
        lo = comb(ls)
        out = jnp.where(io == 0, yo, jnp.where(io == 1, vo,
                        jnp.where(io == 2, lo, jnp.float32(0.0))))
        ob[...] = out
        pltpu.sync_copy(ob, out_hbm)


_sc_call = functools.partial(
    pl.kernel,
    out_type=jax.ShapeDtypeStruct((16,), jnp.float32),
    mesh=plsc.VectorSubcoreMesh(core_axis_name="c", subcore_axis_name="s",
                                num_cores=_NC, num_subcores=_NS),
    scratch_types=[
        pltpu.VMEM((16,), jnp.float32),
        pltpu.VMEM((16,), jnp.int32),
        pltpu.VMEM((6, 256), jnp.float32),
        pltpu.VMEM((16,), jnp.int32),
        pltpu.VMEM((16,), jnp.float32),
        pltpu.VMEM((16,), jnp.float32),
        pltpu.SemaphoreType.DMA,
        pltpu.SemaphoreType.DMA,
    ],
)(_sc_kernel)


def kernel(s, g, s_idx, g_idx, ev_w1, ev_b1, ev_w2, ev_b2, ms_w1, ms_b1,
           ms_w2, ms_b2, states, value_function, num_cols):
    base_key = jax.random.key(42)

    mA, iA = _sample_middle_state(base_key, s, g, 0, ms_w1, ms_b1, ms_w2,
                                  ms_b2, states, num_cols)
    mB, iB = _sample_middle_state(base_key, s, mA, 1, ms_w1, ms_b1, ms_w2,
                                  ms_b2, states, num_cols)
    mC, iC = _sample_middle_state(base_key, mA, g, 2, ms_w1, ms_b1, ms_w2,
                                  ms_b2, states, num_cols)

    def _bf(v):
        return v.astype(jnp.bfloat16).astype(jnp.float32)

    sf = jnp.concatenate([
        _bf(s.reshape(-1)), _bf(g.reshape(-1)), _bf(mA.reshape(-1)),
        _bf(mB.reshape(-1)), _bf(mC.reshape(-1)), ev_b2.reshape(-1),
        jnp.zeros((5,), jnp.float32),
    ]).astype(jnp.float32)
    si = jnp.concatenate([
        s_idx.reshape(-1), g_idx.reshape(-1), iA.reshape(-1), iB.reshape(-1),
        iC.reshape(-1), jnp.zeros((11,), jnp.int32),
    ]).astype(jnp.int32)

    wpack = jnp.concatenate([
        _bf(ev_w1), ev_b1.reshape(1, -1), _bf(ev_w2.reshape(1, -1)),
    ], axis=0)
    out = _sc_call(sf, si, wpack, value_function.reshape(-1))

    y = out[0:1].reshape(1, 1)
    v = out[1:2]
    loss = out[2]
    return y, v, loss

# --- scband reference (transcript-rebuilt; emitter-appended) ---
"""Pipeline reference for scband-value-approximator-60301340836291 (READ-ONLY COPY).

The authoritative reference and input builder live on the scoring server;
editing this copy changes nothing except your own understanding.
"""

import jax, jax.numpy as jnp
import numpy as np

NUM_ROWS = 64
NUM_COLS = 64
NUM_STATES = NUM_ROWS * NUM_COLS
MIDDLE_DIM = 256
MIDDLE_PROBA_DIM = 16
TAU = 0.07


def leaky_relu(x):
    return jnp.where(x >= 0, x, 0.01 * x)


def cosine_sim(a, b, eps=1e-8):
    num = jnp.sum(a * b, axis=1)
    na = jnp.maximum(jnp.sqrt(jnp.sum(a * a, axis=1)), eps)
    nb = jnp.maximum(jnp.sqrt(jnp.sum(b * b, axis=1)), eps)
    return num / (na * nb)


def gumbel_softmax_hard(key, logits, tau):
    u = jax.random.uniform(key, logits.shape, minval=1e-10, maxval=1.0)
    gn = -jnp.log(-jnp.log(u))
    y = jax.nn.softmax((logits + gn) / tau, axis=-1)
    y_hard = jax.nn.one_hot(jnp.argmax(y, axis=-1), logits.shape[-1], dtype=y.dtype)
    return y_hard + y - jax.lax.stop_gradient(y)


def row_col_to_seq(rc, num_cols):
    return (rc[:, 0] * num_cols + rc[:, 1]).astype(jnp.int32)


def setup_inputs(seed: int = 0):
    key = jax.random.key(seed)
    ks = jax.random.split(key, 14)
    rr, cc = jnp.meshgrid(jnp.arange(NUM_ROWS, dtype=jnp.float32), jnp.arange(NUM_COLS, dtype=jnp.float32), indexing='ij')
    states = jnp.stack([rr.reshape(-1), cc.reshape(-1)], axis=1)
    value_function = jax.random.normal(ks[0], (NUM_STATES, NUM_STATES), dtype=jnp.float32)
    return {
        's': jax.random.normal(ks[1], (1, 2), dtype=jnp.float32),
        'g': jax.random.normal(ks[2], (1, 2), dtype=jnp.float32),
        's_idx': jax.random.randint(ks[3], (1,), 0, NUM_STATES, dtype=jnp.int32),
        'g_idx': jax.random.randint(ks[4], (1,), 0, NUM_STATES, dtype=jnp.int32),
        'ev_w1': jax.random.normal(ks[5], (4, MIDDLE_DIM), dtype=jnp.float32) * 0.1,
        'ev_b1': jnp.zeros((MIDDLE_DIM,), dtype=jnp.float32),
        'ev_w2': jax.random.normal(ks[6], (MIDDLE_DIM, 1), dtype=jnp.float32) * 0.1,
        'ev_b2': jnp.zeros((1,), dtype=jnp.float32),
        'ms_w1': jax.random.normal(ks[7], (6, MIDDLE_PROBA_DIM), dtype=jnp.float32) * 0.1,
        'ms_b1': jnp.zeros((MIDDLE_PROBA_DIM,), dtype=jnp.float32),
        'ms_w2': jax.random.normal(ks[8], (MIDDLE_PROBA_DIM, 2), dtype=jnp.float32) * 0.1,
        'ms_b2': jnp.zeros((2,), dtype=jnp.float32),
        'states': states,
        'value_function': value_function,
        'num_cols': NUM_COLS,
    }


def reference(s, g, s_idx, g_idx, ev_w1, ev_b1, ev_w2, ev_b2, ms_w1, ms_b1, ms_w2, ms_b2, states, value_function, num_cols):
    base_key = jax.random.key(42)

    def estimate_value(x):
        return leaky_relu(x @ ev_w1 + ev_b1) @ ev_w2 + ev_b2

    def middle_net(x):
        return leaky_relu(x @ ms_w1 + ms_b1) @ ms_w2 + ms_b2

    def sample_middle_state(s_, g_, code):
        k_noise = jax.random.fold_in(base_key, 2 * code)
        k_gumbel = jax.random.fold_in(base_key, 2 * code + 1)
        noise = jax.random.normal(k_noise, s_.shape, dtype=jnp.float32)
        x = jnp.concatenate([s_, g_, noise], axis=1)
        m = middle_net(x)
        rep = jnp.tile(m, (states.shape[0], 1))
        sim = cosine_sim(rep, states)
        p = gumbel_softmax_hard(k_gumbel, sim, TAU)
        m2 = jnp.sum(p[:, None] * states, axis=0)
        m_idx = row_col_to_seq(m2[None, :], num_cols)
        return m2[None, :], m_idx

    def base_case(s_, g_, si, gi):
        v = value_function[si, gi]
        y = estimate_value(jnp.concatenate([s_, g_], axis=1))
        loss = jnp.mean(jnp.abs(y - v))
        return y, v, loss

    def rec(s_, g_, si, gi, depth, code):
        m, m_idx = sample_middle_state(s_, g_, code)
        if depth > 2:
            return base_case(s_, g_, si, gi)
        mi = jax.lax.stop_gradient(m_idx)[0]
        gi_v = jax.lax.stop_gradient(gi)[0]
        si_v = jax.lax.stop_gradient(si)[0]
        cond = jnp.logical_or(mi == gi_v, mi == si_v)
        yb, vb, lb = base_case(s_, g_, si, gi)
        y1, v1, l1 = rec(s_, m, si, m_idx, depth + 1, 3 * code + 1)
        y2, v2, l2 = rec(m, g_, m_idx, gi, depth + 1, 3 * code + 2)
        y = jnp.where(cond, yb, y1 + y2)
        v = jnp.where(cond, vb, v1 + v2)
        loss = jnp.where(cond, lb, l1 + l2)
        return y, v, loss

    return rec(s, g, s_idx, g_idx, 1, 0)

if __name__ == "__main__":
    import jax
    _d = setup_inputs()
    print(jax.jit(kernel)(*tuple(_d.values())))

</pallas_src>

<mosaic_0001>
#map = affine_map<(d0, d1) -> (0)>
#map1 = affine_map<(d0, d1) -> (0, 0)>
module attributes {stable_mosaic.version = 14 : i64} {
  func.func @_sc_kernel(%arg0: i32, %arg1: i32, %arg2: memref<16xf32, #tpu.memory_space<hbm>>, %arg3: memref<16xi32, #tpu.memory_space<hbm>>, %arg4: memref<6x256xf32, #tpu.memory_space<hbm>>, %arg5: memref<16777216xf32, #tpu.memory_space<hbm>>, %arg6: memref<16xf32, #tpu.memory_space<hbm>>, %arg7: memref<16xf32, #tpu.memory_space<vmem>>, %arg8: memref<16xi32, #tpu.memory_space<vmem>>, %arg9: memref<6x256xf32, #tpu.memory_space<vmem>>, %arg10: memref<16xi32, #tpu.memory_space<vmem>>, %arg11: memref<16xf32, #tpu.memory_space<vmem>>, %arg12: memref<16xf32, #tpu.memory_space<vmem>>, %arg13: memref<!tpu.dma_semaphore, #tpu.memory_space<semaphore_mem>>, %arg14: memref<!tpu.dma_semaphore, #tpu.memory_space<semaphore_mem>>) attributes {dimension_semantics = [#tpu.dimension_semantics<core_parallel>, #tpu.dimension_semantics<subcore_parallel>], iteration_bounds = array<i64: 2, 16>, scalar_prefetch = 0 : i64, scratch_operands = 8 : i64, tpu.core_type = #tpu.core_type<sc_vector_subcore>, window_params = [{transform_indices = #map}, {transform_indices = #map}, {transform_indices = #map1}, {transform_indices = #map}, {transform_indices = #map}]} {
    %eq3A = arith.constant 0 : i32
    %eq3A_0 = arith.cmpi eq, %arg0, %eq3A : i32
    %eq3A_1 = arith.constant 0 : i32
    %eq3A_2 = arith.cmpi eq, %arg1, %eq3A_1 : i32
    %and3A = arith.andi %eq3A_0, %eq3A_2 : i1
    %convert_element_type3A = arith.extui %and3A : i1 to i32
    %cond3A = arith.constant 0 : i32
    %cond3A_3 = arith.cmpi ne, %convert_element_type3A, %cond3A : i32
    scf.if %cond3A_3 {
      tpu.enqueue_dma source(%arg4 : memref<6x256xf32, #tpu.memory_space<hbm>>) target(%arg9 : memref<6x256xf32, #tpu.memory_space<vmem>>) target_semaphore(%arg13 : memref<!tpu.dma_semaphore, #tpu.memory_space<semaphore_mem>>)
      "tpu.region"() ({
        %run_scoped3A = tpu.sem_alloc : memref<!tpu.dma_semaphore, #tpu.memory_space<semaphore_mem>>
        tpu.enqueue_dma source(%arg2 : memref<16xf32, #tpu.memory_space<hbm>>) target(%arg7 : memref<16xf32, #tpu.memory_space<vmem>>) target_semaphore(%run_scoped3A : memref<!tpu.dma_semaphore, #tpu.memory_space<semaphore_mem>>)
        tpu.wait_dma2 semaphore(%run_scoped3A : memref<!tpu.dma_semaphore, #tpu.memory_space<semaphore_mem>>) src(%arg2 : memref<16xf32, #tpu.memory_space<hbm>>) dst(%arg7 : memref<16xf32, #tpu.memory_space<vmem>>)
        tpu.yield
      }) : () -> ()
      "tpu.region"() ({
        %run_scoped3A = tpu.sem_alloc : memref<!tpu.dma_semaphore, #tpu.memory_space<semaphore_mem>>
        tpu.enqueue_dma source(%arg3 : memref<16xi32, #tpu.memory_space<hbm>>) target(%arg8 : memref<16xi32, #tpu.memory_space<vmem>>) target_semaphore(%run_scoped3A : memref<!tpu.dma_semaphore, #tpu.memory_space<semaphore_mem>>)
        tpu.wait_dma2 semaphore(%run_scoped3A : memref<!tpu.dma_semaphore, #tpu.memory_space<semaphore_mem>>) src(%arg3 : memref<16xi32, #tpu.memory_space<hbm>>) dst(%arg8 : memref<16xi32, #tpu.memory_space<vmem>>)
        tpu.yield
      }) : () -> ()
      %get3A = arith.constant 0 : index
      %get3A_4 = tpu.vector_load %arg7[%get3A] {strides = array<i32>} : memref<16xf32, #tpu.memory_space<vmem>>, vector<16xf32>,
      %get3A_5 = vector.shape_cast %get3A_4 : vector<16xf32> to vector<16xf32>
      %slice3A = vector.extract_strided_slice %get3A_5 {offsets = [0], sizes = [1], strides = [1]} : vector<16xf32> to vector<1xf32>
      %squeeze3A = vector.extract %slice3A[0] : f32 from vector<1xf32>
      %slice3A_6 = vector.extract_strided_slice %get3A_5 {offsets = [1], sizes = [1], strides = [1]} : vector<16xf32> to vector<1xf32>
      %squeeze3A_7 = vector.extract %slice3A_6[0] : f32 from vector<1xf32>
      %slice3A_8 = vector.extract_strided_slice %get3A_5 {offsets = [2], sizes = [1], strides = [1]} : vector<16xf32> to vector<1xf32>
      %squeeze3A_9 = vector.extract %slice3A_8[0] : f32 from vector<1xf32>
      %slice3A_10 = vector.extract_strided_slice %get3A_5 {offsets = [3], sizes = [1], strides = [1]} : vector<16xf32> to vector<1xf32>
      %squeeze3A_11 = vector.extract %slice3A_10[0] : f32 from vector<1xf32>
      %slice3A_12 = vector.extract_strided_slice %get3A_5 {offsets = [4], sizes = [1], strides = [1]} : vector<16xf32> to vector<1xf32>
      %squeeze3A_13 = vector.extract %slice3A_12[0] : f32 from vector<1xf32>
      %slice3A_14 = vector.extract_strided_slice %get3A_5 {offsets = [5], sizes = [1], strides = [1]} : vector<16xf32> to vector<1xf32>
      %squeeze3A_15 = vector.extract %slice3A_14[0] : f32 from vector<1xf32>
      %slice3A_16 = vector.extract_strided_slice %get3A_5 {offsets = [6], sizes = [1], strides = [1]} : vector<16xf32> to vector<1xf32>
      %squeeze3A_17 = vector.extract %slice3A_16[0] : f32 from vector<1xf32>
      %slice3A_18 = vector.extract_strided_slice %get3A_5 {offsets = [7], sizes = [1], strides = [1]} : vector<16xf32> to vector<1xf32>
      %squeeze3A_19 = vector.extract %slice3A_18[0] : f32 from vector<1xf32>
      %slice3A_20 = vector.extract_strided_slice %get3A_5 {offsets = [8], sizes = [1], strides = [1]} : vector<16xf32> to vector<1xf32>
      %squeeze3A_21 = vector.extract %slice3A_20[0] : f32 from vector<1xf32>
      %slice3A_22 = vector.extract_strided_slice %get3A_5 {offsets = [9], sizes = [1], strides = [1]} : vector<16xf32> to vector<1xf32>
      %squeeze3A_23 = vector.extract %slice3A_22[0] : f32 from vector<1xf32>
      %slice3A_24 = vector.extract_strided_slice %get3A_5 {offsets = [10], sizes = [1], strides = [1]} : vector<16xf32> to vector<1xf32>
      %squeeze3A_25 = vector.extract %slice3A_24[0] : f32 from vector<1xf32>
      %get3A_26 = arith.constant 0 : index
      %get3A_27 = tpu.vector_load %arg8[%get3A_26] {strides = array<i32>} : memref<16xi32, #tpu.memory_space<vmem>>, vector<16xi32>,
      %get3A_28 = vector.shape_cast %get3A_27 : vector<16xi32> to vector<16xi32>
      %slice3A_29 = vector.extract_strided_slice %get3A_28 {offsets = [0], sizes = [1], strides = [1]} : vector<16xi32> to vector<1xi32>
      %squeeze3A_30 = vector.extract %slice3A_29[0] : i32 from vector<1xi32>
      %slice3A_31 = vector.extract_strided_slice %get3A_28 {offsets = [1], sizes = [1], strides = [1]} : vector<16xi32> to vector<1xi32>
      %squeeze3A_32 = vector.extract %slice3A_31[0] : i32 from vector<1xi32>
      %slice3A_33 = vector.extract_strided_slice %get3A_28 {offsets = [2], sizes = [1], strides = [1]} : vector<16xi32> to vector<1xi32>
      %squeeze3A_34 = vector.extract %slice3A_33[0] : i32 from vector<1xi32>
      %slice3A_35 = vector.extract_strided_slice %get3A_28 {offsets = [3], sizes = [1], strides = [1]} : vector<16xi32> to vector<1xi32>
      %squeeze3A_36 = vector.extract %slice3A_35[0] : i32 from vector<1xi32>
      %slice3A_37 = vector.extract_strided_slice %get3A_28 {offsets = [4], sizes = [1], strides = [1]} : vector<16xi32> to vector<1xi32>
      %squeeze3A_38 = vector.extract %slice3A_37[0] : i32 from vector<1xi32>
      %iota3A = tpu.iota {dimensions = array<i32: 0>} : vector<16xi32>
      %broadcast_in_dim3A = arith.constant 0 : i32
      %broadcast_in_dim3A_39 = vector.broadcast %broadcast_in_dim3A : i32 to vector<16xi32>
      %eq3A_40 = arith.constant 0 : i32
      %eq3A_41 = vector.broadcast %eq3A_40 : i32 to vector<16xi32>
      %eq3A_42 = arith.cmpi eq, %iota3A, %eq3A_41 : vector<16xi32>
      %mul3A = arith.constant 4096 : i32
      %mul3A_43 = arith.muli %squeeze3A_30, %mul3A : i32
      %add3A = arith.addi %mul3A_43, %squeeze3A_32 : i32
      %broadcast_in_dim3A_44 = vector.broadcast %add3A : i32 to vector<16xi32>
      %select_n3A = arith.select %eq3A_42, %broadcast_in_dim3A_44, %broadcast_in_dim3A_39 : vector<16xi1>, vector<16xi32>
      %eq3A_45 = arith.constant 1 : i32
      %eq3A_46 = vector.broadcast %eq3A_45 : i32 to vector<16xi32>
      %eq3A_47 = arith.cmpi eq, %iota3A, %eq3A_46 : vector<16xi32>
      %mul3A_48 = arith.constant 4096 : i32
      %mul3A_49 = arith.muli %squeeze3A_30, %mul3A_48 : i32
      %add3A_50 = arith.addi %mul3A_49, %squeeze3A_34 : i32
      %broadcast_in_dim3A_51 = vector.broadcast %add3A_50 : i32 to vector<16xi32>
      %select_n3A_52 = arith.select %eq3A_47, %broadcast_in_dim3A_51, %select_n3A : vector<16xi1>, vector<16xi32>
      %eq3A_53 = arith.constant 2 : i32
      %eq3A_54 = vector.broadcast %eq3A_53 : i32 to vector<16xi32>
      %eq3A_55 = arith.cmpi eq, %iota3A, %eq3A_54 : vector<16xi32>
      %mul3A_56 = arith.constant 4096 : i32
      %mul3A_57 = arith.muli %squeeze3A_30, %mul3A_56 : i32
      %add3A_58 = arith.addi %mul3A_57, %squeeze3A_36 : i32
      %broadcast_in_dim3A_59 = vector.broadcast %add3A_58 : i32 to vector<16xi32>
      %select_n3A_60 = arith.select %eq3A_55, %broadcast_in_dim3A_59, %select_n3A_52 : vector<16xi1>, vector<16xi32>
      %eq3A_61 = arith.constant 3 : i32
      %eq3A_62 = vector.broadcast %eq3A_61 : i32 to vector<16xi32>
      %eq3A_63 = arith.cmpi eq, %iota3A, %eq3A_62 : vector<16xi32>
      %mul3A_64 = arith.constant 4096 : i32
      %mul3A_65 = arith.muli %squeeze3A_36, %mul3A_64 : i32
      %add3A_66 = arith.addi %mul3A_65, %squeeze3A_34 : i32
      %broadcast_in_dim3A_67 = vector.broadcast %add3A_66 : i32 to vector<16xi32>
      %select_n3A_68 = arith.select %eq3A_63, %broadcast_in_dim3A_67, %select_n3A_60 : vector<16xi1>, vector<16xi32>
      %eq3A_69 = arith.constant 4 : i32
      %eq3A_70 = vector.broadcast %eq3A_69 : i32 to vector<16xi32>
      %eq3A_71 = arith.cmpi eq, %iota3A, %eq3A_70 : vector<16xi32>
      %mul3A_72 = arith.constant 4096 : i32
      %mul3A_73 = arith.muli %squeeze3A_34, %mul3A_72 : i32
      %add3A_74 = arith.addi %mul3A_73, %squeeze3A_32 : i32
      %broadcast_in_dim3A_75 = vector.broadcast %add3A_74 : i32 to vector<16xi32>
      %select_n3A_76 = arith.select %eq3A_71, %broadcast_in_dim3A_75, %select_n3A_68 : vector<16xi1>, vector<16xi32>
      %eq3A_77 = arith.constant 5 : i32
      %eq3A_78 = vector.broadcast %eq3A_77 : i32 to vector<16xi32>
      %eq3A_79 = arith.cmpi eq, %iota3A, %eq3A_78 : vector<16xi32>
      %mul3A_80 = arith.constant 4096 : i32
      %mul3A_81 = arith.muli %squeeze3A_34, %mul3A_80 : i32
      %add3A_82 = arith.addi %mul3A_81, %squeeze3A_38 : i32
      %broadcast_in_dim3A_83 = vector.broadcast %add3A_82 : i32 to vector<16xi32>
      %select_n3A_84 = arith.select %eq3A_79, %broadcast_in_dim3A_83, %select_n3A_76 : vector<16xi1>, vector<16xi32>
      %eq3A_85 = arith.constant 6 : i32
      %eq3A_86 = vector.broadcast %eq3A_85 : i32 to vector<16xi32>
      %eq3A_87 = arith.cmpi eq, %iota3A, %eq3A_86 : vector<16xi32>
      %mul3A_88 = arith.constant 4096 : i32
      %mul3A_89 = arith.muli %squeeze3A_38, %mul3A_88 : i32
      %add3A_90 = arith.addi %mul3A_89, %squeeze3A_32 : i32
      %broadcast_in_dim3A_91 = vector.broadcast %add3A_90 : i32 to vector<16xi32>
      %select_n3A_92 = arith.select %eq3A_87, %broadcast_in_dim3A_91, %select_n3A_84 : vector<16xi1>, vector<16xi32>
      %swap3A = arith.constant 0 : index
      %swap3A_93 = tpu.vector_load %arg10[%swap3A] {strides = array<i32>} : memref<16xi32, #tpu.memory_space<vmem>>, vector<16xi32>,
      %swap3A_94 = vector.shape_cast %swap3A_93 : vector<16xi32> to vector<16xi32>
      %swap3A_95 = vector.shape_cast %select_n3A_92 : vector<16xi32> to vector<16xi32>
      tpu.vector_store %arg10[%swap3A], %swap3A_95 {strides = array<i32>} : memref<16xi32, #tpu.memory_space<vmem>>, vector<16xi32>,
      %dma_start3A = arith.constant 0 : i32
      %dma_start3A_96 = tpu.memref_slice %arg5[%dma_start3A] : memref<16777216xf32, #tpu.memory_space<hbm>> -> memref<16777216xf32, #tpu.memory_space<hbm>>
      tpu.enqueue_indirect_dma source(%dma_start3A_96 : memref<16777216xf32, #tpu.memory_space<hbm>>) target(%arg11 : memref<16xf32, #tpu.memory_space<vmem>>) offsets(%arg10 : memref<16xi32, #tpu.memory_space<vmem>>) semaphore(%arg14 : memref<!tpu.dma_semaphore, #tpu.memory_space<semaphore_mem>>)
      tpu.wait_dma2 semaphore(%arg13 : memref<!tpu.dma_semaphore, #tpu.memory_space<semaphore_mem>>) src(%arg4 : memref<6x256xf32, #tpu.memory_space<hbm>>) dst(%arg9 : memref<6x256xf32, #tpu.memory_space<vmem>>)
      %broadcast_in_dim3A_97 = arith.constant 0.000000e+00 : f32
      %broadcast_in_dim3A_98 = vector.broadcast %broadcast_in_dim3A_97 : f32 to vector<16xf32>
      %broadcast_in_dim3A_99 = arith.constant 0.000000e+00 : f32
      %broadcast_in_dim3A_100 = vector.broadcast %broadcast_in_dim3A_99 : f32 to vector<16xf32>
      %broadcast_in_dim3A_101 = arith.constant 0.000000e+00 : f32
      %broadcast_in_dim3A_102 = vector.broadcast %broadcast_in_dim3A_101 : f32 to vector<16xf32>
      %broadcast_in_dim3A_103 = arith.constant 0.000000e+00 : f32
      %broadcast_in_dim3A_104 = vector.broadcast %broadcast_in_dim3A_103 : f32 to vector<16xf32>
      %broadcast_in_dim3A_105 = arith.constant 0.000000e+00 : f32
      %broadcast_in_dim3A_106 = vector.broadcast %broadcast_in_dim3A_105 : f32 to vector<16xf32>
      %broadcast_in_dim3A_107 = arith.constant 0.000000e+00 : f32
      %broadcast_in_dim3A_108 = vector.broadcast %broadcast_in_dim3A_107 : f32 to vector<16xf32>
      %broadcast_in_dim3A_109 = arith.constant 0.000000e+00 : f32
      %broadcast_in_dim3A_110 = vector.broadcast %broadcast_in_dim3A_109 : f32 to vector<16xf32>
      %get3A_111 = arith.constant 0 : i32
      %get3A_112 = arith.index_cast %get3A_111 : i32 to index
      %get3A_113 = arith.constant 0 : index
      %get3A_114 = tpu.vector_load %arg9[%get3A_112, %get3A_113] {strides = array<i32>} : memref<6x256xf32, #tpu.memory_space<vmem>>, vector<1x16xf32>,
      %get3A_115 = vector.shape_cast %get3A_114 : vector<1x16xf32> to vector<16xf32>
      %get3A_116 = arith.constant 1 : i32
      %get3A_117 = arith.index_cast %get3A_116 : i32 to index
      %get3A_118 = arith.constant 0 : index
      %get3A_119 = tpu.vector_load %arg9[%get3A_117, %get3A_118] {strides = array<i32>} : memref<6x256xf32, #tpu.memory_space<vmem>>, vector<1x16xf32>,
      %get3A_120 = vector.shape_cast %get3A_119 : vector<1x16xf32> to vector<16xf32>
      %get3A_121 = arith.constant 2 : i32
      %get3A_122 = arith.index_cast %get3A_121 : i32 to index
      %get3A_123 = arith.constant 0 : index
      %get3A_124 = tpu.vector_load %arg9[%get3A_122, %get3A_123] {strides = array<i32>} : memref<6x256xf32, #tpu.memory_space<vmem>>, vector<1x16xf32>,
      %get3A_125 = vector.shape_cast %get3A_124 : vector<1x16xf32> to vector<16xf32>
      %get3A_126 = arith.constant 3 : i32
      %get3A_127 = arith.index_cast %get3A_126 : i32 to index
      %get3A_128 = arith.constant 0 : index
      %get3A_129 = tpu.vector_load %arg9[%get3A_127, %get3A_128] {strides = array<i32>} : memref<6x256xf32, #tpu.memory_space<vmem>>, vector<1x16xf32>,
      %get3A_130 = vector.shape_cast %get3A_129 : vector<1x16xf32> to vector<16xf32>
      %get3A_131 = arith.constant 4 : i32
      %get3A_132 = arith.index_cast %get3A_131 : i32 to index
      %get3A_133 = arith.constant 0 : index
      %get3A_134 = tpu.vector_load %arg9[%get3A_132, %get3A_133] {strides = array<i32>} : memref<6x256xf32, #tpu.memory_space<vmem>>, vector<1x16xf32>,
      %get3A_135 = vector.shape_cast %get3A_134 : vector<1x16xf32> to vector<16xf32>
      %get3A_136 = arith.constant 5 : i32
      %get3A_137 = arith.index_cast %get3A_136 : i32 to index
      %get3A_138 = arith.constant 0 : index
      %get3A_139 = tpu.vector_load %arg9[%get3A_137, %get3A_138] {strides = array<i32>} : memref<6x256xf32, #tpu.memory_space<vmem>>, vector<1x16xf32>,
      %get3A_140 = vector.shape_cast %get3A_139 : vector<1x16xf32> to vector<16xf32>
      %mul3A_141 = vector.broadcast %squeeze3A : f32 to vector<16xf32>
      %mul3A_142 = arith.mulf %mul3A_141, %get3A_115 : vector<16xf32>
      %add3A_143 = arith.addf %get3A_135, %mul3A_142 : vector<16xf32>
      %mul3A_144 = vector.broadcast %squeeze3A_7 : f32 to vector<16xf32>
      %mul3A_145 = arith.mulf %mul3A_144, %get3A_120 : vector<16xf32>
      %add3A_146 = arith.addf %add3A_143, %mul3A_145 : vector<16xf32>
      %mul3A_147 = vector.broadcast %squeeze3A_9 : f32 to vector<16xf32>
      %mul3A_148 = arith.mulf %mul3A_147, %get3A_125 : vector<16xf32>
      %add3A_149 = arith.addf %add3A_146, %mul3A_148 : vector<16xf32>
      %mul3A_150 = vector.broadcast %squeeze3A_11 : f32 to vector<16xf32>
      %mul3A_151 = arith.mulf %mul3A_150, %get3A_130 : vector<16xf32>
      %add3A_152 = arith.addf %add3A_149, %mul3A_151 : vector<16xf32>
      %ge3A = arith.constant 0.000000e+00 : f32
      %ge3A_153 = vector.broadcast %ge3A : f32 to vector<16xf32>
      %ge3A_154 = arith.cmpf oge, %add3A_152, %ge3A_153 : vector<16xf32>
      %mul3A_155 = arith.constant 0.00999999977 : f32
      %mul3A_156 = vector.broadcast %mul3A_155 : f32 to vector<16xf32>
      %mul3A_157 = arith.mulf %mul3A_156, %add3A_152 : vector<16xf32>
      %select_n3A_158 = arith.select %ge3A_154, %add3A_152, %mul3A_157 : vector<16xi1>, vector<16xf32>
      %mul3A_159 = arith.constant 6.553700e+04 : f32
      %mul3A_160 = vector.broadcast %mul3A_159 : f32 to vector<16xf32>
      %mul3A_161 = arith.mulf %select_n3A_158, %mul3A_160 : vector<16xf32>
      %sub3A = arith.subf %mul3A_161, %select_n3A_158 : vector<16xf32>
      %sub3A_162 = arith.subf %mul3A_161, %sub3A : vector<16xf32>
      %mul3A_163 = arith.mulf %sub3A_162, %get3A_140 : vector<16xf32>
      %add3A_164 = arith.addf %broadcast_in_dim3A_98, %mul3A_163 : vector<16xf32>
      %mul3A_165 = vector.broadcast %squeeze3A : f32 to vector<16xf32>
      %mul3A_166 = arith.mulf %mul3A_165, %get3A_115 : vector<16xf32>
      %add3A_167 = arith.addf %get3A_135, %mul3A_166 : vector<16xf32>
      %mul3A_168 = vector.broadcast %squeeze3A_7 : f32 to vector<16xf32>
      %mul3A_169 = arith.mulf %mul3A_168, %get3A_120 : vector<16xf32>
      %add3A_170 = arith.addf %add3A_167, %mul3A_169 : vector<16xf32>
      %mul3A_171 = vector.broadcast %squeeze3A_13 : f32 to vector<16xf32>
      %mul3A_172 = arith.mulf %mul3A_171, %get3A_125 : vector<16xf32>
      %add3A_173 = arith.addf %add3A_170, %mul3A_172 : vector<16xf32>
      %mul3A_174 = vector.broadcast %squeeze3A_15 : f32 to vector<16xf32>
      %mul3A_175 = arith.mulf %mul3A_174, %get3A_130 : vector<16xf32>
      %add3A_176 = arith.addf %add3A_173, %mul3A_175 : vector<16xf32>
      %ge3A_177 = arith.constant 0.000000e+00 : f32
      %ge3A_178 = vector.broadcast %ge3A_177 : f32 to vector<16xf32>
      %ge3A_179 = arith.cmpf oge, %add3A_176, %ge3A_178 : vector<16xf32>
      %mul3A_180 = arith.constant 0.00999999977 : f32
      %mul3A_181 = vector.broadcast %mul3A_180 : f32 to vector<16xf32>
      %mul3A_182 = arith.mulf %mul3A_181, %add3A_176 : vector<16xf32>
      %select_n3A_183 = arith.select %ge3A_179, %add3A_176, %mul3A_182 : vector<16xi1>, vector<16xf32>
      %mul3A_184 = arith.constant 6.553700e+04 : f32
      %mul3A_185 = vector.broadcast %mul3A_184 : f32 to vector<16xf32>
      %mul3A_186 = arith.mulf %select_n3A_183, %mul3A_185 : vector<16xf32>
      %sub3A_187 = arith.subf %mul3A_186, %select_n3A_183 : vector<16xf32>
      %sub3A_188 = arith.subf %mul3A_186, %sub3A_187 : vector<16xf32>
      %mul3A_189 = arith.mulf %sub3A_188, %get3A_140 : vector<16xf32>
      %add3A_190 = arith.addf %broadcast_in_dim3A_100, %mul3A_189 : vector<16xf32>
      %mul3A_191 = vector.broadcast %squeeze3A : f32 to vector<16xf32>
      %mul3A_192 = arith.mulf %mul3A_191, %get3A_115 : vector<16xf32>
      %add3A_193 = arith.addf %get3A_135, %mul3A_192 : vector<16xf32>
      %mul3A_194 = vector.broadcast %squeeze3A_7 : f32 to vector<16xf32>
      %mul3A_195 = arith.mulf %mul3A_194, %get3A_120 : vector<16xf32>
      %add3A_196 = arith.addf %add3A_193, %mul3A_195 : vector<16xf32>
      %mul3A_197 = vector.broadcast %squeeze3A_17 : f32 to vector<16xf32>
      %mul3A_198 = arith.mulf %mul3A_197, %get3A_125 : vector<16xf32>
      %add3A_199 = arith.addf %add3A_196, %mul3A_198 : vector<16xf32>
      %mul3A_200 = vector.broadcast %squeeze3A_19 : f32 to vector<16xf32>
      %mul3A_201 = arith.mulf %mul3A_200, %get3A_130 : vector<16xf32>
      %add3A_202 = arith.addf %add3A_199, %mul3A_201 : vector<16xf32>
      %ge3A_203 = arith.constant 0.000000e+00 : f32
      %ge3A_204 = vector.broadcast %ge3A_203 : f32 to vector<16xf32>
      %ge3A_205 = arith.cmpf oge, %add3A_202, %ge3A_204 : vector<16xf32>
      %mul3A_206 = arith.constant 0.00999999977 : f32
      %mul3A_207 = vector.broadcast %mul3A_206 : f32 to vector<16xf32>
      %mul3A_208 = arith.mulf %mul3A_207, %add3A_202 : vector<16xf32>
      %select_n3A_209 = arith.select %ge3A_205, %add3A_202, %mul3A_208 : vector<16xi1>, vector<16xf32>
      %mul3A_210 = arith.constant 6.553700e+04 : f32
      %mul3A_211 = vector.broadcast %mul3A_210 : f32 to vector<16xf32>
      %mul3A_212 = arith.mulf %select_n3A_209, %mul3A_211 : vector<16xf32>
      %sub3A_213 = arith.subf %mul3A_212, %select_n3A_209 : vector<16xf32>
      %sub3A_214 = arith.subf %mul3A_212, %sub3A_213 : vector<16xf32>
      %mul3A_215 = arith.mulf %sub3A_214, %get3A_140 : vector<16xf32>
      %add3A_216 = arith.addf %broadcast_in_dim3A_102, %mul3A_215 : vector<16xf32>
      %mul3A_217 = vector.broadcast %squeeze3A_17 : f32 to vector<16xf32>
      %mul3A_218 = arith.mulf %mul3A_217, %get3A_115 : vector<16xf32>
      %add3A_219 = arith.addf %get3A_135, %mul3A_218 : vector<16xf32>
      %mul3A_220 = vector.broadcast %squeeze3A_19 : f32 to vector<16xf32>
      %mul3A_221 = arith.mulf %mul3A_220, %get3A_120 : vector<16xf32>
      %add3A_222 = arith.addf %add3A_219, %mul3A_221 : vector<16xf32>
      %mul3A_223 = vector.broadcast %squeeze3A_13 : f32 to vector<16xf32>
      %mul3A_224 = arith.mulf %mul3A_223, %get3A_125 : vector<16xf32>
      %add3A_225 = arith.addf %add3A_222, %mul3A_224 : vector<16xf32>
      %mul3A_226 = vector.broadcast %squeeze3A_15 : f32 to vector<16xf32>
      %mul3A_227 = arith.mulf %mul3A_226, %get3A_130 : vector<16xf32>
      %add3A_228 = arith.addf %add3A_225, %mul3A_227 : vector<16xf32>
      %ge3A_229 = arith.constant 0.000000e+00 : f32
      %ge3A_230 = vector.broadcast %ge3A_229 : f32 to vector<16xf32>
      %ge3A_231 = arith.cmpf oge, %add3A_228, %ge3A_230 : vector<16xf32>
      %mul3A_232 = arith.constant 0.00999999977 : f32
      %mul3A_233 = vector.broadcast %mul3A_232 : f32 to vector<16xf32>
      %mul3A_234 = arith.mulf %mul3A_233, %add3A_228 : vector<16xf32>
      %select_n3A_235 = arith.select %ge3A_231, %add3A_228, %mul3A_234 : vector<16xi1>, vector<16xf32>
      %mul3A_236 = arith.constant 6.553700e+04 : f32
      %mul3A_237 = vector.broadcast %mul3A_236 : f32 to vector<16xf32>
      %mul3A_238 = arith.mulf %select_n3A_235, %mul3A_237 : vector<16xf32>
      %sub3A_239 = arith.subf %mul3A_238, %select_n3A_235 : vector<16xf32>
      %sub3A_240 = arith.subf %mul3A_238, %sub3A_239 : vector<16xf32>
      %mul3A_241 = arith.mulf %sub3A_240, %get3A_140 : vector<16xf32>
      %add3A_242 = arith.addf %broadcast_in_dim3A_104, %mul3A_241 : vector<16xf32>
      %mul3A_243 = vector.broadcast %squeeze3A_13 : f32 to vector<16xf32>
      %mul3A_244 = arith.mulf %mul3A_243, %get3A_115 : vector<16xf32>
      %add3A_245 = arith.addf %get3A_135, %mul3A_244 : vector<16xf32>
      %mul3A_246 = vector.broadcast %squeeze3A_15 : f32 to vector<16xf32>
      %mul3A_247 = arith.mulf %mul3A_246, %get3A_120 : vector<16xf32>
      %add3A_248 = arith.addf %add3A_245, %mul3A_247 : vector<16xf32>
      %mul3A_249 = vector.broadcast %squeeze3A_9 : f32 to vector<16xf32>
      %mul3A_250 = arith.mulf %mul3A_249, %get3A_125 : vector<16xf32>
      %add3A_251 = arith.addf %add3A_248, %mul3A_250 : vector<16xf32>
      %mul3A_252 = vector.broadcast %squeeze3A_11 : f32 to vector<16xf32>
      %mul3A_253 = arith.mulf %mul3A_252, %get3A_130 : vector<16xf32>
      %add3A_254 = arith.addf %add3A_251, %mul3A_253 : vector<16xf32>
      %ge3A_255 = arith.constant 0.000000e+00 : f32
      %ge3A_256 = vector.broadcast %ge3A_255 : f32 to vector<16xf32>
      %ge3A_257 = arith.cmpf oge, %add3A_254, %ge3A_256 : vector<16xf32>
      %mul3A_258 = arith.constant 0.00999999977 : f32
      %mul3A_259 = vector.broadcast %mul3A_258 : f32 to vector<16xf32>
      %mul3A_260 = arith.mulf %mul3A_259, %add3A_254 : vector<16xf32>
      %select_n3A_261 = arith.select %ge3A_257, %add3A_254, %mul3A_260 : vector<16xi1>, vector<16xf32>
      %mul3A_262 = arith.constant 6.553700e+04 : f32
      %mul3A_263 = vector.broadcast %mul3A_262 : f32 to vector<16xf32>
      %mul3A_264 = arith.mulf %select_n3A_261, %mul3A_263 : vector<16xf32>
      %sub3A_265 = arith.subf %mul3A_264, %select_n3A_261 : vector<16xf32>
      %sub3A_266 = arith.subf %mul3A_264, %sub3A_265 : vector<16xf32>
      %mul3A_267 = arith.mulf %sub3A_266, %get3A_140 : vector<16xf32>
      %add3A_268 = arith.addf %broadcast_in_dim3A_106, %mul3A_267 : vector<16xf32>
      %mul3A_269 = vector.broadcast %squeeze3A_13 : f32 to vector<16xf32>
      %mul3A_270 = arith.mulf %mul3A_269, %get3A_115 : vector<16xf32>
      %add3A_271 = arith.addf %get3A_135, %mul3A_270 : vector<16xf32>
      %mul3A_272 = vector.broadcast %squeeze3A_15 : f32 to vector<16xf32>
      %mul3A_273 = arith.mulf %mul3A_272, %get3A_120 : vector<16xf32>
      %add3A_274 = arith.addf %add3A_271, %mul3A_273 : vector<16xf32>
      %mul3A_275 = vector.broadcast %squeeze3A_21 : f32 to vector<16xf32>
      %mul3A_276 = arith.mulf %mul3A_275, %get3A_125 : vector<16xf32>
      %add3A_277 = arith.addf %add3A_274, %mul3A_276 : vector<16xf32>
      %mul3A_278 = vector.broadcast %squeeze3A_23 : f32 to vector<16xf32>
      %mul3A_279 = arith.mulf %mul3A_278, %get3A_130 : vector<16xf32>
      %add3A_280 = arith.addf %add3A_277, %mul3A_279 : vector<16xf32>
      %ge3A_281 = arith.constant 0.000000e+00 : f32
      %ge3A_282 = vector.broadcast %ge3A_281 : f32 to vector<16xf32>
      %ge3A_283 = arith.cmpf oge, %add3A_280, %ge3A_282 : vector<16xf32>
      %mul3A_284 = arith.constant 0.00999999977 : f32
      %mul3A_285 = vector.broadcast %mul3A_284 : f32 to vector<16xf32>
      %mul3A_286 = arith.mulf %mul3A_285, %add3A_280 : vector<16xf32>
      %select_n3A_287 = arith.select %ge3A_283, %add3A_280, %mul3A_286 : vector<16xi1>, vector<16xf32>
      %mul3A_288 = arith.constant 6.553700e+04 : f32
      %mul3A_289 = vector.broadcast %mul3A_288 : f32 to vector<16xf32>
      %mul3A_290 = arith.mulf %select_n3A_287, %mul3A_289 : vector<16xf32>
      %sub3A_291 = arith.subf %mul3A_290, %select_n3A_287 : vector<16xf32>
      %sub3A_292 = arith.subf %mul3A_290, %sub3A_291 : vector<16xf32>
      %mul3A_293 = arith.mulf %sub3A_292, %get3A_140 : vector<16xf32>
      %add3A_294 = arith.addf %broadcast_in_dim3A_108, %mul3A_293 : vector<16xf32>
      %mul3A_295 = vector.broadcast %squeeze3A_21 : f32 to vector<16xf32>
      %mul3A_296 = arith.mulf %mul3A_295, %get3A_115 : vector<16xf32>
      %add3A_297 = arith.addf %get3A_135, %mul3A_296 : vector<16xf32>
      %mul3A_298 = vector.broadcast %squeeze3A_23 : f32 to vector<16xf32>
      %mul3A_299 = arith.mulf %mul3A_298, %get3A_120 : vector<16xf32>
      %add3A_300 = arith.addf %add3A_297, %mul3A_299 : vector<16xf32>
      %mul3A_301 = vector.broadcast %squeeze3A_9 : f32 to vector<16xf32>
      %mul3A_302 = arith.mulf %mul3A_301, %get3A_125 : vector<16xf32>
      %add3A_303 = arith.addf %add3A_300, %mul3A_302 : vector<16xf32>
      %mul3A_304 = vector.broadcast %squeeze3A_11 : f32 to vector<16xf32>
      %mul3A_305 = arith.mulf %mul3A_304, %get3A_130 : vector<16xf32>
      %add3A_306 = arith.addf %add3A_303, %mul3A_305 : vector<16xf32>
      %ge3A_307 = arith.constant 0.000000e+00 : f32
      %ge3A_308 = vector.broadcast %ge3A_307 : f32 to vector<16xf32>
      %ge3A_309 = arith.cmpf oge, %add3A_306, %ge3A_308 : vector<16xf32>
      %mul3A_310 = arith.constant 0.00999999977 : f32
      %mul3A_311 = vector.broadcast %mul3A_310 : f32 to vector<16xf32>
      %mul3A_312 = arith.mulf %mul3A_311, %add3A_306 : vector<16xf32>
      %select_n3A_313 = arith.select %ge3A_309, %add3A_306, %mul3A_312 : vector<16xi1>, vector<16xf32>
      %mul3A_314 = arith.constant 6.553700e+04 : f32
      %mul3A_315 = vector.broadcast %mul3A_314 : f32 to vector<16xf32>
      %mul3A_316 = arith.mulf %select_n3A_313, %mul3A_315 : vector<16xf32>
      %sub3A_317 = arith.subf %mul3A_316, %select_n3A_313 : vector<16xf32>
      %sub3A_318 = arith.subf %mul3A_316, %sub3A_317 : vector<16xf32>
      %mul3A_319 = arith.mulf %sub3A_318, %get3A_140 : vector<16xf32>
      %add3A_320 = arith.addf %broadcast_in_dim3A_110, %mul3A_319 : vector<16xf32>
      %get3A_321 = arith.constant 0 : i32
      %get3A_322 = arith.index_cast %get3A_321 : i32 to index
      %get3A_323 = arith.constant 16 : index
      %get3A_324 = tpu.vector_load %arg9[%get3A_322, %get3A_323] {strides = array<i32>} : memref<6x256xf32, #tpu.memory_space<vmem>>, vector<1x16xf32>,
      %get3A_325 = vector.shape_cast %get3A_324 : vector<1x16xf32> to vector<16xf32>
      %get3A_326 = arith.constant 1 : i32
      %get3A_327 = arith.index_cast %get3A_326 : i32 to index
      %get3A_328 = arith.constant 16 : index
      %get3A_329 = tpu.vector_load %arg9[%get3A_327, %get3A_328] {strides = array<i32>} : memref<6x256xf32, #tpu.memory_space<vmem>>, vector<1x16xf32>,
      %get3A_330 = vector.shape_cast %get3A_329 : vector<1x16xf32> to vector<16xf32>
      %get3A_331 = arith.constant 2 : i32
      %get3A_332 = arith.index_cast %get3A_331 : i32 to index
      %get3A_333 = arith.constant 16 : index
      %get3A_334 = tpu.vector_load %arg9[%get3A_332, %get3A_333] {strides = array<i32>} : memref<6x256xf32, #tpu.memory_space<vmem>>, vector<1x16xf32>,
      %get3A_335 = vector.shape_cast %get3A_334 : vector<1x16xf32> to vector<16xf32>
      %get3A_336 = arith.constant 3 : i32
      %get3A_337 = arith.index_cast %get3A_336 : i32 to index
      %get3A_338 = arith.constant 16 : index
      %get3A_339 = tpu.vector_load %arg9[%get3A_337, %get3A_338] {strides = array<i32>} : memref<6x256xf32, #tpu.memory_space<vmem>>, vector<1x16xf32>,
      %get3A_340 = vector.shape_cast %get3A_339 : vector<1x16xf32> to vector<16xf32>
      %get3A_341 = arith.constant 4 : i32
      %get3A_342 = arith.index_cast %get3A_341 : i32 to index
      %get3A_343 = arith.constant 16 : index
      %get3A_344 = tpu.vector_load %arg9[%get3A_342, %get3A_343] {strides = array<i32>} : memref<6x256xf32, #tpu.memory_space<vmem>>, vector<1x16xf32>,
      %get3A_345 = vector.shape_cast %get3A_344 : vector<1x16xf32> to vector<16xf32>
      %get3A_346 = arith.constant 5 : i32
      %get3A_347 = arith.index_cast %get3A_346 : i32 to index
      %get3A_348 = arith.constant 16 : index
      %get3A_349 = tpu.vector_load %arg9[%get3A_347, %get3A_348] {strides = array<i32>} : memref<6x256xf32, #tpu.memory_space<vmem>>, vector<1x16xf32>,
      %get3A_350 = vector.shape_cast %get3A_349 : vector<1x16xf32> to vector<16xf32>
      %mul3A_351 = vector.broadcast %squeeze3A : f32 to vector<16xf32>
      %mul3A_352 = arith.mulf %mul3A_351, %get3A_325 : vector<16xf32>
      %add3A_353 = arith.addf %get3A_345, %mul3A_352 : vector<16xf32>
      %mul3A_354 = vector.broadcast %squeeze3A_7 : f32 to vector<16xf32>
      %mul3A_355 = arith.mulf %mul3A_354, %get3A_330 : vector<16xf32>
      %add3A_356 = arith.addf %add3A_353, %mul3A_355 : vector<16xf32>
      %mul3A_357 = vector.broadcast %squeeze3A_9 : f32 to vector<16xf32>
      %mul3A_358 = arith.mulf %mul3A_357, %get3A_335 : vector<16xf32>
      %add3A_359 = arith.addf %add3A_356, %mul3A_358 : vector<16xf32>
      %mul3A_360 = vector.broadcast %squeeze3A_11 : f32 to vector<16xf32>
      %mul3A_361 = arith.mulf %mul3A_360, %get3A_340 : vector<16xf32>
      %add3A_362 = arith.addf %add3A_359, %mul3A_361 : vector<16xf32>
      %ge3A_363 = arith.constant 0.000000e+00 : f32
      %ge3A_364 = vector.broadcast %ge3A_363 : f32 to vector<16xf32>
      %ge3A_365 = arith.cmpf oge, %add3A_362, %ge3A_364 : vector<16xf32>
      %mul3A_366 = arith.constant 0.00999999977 : f32
      %mul3A_367 = vector.broadcast %mul3A_366 : f32 to vector<16xf32>
      %mul3A_368 = arith.mulf %mul3A_367, %add3A_362 : vector<16xf32>
      %select_n3A_369 = arith.select %ge3A_365, %add3A_362, %mul3A_368 : vector<16xi1>, vector<16xf32>
      %mul3A_370 = arith.constant 6.553700e+04 : f32
      %mul3A_371 = vector.broadcast %mul3A_370 : f32 to vector<16xf32>
      %mul3A_372 = arith.mulf %select_n3A_369, %mul3A_371 : vector<16xf32>
      %sub3A_373 = arith.subf %mul3A_372, %select_n3A_369 : vector<16xf32>
      %sub3A_374 = arith.subf %mul3A_372, %sub3A_373 : vector<16xf32>
      %mul3A_375 = arith.mulf %sub3A_374, %get3A_350 : vector<16xf32>
      %add3A_376 = arith.addf %add3A_164, %mul3A_375 : vector<16xf32>
      %mul3A_377 = vector.broadcast %squeeze3A : f32 to vector<16xf32>
      %mul3A_378 = arith.mulf %mul3A_377, %get3A_325 : vector<16xf32>
      %add3A_379 = arith.addf %get3A_345, %mul3A_378 : vector<16xf32>
      %mul3A_380 = vector.broadcast %squeeze3A_7 : f32 to vector<16xf32>
      %mul3A_381 = arith.mulf %mul3A_380, %get3A_330 : vector<16xf32>
      %add3A_382 = arith.addf %add3A_379, %mul3A_381 : vector<16xf32>
      %mul3A_383 = vector.broadcast %squeeze3A_13 : f32 to vector<16xf32>
      %mul3A_384 = arith.mulf %mul3A_383, %get3A_335 : vector<16xf32>
      %add3A_385 = arith.addf %add3A_382, %mul3A_384 : vector<16xf32>
      %mul3A_386 = vector.broadcast %squeeze3A_15 : f32 to vector<16xf32>
      %mul3A_387 = arith.mulf %mul3A_386, %get3A_340 : vector<16xf32>
      %add3A_388 = arith.addf %add3A_385, %mul3A_387 : vector<16xf32>
      %ge3A_389 = arith.constant 0.000000e+00 : f32
      %ge3A_390 = vector.broadcast %ge3A_389 : f32 to vector<16xf32>
      %ge3A_391 = arith.cmpf oge, %add3A_388, %ge3A_390 : vector<16xf32>
      %mul3A_392 = arith.constant 0.00999999977 : f32
      %mul3A_393 = vector.broadcast %mul3A_392 : f32 to vector<16xf32>
      %mul3A_394 = arith.mulf %mul3A_393, %add3A_388 : vector<16xf32>
      %select_n3A_395 = arith.select %ge3A_391, %add3A_388, %mul3A_394 : vector<16xi1>, vector<16xf32>
      %mul3A_396 = arith.constant 6.553700e+04 : f32
      %mul3A_397 = vector.broadcast %mul3A_396 : f32 to vector<16xf32>
      %mul3A_398 = arith.mulf %select_n3A_395, %mul3A_397 : vector<16xf32>
      %sub3A_399 = arith.subf %mul3A_398, %select_n3A_395 : vector<16xf32>
      %sub3A_400 = arith.subf %mul3A_398, %sub3A_399 : vector<16xf32>
      %mul3A_401 = arith.mulf %sub3A_400, %get3A_350 : vector<16xf32>
      %add3A_402 = arith.addf %add3A_190, %mul3A_401 : vector<16xf32>
      %mul3A_403 = vector.broadcast %squeeze3A : f32 to vector<16xf32>
      %mul3A_404 = arith.mulf %mul3A_403, %get3A_325 : vector<16xf32>
      %add3A_405 = arith.addf %get3A_345, %mul3A_404 : vector<16xf32>
      %mul3A_406 = vector.broadcast %squeeze3A_7 : f32 to vector<16xf32>
      %mul3A_407 = arith.mulf %mul3A_406, %get3A_330 : vector<16xf32>
      %add3A_408 = arith.addf %add3A_405, %mul3A_407 : vector<16xf32>
      %mul3A_409 = vector.broadcast %squeeze3A_17 : f32 to vector<16xf32>
      %mul3A_410 = arith.mulf %mul3A_409, %get3A_335 : vector<16xf32>
      %add3A_411 = arith.addf %add3A_408, %mul3A_410 : vector<16xf32>
      %mul3A_412 = vector.broadcast %squeeze3A_19 : f32 to vector<16xf32>
      %mul3A_413 = arith.mulf %mul3A_412, %get3A_340 : vector<16xf32>
      %add3A_414 = arith.addf %add3A_411, %mul3A_413 : vector<16xf32>
      %ge3A_415 = arith.constant 0.000000e+00 : f32
      %ge3A_416 = vector.broadcast %ge3A_415 : f32 to vector<16xf32>
      %ge3A_417 = arith.cmpf oge, %add3A_414, %ge3A_416 : vector<16xf32>
      %mul3A_418 = arith.constant 0.00999999977 : f32
      %mul3A_419 = vector.broadcast %mul3A_418 : f32 to vector<16xf32>
      %mul3A_420 = arith.mulf %mul3A_419, %add3A_414 : vector<16xf32>
      %select_n3A_421 = arith.select %ge3A_417, %add3A_414, %mul3A_420 : vector<16xi1>, vector<16xf32>
      %mul3A_422 = arith.constant 6.553700e+04 : f32
      %mul3A_423 = vector.broadcast %mul3A_422 : f32 to vector<16xf32>
      %mul3A_424 = arith.mulf %select_n3A_421, %mul3A_423 : vector<16xf32>
      %sub3A_425 = arith.subf %mul3A_424, %select_n3A_421 : vector<16xf32>
      %sub3A_426 = arith.subf %mul3A_424, %sub3A_425 : vector<16xf32>
      %mul3A_427 = arith.mulf %sub3A_426, %get3A_350 : vector<16xf32>
      %add3A_428 = arith.addf %add3A_216, %mul3A_427 : vector<16xf32>
      %mul3A_429 = vector.broadcast %squeeze3A_17 : f32 to vector<16xf32>
      %mul3A_430 = arith.mulf %mul3A_429, %get3A_325 : vector<16xf32>
      %add3A_431 = arith.addf %get3A_345, %mul3A_430 : vector<16xf32>
      %mul3A_432 = vector.broadcast %squeeze3A_19 : f32 to vector<16xf32>
      %mul3A_433 = arith.mulf %mul3A_432, %get3A_330 : vector<16xf32>
      %add3A_434 = arith.addf %add3A_431, %mul3A_433 : vector<16xf32>
      %mul3A_435 = vector.broadcast %squeeze3A_13 : f32 to vector<16xf32>
      %mul3A_436 = arith.mulf %mul3A_435, %get3A_335 : vector<16xf32>
      %add3A_437 = arith.addf %add3A_434, %mul3A_436 : vector<16xf32>
      %mul3A_438 = vector.broadcast %squeeze3A_15 : f32 to vector<16xf32>
      %mul3A_439 = arith.mulf %mul3A_438, %get3A_340 : vector<16xf32>
      %add3A_440 = arith.addf %add3A_437, %mul3A_439 : vector<16xf32>
      %ge3A_441 = arith.constant 0.000000e+00 : f32
      %ge3A_442 = vector.broadcast %ge3A_441 : f32 to vector<16xf32>
      %ge3A_443 = arith.cmpf oge, %add3A_440, %ge3A_442 : vector<16xf32>
      %mul3A_444 = arith.constant 0.00999999977 : f32
      %mul3A_445 = vector.broadcast %mul3A_444 : f32 to vector<16xf32>
      %mul3A_446 = arith.mulf %mul3A_445, %add3A_440 : vector<16xf32>
      %select_n3A_447 = arith.select %ge3A_443, %add3A_440, %mul3A_446 : vector<16xi1>, vector<16xf32>
      %mul3A_448 = arith.constant 6.553700e+04 : f32
      %mul3A_449 = vector.broadcast %mul3A_448 : f32 to vector<16xf32>
      %mul3A_450 = arith.mulf %select_n3A_447, %mul3A_449 : vector<16xf32>
      %sub3A_451 = arith.subf %mul3A_450, %select_n3A_447 : vector<16xf32>
      %sub3A_452 = arith.subf %mul3A_450, %sub3A_451 : vector<16xf32>
      %mul3A_453 = arith.mulf %sub3A_452, %get3A_350 : vector<16xf32>
      %add3A_454 = arith.addf %add3A_242, %mul3A_453 : vector<16xf32>
      %mul3A_455 = vector.broadcast %squeeze3A_13 : f32 to vector<16xf32>
      %mul3A_456 = arith.mulf %mul3A_455, %get3A_325 : vector<16xf32>
      %add3A_457 = arith.addf %get3A_345, %mul3A_456 : vector<16xf32>
      %mul3A_458 = vector.broadcast %squeeze3A_15 : f32 to vector<16xf32>
      %mul3A_459 = arith.mulf %mul3A_458, %get3A_330 : vector<16xf32>
      %add3A_460 = arith.addf %add3A_457, %mul3A_459 : vector<16xf32>
      %mul3A_461 = vector.broadcast %squeeze3A_9 : f32 to vector<16xf32>
      %mul3A_462 = arith.mulf %mul3A_461, %get3A_335 : vector<16xf32>
      %add3A_463 = arith.addf %add3A_460, %mul3A_462 : vector<16xf32>
      %mul3A_464 = vector.broadcast %squeeze3A_11 : f32 to vector<16xf32>
      %mul3A_465 = arith.mulf %mul3A_464, %get3A_340 : vector<16xf32>
      %add3A_466 = arith.addf %add3A_463, %mul3A_465 : vector<16xf32>
      %ge3A_467 = arith.constant 0.000000e+00 : f32
      %ge3A_468 = vector.broadcast %ge3A_467 : f32 to vector<16xf32>
      %ge3A_469 = arith.cmpf oge, %add3A_466, %ge3A_468 : vector<16xf32>
      %mul3A_470 = arith.constant 0.00999999977 : f32
      %mul3A_471 = vector.broadcast %mul3A_470 : f32 to vector<16xf32>
      %mul3A_472 = arith.mulf %mul3A_471, %add3A_466 : vector<16xf32>
      %select_n3A_473 = arith.select %ge3A_469, %add3A_466, %mul3A_472 : vector<16xi1>, vector<16xf32>
      %mul3A_474 = arith.constant 6.553700e+04 : f32
      %mul3A_475 = vector.broadcast %mul3A_474 : f32 to vector<16xf32>
      %mul3A_476 = arith.mulf %select_n3A_473, %mul3A_475 : vector<16xf32>
      %sub3A_477 = arith.subf %mul3A_476, %select_n3A_473 : vector<16xf32>
      %sub3A_478 = arith.subf %mul3A_476, %sub3A_477 : vector<16xf32>
      %mul3A_479 = arith.mulf %sub3A_478, %get3A_350 : vector<16xf32>
      %add3A_480 = arith.addf %add3A_268, %mul3A_479 : vector<16xf32>
      %mul3A_481 = vector.broadcast %squeeze3A_13 : f32 to vector<16xf32>
      %mul3A_482 = arith.mulf %mul3A_481, %get3A_325 : vector<16xf32>
      %add3A_483 = arith.addf %get3A_345, %mul3A_482 : vector<16xf32>
      %mul3A_484 = vector.broadcast %squeeze3A_15 : f32 to vector<16xf32>
      %mul3A_485 = arith.mulf %mul3A_484, %get3A_330 : vector<16xf32>
      %add3A_486 = arith.addf %add3A_483, %mul3A_485 : vector<16xf32>
      %mul3A_487 = vector.broadcast %squeeze3A_21 : f32 to vector<16xf32>
      %mul3A_488 = arith.mulf %mul3A_487, %get3A_335 : vector<16xf32>
      %add3A_489 = arith.addf %add3A_486, %mul3A_488 : vector<16xf32>
      %mul3A_490 = vector.broadcast %squeeze3A_23 : f32 to vector<16xf32>
      %mul3A_491 = arith.mulf %mul3A_490, %get3A_340 : vector<16xf32>
      %add3A_492 = arith.addf %add3A_489, %mul3A_491 : vector<16xf32>
      %ge3A_493 = arith.constant 0.000000e+00 : f32
      %ge3A_494 = vector.broadcast %ge3A_493 : f32 to vector<16xf32>
      %ge3A_495 = arith.cmpf oge, %add3A_492, %ge3A_494 : vector<16xf32>
      %mul3A_496 = arith.constant 0.00999999977 : f32
      %mul3A_497 = vector.broadcast %mul3A_496 : f32 to vector<16xf32>
      %mul3A_498 = arith.mulf %mul3A_497, %add3A_492 : vector<16xf32>
      %select_n3A_499 = arith.select %ge3A_495, %add3A_492, %mul3A_498 : vector<16xi1>, vector<16xf32>
      %mul3A_500 = arith.constant 6.553700e+04 : f32
      %mul3A_501 = vector.broadcast %mul3A_500 : f32 to vector<16xf32>
      %mul3A_502 = arith.mulf %select_n3A_499, %mul3A_501 : vector<16xf32>
      %sub3A_503 = arith.subf %mul3A_502, %select_n3A_499 : vector<16xf32>
      %sub3A_504 = arith.subf %mul3A_502, %sub3A_503 : vector<16xf32>
      %mul3A_505 = arith.mulf %sub3A_504, %get3A_350 : vector<16xf32>
      %add3A_506 = arith.addf %add3A_294, %mul3A_505 : vector<16xf32>
      %mul3A_507 = vector.broadcast %squeeze3A_21 : f32 to vector<16xf32>
      %mul3A_508 = arith.mulf %mul3A_507, %get3A_325 : vector<16xf32>
      %add3A_509 = arith.addf %get3A_345, %mul3A_508 : vector<16xf32>
      %mul3A_510 = vector.broadcast %squeeze3A_23 : f32 to vector<16xf32>
      %mul3A_511 = arith.mulf %mul3A_510, %get3A_330 : vector<16xf32>
      %add3A_512 = arith.addf %add3A_509, %mul3A_511 : vector<16xf32>
      %mul3A_513 = vector.broadcast %squeeze3A_9 : f32 to vector<16xf32>
      %mul3A_514 = arith.mulf %mul3A_513, %get3A_335 : vector<16xf32>
      %add3A_515 = arith.addf %add3A_512, %mul3A_514 : vector<16xf32>
      %mul3A_516 = vector.broadcast %squeeze3A_11 : f32 to vector<16xf32>
      %mul3A_517 = arith.mulf %mul3A_516, %get3A_340 : vector<16xf32>
      %add3A_518 = arith.addf %add3A_515, %mul3A_517 : vector<16xf32>
      %ge3A_519 = arith.constant 0.000000e+00 : f32
      %ge3A_520 = vector.broadcast %ge3A_519 : f32 to vector<16xf32>
      %ge3A_521 = arith.cmpf oge, %add3A_518, %ge3A_520 : vector<16xf32>
      %mul3A_522 = arith.constant 0.00999999977 : f32
      %mul3A_523 = vector.broadcast %mul3A_522 : f32 to vector<16xf32>
      %mul3A_524 = arith.mulf %mul3A_523, %add3A_518 : vector<16xf32>
      %select_n3A_525 = arith.select %ge3A_521, %add3A_518, %mul3A_524 : vector<16xi1>, vector<16xf32>
      %mul3A_526 = arith.constant 6.553700e+04 : f32
      %mul3A_527 = vector.broadcast %mul3A_526 : f32 to vector<16xf32>
      %mul3A_528 = arith.mulf %select_n3A_525, %mul3A_527 : vector<16xf32>
      %sub3A_529 = arith.subf %mul3A_528, %select_n3A_525 : vector<16xf32>
      %sub3A_530 = arith.subf %mul3A_528, %sub3A_529 : vector<16xf32>
      %mul3A_531 = arith.mulf %sub3A_530, %get3A_350 : vector<16xf32>
      %add3A_532 = arith.addf %add3A_320, %mul3A_531 : vector<16xf32>
      %get3A_533 = arith.constant 0 : i32
      %get3A_534 = arith.index_cast %get3A_533 : i32 to index
      %get3A_535 = arith.constant 32 : index
      %get3A_536 = tpu.vector_load %arg9[%get3A_534, %get3A_535] {strides = array<i32>} : memref<6x256xf32, #tpu.memory_space<vmem>>, vector<1x16xf32>,
      %get3A_537 = vector.shape_cast %get3A_536 : vector<1x16xf32> to vector<16xf32>
      %get3A_538 = arith.constant 1 : i32
      %get3A_539 = arith.index_cast %get3A_538 : i32 to index
      %get3A_540 = arith.constant 32 : index
      %get3A_541 = tpu.vector_load %arg9[%get3A_539, %get3A_540] {strides = array<i32>} : memref<6x256xf32, #tpu.memory_space<vmem>>, vector<1x16xf32>,
      %get3A_542 = vector.shape_cast %get3A_541 : vector<1x16xf32> to vector<16xf32>
      %get3A_543 = arith.constant 2 : i32
      %get3A_544 = arith.index_cast %get3A_543 : i32 to index
      %get3A_545 = arith.constant 32 : index
      %get3A_546 = tpu.vector_load %arg9[%get3A_544, %get3A_545] {strides = array<i32>} : memref<6x256xf32, #tpu.memory_space<vmem>>, vector<1x16xf32>,
      %get3A_547 = vector.shape_cast %get3A_546 : vector<1x16xf32> to vector<16xf32>
      %get3A_548 = arith.constant 3 : i32
      %get3A_549 = arith.index_cast %get3A_548 : i32 to index
      %get3A_550 = arith.constant 32 : index
      %get3A_551 = tpu.vector_load %arg9[%get3A_549, %get3A_550] {strides = array<i32>} : memref<6x256xf32, #tpu.memory_space<vmem>>, vector<1x16xf32>,
      %get3A_552 = vector.shape_cast %get3A_551 : vector<1x16xf32> to vector<16xf32>
      %get3A_553 = arith.constant 4 : i32
      %get3A_554 = arith.index_cast %get3A_553 : i32 to index
      %get3A_555 = arith.constant 32 : index
      %get3A_556 = tpu.vector_load %arg9[%get3A_554, %get3A_555] {strides = array<i32>} : memref<6x256xf32, #tpu.memory_space<vmem>>, vector<1x16xf32>,
      %get3A_557 = vector.shape_cast %get3A_556 : vector<1x16xf32> to vector<16xf32>
      %get3A_558 = arith.constant 5 : i32
      %get3A_559 = arith.index_cast %get3A_558 : i32 to index
      %get3A_560 = arith.constant 32 : index
      %get3A_561 = tpu.vector_load %arg9[%get3A_559, %get3A_560] {strides = array<i32>} : memref<6x256xf32, #tpu.memory_space<vmem>>, vector<1x16xf32>,
      %get3A_562 = vector.shape_cast %get3A_561 : vector<1x16xf32> to vector<16xf32>
      %mul3A_563 = vector.broadcast %squeeze3A : f32 to vector<16xf32>
      %mul3A_564 = arith.mulf %mul3A_563, %get3A_537 : vector<16xf32>
      %add3A_565 = arith.addf %get3A_557, %mul3A_564 : vector<16xf32>
      %mul3A_566 = vector.broadcast %squeeze3A_7 : f32 to vector<16xf32>
      %mul3A_567 = arith.mulf %mul3A_566, %get3A_542 : vector<16xf32>
      %add3A_568 = arith.addf %add3A_565, %mul3A_567 : vector<16xf32>
      %mul3A_569 = vector.broadcast %squeeze3A_9 : f32 to vector<16xf32>
      %mul3A_570 = arith.mulf %mul3A_569, %get3A_547 : vector<16xf32>
      %add3A_571 = arith.addf %add3A_568, %mul3A_570 : vector<16xf32>
      %mul3A_572 = vector.broadcast %squeeze3A_11 : f32 to vector<16xf32>
      %mul3A_573 = arith.mulf %mul3A_572, %get3A_552 : vector<16xf32>
      %add3A_574 = arith.addf %add3A_571, %mul3A_573 : vector<16xf32>
      %ge3A_575 = arith.constant 0.000000e+00 : f32
      %ge3A_576 = vector.broadcast %ge3A_575 : f32 to vector<16xf32>
      %ge3A_577 = arith.cmpf oge, %add3A_574, %ge3A_576 : vector<16xf32>
      %mul3A_578 = arith.constant 0.00999999977 : f32
      %mul3A_579 = vector.broadcast %mul3A_578 : f32 to vector<16xf32>
      %mul3A_580 = arith.mulf %mul3A_579, %add3A_574 : vector<16xf32>
      %select_n3A_581 = arith.select %ge3A_577, %add3A_574, %mul3A_580 : vector<16xi1>, vector<16xf32>
      %mul3A_582 = arith.constant 6.553700e+04 : f32
      %mul3A_583 = vector.broadcast %mul3A_582 : f32 to vector<16xf32>
      %mul3A_584 = arith.mulf %select_n3A_581, %mul3A_583 : vector<16xf32>
      %sub3A_585 = arith.subf %mul3A_584, %select_n3A_581 : vector<16xf32>
      %sub3A_586 = arith.subf %mul3A_584, %sub3A_585 : vector<16xf32>
      %mul3A_587 = arith.mulf %sub3A_586, %get3A_562 : vector<16xf32>
      %add3A_588 = arith.addf %add3A_376, %mul3A_587 : vector<16xf32>
      %mul3A_589 = vector.broadcast %squeeze3A : f32 to vector<16xf32>
      %mul3A_590 = arith.mulf %mul3A_589, %get3A_537 : vector<16xf32>
      %add3A_591 = arith.addf %get3A_557, %mul3A_590 : vector<16xf32>
      %mul3A_592 = vector.broadcast %squeeze3A_7 : f32 to vector<16xf32>
      %mul3A_593 = arith.mulf %mul3A_592, %get3A_542 : vector<16xf32>
      %add3A_594 = arith.addf %add3A_591, %mul3A_593 : vector<16xf32>
      %mul3A_595 = vector.broadcast %squeeze3A_13 : f32 to vector<16xf32>
      %mul3A_596 = arith.mulf %mul3A_595, %get3A_547 : vector<16xf32>
      %add3A_597 = arith.addf %add3A_594, %mul3A_596 : vector<16xf32>
      %mul3A_598 = vector.broadcast %squeeze3A_15 : f32 to vector<16xf32>
      %mul3A_599 = arith.mulf %mul3A_598, %get3A_552 : vector<16xf32>
      %add3A_600 = arith.addf %add3A_597, %mul3A_599 : vector<16xf32>
      %ge3A_601 = arith.constant 0.000000e+00 : f32
      %ge3A_602 = vector.broadcast %ge3A_601 : f32 to vector<16xf32>
      %ge3A_603 = arith.cmpf oge, %add3A_600, %ge3A_602 : vector<16xf32>
      %mul3A_604 = arith.constant 0.00999999977 : f32
      %mul3A_605 = vector.broadcast %mul3A_604 : f32 to vector<16xf32>
      %mul3A_606 = arith.mulf %mul3A_605, %add3A_600 : vector<16xf32>
      %select_n3A_607 = arith.select %ge3A_603, %add3A_600, %mul3A_606 : vector<16xi1>, vector<16xf32>
      %mul3A_608 = arith.constant 6.553700e+04 : f32
      %mul3A_609 = vector.broadcast %mul3A_608 : f32 to vector<16xf32>
      %mul3A_610 = arith.mulf %select_n3A_607, %mul3A_609 : vector<16xf32>
      %sub3A_611 = arith.subf %mul3A_610, %select_n3A_607 : vector<16xf32>
      %sub3A_612 = arith.subf %mul3A_610, %sub3A_611 : vector<16xf32>
      %mul3A_613 = arith.mulf %sub3A_612, %get3A_562 : vector<16xf32>
      %add3A_614 = arith.addf %add3A_402, %mul3A_613 : vector<16xf32>
      %mul3A_615 = vector.broadcast %squeeze3A : f32 to vector<16xf32>
      %mul3A_616 = arith.mulf %mul3A_615, %get3A_537 : vector<16xf32>
      %add3A_617 = arith.addf %get3A_557, %mul3A_616 : vector<16xf32>
      %mul3A_618 = vector.broadcast %squeeze3A_7 : f32 to vector<16xf32>
      %mul3A_619 = arith.mulf %mul3A_618, %get3A_542 : vector<16xf32>
      %add3A_620 = arith.addf %add3A_617, %mul3A_619 : vector<16xf32>
      %mul3A_621 = vector.broadcast %squeeze3A_17 : f32 to vector<16xf32>
      %mul3A_622 = arith.mulf %mul3A_621, %get3A_547 : vector<16xf32>
      %add3A_623 = arith.addf %add3A_620, %mul3A_622 : vector<16xf32>
      %mul3A_624 = vector.broadcast %squeeze3A_19 : f32 to vector<16xf32>
      %mul3A_625 = arith.mulf %mul3A_624, %get3A_552 : vector<16xf32>
      %add3A_626 = arith.addf %add3A_623, %mul3A_625 : vector<16xf32>
      %ge3A_627 = arith.constant 0.000000e+00 : f32
      %ge3A_628 = vector.broadcast %ge3A_627 : f32 to vector<16xf32>
      %ge3A_629 = arith.cmpf oge, %add3A_626, %ge3A_628 : vector<16xf32>
      %mul3A_630 = arith.constant 0.00999999977 : f32
      %mul3A_631 = vector.broadcast %mul3A_630 : f32 to vector<16xf32>
      %mul3A_632 = arith.mulf %mul3A_631, %add3A_626 : vector<16xf32>
      %select_n3A_633 = arith.select %ge3A_629, %add3A_626, %mul3A_632 : vector<16xi1>, vector<16xf32>
      %mul3A_634 = arith.constant 6.553700e+04 : f32
      %mul3A_635 = vector.broadcast %mul3A_634 : f32 to vector<16xf32>
      %mul3A_636 = arith.mulf %select_n3A_633, %mul3A_635 : vector<16xf32>
      %sub3A_637 = arith.subf %mul3A_636, %select_n3A_633 : vector<16xf32>
      %sub3A_638 = arith.subf %mul3A_636, %sub3A_637 : vector<16xf32>
      %mul3A_639 = arith.mulf %sub3A_638, %get3A_562 : vector<16xf32>
      %add3A_640 = arith.addf %add3A_428, %mul3A_639 : vector<16xf32>
      %mul3A_641 = vector.broadcast %squeeze3A_17 : f32 to vector<16xf32>
      %mul3A_642 = arith.mulf %mul3A_641, %get3A_537 : vector<16xf32>
      %add3A_643 = arith.addf %get3A_557, %mul3A_642 : vector<16xf32>
      %mul3A_644 = vector.broadcast %squeeze3A_19 : f32 to vector<16xf32>
      %mul3A_645 = arith.mulf %mul3A_644, %get3A_542 : vector<16xf32>
      %add3A_646 = arith.addf %add3A_643, %mul3A_645 : vector<16xf32>
      %mul3A_647 = vector.broadcast %squeeze3A_13 : f32 to vector<16xf32>
      %mul3A_648 = arith.mulf %mul3A_647, %get3A_547 : vector<16xf32>
      %add3A_649 = arith.addf %add3A_646, %mul3A_648 : vector<16xf32>
      %mul3A_650 = vector.broadcast %squeeze3A_15 : f32 to vector<16xf32>
      %mul3A_651 = arith.mulf %mul3A_650, %get3A_552 : vector<16xf32>
      %add3A_652 = arith.addf %add3A_649, %mul3A_651 : vector<16xf32>
      %ge3A_653 = arith.constant 0.000000e+00 : f32
      %ge3A_654 = vector.broadcast %ge3A_653 : f32 to vector<16xf32>
      %ge3A_655 = arith.cmpf oge, %add3A_652, %ge3A_654 : vector<16xf32>
      %mul3A_656 = arith.constant 0.00999999977 : f32
      %mul3A_657 = vector.broadcast %mul3A_656 : f32 to vector<16xf32>
      %mul3A_658 = arith.mulf %mul3A_657, %add3A_652 : vector<16xf32>
      %select_n3A_659 = arith.select %ge3A_655, %add3A_652, %mul3A_658 : vector<16xi1>, vector<16xf32>
      %mul3A_660 = arith.constant 6.553700e+04 : f32
      %mul3A_661 = vector.broadcast %mul3A_660 : f32 to vector<16xf32>
      %mul3A_662 = arith.mulf %select_n3A_659, %mul3A_661 : vector<16xf32>
      %sub3A_663 = arith.subf %mul3A_662, %select_n3A_659 : vector<16xf32>
      %sub3A_664 = arith.subf %mul3A_662, %sub3A_663 : vector<16xf32>
      %mul3A_665 = arith.mulf %sub3A_664, %get3A_562 : vector<16xf32>
      %add3A_666 = arith.addf %add3A_454, %mul3A_665 : vector<16xf32>
      %mul3A_667 = vector.broadcast %squeeze3A_13 : f32 to vector<16xf32>
      %mul3A_668 = arith.mulf %mul3A_667, %get3A_537 : vector<16xf32>
      %add3A_669 = arith.addf %get3A_557, %mul3A_668 : vector<16xf32>
      %mul3A_670 = vector.broadcast %squeeze3A_15 : f32 to vector<16xf32>
      %mul3A_671 = arith.mulf %mul3A_670, %get3A_542 : vector<16xf32>
      %add3A_672 = arith.addf %add3A_669, %mul3A_671 : vector<16xf32>
      %mul3A_673 = vector.broadcast %squeeze3A_9 : f32 to vector<16xf32>
      %mul3A_674 = arith.mulf %mul3A_673, %get3A_547 : vector<16xf32>
      %add3A_675 = arith.addf %add3A_672, %mul3A_674 : vector<16xf32>
      %mul3A_676 = vector.broadcast %squeeze3A_11 : f32 to vector<16xf32>
      %mul3A_677 = arith.mulf %mul3A_676, %get3A_552 : vector<16xf32>
      %add3A_678 = arith.addf %add3A_675, %mul3A_677 : vector<16xf32>
      %ge3A_679 = arith.constant 0.000000e+00 : f32
      %ge3A_680 = vector.broadcast %ge3A_679 : f32 to vector<16xf32>
      %ge3A_681 = arith.cmpf oge, %add3A_678, %ge3A_680 : vector<16xf32>
      %mul3A_682 = arith.constant 0.00999999977 : f32
      %mul3A_683 = vector.broadcast %mul3A_682 : f32 to vector<16xf32>
      %mul3A_684 = arith.mulf %mul3A_683, %add3A_678 : vector<16xf32>
      %select_n3A_685 = arith.select %ge3A_681, %add3A_678, %mul3A_684 : vector<16xi1>, vector<16xf32>
      %mul3A_686 = arith.constant 6.553700e+04 : f32
      %mul3A_687 = vector.broadcast %mul3A_686 : f32 to vector<16xf32>
      %mul3A_688 = arith.mulf %select_n3A_685, %mul3A_687 : vector<16xf32>
      %sub3A_689 = arith.subf %mul3A_688, %select_n3A_685 : vector<16xf32>
      %sub3A_690 = arith.subf %mul3A_688, %sub3A_689 : vector<16xf32>
      %mul3A_691 = arith.mulf %sub3A_690, %get3A_562 : vector<16xf32>
      %add3A_692 = arith.addf %add3A_480, %mul3A_691 : vector<16xf32>
      %mul3A_693 = vector.broadcast %squeeze3A_13 : f32 to vector<16xf32>
      %mul3A_694 = arith.mulf %mul3A_693, %get3A_537 : vector<16xf32>
      %add3A_695 = arith.addf %get3A_557, %mul3A_694 : vector<16xf32>
      %mul3A_696 = vector.broadcast %squeeze3A_15 : f32 to vector<16xf32>
      %mul3A_697 = arith.mulf %mul3A_696, %get3A_542 : vector<16xf32>
      %add3A_698 = arith.addf %add3A_695, %mul3A_697 : vector<16xf32>
      %mul3A_699 = vector.broadcast %squeeze3A_21 : f32 to vector<16xf32>
      %mul3A_700 = arith.mulf %mul3A_699, %get3A_547 : vector<16xf32>
      %add3A_701 = arith.addf %add3A_698, %mul3A_700 : vector<16xf32>
      %mul3A_702 = vector.broadcast %squeeze3A_23 : f32 to vector<16xf32>
      %mul3A_703 = arith.mulf %mul3A_702, %get3A_552 : vector<16xf32>
      %add3A_704 = arith.addf %add3A_701, %mul3A_703 : vector<16xf32>
      %ge3A_705 = arith.constant 0.000000e+00 : f32
      %ge3A_706 = vector.broadcast %ge3A_705 : f32 to vector<16xf32>
      %ge3A_707 = arith.cmpf oge, %add3A_704, %ge3A_706 : vector<16xf32>
      %mul3A_708 = arith.constant 0.00999999977 : f32
      %mul3A_709 = vector.broadcast %mul3A_708 : f32 to vector<16xf32>
      %mul3A_710 = arith.mulf %mul3A_709, %add3A_704 : vector<16xf32>
      %select_n3A_711 = arith.select %ge3A_707, %add3A_704, %mul3A_710 : vector<16xi1>, vector<16xf32>
      %mul3A_712 = arith.constant 6.553700e+04 : f32
      %mul3A_713 = vector.broadcast %mul3A_712 : f32 to vector<16xf32>
      %mul3A_714 = arith.mulf %select_n3A_711, %mul3A_713 : vector<16xf32>
      %sub3A_715 = arith.subf %mul3A_714, %select_n3A_711 : vector<16xf32>
      %sub3A_716 = arith.subf %mul3A_714, %sub3A_715 : vector<16xf32>
      %mul3A_717 = arith.mulf %sub3A_716, %get3A_562 : vector<16xf32>
      %add3A_718 = arith.addf %add3A_506, %mul3A_717 : vector<16xf32>
      %mul3A_719 = vector.broadcast %squeeze3A_21 : f32 to vector<16xf32>
      %mul3A_720 = arith.mulf %mul3A_719, %get3A_537 : vector<16xf32>
      %add3A_721 = arith.addf %get3A_557, %mul3A_720 : vector<16xf32>
      %mul3A_722 = vector.broadcast %squeeze3A_23 : f32 to vector<16xf32>
      %mul3A_723 = arith.mulf %mul3A_722, %get3A_542 : vector<16xf32>
      %add3A_724 = arith.addf %add3A_721, %mul3A_723 : vector<16xf32>
      %mul3A_725 = vector.broadcast %squeeze3A_9 : f32 to vector<16xf32>
      %mul3A_726 = arith.mulf %mul3A_725, %get3A_547 : vector<16xf32>
      %add3A_727 = arith.addf %add3A_724, %mul3A_726 : vector<16xf32>
      %mul3A_728 = vector.broadcast %squeeze3A_11 : f32 to vector<16xf32>
      %mul3A_729 = arith.mulf %mul3A_728, %get3A_552 : vector<16xf32>
      %add3A_730 = arith.addf %add3A_727, %mul3A_729 : vector<16xf32>
      %ge3A_731 = arith.constant 0.000000e+00 : f32
      %ge3A_732 = vector.broadcast %ge3A_731 : f32 to vector<16xf32>
      %ge3A_733 = arith.cmpf oge, %add3A_730, %ge3A_732 : vector<16xf32>
      %mul3A_734 = arith.constant 0.00999999977 : f32
      %mul3A_735 = vector.broadcast %mul3A_734 : f32 to vector<16xf32>
      %mul3A_736 = arith.mulf %mul3A_735, %add3A_730 : vector<16xf32>
      %select_n3A_737 = arith.select %ge3A_733, %add3A_730, %mul3A_736 : vector<16xi1>, vector<16xf32>
      %mul3A_738 = arith.constant 6.553700e+04 : f32
      %mul3A_739 = vector.broadcast %mul3A_738 : f32 to vector<16xf32>
      %mul3A_740 = arith.mulf %select_n3A_737, %mul3A_739 : vector<16xf32>
      %sub3A_741 = arith.subf %mul3A_740, %select_n3A_737 : vector<16xf32>
      %sub3A_742 = arith.subf %mul3A_740, %sub3A_741 : vector<16xf32>
      %mul3A_743 = arith.mulf %sub3A_742, %get3A_562 : vector<16xf32>
      %add3A_744 = arith.addf %add3A_532, %mul3A_743 : vector<16xf32>
      %get3A_745 = arith.constant 0 : i32
      %get3A_746 = arith.index_cast %get3A_745 : i32 to index
      %get3A_747 = arith.constant 48 : index
      %get3A_748 = tpu.vector_load %arg9[%get3A_746, %get3A_747] {strides = array<i32>} : memref<6x256xf32, #tpu.memory_space<vmem>>, vector<1x16xf32>,
      %get3A_749 = vector.shape_cast %get3A_748 : vector<1x16xf32> to vector<16xf32>
      %get3A_750 = arith.constant 1 : i32
      %get3A_751 = arith.index_cast %get3A_750 : i32 to index
      %get3A_752 = arith.constant 48 : index
      %get3A_753 = tpu.vector_load %arg9[%get3A_751, %get3A_752] {strides = array<i32>} : memref<6x256xf32, #tpu.memory_space<vmem>>, vector<1x16xf32>,
      %get3A_754 = vector.shape_cast %get3A_753 : vector<1x16xf32> to vector<16xf32>
      %get3A_755 = arith.constant 2 : i32
      %get3A_756 = arith.index_cast %get3A_755 : i32 to index
      %get3A_757 = arith.constant 48 : index
      %get3A_758 = tpu.vector_load %arg9[%get3A_756, %get3A_757] {strides = array<i32>} : memref<6x256xf32, #tpu.memory_space<vmem>>, vector<1x16xf32>,
      %get3A_759 = vector.shape_cast %get3A_758 : vector<1x16xf32> to vector<16xf32>
      %get3A_760 = arith.constant 3 : i32
      %get3A_761 = arith.index_cast %get3A_760 : i32 to index
      %get3A_762 = arith.constant 48 : index
      %get3A_763 = tpu.vector_load %arg9[%get3A_761, %get3A_762] {strides = array<i32>} : memref<6x256xf32, #tpu.memory_space<vmem>>, vector<1x16xf32>,
      %get3A_764 = vector.shape_cast %get3A_763 : vector<1x16xf32> to vector<16xf32>
      %get3A_765 = arith.constant 4 : i32
      %get3A_766 = arith.index_cast %get3A_765 : i32 to index
      %get3A_767 = arith.constant 48 : index
      %get3A_768 = tpu.vector_load %arg9[%get3A_766, %get3A_767] {strides = array<i32>} : memref<6x256xf32, #tpu.memory_space<vmem>>, vector<1x16xf32>,
      %get3A_769 = vector.shape_cast %get3A_768 : vector<1x16xf32> to vector<16xf32>
      %get3A_770 = arith.constant 5 : i32
      %get3A_771 = arith.index_cast %get3A_770 : i32 to index
      %get3A_772 = arith.constant 48 : index
      %get3A_773 = tpu.vector_load %arg9[%get3A_771, %get3A_772] {strides = array<i32>} : memref<6x256xf32, #tpu.memory_space<vmem>>, vector<1x16xf32>,
      %get3A_774 = vector.shape_cast %get3A_773 : vector<1x16xf32> to vector<16xf32>
      %mul3A_775 = vector.broadcast %squeeze3A : f32 to vector<16xf32>
      %mul3A_776 = arith.mulf %mul3A_775, %get3A_749 : vector<16xf32>
      %add3A_777 = arith.addf %get3A_769, %mul3A_776 : vector<16xf32>
      %mul3A_778 = vector.broadcast %squeeze3A_7 : f32 to vector<16xf32>
      %mul3A_779 = arith.mulf %mul3A_778, %get3A_754 : vector<16xf32>
      %add3A_780 = arith.addf %add3A_777, %mul3A_779 : vector<16xf32>
      %mul3A_781 = vector.broadcast %squeeze3A_9 : f32 to vector<16xf32>
      %mul3A_782 = arith.mulf %mul3A_781, %get3A_759 : vector<16xf32>
      %add3A_783 = arith.addf %add3A_780, %mul3A_782 : vector<16xf32>
      %mul3A_784 = vector.broadcast %squeeze3A_11 : f32 to vector<16xf32>
      %mul3A_785 = arith.mulf %mul3A_784, %get3A_764 : vector<16xf32>
      %add3A_786 = arith.addf %add3A_783, %mul3A_785 : vector<16xf32>
      %ge3A_787 = arith.constant 0.000000e+00 : f32
      %ge3A_788 = vector.broadcast %ge3A_787 : f32 to vector<16xf32>
      %ge3A_789 = arith.cmpf oge, %add3A_786, %ge3A_788 : vector<16xf32>
      %mul3A_790 = arith.constant 0.00999999977 : f32
      %mul3A_791 = vector.broadcast %mul3A_790 : f32 to vector<16xf32>
      %mul3A_792 = arith.mulf %mul3A_791, %add3A_786 : vector<16xf32>
      %select_n3A_793 = arith.select %ge3A_789, %add3A_786, %mul3A_792 : vector<16xi1>, vector<16xf32>
      %mul3A_794 = arith.constant 6.553700e+04 : f32
      %mul3A_795 = vector.broadcast %mul3A_794 : f32 to vector<16xf32>
      %mul3A_796 = arith.mulf %select_n3A_793, %mul3A_795 : vector<16xf32>
      %sub3A_797 = arith.subf %mul3A_796, %select_n3A_793 : vector<16xf32>
      %sub3A_798 = arith.subf %mul3A_796, %sub3A_797 : vector<16xf32>
      %mul3A_799 = arith.mulf %sub3A_798, %get3A_774 : vector<16xf32>
      %add3A_800 = arith.addf %add3A_588, %mul3A_799 : vector<16xf32>
      %mul3A_801 = vector.broadcast %squeeze3A : f32 to vector<16xf32>
      %mul3A_802 = arith.mulf %mul3A_801, %get3A_749 : vector<16xf32>
      %add3A_803 = arith.addf %get3A_769, %mul3A_802 : vector<16xf32>
      %mul3A_804 = vector.broadcast %squeeze3A_7 : f32 to vector<16xf32>
      %mul3A_805 = arith.mulf %mul3A_804, %get3A_754 : vector<16xf32>
      %add3A_806 = arith.addf %add3A_803, %mul3A_805 : vector<16xf32>
      %mul3A_807 = vector.broadcast %squeeze3A_13 : f32 to vector<16xf32>
      %mul3A_808 = arith.mulf %mul3A_807, %get3A_759 : vector<16xf32>
      %add3A_809 = arith.addf %add3A_806, %mul3A_808 : vector<16xf32>
      %mul3A_810 = vector.broadcast %squeeze3A_15 : f32 to vector<16xf32>
      %mul3A_811 = arith.mulf %mul3A_810, %get3A_764 : vector<16xf32>
      %add3A_812 = arith.addf %add3A_809, %mul3A_811 : vector<16xf32>
      %ge3A_813 = arith.constant 0.000000e+00 : f32
      %ge3A_814 = vector.broadcast %ge3A_813 : f32 to vector<16xf32>
      %ge3A_815 = arith.cmpf oge, %add3A_812, %ge3A_814 : vector<16xf32>
      %mul3A_816 = arith.constant 0.00999999977 : f32
      %mul3A_817 = vector.broadcast %mul3A_816 : f32 to vector<16xf32>
      %mul3A_818 = arith.mulf %mul3A_817, %add3A_812 : vector<16xf32>
      %select_n3A_819 = arith.select %ge3A_815, %add3A_812, %mul3A_818 : vector<16xi1>, vector<16xf32>
      %mul3A_820 = arith.constant 6.553700e+04 : f32
      %mul3A_821 = vector.broadcast %mul3A_820 : f32 to vector<16xf32>
      %mul3A_822 = arith.mulf %select_n3A_819, %mul3A_821 : vector<16xf32>
      %sub3A_823 = arith.subf %mul3A_822, %select_n3A_819 : vector<16xf32>
      %sub3A_824 = arith.subf %mul3A_822, %sub3A_823 : vector<16xf32>
      %mul3A_825 = arith.mulf %sub3A_824, %get3A_774 : vector<16xf32>
      %add3A_826 = arith.addf %add3A_614, %mul3A_825 : vector<16xf32>
      %mul3A_827 = vector.broadcast %squeeze3A : f32 to vector<16xf32>
      %mul3A_828 = arith.mulf %mul3A_827, %get3A_749 : vector<16xf32>
      %add3A_829 = arith.addf %get3A_769, %mul3A_828 : vector<16xf32>
      %mul3A_830 = vector.broadcast %squeeze3A_7 : f32 to vector<16xf32>
      %mul3A_831 = arith.mulf %mul3A_830, %get3A_754 : vector<16xf32>
      %add3A_832 = arith.addf %add3A_829, %mul3A_831 : vector<16xf32>
      %mul3A_833 = vector.broadcast %squeeze3A_17 : f32 to vector<16xf32>
      %mul3A_834 = arith.mulf %mul3A_833, %get3A_759 : vector<16xf32>
      %add3A_835 = arith.addf %add3A_832, %mul3A_834 : vector<16xf32>
      %mul3A_836 = vector.broadcast %squeeze3A_19 : f32 to vector<16xf32>
      %mul3A_837 = arith.mulf %mul3A_836, %get3A_764 : vector<16xf32>
      %add3A_838 = arith.addf %add3A_835, %mul3A_837 : vector<16xf32>
      %ge3A_839 = arith.constant 0.000000e+00 : f32
      %ge3A_840 = vector.broadcast %ge3A_839 : f32 to vector<16xf32>
      %ge3A_841 = arith.cmpf oge, %add3A_838, %ge3A_840 : vector<16xf32>
      %mul3A_842 = arith.constant 0.00999999977 : f32
      %mul3A_843 = vector.broadcast %mul3A_842 : f32 to vector<16xf32>
      %mul3A_844 = arith.mulf %mul3A_843, %add3A_838 : vector<16xf32>
      %select_n3A_845 = arith.select %ge3A_841, %add3A_838, %mul3A_844 : vector<16xi1>, vector<16xf32>
      %mul3A_846 = arith.constant 6.553700e+04 : f32
      %mul3A_847 = vector.broadcast %mul3A_846 : f32 to vector<16xf32>
      %mul3A_848 = arith.mulf %select_n3A_845, %mul3A_847 : vector<16xf32>
      %sub3A_849 = arith.subf %mul3A_848, %select_n3A_845 : vector<16xf32>
      %sub3A_850 = arith.subf %mul3A_848, %sub3A_849 : vector<16xf32>
      %mul3A_851 = arith.mulf %sub3A_850, %get3A_774 : vector<16xf32>
      %add3A_852 = arith.addf %add3A_640, %mul3A_851 : vector<16xf32>
      %mul3A_853 = vector.broadcast %squeeze3A_17 : f32 to vector<16xf32>
      %mul3A_854 = arith.mulf %mul3A_853, %get3A_749 : vector<16xf32>
      %add3A_855 = arith.addf %get3A_769, %mul3A_854 : vector<16xf32>
      %mul3A_856 = vector.broadcast %squeeze3A_19 : f32 to vector<16xf32>
      %mul3A_857 = arith.mulf %mul3A_856, %get3A_754 : vector<16xf32>
      %add3A_858 = arith.addf %add3A_855, %mul3A_857 : vector<16xf32>
      %mul3A_859 = vector.broadcast %squeeze3A_13 : f32 to vector<16xf32>
      %mul3A_860 = arith.mulf %mul3A_859, %get3A_759 : vector<16xf32>
      %add3A_861 = arith.addf %add3A_858, %mul3A_860 : vector<16xf32>
      %mul3A_862 = vector.broadcast %squeeze3A_15 : f32 to vector<16xf32>
      %mul3A_863 = arith.mulf %mul3A_862, %get3A_764 : vector<16xf32>
      %add3A_864 = arith.addf %add3A_861, %mul3A_863 : vector<16xf32>
      %ge3A_865 = arith.constant 0.000000e+00 : f32
      %ge3A_866 = vector.broadcast %ge3A_865 : f32 to vector<16xf32>
      %ge3A_867 = arith.cmpf oge, %add3A_864, %ge3A_866 : vector<16xf32>
      %mul3A_868 = arith.constant 0.00999999977 : f32
      %mul3A_869 = vector.broadcast %mul3A_868 : f32 to vector<16xf32>
      %mul3A_870 = arith.mulf %mul3A_869, %add3A_864 : vector<16xf32>
      %select_n3A_871 = arith.select %ge3A_867, %add3A_864, %mul3A_870 : vector<16xi1>, vector<16xf32>
      %mul3A_872 = arith.constant 6.553700e+04 : f32
      %mul3A_873 = vector.broadcast %mul3A_872 : f32 to vector<16xf32>
      %mul3A_874 = arith.mulf %select_n3A_871, %mul3A_873 : vector<16xf32>
      %sub3A_875 = arith.subf %mul3A_874, %select_n3A_871 : vector<16xf32>
      %sub3A_876 = arith.subf %mul3A_874, %sub3A_875 : vector<16xf32>
      %mul3A_877 = arith.mulf %sub3A_876, %get3A_774 : vector<16xf32>
      %add3A_878 = arith.addf %add3A_666, %mul3A_877 : vector<16xf32>
      %mul3A_879 = vector.broadcast %squeeze3A_13 : f32 to vector<16xf32>
      %mul3A_880 = arith.mulf %mul3A_879, %get3A_749 : vector<16xf32>
      %add3A_881 = arith.addf %get3A_769, %mul3A_880 : vector<16xf32>
      %mul3A_882 = vector.broadcast %squeeze3A_15 : f32 to vector<16xf32>
      %mul3A_883 = arith.mulf %mul3A_882, %get3A_754 : vector<16xf32>
      %add3A_884 = arith.addf %add3A_881, %mul3A_883 : vector<16xf32>
      %mul3A_885 = vector.broadcast %squeeze3A_9 : f32 to vector<16xf32>
      %mul3A_886 = arith.mulf %mul3A_885, %get3A_759 : vector<16xf32>
      %add3A_887 = arith.addf %add3A_884, %mul3A_886 : vector<16xf32>
      %mul3A_888 = vector.broadcast %squeeze3A_11 : f32 to vector<16xf32>
      %mul3A_889 = arith.mulf %mul3A_888, %get3A_764 : vector<16xf32>
      %add3A_890 = arith.addf %add3A_887, %mul3A_889 : vector<16xf32>
      %ge3A_891 = arith.constant 0.000000e+00 : f32
      %ge3A_892 = vector.broadcast %ge3A_891 : f32 to vector<16xf32>
      %ge3A_893 = arith.cmpf oge, %add3A_890, %ge3A_892 : vector<16xf32>
      %mul3A_894 = arith.constant 0.00999999977 : f32
      %mul3A_895 = vector.broadcast %mul3A_894 : f32 to vector<16xf32>
      %mul3A_896 = arith.mulf %mul3A_895, %add3A_890 : vector<16xf32>
      %select_n3A_897 = arith.select %ge3A_893, %add3A_890, %mul3A_896 : vector<16xi1>, vector<16xf32>
      %mul3A_898 = arith.constant 6.553700e+04 : f32
      %mul3A_899 = vector.broadcast %mul3A_898 : f32 to vector<16xf32>
      %mul3A_900 = arith.mulf %select_n3A_897, %mul3A_899 : vector<16xf32>
      %sub3A_901 = arith.subf %mul3A_900, %select_n3A_897 : vector<16xf32>
      %sub3A_902 = arith.subf %mul3A_900, %sub3A_901 : vector<16xf32>
      %mul3A_903 = arith.mulf %sub3A_902, %get3A_774 : vector<16xf32>
      %add3A_904 = arith.addf %add3A_692, %mul3A_903 : vector<16xf32>
      %mul3A_905 = vector.broadcast %squeeze3A_13 : f32 to vector<16xf32>
      %mul3A_906 = arith.mulf %mul3A_905, %get3A_749 : vector<16xf32>
      %add3A_907 = arith.addf %get3A_769, %mul3A_906 : vector<16xf32>
      %mul3A_908 = vector.broadcast %squeeze3A_15 : f32 to vector<16xf32>
      %mul3A_909 = arith.mulf %mul3A_908, %get3A_754 : vector<16xf32>
      %add3A_910 = arith.addf %add3A_907, %mul3A_909 : vector<16xf32>
      %mul3A_911 = vector.broadcast %squeeze3A_21 : f32 to vector<16xf32>
      %mul3A_912 = arith.mulf %mul3A_911, %get3A_759 : vector<16xf32>
      %add3A_913 = arith.addf %add3A_910, %mul3A_912 : vector<16xf32>
      %mul3A_914 = vector.broadcast %squeeze3A_23 : f32 to vector<16xf32>
      %mul3A_915 = arith.mulf %mul3A_914, %get3A_764 : vector<16xf32>
      %add3A_916 = arith.addf %add3A_913, %mul3A_915 : vector<16xf32>
      %ge3A_917 = arith.constant 0.000000e+00 : f32
      %ge3A_918 = vector.broadcast %ge3A_917 : f32 to vector<16xf32>
      %ge3A_919 = arith.cmpf oge, %add3A_916, %ge3A_918 : vector<16xf32>
      %mul3A_920 = arith.constant 0.00999999977 : f32
      %mul3A_921 = vector.broadcast %mul3A_920 : f32 to vector<16xf32>
      %mul3A_922 = arith.mulf %mul3A_921, %add3A_916 : vector<16xf32>
      %select_n3A_923 = arith.select %ge3A_919, %add3A_916, %mul3A_922 : vector<16xi1>, vector<16xf32>
      %mul3A_924 = arith.constant 6.553700e+04 : f32
      %mul3A_925 = vector.broadcast %mul3A_924 : f32 to vector<16xf32>
      %mul3A_926 = arith.mulf %select_n3A_923, %mul3A_925 : vector<16xf32>
      %sub3A_927 = arith.subf %mul3A_926, %select_n3A_923 : vector<16xf32>
      %sub3A_928 = arith.subf %mul3A_926, %sub3A_927 : vector<16xf32>
      %mul3A_929 = arith.mulf %sub3A_928, %get3A_774 : vector<16xf32>
      %add3A_930 = arith.addf %add3A_718, %mul3A_929 : vector<16xf32>
      %mul3A_931 = vector.broadcast %squeeze3A_21 : f32 to vector<16xf32>
      %mul3A_932 = arith.mulf %mul3A_931, %get3A_749 : vector<16xf32>
      %add3A_933 = arith.addf %get3A_769, %mul3A_932 : vector<16xf32>
      %mul3A_934 = vector.broadcast %squeeze3A_23 : f32 to vector<16xf32>
      %mul3A_935 = arith.mulf %mul3A_934, %get3A_754 : vector<16xf32>
      %add3A_936 = arith.addf %add3A_933, %mul3A_935 : vector<16xf32>
      %mul3A_937 = vector.broadcast %squeeze3A_9 : f32 to vector<16xf32>
      %mul3A_938 = arith.mulf %mul3A_937, %get3A_759 : vector<16xf32>
      %add3A_939 = arith.addf %add3A_936, %mul3A_938 : vector<16xf32>
      %mul3A_940 = vector.broadcast %squeeze3A_11 : f32 to vector<16xf32>
      %mul3A_941 = arith.mulf %mul3A_940, %get3A_764 : vector<16xf32>
      %add3A_942 = arith.addf %add3A_939, %mul3A_941 : vector<16xf32>
      %ge3A_943 = arith.constant 0.000000e+00 : f32
      %ge3A_944 = vector.broadcast %ge3A_943 : f32 to vector<16xf32>
      %ge3A_945 = arith.cmpf oge, %add3A_942, %ge3A_944 : vector<16xf32>
      %mul3A_946 = arith.constant 0.00999999977 : f32
      %mul3A_947 = vector.broadcast %mul3A_946 : f32 to vector<16xf32>
      %mul3A_948 = arith.mulf %mul3A_947, %add3A_942 : vector<16xf32>
      %select_n3A_949 = arith.select %ge3A_945, %add3A_942, %mul3A_948 : vector<16xi1>, vector<16xf32>
      %mul3A_950 = arith.constant 6.553700e+04 : f32
      %mul3A_951 = vector.broadcast %mul3A_950 : f32 to vector<16xf32>
      %mul3A_952 = arith.mulf %select_n3A_949, %mul3A_951 : vector<16xf32>
      %sub3A_953 = arith.subf %mul3A_952, %select_n3A_949 : vector<16xf32>
      %sub3A_954 = arith.subf %mul3A_952, %sub3A_953 : vector<16xf32>
      %mul3A_955 = arith.mulf %sub3A_954, %get3A_774 : vector<16xf32>
      %add3A_956 = arith.addf %add3A_744, %mul3A_955 : vector<16xf32>
      %get3A_957 = arith.constant 0 : i32
      %get3A_958 = arith.index_cast %get3A_957 : i32 to index
      %get3A_959 = arith.constant 64 : index
      %get3A_960 = tpu.vector_load %arg9[%get3A_958, %get3A_959] {strides = array<i32>} : memref<6x256xf32, #tpu.memory_space<vmem>>, vector<1x16xf32>,
      %get3A_961 = vector.shape_cast %get3A_960 : vector<1x16xf32> to vector<16xf32>
      %get3A_962 = arith.constant 1 : i32
      %get3A_963 = arith.index_cast %get3A_962 : i32 to index
      %get3A_964 = arith.constant 64 : index
      %get3A_965 = tpu.vector_load %arg9[%get3A_963, %get3A_964] {strides = array<i32>} : memref<6x256xf32, #tpu.memory_space<vmem>>, vector<1x16xf32>,
      %get3A_966 = vector.shape_cast %get3A_965 : vector<1x16xf32> to vector<16xf32>
      %get3A_967 = arith.constant 2 : i32
      %get3A_968 = arith.index_cast %get3A_967 : i32 to index
      %get3A_969 = arith.constant 64 : index
      %get3A_970 = tpu.vector_load %arg9[%get3A_968, %get3A_969] {strides = array<i32>} : memref<6x256xf32, #tpu.memory_space<vmem>>, vector<1x16xf32>,
      %get3A_971 = vector.shape_cast %get3A_970 : vector<1x16xf32> to vector<16xf32>
      %get3A_972 = arith.constant 3 : i32
      %get3A_973 = arith.index_cast %get3A_972 : i32 to index
      %get3A_974 = arith.constant 64 : index
      %get3A_975 = tpu.vector_load %arg9[%get3A_973, %get3A_974] {strides = array<i32>} : memref<6x256xf32, #tpu.memory_space<vmem>>, vector<1x16xf32>,
      %get3A_976 = vector.shape_cast %get3A_975 : vector<1x16xf32> to vector<16xf32>
      %get3A_977 = arith.constant 4 : i32
      %get3A_978 = arith.index_cast %get3A_977 : i32 to index
      %get3A_979 = arith.constant 64 : index
      %get3A_980 = tpu.vector_load %arg9[%get3A_978, %get3A_979] {strides = array<i32>} : memref<6x256xf32, #tpu.memory_space<vmem>>, vector<1x16xf32>,
      %get3A_981 = vector.shape_cast %get3A_980 : vector<1x16xf32> to vector<16xf32>
      %get3A_982 = arith.constant 5 : i32
      %get3A_983 = arith.index_cast %get3A_982 : i32 to index
      %get3A_984 = arith.constant 64 : index
      %get3A_985 = tpu.vector_load %arg9[%get3A_983, %get3A_984] {strides = array<i32>} : memref<6x256xf32, #tpu.memory_space<vmem>>, vector<1x16xf32>,
      %get3A_986 = vector.shape_cast %get3A_985 : vector<1x16xf32> to vector<16xf32>
      %mul3A_987 = vector.broadcast %squeeze3A : f32 to vector<16xf32>
      %mul3A_988 = arith.mulf %mul3A_987, %get3A_961 : vector<16xf32>
      %add3A_989 = arith.addf %get3A_981, %mul3A_988 : vector<16xf32>
      %mul3A_990 = vector.broadcast %squeeze3A_7 : f32 to vector<16xf32>
      %mul3A_991 = arith.mulf %mul3A_990, %get3A_966 : vector<16xf32>
      %add3A_992 = arith.addf %add3A_989, %mul3A_991 : vector<16xf32>
      %mul3A_993 = vector.broadcast %squeeze3A_9 : f32 to vector<16xf32>
      %mul3A_994 = arith.mulf %mul3A_993, %get3A_971 : vector<16xf32>
      %add3A_995 = arith.addf %add3A_992, %mul3A_994 : vector<16xf32>
      %mul3A_996 = vector.broadcast %squeeze3A_11 : f32 to vector<16xf32>
      %mul3A_997 = arith.mulf %mul3A_996, %get3A_976 : vector<16xf32>
      %add3A_998 = arith.addf %add3A_995, %mul3A_997 : vector<16xf32>
      %ge3A_999 = arith.constant 0.000000e+00 : f32
      %ge3A_1000 = vector.broadcast %ge3A_999 : f32 to vector<16xf32>
      %ge3A_1001 = arith.cmpf oge, %add3A_998, %ge3A_1000 : vector<16xf32>
      %mul3A_1002 = arith.constant 0.00999999977 : f32
      %mul3A_1003 = vector.broadcast %mul3A_1002 : f32 to vector<16xf32>
      %mul3A_1004 = arith.mulf %mul3A_1003, %add3A_998 : vector<16xf32>
      %select_n3A_1005 = arith.select %ge3A_1001, %add3A_998, %mul3A_1004 : vector<16xi1>, vector<16xf32>
      %mul3A_1006 = arith.constant 6.553700e+04 : f32
      %mul3A_1007 = vector.broadcast %mul3A_1006 : f32 to vector<16xf32>
      %mul3A_1008 = arith.mulf %select_n3A_1005, %mul3A_1007 : vector<16xf32>
      %sub3A_1009 = arith.subf %mul3A_1008, %select_n3A_1005 : vector<16xf32>
      %sub3A_1010 = arith.subf %mul3A_1008, %sub3A_1009 : vector<16xf32>
      %mul3A_1011 = arith.mulf %sub3A_1010, %get3A_986 : vector<16xf32>
      %add3A_1012 = arith.addf %add3A_800, %mul3A_1011 : vector<16xf32>
      %mul3A_1013 = vector.broadcast %squeeze3A : f32 to vector<16xf32>
      %mul3A_1014 = arith.mulf %mul3A_1013, %get3A_961 : vector<16xf32>
      %add3A_1015 = arith.addf %get3A_981, %mul3A_1014 : vector<16xf32>
      %mul3A_1016 = vector.broadcast %squeeze3A_7 : f32 to vector<16xf32>
      %mul3A_1017 = arith.mulf %mul3A_1016, %get3A_966 : vector<16xf32>
      %add3A_1018 = arith.addf %add3A_1015, %mul3A_1017 : vector<16xf32>
      %mul3A_1019 = vector.broadcast %squeeze3A_13 : f32 to vector<16xf32>
      %mul3A_1020 = arith.mulf %mul3A_1019, %get3A_971 : vector<16xf32>
      %add3A_1021 = arith.addf %add3A_1018, %mul3A_1020 : vector<16xf32>
      %mul3A_1022 = vector.broadcast %squeeze3A_15 : f32 to vector<16xf32>
      %mul3A_1023 = arith.mulf %mul3A_1022, %get3A_976 : vector<16xf32>
      %add3A_1024 = arith.addf %add3A_1021, %mul3A_1023 : vector<16xf32>
      %ge3A_1025 = arith.constant 0.000000e+00 : f32
      %ge3A_1026 = vector.broadcast %ge3A_1025 : f32 to vector<16xf32>
      %ge3A_1027 = arith.cmpf oge, %add3A_1024, %ge3A_1026 : vector<16xf32>
      %mul3A_1028 = arith.constant 0.00999999977 : f32
      %mul3A_1029 = vector.broadcast %mul3A_1028 : f32 to vector<16xf32>
      %mul3A_1030 = arith.mulf %mul3A_1029, %add3A_1024 : vector<16xf32>
      %select_n3A_1031 = arith.select %ge3A_1027, %add3A_1024, %mul3A_1030 : vector<16xi1>, vector<16xf32>
      %mul3A_1032 = arith.constant 6.553700e+04 : f32
      %mul3A_1033 = vector.broadcast %mul3A_1032 : f32 to vector<16xf32>
      %mul3A_1034 = arith.mulf %select_n3A_1031, %mul3A_1033 : vector<16xf32>
      %sub3A_1035 = arith.subf %mul3A_1034, %select_n3A_1031 : vector<16xf32>
      %sub3A_1036 = arith.subf %mul3A_1034, %sub3A_1035 : vector<16xf32>
      %mul3A_1037 = arith.mulf %sub3A_1036, %get3A_986 : vector<16xf32>
      %add3A_1038 = arith.addf %add3A_826, %mul3A_1037 : vector<16xf32>
      %mul3A_1039 = vector.broadcast %squeeze3A : f32 to vector<16xf32>
      %mul3A_1040 = arith.mulf %mul3A_1039, %get3A_961 : vector<16xf32>
      %add3A_1041 = arith.addf %get3A_981, %mul3A_1040 : vector<16xf32>
      %mul3A_1042 = vector.broadcast %squeeze3A_7 : f32 to vector<16xf32>
      %mul3A_1043 = arith.mulf %mul3A_1042, %get3A_966 : vector<16xf32>
      %add3A_1044 = arith.addf %add3A_1041, %mul3A_1043 : vector<16xf32>
      %mul3A_1045 = vector.broadcast %squeeze3A_17 : f32 to vector<16xf32>
      %mul3A_1046 = arith.mulf %mul3A_1045, %get3A_971 : vector<16xf32>
      %add3A_1047 = arith.addf %add3A_1044, %mul3A_1046 : vector<16xf32>
      %mul3A_1048 = vector.broadcast %squeeze3A_19 : f32 to vector<16xf32>
      %mul3A_1049 = arith.mulf %mul3A_1048, %get3A_976 : vector<16xf32>
      %add3A_1050 = arith.addf %add3A_1047, %mul3A_1049 : vector<16xf32>
      %ge3A_1051 = arith.constant 0.000000e+00 : f32
      %ge3A_1052 = vector.broadcast %ge3A_1051 : f32 to vector<16xf32>
      %ge3A_1053 = arith.cmpf oge, %add3A_1050, %ge3A_1052 : vector<16xf32>
      %mul3A_1054 = arith.constant 0.00999999977 : f32
      %mul3A_1055 = vector.broadcast %mul3A_1054 : f32 to vector<16xf32>
      %mul3A_1056 = arith.mulf %mul3A_1055, %add3A_1050 : vector<16xf32>
      %select_n3A_1057 = arith.select %ge3A_1053, %add3A_1050, %mul3A_1056 : vector<16xi1>, vector<16xf32>
      %mul3A_1058 = arith.constant 6.553700e+04 : f32
      %mul3A_1059 = vector.broadcast %mul3A_1058 : f32 to vector<16xf32>
      %mul3A_1060 = arith.mulf %select_n3A_1057, %mul3A_1059 : vector<16xf32>
      %sub3A_1061 = arith.subf %mul3A_1060, %select_n3A_1057 : vector<16xf32>
      %sub3A_1062 = arith.subf %mul3A_1060, %sub3A_1061 : vector<16xf32>
      %mul3A_1063 = arith.mulf %sub3A_1062, %get3A_986 : vector<16xf32>
      %add3A_1064 = arith.addf %add3A_852, %mul3A_1063 : vector<16xf32>
      %mul3A_1065 = vector.broadcast %squeeze3A_17 : f32 to vector<16xf32>
      %mul3A_1066 = arith.mulf %mul3A_1065, %get3A_961 : vector<16xf32>
      %add3A_1067 = arith.addf %get3A_981, %mul3A_1066 : vector<16xf32>
      %mul3A_1068 = vector.broadcast %squeeze3A_19 : f32 to vector<16xf32>
      %mul3A_1069 = arith.mulf %mul3A_1068, %get3A_966 : vector<16xf32>
      %add3A_1070 = arith.addf %add3A_1067, %mul3A_1069 : vector<16xf32>
      %mul3A_1071 = vector.broadcast %squeeze3A_13 : f32 to vector<16xf32>
      %mul3A_1072 = arith.mulf %mul3A_1071, %get3A_971 : vector<16xf32>
      %add3A_1073 = arith.addf %add3A_1070, %mul3A_1072 : vector<16xf32>
      %mul3A_1074 = vector.broadcast %squeeze3A_15 : f32 to vector<16xf32>
      %mul3A_1075 = arith.mulf %mul3A_1074, %get3A_976 : vector<16xf32>
      %add3A_1076 = arith.addf %add3A_1073, %mul3A_1075 : vector<16xf32>
      %ge3A_1077 = arith.constant 0.000000e+00 : f32
      %ge3A_1078 = vector.broadcast %ge3A_1077 : f32 to vector<16xf32>
      %ge3A_1079 = arith.cmpf oge, %add3A_1076, %ge3A_1078 : vector<16xf32>
      %mul3A_1080 = arith.constant 0.00999999977 : f32
      %mul3A_1081 = vector.broadcast %mul3A_1080 : f32 to vector<16xf32>
      %mul3A_1082 = arith.mulf %mul3A_1081, %add3A_1076 : vector<16xf32>
      %select_n3A_1083 = arith.select %ge3A_1079, %add3A_1076, %mul3A_1082 : vector<16xi1>, vector<16xf32>
      %mul3A_1084 = arith.constant 6.553700e+04 : f32
      %mul3A_1085 = vector.broadcast %mul3A_1084 : f32 to vector<16xf32>
      %mul3A_1086 = arith.mulf %select_n3A_1083, %mul3A_1085 : vector<16xf32>
      %sub3A_1087 = arith.subf %mul3A_1086, %select_n3A_1083 : vector<16xf32>
      %sub3A_1088 = arith.subf %mul3A_1086, %sub3A_1087 : vector<16xf32>
      %mul3A_1089 = arith.mulf %sub3A_1088, %get3A_986 : vector<16xf32>
      %add3A_1090 = arith.addf %add3A_878, %mul3A_1089 : vector<16xf32>
      %mul3A_1091 = vector.broadcast %squeeze3A_13 : f32 to vector<16xf32>
      %mul3A_1092 = arith.mulf %mul3A_1091, %get3A_961 : vector<16xf32>
      %add3A_1093 = arith.addf %get3A_981, %mul3A_1092 : vector<16xf32>
      %mul3A_1094 = vector.broadcast %squeeze3A_15 : f32 to vector<16xf32>
      %mul3A_1095 = arith.mulf %mul3A_1094, %get3A_966 : vector<16xf32>
      %add3A_1096 = arith.addf %add3A_1093, %mul3A_1095 : vector<16xf32>
      %mul3A_1097 = vector.broadcast %squeeze3A_9 : f32 to vector<16xf32>
      %mul3A_1098 = arith.mulf %mul3A_1097, %get3A_971 : vector<16xf32>
      %add3A_1099 = arith.addf %add3A_1096, %mul3A_1098 : vector<16xf32>
      %mul3A_1100 = vector.broadcast %squeeze3A_11 : f32 to vector<16xf32>
      %mul3A_1101 = arith.mulf %mul3A_1100, %get3A_976 : vector<16xf32>
      %add3A_1102 = arith.addf %add3A_1099, %mul3A_1101 : vector<16xf32>
      %ge3A_1103 = arith.constant 0.000000e+00 : f32
      %ge3A_1104 = vector.broadcast %ge3A_1103 : f32 to vector<16xf32>
      %ge3A_1105 = arith.cmpf oge, %add3A_1102, %ge3A_1104 : vector<16xf32>
      %mul3A_1106 = arith.constant 0.00999999977 : f32
      %mul3A_1107 = vector.broadcast %mul3A_1106 : f32 to vector<16xf32>
      %mul3A_1108 = arith.mulf %mul3A_1107, %add3A_1102 : vector<16xf32>
      %select_n3A_1109 = arith.select %ge3A_1105, %add3A_1102, %mul3A_1108 : vector<16xi1>, vector<16xf32>
      %mul3A_1110 = arith.constant 6.553700e+04 : f32
      %mul3A_1111 = vector.broadcast %mul3A_1110 : f32 to vector<16xf32>
      %mul3A_1112 = arith.mulf %select_n3A_1109, %mul3A_1111 : vector<16xf32>
      %sub3A_1113 = arith.subf %mul3A_1112, %select_n3A_1109 : vector<16xf32>
      %sub3A_1114 = arith.subf %mul3A_1112, %sub3A_1113 : vector<16xf32>
      %mul3A_1115 = arith.mulf %sub3A_1114, %get3A_986 : vector<16xf32>
      %add3A_1116 = arith.addf %add3A_904, %mul3A_1115 : vector<16xf32>
      %mul3A_1117 = vector.broadcast %squeeze3A_13 : f32 to vector<16xf32>
      %mul3A_1118 = arith.mulf %mul3A_1117, %get3A_961 : vector<16xf32>
      %add3A_1119 = arith.addf %get3A_981, %mul3A_1118 : vector<16xf32>
      %mul3A_1120 = vector.broadcast %squeeze3A_15 : f32 to vector<16xf32>
      %mul3A_1121 = arith.mulf %mul3A_1120, %get3A_966 : vector<16xf32>
      %add3A_1122 = arith.addf %add3A_1119, %mul3A_1121 : vector<16xf32>
      %mul3A_1123 = vector.broadcast %squeeze3A_21 : f32 to vector<16xf32>
      %mul3A_1124 = arith.mulf %mul3A_1123, %get3A_971 : vector<16xf32>
      %add3A_1125 = arith.addf %add3A_1122, %mul3A_1124 : vector<16xf32>
      %mul3A_1126 = vector.broadcast %squeeze3A_23 : f32 to vector<16xf32>
      %mul3A_1127 = arith.mulf %mul3A_1126, %get3A_976 : vector<16xf32>
      %add3A_1128 = arith.addf %add3A_1125, %mul3A_1127 : vector<16xf32>
      %ge3A_1129 = arith.constant 0.000000e+00 : f32
      %ge3A_1130 = vector.broadcast %ge3A_1129 : f32 to vector<16xf32>
      %ge3A_1131 = arith.cmpf oge, %add3A_1128, %ge3A_1130 : vector<16xf32>
      %mul3A_1132 = arith.constant 0.00999999977 : f32
      %mul3A_1133 = vector.broadcast %mul3A_1132 : f32 to vector<16xf32>
      %mul3A_1134 = arith.mulf %mul3A_1133, %add3A_1128 : vector<16xf32>
      %select_n3A_1135 = arith.select %ge3A_1131, %add3A_1128, %mul3A_1134 : vector<16xi1>, vector<16xf32>
      %mul3A_1136 = arith.constant 6.553700e+04 : f32
      %mul3A_1137 = vector.broadcast %mul3A_1136 : f32 to vector<16xf32>
      %mul3A_1138 = arith.mulf %select_n3A_1135, %mul3A_1137 : vector<16xf32>
      %sub3A_1139 = arith.subf %mul3A_1138, %select_n3A_1135 : vector<16xf32>
      %sub3A_1140 = arith.subf %mul3A_1138, %sub3A_1139 : vector<16xf32>
      %mul3A_1141 = arith.mulf %sub3A_1140, %get3A_986 : vector<16xf32>
      %add3A_1142 = arith.addf %add3A_930, %mul3A_1141 : vector<16xf32>
      %mul3A_1143 = vector.broadcast %squeeze3A_21 : f32 to vector<16xf32>
      %mul3A_1144 = arith.mulf %mul3A_1143, %get3A_961 : vector<16xf32>
      %add3A_1145 = arith.addf %get3A_981, %mul3A_1144 : vector<16xf32>
      %mul3A_1146 = vector.broadcast %squeeze3A_23 : f32 to vector<16xf32>
      %mul3A_1147 = arith.mulf %mul3A_1146, %get3A_966 : vector<16xf32>
      %add3A_1148 = arith.addf %add3A_1145, %mul3A_1147 : vector<16xf32>
      %mul3A_1149 = vector.broadcast %squeeze3A_9 : f32 to vector<16xf32>
      %mul3A_1150 = arith.mulf %mul3A_1149, %get3A_971 : vector<16xf32>
      %add3A_1151 = arith.addf %add3A_1148, %mul3A_1150 : vector<16xf32>
      %mul3A_1152 = vector.broadcast %squeeze3A_11 : f32 to vector<16xf32>
      %mul3A_1153 = arith.mulf %mul3A_1152, %get3A_976 : vector<16xf32>
      %add3A_1154 = arith.addf %add3A_1151, %mul3A_1153 : vector<16xf32>
      %ge3A_1155 = arith.constant 0.000000e+00 : f32
      %ge3A_1156 = vector.broadcast %ge3A_1155 : f32 to vector<16xf32>
      %ge3A_1157 = arith.cmpf oge, %add3A_1154, %ge3A_1156 : vector<16xf32>
      %mul3A_1158 = arith.constant 0.00999999977 : f32
      %mul3A_1159 = vector.broadcast %mul3A_1158 : f32 to vector<16xf32>
      %mul3A_1160 = arith.mulf %mul3A_1159, %add3A_1154 : vector<16xf32>
      %select_n3A_1161 = arith.select %ge3A_1157, %add3A_1154, %mul3A_1160 : vector<16xi1>, vector<16xf32>
      %mul3A_1162 = arith.constant 6.553700e+04 : f32
      %mul3A_1163 = vector.broadcast %mul3A_1162 : f32 to vector<16xf32>
      %mul3A_1164 = arith.mulf %select_n3A_1161, %mul3A_1163 : vector<16xf32>
      %sub3A_1165 = arith.subf %mul3A_1164, %select_n3A_1161 : vector<16xf32>
      %sub3A_1166 = arith.subf %mul3A_1164, %sub3A_1165 : vector<16xf32>
      %mul3A_1167 = arith.mulf %sub3A_1166, %get3A_986 : vector<16xf32>
      %add3A_1168 = arith.addf %add3A_956, %mul3A_1167 : vector<16xf32>
      %get3A_1169 = arith.constant 0 : i32
      %get3A_1170 = arith.index_cast %get3A_1169 : i32 to index
      %get3A_1171 = arith.constant 80 : index
      %get3A_1172 = tpu.vector_load %arg9[%get3A_1170, %get3A_1171] {strides = array<i32>} : memref<6x256xf32, #tpu.memory_space<vmem>>, vector<1x16xf32>,
      %get3A_1173 = vector.shape_cast %get3A_1172 : vector<1x16xf32> to vector<16xf32>
      %get3A_1174 = arith.constant 1 : i32
      %get3A_1175 = arith.index_cast %get3A_1174 : i32 to index
      %get3A_1176 = arith.constant 80 : index
      %get3A_1177 = tpu.vector_load %arg9[%get3A_1175, %get3A_1176] {strides = array<i32>} : memref<6x256xf32, #tpu.memory_space<vmem>>, vector<1x16xf32>,
      %get3A_1178 = vector.shape_cast %get3A_1177 : vector<1x16xf32> to vector<16xf32>
      %get3A_1179 = arith.constant 2 : i32
      %get3A_1180 = arith.index_cast %get3A_1179 : i32 to index
      %get3A_1181 = arith.constant 80 : index
      %get3A_1182 = tpu.vector_load %arg9[%get3A_1180, %get3A_1181] {strides = array<i32>} : memref<6x256xf32, #tpu.memory_space<vmem>>, vector<1x16xf32>,
      %get3A_1183 = vector.shape_cast %get3A_1182 : vector<1x16xf32> to vector<16xf32>
      %get3A_1184 = arith.constant 3 : i32
      %get3A_1185 = arith.index_cast %get3A_1184 : i32 to index
      %get3A_1186 = arith.constant 80 : index
      %get3A_1187 = tpu.vector_load %arg9[%get3A_1185, %get3A_1186] {strides = array<i32>} : memref<6x256xf32, #tpu.memory_space<vmem>>, vector<1x16xf32>,
      %get3A_1188 = vector.shape_cast %get3A_1187 : vector<1x16xf32> to vector<16xf32>
      %get3A_1189 = arith.constant 4 : i32
      %get3A_1190 = arith.index_cast %get3A_1189 : i32 to index
      %get3A_1191 = arith.constant 80 : index
      %get3A_1192 = tpu.vector_load %arg9[%get3A_1190, %get3A_1191] {strides = array<i32>} : memref<6x256xf32, #tpu.memory_space<vmem>>, vector<1x16xf32>,
      %get3A_1193 = vector.shape_cast %get3A_1192 : vector<1x16xf32> to vector<16xf32>
      %get3A_1194 = arith.constant 5 : i32
      %get3A_1195 = arith.index_cast %get3A_1194 : i32 to index
      %get3A_1196 = arith.constant 80 : index
      %get3A_1197 = tpu.vector_load %arg9[%get3A_1195, %get3A_1196] {strides = array<i32>} : memref<6x256xf32, #tpu.memory_space<vmem>>, vector<1x16xf32>,
      %get3A_1198 = vector.shape_cast %get3A_1197 : vector<1x16xf32> to vector<16xf32>
      %mul3A_1199 = vector.broadcast %squeeze3A : f32 to vector<16xf32>
      %mul3A_1200 = arith.mulf %mul3A_1199, %get3A_1173 : vector<16xf32>
      %add3A_1201 = arith.addf %get3A_1193, %mul3A_1200 : vector<16xf32>
      %mul3A_1202 = vector.broadcast %squeeze3A_7 : f32 to vector<16xf32>
      %mul3A_1203 = arith.mulf %mul3A_1202, %get3A_1178 : vector<16xf32>
      %add3A_1204 = arith.addf %add3A_1201, %mul3A_1203 : vector<16xf32>
      %mul3A_1205 = vector.broadcast %squeeze3A_9 : f32 to vector<16xf32>
      %mul3A_1206 = arith.mulf %mul3A_1205, %get3A_1183 : vector<16xf32>
      %add3A_1207 = arith.addf %add3A_1204, %mul3A_1206 : vector<16xf32>
      %mul3A_1208 = vector.broadcast %squeeze3A_11 : f32 to vector<16xf32>
      %mul3A_1209 = arith.mulf %mul3A_1208, %get3A_1188 : vector<16xf32>
      %add3A_1210 = arith.addf %add3A_1207, %mul3A_1209 : vector<16xf32>
      %ge3A_1211 = arith.constant 0.000000e+00 : f32
      %ge3A_1212 = vector.broadcast %ge3A_1211 : f32 to vector<16xf32>
      %ge3A_1213 = arith.cmpf oge, %add3A_1210, %ge3A_1212 : vector<16xf32>
      %mul3A_1214 = arith.constant 0.00999999977 : f32
      %mul3A_1215 = vector.broadcast %mul3A_1214 : f32 to vector<16xf32>
      %mul3A_1216 = arith.mulf %mul3A_1215, %add3A_1210 : vector<16xf32>
      %select_n3A_1217 = arith.select %ge3A_1213, %add3A_1210, %mul3A_1216 : vector<16xi1>, vector<16xf32>
      %mul3A_1218 = arith.constant 6.553700e+04 : f32
      %mul3A_1219 = vector.broadcast %mul3A_1218 : f32 to vector<16xf32>
      %mul3A_1220 = arith.mulf %select_n3A_1217, %mul3A_1219 : vector<16xf32>
      %sub3A_1221 = arith.subf %mul3A_1220, %select_n3A_1217 : vector<16xf32>
      %sub3A_1222 = arith.subf %mul3A_1220, %sub3A_1221 : vector<16xf32>
      %mul3A_1223 = arith.mulf %sub3A_1222, %get3A_1198 : vector<16xf32>
      %add3A_1224 = arith.addf %add3A_1012, %mul3A_1223 : vector<16xf32>
      %mul3A_1225 = vector.broadcast %squeeze3A : f32 to vector<16xf32>
      %mul3A_1226 = arith.mulf %mul3A_1225, %get3A_1173 : vector<16xf32>
      %add3A_1227 = arith.addf %get3A_1193, %mul3A_1226 : vector<16xf32>
      %mul3A_1228 = vector.broadcast %squeeze3A_7 : f32 to vector<16xf32>
      %mul3A_1229 = arith.mulf %mul3A_1228, %get3A_1178 : vector<16xf32>
      %add3A_1230 = arith.addf %add3A_1227, %mul3A_1229 : vector<16xf32>
      %mul3A_1231 = vector.broadcast %squeeze3A_13 : f32 to vector<16xf32>
      %mul3A_1232 = arith.mulf %mul3A_1231, %get3A_1183 : vector<16xf32>
      %add3A_1233 = arith.addf %add3A_1230, %mul3A_1232 : vector<16xf32>
      %mul3A_1234 = vector.broadcast %squeeze3A_15 : f32 to vector<16xf32>
      %mul3A_1235 = arith.mulf %mul3A_1234, %get3A_1188 : vector<16xf32>
      %add3A_1236 = arith.addf %add3A_1233, %mul3A_1235 : vector<16xf32>
      %ge3A_1237 = arith.constant 0.000000e+00 : f32
      %ge3A_1238 = vector.broadcast %ge3A_1237 : f32 to vector<16xf32>
      %ge3A_1239 = arith.cmpf oge, %add3A_1236, %ge3A_1238 : vector<16xf32>
      %mul3A_1240 = arith.constant 0.00999999977 : f32
      %mul3A_1241 = vector.broadcast %mul3A_1240 : f32 to vector<16xf32>
      %mul3A_1242 = arith.mulf %mul3A_1241, %add3A_1236 : vector<16xf32>
      %select_n3A_1243 = arith.select %ge3A_1239, %add3A_1236, %mul3A_1242 : vector<16xi1>, vector<16xf32>
      %mul3A_1244 = arith.constant 6.553700e+04 : f32
      %mul3A_1245 = vector.broadcast %mul3A_1244 : f32 to vector<16xf32>
      %mul3A_1246 = arith.mulf %select_n3A_1243, %mul3A_1245 : vector<16xf32>
      %sub3A_1247 = arith.subf %mul3A_1246, %select_n3A_1243 : vector<16xf32>
      %sub3A_1248 = arith.subf %mul3A_1246, %sub3A_1247 : vector<16xf32>
      %mul3A_1249 = arith.mulf %sub3A_1248, %get3A_1198 : vector<16xf32>
      %add3A_1250 = arith.addf %add3A_1038, %mul3A_1249 : vector<16xf32>
      %mul3A_1251 = vector.broadcast %squeeze3A : f32 to vector<16xf32>
      %mul3A_1252 = arith.mulf %mul3A_1251, %get3A_1173 : vector<16xf32>
      %add3A_1253 = arith.addf %get3A_1193, %mul3A_1252 : vector<16xf32>
      %mul3A_1254 = vector.broadcast %squeeze3A_7 : f32 to vector<16xf32>
      %mul3A_1255 = arith.mulf %mul3A_1254, %get3A_1178 : vector<16xf32>
      %add3A_1256 = arith.addf %add3A_1253, %mul3A_1255 : vector<16xf32>
      %mul3A_1257 = vector.broadcast %squeeze3A_17 : f32 to vector<16xf32>
      %mul3A_1258 = arith.mulf %mul3A_1257, %get3A_1183 : vector<16xf32>
      %add3A_1259 = arith.addf %add3A_1256, %mul3A_1258 : vector<16xf32>
      %mul3A_1260 = vector.broadcast %squeeze3A_19 : f32 to vector<16xf32>
      %mul3A_1261 = arith.mulf %mul3A_1260, %get3A_1188 : vector<16xf32>
      %add3A_1262 = arith.addf %add3A_1259, %mul3A_1261 : vector<16xf32>
      %ge3A_1263 = arith.constant 0.000000e+00 : f32
      %ge3A_1264 = vector.broadcast %ge3A_1263 : f32 to vector<16xf32>
      %ge3A_1265 = arith.cmpf oge, %add3A_1262, %ge3A_1264 : vector<16xf32>
      %mul3A_1266 = arith.constant 0.00999999977 : f32
      %mul3A_1267 = vector.broadcast %mul3A_1266 : f32 to vector<16xf32>
      %mul3A_1268 = arith.mulf %mul3A_1267, %add3A_1262 : vector<16xf32>
      %select_n3A_1269 = arith.select %ge3A_1265, %add3A_1262, %mul3A_1268 : vector<16xi1>, vector<16xf32>
      %mul3A_1270 = arith.constant 6.553700e+04 : f32
      %mul3A_1271 = vector.broadcast %mul3A_1270 : f32 to vector<16xf32>
      %mul3A_1272 = arith.mulf %select_n3A_1269, %mul3A_1271 : vector<16xf32>
      %sub3A_1273 = arith.subf %mul3A_1272, %select_n3A_1269 : vector<16xf32>
      %sub3A_1274 = arith.subf %mul3A_1272, %sub3A_1273 : vector<16xf32>
      %mul3A_1275 = arith.mulf %sub3A_1274, %get3A_1198 : vector<16xf32>
      %add3A_1276 = arith.addf %add3A_1064, %mul3A_1275 : vector<16xf32>
      %mul3A_1277 = vector.broadcast %squeeze3A_17 : f32 to vector<16xf32>
      %mul3A_1278 = arith.mulf %mul3A_1277, %get3A_1173 : vector<16xf32>
      %add3A_1279 = arith.addf %get3A_1193, %mul3A_1278 : vector<16xf32>
      %mul3A_1280 = vector.broadcast %squeeze3A_19 : f32 to vector<16xf32>
      %mul3A_1281 = arith.mulf %mul3A_1280, %get3A_1178 : vector<16xf32>
      %add3A_1282 = arith.addf %add3A_1279, %mul3A_1281 : vector<16xf32>
      %mul3A_1283 = vector.broadcast %squeeze3A_13 : f32 to vector<16xf32>
      %mul3A_1284 = arith.mulf %mul3A_1283, %get3A_1183 : vector<16xf32>
      %add3A_1285 = arith.addf %add3A_1282, %mul3A_1284 : vector<16xf32>
      %mul3A_1286 = vector.broadcast %squeeze3A_15 : f32 to vector<16xf32>
      %mul3A_1287 = arith.mulf %mul3A_1286, %get3A_1188 : vector<16xf32>
      %add3A_1288 = arith.addf %add3A_1285, %mul3A_1287 : vector<16xf32>
      %ge3A_1289 = arith.constant 0.000000e+00 : f32
      %ge3A_1290 = vector.broadcast %ge3A_1289 : f32 to vector<16xf32>
      %ge3A_1291 = arith.cmpf oge, %add3A_1288, %ge3A_1290 : vector<16xf32>
      %mul3A_1292 = arith.constant 0.00999999977 : f32
      %mul3A_1293 = vector.broadcast %mul3A_1292 : f32 to vector<16xf32>
      %mul3A_1294 = arith.mulf %mul3A_1293, %add3A_1288 : vector<16xf32>
      %select_n3A_1295 = arith.select %ge3A_1291, %add3A_1288, %mul3A_1294 : vector<16xi1>, vector<16xf32>
      %mul3A_1296 = arith.constant 6.553700e+04 : f32
      %mul3A_1297 = vector.broadcast %mul3A_1296 : f32 to vector<16xf32>
      %mul3A_1298 = arith.mulf %select_n3A_1295, %mul3A_1297 : vector<16xf32>
      %sub3A_1299 = arith.subf %mul3A_1298, %select_n3A_1295 : vector<16xf32>
      %sub3A_1300 = arith.subf %mul3A_1298, %sub3A_1299 : vector<16xf32>
      %mul3A_1301 = arith.mulf %sub3A_1300, %get3A_1198 : vector<16xf32>
      %add3A_1302 = arith.addf %add3A_1090, %mul3A_1301 : vector<16xf32>
      %mul3A_1303 = vector.broadcast %squeeze3A_13 : f32 to vector<16xf32>
      %mul3A_1304 = arith.mulf %mul3A_1303, %get3A_1173 : vector<16xf32>
      %add3A_1305 = arith.addf %get3A_1193, %mul3A_1304 : vector<16xf32>
      %mul3A_1306 = vector.broadcast %squeeze3A_15 : f32 to vector<16xf32>
      %mul3A_1307 = arith.mulf %mul3A_1306, %get3A_1178 : vector<16xf32>
      %add3A_1308 = arith.addf %add3A_1305, %mul3A_1307 : vector<16xf32>
      %mul3A_1309 = vector.broadcast %squeeze3A_9 : f32 to vector<16xf32>
      %mul3A_1310 = arith.mulf %mul3A_1309, %get3A_1183 : vector<16xf32>
      %add3A_1311 = arith.addf %add3A_1308, %mul3A_1310 : vector<16xf32>
      %mul3A_1312 = vector.broadcast %squeeze3A_11 : f32 to vector<16xf32>
      %mul3A_1313 = arith.mulf %mul3A_1312, %get3A_1188 : vector<16xf32>
      %add3A_1314 = arith.addf %add3A_1311, %mul3A_1313 : vector<16xf32>
      %ge3A_1315 = arith.constant 0.000000e+00 : f32
      %ge3A_1316 = vector.broadcast %ge3A_1315 : f32 to vector<16xf32>
      %ge3A_1317 = arith.cmpf oge, %add3A_1314, %ge3A_1316 : vector<16xf32>
      %mul3A_1318 = arith.constant 0.00999999977 : f32
      %mul3A_1319 = vector.broadcast %mul3A_1318 : f32 to vector<16xf32>
      %mul3A_1320 = arith.mulf %mul3A_1319, %add3A_1314 : vector<16xf32>
      %select_n3A_1321 = arith.select %ge3A_1317, %add3A_1314, %mul3A_1320 : vector<16xi1>, vector<16xf32>
      %mul3A_1322 = arith.constant 6.553700e+04 : f32
      %mul3A_1323 = vector.broadcast %mul3A_1322 : f32 to vector<16xf32>
      %mul3A_1324 = arith.mulf %select_n3A_1321, %mul3A_1323 : vector<16xf32>
      %sub3A_1325 = arith.subf %mul3A_1324, %select_n3A_1321 : vector<16xf32>
      %sub3A_1326 = arith.subf %mul3A_1324, %sub3A_1325 : vector<16xf32>
      %mul3A_1327 = arith.mulf %sub3A_1326, %get3A_1198 : vector<16xf32>
      %add3A_1328 = arith.addf %add3A_1116, %mul3A_1327 : vector<16xf32>
      %mul3A_1329 = vector.broadcast %squeeze3A_13 : f32 to vector<16xf32>
      %mul3A_1330 = arith.mulf %mul3A_1329, %get3A_1173 : vector<16xf32>
      %add3A_1331 = arith.addf %get3A_1193, %mul3A_1330 : vector<16xf32>
      %mul3A_1332 = vector.broadcast %squeeze3A_15 : f32 to vector<16xf32>
      %mul3A_1333 = arith.mulf %mul3A_1332, %get3A_1178 : vector<16xf32>
      %add3A_1334 = arith.addf %add3A_1331, %mul3A_1333 : vector<16xf32>
      %mul3A_1335 = vector.broadcast %squeeze3A_21 : f32 to vector<16xf32>
      %mul3A_1336 = arith.mulf %mul3A_1335, %get3A_1183 : vector<16xf32>
      %add3A_1337 = arith.addf %add3A_1334, %mul3A_1336 : vector<16xf32>
      %mul3A_1338 = vector.broadcast %squeeze3A_23 : f32 to vector<16xf32>
      %mul3A_1339 = arith.mulf %mul3A_1338, %get3A_1188 : vector<16xf32>
      %add3A_1340 = arith.addf %add3A_1337, %mul3A_1339 : vector<16xf32>
      %ge3A_1341 = arith.constant 0.000000e+00 : f32
      %ge3A_1342 = vector.broadcast %ge3A_1341 : f32 to vector<16xf32>
      %ge3A_1343 = arith.cmpf oge, %add3A_1340, %ge3A_1342 : vector<16xf32>
      %mul3A_1344 = arith.constant 0.00999999977 : f32
      %mul3A_1345 = vector.broadcast %mul3A_1344 : f32 to vector<16xf32>
      %mul3A_1346 = arith.mulf %mul3A_1345, %add3A_1340 : vector<16xf32>
      %select_n3A_1347 = arith.select %ge3A_1343, %add3A_1340, %mul3A_1346 : vector<16xi1>, vector<16xf32>
      %mul3A_1348 = arith.constant 6.553700e+04 : f32
      %mul3A_1349 = vector.broadcast %mul3A_1348 : f32 to vector<16xf32>
      %mul3A_1350 = arith.mulf %select_n3A_1347, %mul3A_1349 : vector<16xf32>
      %sub3A_1351 = arith.subf %mul3A_1350, %select_n3A_1347 : vector<16xf32>
      %sub3A_1352 = arith.subf %mul3A_1350, %sub3A_1351 : vector<16xf32>
      %mul3A_1353 = arith.mulf %sub3A_1352, %get3A_1198 : vector<16xf32>
      %add3A_1354 = arith.addf %add3A_1142, %mul3A_1353 : vector<16xf32>
      %mul3A_1355 = vector.broadcast %squeeze3A_21 : f32 to vector<16xf32>
      %mul3A_1356 = arith.mulf %mul3A_1355, %get3A_1173 : vector<16xf32>
      %add3A_1357 = arith.addf %get3A_1193, %mul3A_1356 : vector<16xf32>
      %mul3A_1358 = vector.broadcast %squeeze3A_23 : f32 to vector<16xf32>
      %mul3A_1359 = arith.mulf %mul3A_1358, %get3A_1178 : vector<16xf32>
      %add3A_1360 = arith.addf %add3A_1357, %mul3A_1359 : vector<16xf32>
      %mul3A_1361 = vector.broadcast %squeeze3A_9 : f32 to vector<16xf32>
      %mul3A_1362 = arith.mulf %mul3A_1361, %get3A_1183 : vector<16xf32>
      %add3A_1363 = arith.addf %add3A_1360, %mul3A_1362 : vector<16xf32>
      %mul3A_1364 = vector.broadcast %squeeze3A_11 : f32 to vector<16xf32>
      %mul3A_1365 = arith.mulf %mul3A_1364, %get3A_1188 : vector<16xf32>
      %add3A_1366 = arith.addf %add3A_1363, %mul3A_1365 : vector<16xf32>
      %ge3A_1367 = arith.constant 0.000000e+00 : f32
      %ge3A_1368 = vector.broadcast %ge3A_1367 : f32 to vector<16xf32>
      %ge3A_1369 = arith.cmpf oge, %add3A_1366, %ge3A_1368 : vector<16xf32>
      %mul3A_1370 = arith.constant 0.00999999977 : f32
      %mul3A_1371 = vector.broadcast %mul3A_1370 : f32 to vector<16xf32>
      %mul3A_1372 = arith.mulf %mul3A_1371, %add3A_1366 : vector<16xf32>
      %select_n3A_1373 = arith.select %ge3A_1369, %add3A_1366, %mul3A_1372 : vector<16xi1>, vector<16xf32>
      %mul3A_1374 = arith.constant 6.553700e+04 : f32
      %mul3A_1375 = vector.broadcast %mul3A_1374 : f32 to vector<16xf32>
      %mul3A_1376 = arith.mulf %select_n3A_1373, %mul3A_1375 : vector<16xf32>
      %sub3A_1377 = arith.subf %mul3A_1376, %select_n3A_1373 : vector<16xf32>
      %sub3A_1378 = arith.subf %mul3A_1376, %sub3A_1377 : vector<16xf32>
      %mul3A_1379 = arith.mulf %sub3A_1378, %get3A_1198 : vector<16xf32>
      %add3A_1380 = arith.addf %add3A_1168, %mul3A_1379 : vector<16xf32>
      %get3A_1381 = arith.constant 0 : i32
      %get3A_1382 = arith.index_cast %get3A_1381 : i32 to index
      %get3A_1383 = arith.constant 96 : index
      %get3A_1384 = tpu.vector_load %arg9[%get3A_1382, %get3A_1383] {strides = array<i32>} : memref<6x256xf32, #tpu.memory_space<vmem>>, vector<1x16xf32>,
      %get3A_1385 = vector.shape_cast %get3A_1384 : vector<1x16xf32> to vector<16xf32>
      %get3A_1386 = arith.constant 1 : i32
      %get3A_1387 = arith.index_cast %get3A_1386 : i32 to index
      %get3A_1388 = arith.constant 96 : index
      %get3A_1389 = tpu.vector_load %arg9[%get3A_1387, %get3A_1388] {strides = array<i32>} : memref<6x256xf32, #tpu.memory_space<vmem>>, vector<1x16xf32>,
      %get3A_1390 = vector.shape_cast %get3A_1389 : vector<1x16xf32> to vector<16xf32>
      %get3A_1391 = arith.constant 2 : i32
      %get3A_1392 = arith.index_cast %get3A_1391 : i32 to index
      %get3A_1393 = arith.constant 96 : index
      %get3A_1394 = tpu.vector_load %arg9[%get3A_1392, %get3A_1393] {strides = array<i32>} : memref<6x256xf32, #tpu.memory_space<vmem>>, vector<1x16xf32>,
      %get3A_1395 = vector.shape_cast %get3A_1394 : vector<1x16xf32> to vector<16xf32>
      %get3A_1396 = arith.constant 3 : i32
      %get3A_1397 = arith.index_cast %get3A_1396 : i32 to index
      %get3A_1398 = arith.constant 96 : index
      %get3A_1399 = tpu.vector_load %arg9[%get3A_1397, %get3A_1398] {strides = array<i32>} : memref<6x256xf32, #tpu.memory_space<vmem>>, vector<1x16xf32>,
      %get3A_1400 = vector.shape_cast %get3A_1399 : vector<1x16xf32> to vector<16xf32>
      %get3A_1401 = arith.constant 4 : i32
      %get3A_1402 = arith.index_cast %get3A_1401 : i32 to index
      %get3A_1403 = arith.constant 96 : index
      %get3A_1404 = tpu.vector_load %arg9[%get3A_1402, %get3A_1403] {strides = array<i32>} : memref<6x256xf32, #tpu.memory_space<vmem>>, vector<1x16xf32>,
      %get3A_1405 = vector.shape_cast %get3A_1404 : vector<1x16xf32> to vector<16xf32>
      %get3A_1406 = arith.constant 5 : i32
      %get3A_1407 = arith.index_cast %get3A_1406 : i32 to index
      %get3A_1408 = arith.constant 96 : index
      %get3A_1409 = tpu.vector_load %arg9[%get3A_1407, %get3A_1408] {strides = array<i32>} : memref<6x256xf32, #tpu.memory_space<vmem>>, vector<1x16xf32>,
      %get3A_1410 = vector.shape_cast %get3A_1409 : vector<1x16xf32> to vector<16xf32>
      %mul3A_1411 = vector.broadcast %squeeze3A : f32 to vector<16xf32>
      %mul3A_1412 = arith.mulf %mul3A_1411, %get3A_1385 : vector<16xf32>
      %add3A_1413 = arith.addf %get3A_1405, %mul3A_1412 : vector<16xf32>
      %mul3A_1414 = vector.broadcast %squeeze3A_7 : f32 to vector<16xf32>
      %mul3A_1415 = arith.mulf %mul3A_1414, %get3A_1390 : vector<16xf32>
      %add3A_1416 = arith.addf %add3A_1413, %mul3A_1415 : vector<16xf32>
      %mul3A_1417 = vector.broadcast %squeeze3A_9 : f32 to vector<16xf32>
      %mul3A_1418 = arith.mulf %mul3A_1417, %get3A_1395 : vector<16xf32>
      %add3A_1419 = arith.addf %add3A_1416, %mul3A_1418 : vector<16xf32>
      %mul3A_1420 = vector.broadcast %squeeze3A_11 : f32 to vector<16xf32>
      %mul3A_1421 = arith.mulf %mul3A_1420, %get3A_1400 : vector<16xf32>
      %add3A_1422 = arith.addf %add3A_1419, %mul3A_1421 : vector<16xf32>
      %ge3A_1423 = arith.constant 0.000000e+00 : f32
      %ge3A_1424 = vector.broadcast %ge3A_1423 : f32 to vector<16xf32>
      %ge3A_1425 = arith.cmpf oge, %add3A_1422, %ge3A_1424 : vector<16xf32>
      %mul3A_1426 = arith.constant 0.00999999977 : f32
      %mul3A_1427 = vector.broadcast %mul3A_1426 : f32 to vector<16xf32>
      %mul3A_1428 = arith.mulf %mul3A_1427, %add3A_1422 : vector<16xf32>
      %select_n3A_1429 = arith.select %ge3A_1425, %add3A_1422, %mul3A_1428 : vector<16xi1>, vector<16xf32>
      %mul3A_1430 = arith.constant 6.553700e+04 : f32
      %mul3A_1431 = vector.broadcast %mul3A_1430 : f32 to vector<16xf32>
      %mul3A_1432 = arith.mulf %select_n3A_1429, %mul3A_1431 : vector<16xf32>
      %sub3A_1433 = arith.subf %mul3A_1432, %select_n3A_1429 : vector<16xf32>
      %sub3A_1434 = arith.subf %mul3A_1432, %sub3A_1433 : vector<16xf32>
      %mul3A_1435 = arith.mulf %sub3A_1434, %get3A_1410 : vector<16xf32>
      %add3A_1436 = arith.addf %add3A_1224, %mul3A_1435 : vector<16xf32>
      %mul3A_1437 = vector.broadcast %squeeze3A : f32 to vector<16xf32>
      %mul3A_1438 = arith.mulf %mul3A_1437, %get3A_1385 : vector<16xf32>
      %add3A_1439 = arith.addf %get3A_1405, %mul3A_1438 : vector<16xf32>
      %mul3A_1440 = vector.broadcast %squeeze3A_7 : f32 to vector<16xf32>
      %mul3A_1441 = arith.mulf %mul3A_1440, %get3A_1390 : vector<16xf32>
      %add3A_1442 = arith.addf %add3A_1439, %mul3A_1441 : vector<16xf32>
      %mul3A_1443 = vector.broadcast %squeeze3A_13 : f32 to vector<16xf32>
      %mul3A_1444 = arith.mulf %mul3A_1443, %get3A_1395 : vector<16xf32>
      %add3A_1445 = arith.addf %add3A_1442, %mul3A_1444 : vector<16xf32>
      %mul3A_1446 = vector.broadcast %squeeze3A_15 : f32 to vector<16xf32>
      %mul3A_1447 = arith.mulf %mul3A_1446, %get3A_1400 : vector<16xf32>
      %add3A_1448 = arith.addf %add3A_1445, %mul3A_1447 : vector<16xf32>
      %ge3A_1449 = arith.constant 0.000000e+00 : f32
      %ge3A_1450 = vector.broadcast %ge3A_1449 : f32 to vector<16xf32>
      %ge3A_1451 = arith.cmpf oge, %add3A_1448, %ge3A_1450 : vector<16xf32>
      %mul3A_1452 = arith.constant 0.00999999977 : f32
      %mul3A_1453 = vector.broadcast %mul3A_1452 : f32 to vector<16xf32>
      %mul3A_1454 = arith.mulf %mul3A_1453, %add3A_1448 : vector<16xf32>
      %select_n3A_1455 = arith.select %ge3A_1451, %add3A_1448, %mul3A_1454 : vector<16xi1>, vector<16xf32>
      %mul3A_1456 = arith.constant 6.553700e+04 : f32
      %mul3A_1457 = vector.broadcast %mul3A_1456 : f32 to vector<16xf32>
      %mul3A_1458 = arith.mulf %select_n3A_1455, %mul3A_1457 : vector<16xf32>
      %sub3A_1459 = arith.subf %mul3A_1458, %select_n3A_1455 : vector<16xf32>
      %sub3A_1460 = arith.subf %mul3A_1458, %sub3A_1459 : vector<16xf32>
      %mul3A_1461 = arith.mulf %sub3A_1460, %get3A_1410 : vector<16xf32>
      %add3A_1462 = arith.addf %add3A_1250, %mul3A_1461 : vector<16xf32>
      %mul3A_1463 = vector.broadcast %squeeze3A : f32 to vector<16xf32>
      %mul3A_1464 = arith.mulf %mul3A_1463, %get3A_1385 : vector<16xf32>
      %add3A_1465 = arith.addf %get3A_1405, %mul3A_1464 : vector<16xf32>
      %mul3A_1466 = vector.broadcast %squeeze3A_7 : f32 to vector<16xf32>
      %mul3A_1467 = arith.mulf %mul3A_1466, %get3A_1390 : vector<16xf32>
      %add3A_1468 = arith.addf %add3A_1465, %mul3A_1467 : vector<16xf32>
      %mul3A_1469 = vector.broadcast %squeeze3A_17 : f32 to vector<16xf32>
      %mul3A_1470 = arith.mulf %mul3A_1469, %get3A_1395 : vector<16xf32>
      %add3A_1471 = arith.addf %add3A_1468, %mul3A_1470 : vector<16xf32>
      %mul3A_1472 = vector.broadcast %squeeze3A_19 : f32 to vector<16xf32>
      %mul3A_1473 = arith.mulf %mul3A_1472, %get3A_1400 : vector<16xf32>
      %add3A_1474 = arith.addf %add3A_1471, %mul3A_1473 : vector<16xf32>
      %ge3A_1475 = arith.constant 0.000000e+00 : f32
      %ge3A_1476 = vector.broadcast %ge3A_1475 : f32 to vector<16xf32>
      %ge3A_1477 = arith.cmpf oge, %add3A_1474, %ge3A_1476 : vector<16xf32>
      %mul3A_1478 = arith.constant 0.00999999977 : f32
      %mul3A_1479 = vector.broadcast %mul3A_1478 : f32 to vector<16xf32>
      %mul3A_1480 = arith.mulf %mul3A_1479, %add3A_1474 : vector<16xf32>
      %select_n3A_1481 = arith.select %ge3A_1477, %add3A_1474, %mul3A_1480 : vector<16xi1>, vector<16xf32>
      %mul3A_1482 = arith.constant 6.553700e+04 : f32
      %mul3A_1483 = vector.broadcast %mul3A_1482 : f32 to vector<16xf32>
      %mul3A_1484 = arith.mulf %select_n3A_1481, %mul3A_1483 : vector<16xf32>
      %sub3A_1485 = arith.subf %mul3A_1484, %select_n3A_1481 : vector<16xf32>
      %sub3A_1486 = arith.subf %mul3A_1484, %sub3A_1485 : vector<16xf32>
      %mul3A_1487 = arith.mulf %sub3A_1486, %get3A_1410 : vector<16xf32>
      %add3A_1488 = arith.addf %add3A_1276, %mul3A_1487 : vector<16xf32>
      %mul3A_1489 = vector.broadcast %squeeze3A_17 : f32 to vector<16xf32>
      %mul3A_1490 = arith.mulf %mul3A_1489, %get3A_1385 : vector<16xf32>
      %add3A_1491 = arith.addf %get3A_1405, %mul3A_1490 : vector<16xf32>
      %mul3A_1492 = vector.broadcast %squeeze3A_19 : f32 to vector<16xf32>
      %mul3A_1493 = arith.mulf %mul3A_1492, %get3A_1390 : vector<16xf32>
      %add3A_1494 = arith.addf %add3A_1491, %mul3A_1493 : vector<16xf32>
      %mul3A_1495 = vector.broadcast %squeeze3A_13 : f32 to vector<16xf32>
      %mul3A_1496 = arith.mulf %mul3A_1495, %get3A_1395 : vector<16xf32>
      %add3A_1497 = arith.addf %add3A_1494, %mul3A_1496 : vector<16xf32>
      %mul3A_1498 = vector.broadcast %squeeze3A_15 : f32 to vector<16xf32>
      %mul3A_1499 = arith.mulf %mul3A_1498, %get3A_1400 : vector<16xf32>
      %add3A_1500 = arith.addf %add3A_1497, %mul3A_1499 : vector<16xf32>
      %ge3A_1501 = arith.constant 0.000000e+00 : f32
      %ge3A_1502 = vector.broadcast %ge3A_1501 : f32 to vector<16xf32>
      %ge3A_1503 = arith.cmpf oge, %add3A_1500, %ge3A_1502 : vector<16xf32>
      %mul3A_1504 = arith.constant 0.00999999977 : f32
      %mul3A_1505 = vector.broadcast %mul3A_1504 : f32 to vector<16xf32>
      %mul3A_1506 = arith.mulf %mul3A_1505, %add3A_1500 : vector<16xf32>
      %select_n3A_1507 = arith.select %ge3A_1503, %add3A_1500, %mul3A_1506 : vector<16xi1>, vector<16xf32>
      %mul3A_1508 = arith.constant 6.553700e+04 : f32
      %mul3A_1509 = vector.broadcast %mul3A_1508 : f32 to vector<16xf32>
      %mul3A_1510 = arith.mulf %select_n3A_1507, %mul3A_1509 : vector<16xf32>
      %sub3A_1511 = arith.subf %mul3A_1510, %select_n3A_1507 : vector<16xf32>
      %sub3A_1512 = arith.subf %mul3A_1510, %sub3A_1511 : vector<16xf32>
      %mul3A_1513 = arith.mulf %sub3A_1512, %get3A_1410 : vector<16xf32>
      %add3A_1514 = arith.addf %add3A_1302, %mul3A_1513 : vector<16xf32>
      %mul3A_1515 = vector.broadcast %squeeze3A_13 : f32 to vector<16xf32>
      %mul3A_1516 = arith.mulf %mul3A_1515, %get3A_1385 : vector<16xf32>
      %add3A_1517 = arith.addf %get3A_1405, %mul3A_1516 : vector<16xf32>
      %mul3A_1518 = vector.broadcast %squeeze3A_15 : f32 to vector<16xf32>
      %mul3A_1519 = arith.mulf %mul3A_1518, %get3A_1390 : vector<16xf32>
      %add3A_1520 = arith.addf %add3A_1517, %mul3A_1519 : vector<16xf32>
      %mul3A_1521 = vector.broadcast %squeeze3A_9 : f32 to vector<16xf32>
      %mul3A_1522 = arith.mulf %mul3A_1521, %get3A_1395 : vector<16xf32>
      %add3A_1523 = arith.addf %add3A_1520, %mul3A_1522 : vector<16xf32>
      %mul3A_1524 = vector.broadcast %squeeze3A_11 : f32 to vector<16xf32>
      %mul3A_1525 = arith.mulf %mul3A_1524, %get3A_1400 : vector<16xf32>
      %add3A_1526 = arith.addf %add3A_1523, %mul3A_1525 : vector<16xf32>
      %ge3A_1527 = arith.constant 0.000000e+00 : f32
      %ge3A_1528 = vector.broadcast %ge3A_1527 : f32 to vector<16xf32>
      %ge3A_1529 = arith.cmpf oge, %add3A_1526, %ge3A_1528 : vector<16xf32>
      %mul3A_1530 = arith.constant 0.00999999977 : f32
      %mul3A_1531 = vector.broadcast %mul3A_1530 : f32 to vector<16xf32>
      %mul3A_1532 = arith.mulf %mul3A_1531, %add3A_1526 : vector<16xf32>
      %select_n3A_1533 = arith.select %ge3A_1529, %add3A_1526, %mul3A_1532 : vector<16xi1>, vector<16xf32>
      %mul3A_1534 = arith.constant 6.553700e+04 : f32
      %mul3A_1535 = vector.broadcast %mul3A_1534 : f32 to vector<16xf32>
      %mul3A_1536 = arith.mulf %select_n3A_1533, %mul3A_1535 : vector<16xf32>
      %sub3A_1537 = arith.subf %mul3A_1536, %select_n3A_1533 : vector<16xf32>
      %sub3A_1538 = arith.subf %mul3A_1536, %sub3A_1537 : vector<16xf32>
      %mul3A_1539 = arith.mulf %sub3A_1538, %get3A_1410 : vector<16xf32>
      %add3A_1540 = arith.addf %add3A_1328, %mul3A_1539 : vector<16xf32>
      %mul3A_1541 = vector.broadcast %squeeze3A_13 : f32 to vector<16xf32>
      %mul3A_1542 = arith.mulf %mul3A_1541, %get3A_1385 : vector<16xf32>
      %add3A_1543 = arith.addf %get3A_1405, %mul3A_1542 : vector<16xf32>
      %mul3A_1544 = vector.broadcast %squeeze3A_15 : f32 to vector<16xf32>
      %mul3A_1545 = arith.mulf %mul3A_1544, %get3A_1390 : vector<16xf32>
      %add3A_1546 = arith.addf %add3A_1543, %mul3A_1545 : vector<16xf32>
      %mul3A_1547 = vector.broadcast %squeeze3A_21 : f32 to vector<16xf32>
      %mul3A_1548 = arith.mulf %mul3A_1547, %get3A_1395 : vector<16xf32>
      %add3A_1549 = arith.addf %add3A_1546, %mul3A_1548 : vector<16xf32>
      %mul3A_1550 = vector.broadcast %squeeze3A_23 : f32 to vector<16xf32>
      %mul3A_1551 = arith.mulf %mul3A_1550, %get3A_1400 : vector<16xf32>
      %add3A_1552 = arith.addf %add3A_1549, %mul3A_1551 : vector<16xf32>
      %ge3A_1553 = arith.constant 0.000000e+00 : f32
      %ge3A_1554 = vector.broadcast %ge3A_1553 : f32 to vector<16xf32>
      %ge3A_1555 = arith.cmpf oge, %add3A_1552, %ge3A_1554 : vector<16xf32>
      %mul3A_1556 = arith.constant 0.00999999977 : f32
      %mul3A_1557 = vector.broadcast %mul3A_1556 : f32 to vector<16xf32>
      %mul3A_1558 = arith.mulf %mul3A_1557, %add3A_1552 : vector<16xf32>
      %select_n3A_1559 = arith.select %ge3A_1555, %add3A_1552, %mul3A_1558 : vector<16xi1>, vector<16xf32>
      %mul3A_1560 = arith.constant 6.553700e+04 : f32
      %mul3A_1561 = vector.broadcast %mul3A_1560 : f32 to vector<16xf32>
      %mul3A_1562 = arith.mulf %select_n3A_1559, %mul3A_1561 : vector<16xf32>
      %sub3A_1563 = arith.subf %mul3A_1562, %select_n3A_1559 : vector<16xf32>
      %sub3A_1564 = arith.subf %mul3A_1562, %sub3A_1563 : vector<16xf32>
      %mul3A_1565 = arith.mulf %sub3A_1564, %get3A_1410 : vector<16xf32>
      %add3A_1566 = arith.addf %add3A_1354, %mul3A_1565 : vector<16xf32>
      %mul3A_1567 = vector.broadcast %squeeze3A_21 : f32 to vector<16xf32>
      %mul3A_1568 = arith.mulf %mul3A_1567, %get3A_1385 : vector<16xf32>
      %add3A_1569 = arith.addf %get3A_1405, %mul3A_1568 : vector<16xf32>
      %mul3A_1570 = vector.broadcast %squeeze3A_23 : f32 to vector<16xf32>
      %mul3A_1571 = arith.mulf %mul3A_1570, %get3A_1390 : vector<16xf32>
      %add3A_1572 = arith.addf %add3A_1569, %mul3A_1571 : vector<16xf32>
      %mul3A_1573 = vector.broadcast %squeeze3A_9 : f32 to vector<16xf32>
      %mul3A_1574 = arith.mulf %mul3A_1573, %get3A_1395 : vector<16xf32>
      %add3A_1575 = arith.addf %add3A_1572, %mul3A_1574 : vector<16xf32>
      %mul3A_1576 = vector.broadcast %squeeze3A_11 : f32 to vector<16xf32>
      %mul3A_1577 = arith.mulf %mul3A_1576, %get3A_1400 : vector<16xf32>
      %add3A_1578 = arith.addf %add3A_1575, %mul3A_1577 : vector<16xf32>
      %ge3A_1579 = arith.constant 0.000000e+00 : f32
      %ge3A_1580 = vector.broadcast %ge3A_1579 : f32 to vector<16xf32>
      %ge3A_1581 = arith.cmpf oge, %add3A_1578, %ge3A_1580 : vector<16xf32>
      %mul3A_1582 = arith.constant 0.00999999977 : f32
      %mul3A_1583 = vector.broadcast %mul3A_1582 : f32 to vector<16xf32>
      %mul3A_1584 = arith.mulf %mul3A_1583, %add3A_1578 : vector<16xf32>
      %select_n3A_1585 = arith.select %ge3A_1581, %add3A_1578, %mul3A_1584 : vector<16xi1>, vector<16xf32>
      %mul3A_1586 = arith.constant 6.553700e+04 : f32
      %mul3A_1587 = vector.broadcast %mul3A_1586 : f32 to vector<16xf32>
      %mul3A_1588 = arith.mulf %select_n3A_1585, %mul3A_1587 : vector<16xf32>
      %sub3A_1589 = arith.subf %mul3A_1588, %select_n3A_1585 : vector<16xf32>
      %sub3A_1590 = arith.subf %mul3A_1588, %sub3A_1589 : vector<16xf32>
      %mul3A_1591 = arith.mulf %sub3A_1590, %get3A_1410 : vector<16xf32>
      %add3A_1592 = arith.addf %add3A_1380, %mul3A_1591 : vector<16xf32>
      %get3A_1593 = arith.constant 0 : i32
      %get3A_1594 = arith.index_cast %get3A_1593 : i32 to index
      %get3A_1595 = arith.constant 112 : index
      %get3A_1596 = tpu.vector_load %arg9[%get3A_1594, %get3A_1595] {strides = array<i32>} : memref<6x256xf32, #tpu.memory_space<vmem>>, vector<1x16xf32>,
      %get3A_1597 = vector.shape_cast %get3A_1596 : vector<1x16xf32> to vector<16xf32>
      %get3A_1598 = arith.constant 1 : i32
      %get3A_1599 = arith.index_cast %get3A_1598 : i32 to index
      %get3A_1600 = arith.constant 112 : index
      %get3A_1601 = tpu.vector_load %arg9[%get3A_1599, %get3A_1600] {strides = array<i32>} : memref<6x256xf32, #tpu.memory_space<vmem>>, vector<1x16xf32>,
      %get3A_1602 = vector.shape_cast %get3A_1601 : vector<1x16xf32> to vector<16xf32>
      %get3A_1603 = arith.constant 2 : i32
      %get3A_1604 = arith.index_cast %get3A_1603 : i32 to index
      %get3A_1605 = arith.constant 112 : index
      %get3A_1606 = tpu.vector_load %arg9[%get3A_1604, %get3A_1605] {strides = array<i32>} : memref<6x256xf32, #tpu.memory_space<vmem>>, vector<1x16xf32>,
      %get3A_1607 = vector.shape_cast %get3A_1606 : vector<1x16xf32> to vector<16xf32>
      %get3A_1608 = arith.constant 3 : i32
      %get3A_1609 = arith.index_cast %get3A_1608 : i32 to index
      %get3A_1610 = arith.constant 112 : index
      %get3A_1611 = tpu.vector_load %arg9[%get3A_1609, %get3A_1610] {strides = array<i32>} : memref<6x256xf32, #tpu.memory_space<vmem>>, vector<1x16xf32>,
      %get3A_1612 = vector.shape_cast %get3A_1611 : vector<1x16xf32> to vector<16xf32>
      %get3A_1613 = arith.constant 4 : i32
      %get3A_1614 = arith.index_cast %get3A_1613 : i32 to index
      %get3A_1615 = arith.constant 112 : index
      %get3A_1616 = tpu.vector_load %arg9[%get3A_1614, %get3A_1615] {strides = array<i32>} : memref<6x256xf32, #tpu.memory_space<vmem>>, vector<1x16xf32>,
      %get3A_1617 = vector.shape_cast %get3A_1616 : vector<1x16xf32> to vector<16xf32>
      %get3A_1618 = arith.constant 5 : i32
      %get3A_1619 = arith.index_cast %get3A_1618 : i32 to index
      %get3A_1620 = arith.constant 112 : index
      %get3A_1621 = tpu.vector_load %arg9[%get3A_1619, %get3A_1620] {strides = array<i32>} : memref<6x256xf32, #tpu.memory_space<vmem>>, vector<1x16xf32>,
      %get3A_1622 = vector.shape_cast %get3A_1621 : vector<1x16xf32> to vector<16xf32>
      %mul3A_1623 = vector.broadcast %squeeze3A : f32 to vector<16xf32>
      %mul3A_1624 = arith.mulf %mul3A_1623, %get3A_1597 : vector<16xf32>
      %add3A_1625 = arith.addf %get3A_1617, %mul3A_1624 : vector<16xf32>
      %mul3A_1626 = vector.broadcast %squeeze3A_7 : f32 to vector<16xf32>
      %mul3A_1627 = arith.mulf %mul3A_1626, %get3A_1602 : vector<16xf32>
      %add3A_1628 = arith.addf %add3A_1625, %mul3A_1627 : vector<16xf32>
      %mul3A_1629 = vector.broadcast %squeeze3A_9 : f32 to vector<16xf32>
      %mul3A_1630 = arith.mulf %mul3A_1629, %get3A_1607 : vector<16xf32>
      %add3A_1631 = arith.addf %add3A_1628, %mul3A_1630 : vector<16xf32>
      %mul3A_1632 = vector.broadcast %squeeze3A_11 : f32 to vector<16xf32>
      %mul3A_1633 = arith.mulf %mul3A_1632, %get3A_1612 : vector<16xf32>
      %add3A_1634 = arith.addf %add3A_1631, %mul3A_1633 : vector<16xf32>
      %ge3A_1635 = arith.constant 0.000000e+00 : f32
      %ge3A_1636 = vector.broadcast %ge3A_1635 : f32 to vector<16xf32>
      %ge3A_1637 = arith.cmpf oge, %add3A_1634, %ge3A_1636 : vector<16xf32>
      %mul3A_1638 = arith.constant 0.00999999977 : f32
      %mul3A_1639 = vector.broadcast %mul3A_1638 : f32 to vector<16xf32>
      %mul3A_1640 = arith.mulf %mul3A_1639, %add3A_1634 : vector<16xf32>
      %select_n3A_1641 = arith.select %ge3A_1637, %add3A_1634, %mul3A_1640 : vector<16xi1>, vector<16xf32>
      %mul3A_1642 = arith.constant 6.553700e+04 : f32
      %mul3A_1643 = vector.broadcast %mul3A_1642 : f32 to vector<16xf32>
      %mul3A_1644 = arith.mulf %select_n3A_1641, %mul3A_1643 : vector<16xf32>
      %sub3A_1645 = arith.subf %mul3A_1644, %select_n3A_1641 : vector<16xf32>
      %sub3A_1646 = arith.subf %mul3A_1644, %sub3A_1645 : vector<16xf32>
      %mul3A_1647 = arith.mulf %sub3A_1646, %get3A_1622 : vector<16xf32>
      %add3A_1648 = arith.addf %add3A_1436, %mul3A_1647 : vector<16xf32>
      %mul3A_1649 = vector.broadcast %squeeze3A : f32 to vector<16xf32>
      %mul3A_1650 = arith.mulf %mul3A_1649, %get3A_1597 : vector<16xf32>
      %add3A_1651 = arith.addf %get3A_1617, %mul3A_1650 : vector<16xf32>
      %mul3A_1652 = vector.broadcast %squeeze3A_7 : f32 to vector<16xf32>
      %mul3A_1653 = arith.mulf %mul3A_1652, %get3A_1602 : vector<16xf32>
      %add3A_1654 = arith.addf %add3A_1651, %mul3A_1653 : vector<16xf32>
      %mul3A_1655 = vector.broadcast %squeeze3A_13 : f32 to vector<16xf32>
      %mul3A_1656 = arith.mulf %mul3A_1655, %get3A_1607 : vector<16xf32>
      %add3A_1657 = arith.addf %add3A_1654, %mul3A_1656 : vector<16xf32>
      %mul3A_1658 = vector.broadcast %squeeze3A_15 : f32 to vector<16xf32>
      %mul3A_1659 = arith.mulf %mul3A_1658, %get3A_1612 : vector<16xf32>
      %add3A_1660 = arith.addf %add3A_1657, %mul3A_1659 : vector<16xf32>
      %ge3A_1661 = arith.constant 0.000000e+00 : f32
      %ge3A_1662 = vector.broadcast %ge3A_1661 : f32 to vector<16xf32>
      %ge3A_1663 = arith.cmpf oge, %add3A_1660, %ge3A_1662 : vector<16xf32>
      %mul3A_1664 = arith.constant 0.00999999977 : f32
      %mul3A_1665 = vector.broadcast %mul3A_1664 : f32 to vector<16xf32>
      %mul3A_1666 = arith.mulf %mul3A_1665, %add3A_1660 : vector<16xf32>
      %select_n3A_1667 = arith.select %ge3A_1663, %add3A_1660, %mul3A_1666 : vector<16xi1>, vector<16xf32>
      %mul3A_1668 = arith.constant 6.553700e+04 : f32
      %mul3A_1669 = vector.broadcast %mul3A_1668 : f32 to vector<16xf32>
      %mul3A_1670 = arith.mulf %select_n3A_1667, %mul3A_1669 : vector<16xf32>
      %sub3A_1671 = arith.subf %mul3A_1670, %select_n3A_1667 : vector<16xf32>
      %sub3A_1672 = arith.subf %mul3A_1670, %sub3A_1671 : vector<16xf32>
      %mul3A_1673 = arith.mulf %sub3A_1672, %get3A_1622 : vector<16xf32>
      %add3A_1674 = arith.addf %add3A_1462, %mul3A_1673 : vector<16xf32>
      %mul3A_1675 = vector.broadcast %squeeze3A : f32 to vector<16xf32>
      %mul3A_1676 = arith.mulf %mul3A_1675, %get3A_1597 : vector<16xf32>
      %add3A_1677 = arith.addf %get3A_1617, %mul3A_1676 : vector<16xf32>
      %mul3A_1678 = vector.broadcast %squeeze3A_7 : f32 to vector<16xf32>
      %mul3A_1679 = arith.mulf %mul3A_1678, %get3A_1602 : vector<16xf32>
      %add3A_1680 = arith.addf %add3A_1677, %mul3A_1679 : vector<16xf32>
      %mul3A_1681 = vector.broadcast %squeeze3A_17 : f32 to vector<16xf32>
      %mul3A_1682 = arith.mulf %mul3A_1681, %get3A_1607 : vector<16xf32>
      %add3A_1683 = arith.addf %add3A_1680, %mul3A_1682 : vector<16xf32>
      %mul3A_1684 = vector.broadcast %squeeze3A_19 : f32 to vector<16xf32>
      %mul3A_1685 = arith.mulf %mul3A_1684, %get3A_1612 : vector<16xf32>
      %add3A_1686 = arith.addf %add3A_1683, %mul3A_1685 : vector<16xf32>
      %ge3A_1687 = arith.constant 0.000000e+00 : f32
      %ge3A_1688 = vector.broadcast %ge3A_1687 : f32 to vector<16xf32>
      %ge3A_1689 = arith.cmpf oge, %add3A_1686, %ge3A_1688 : vector<16xf32>
      %mul3A_1690 = arith.constant 0.00999999977 : f32
      %mul3A_1691 = vector.broadcast %mul3A_1690 : f32 to vector<16xf32>
      %mul3A_1692 = arith.mulf %mul3A_1691, %add3A_1686 : vector<16xf32>
      %select_n3A_1693 = arith.select %ge3A_1689, %add3A_1686, %mul3A_1692 : vector<16xi1>, vector<16xf32>
      %mul3A_1694 = arith.constant 6.553700e+04 : f32
      %mul3A_1695 = vector.broadcast %mul3A_1694 : f32 to vector<16xf32>
      %mul3A_1696 = arith.mulf %select_n3A_1693, %mul3A_1695 : vector<16xf32>
      %sub3A_1697 = arith.subf %mul3A_1696, %select_n3A_1693 : vector<16xf32>
      %sub3A_1698 = arith.subf %mul3A_1696, %sub3A_1697 : vector<16xf32>
      %mul3A_1699 = arith.mulf %sub3A_1698, %get3A_1622 : vector<16xf32>
      %add3A_1700 = arith.addf %add3A_1488, %mul3A_1699 : vector<16xf32>
      %mul3A_1701 = vector.broadcast %squeeze3A_17 : f32 to vector<16xf32>
      %mul3A_1702 = arith.mulf %mul3A_1701, %get3A_1597 : vector<16xf32>
      %add3A_1703 = arith.addf %get3A_1617, %mul3A_1702 : vector<16xf32>
      %mul3A_1704 = vector.broadcast %squeeze3A_19 : f32 to vector<16xf32>
      %mul3A_1705 = arith.mulf %mul3A_1704, %get3A_1602 : vector<16xf32>
      %add3A_1706 = arith.addf %add3A_1703, %mul3A_1705 : vector<16xf32>
      %mul3A_1707 = vector.broadcast %squeeze3A_13 : f32 to vector<16xf32>
      %mul3A_1708 = arith.mulf %mul3A_1707, %get3A_1607 : vector<16xf32>
      %add3A_1709 = arith.addf %add3A_1706, %mul3A_1708 : vector<16xf32>
      %mul3A_1710 = vector.broadcast %squeeze3A_15 : f32 to vector<16xf32>
      %mul3A_1711 = arith.mulf %mul3A_1710, %get3A_1612 : vector<16xf32>
      %add3A_1712 = arith.addf %add3A_1709, %mul3A_1711 : vector<16xf32>
      %ge3A_1713 = arith.constant 0.000000e+00 : f32
      %ge3A_1714 = vector.broadcast %ge3A_1713 : f32 to vector<16xf32>
      %ge3A_1715 = arith.cmpf oge, %add3A_1712, %ge3A_1714 : vector<16xf32>
      %mul3A_1716 = arith.constant 0.00999999977 : f32
      %mul3A_1717 = vector.broadcast %mul3A_1716 : f32 to vector<16xf32>
      %mul3A_1718 = arith.mulf %mul3A_1717, %add3A_1712 : vector<16xf32>
      %select_n3A_1719 = arith.select %ge3A_1715, %add3A_1712, %mul3A_1718 : vector<16xi1>, vector<16xf32>
      %mul3A_1720 = arith.constant 6.553700e+04 : f32
      %mul3A_1721 = vector.broadcast %mul3A_1720 : f32 to vector<16xf32>
      %mul3A_1722 = arith.mulf %select_n3A_1719, %mul3A_1721 : vector<16xf32>
      %sub3A_1723 = arith.subf %mul3A_1722, %select_n3A_1719 : vector<16xf32>
      %sub3A_1724 = arith.subf %mul3A_1722, %sub3A_1723 : vector<16xf32>
      %mul3A_1725 = arith.mulf %sub3A_1724, %get3A_1622 : vector<16xf32>
      %add3A_1726 = arith.addf %add3A_1514, %mul3A_1725 : vector<16xf32>
      %mul3A_1727 = vector.broadcast %squeeze3A_13 : f32 to vector<16xf32>
      %mul3A_1728 = arith.mulf %mul3A_1727, %get3A_1597 : vector<16xf32>
      %add3A_1729 = arith.addf %get3A_1617, %mul3A_1728 : vector<16xf32>
      %mul3A_1730 = vector.broadcast %squeeze3A_15 : f32 to vector<16xf32>
      %mul3A_1731 = arith.mulf %mul3A_1730, %get3A_1602 : vector<16xf32>
      %add3A_1732 = arith.addf %add3A_1729, %mul3A_1731 : vector<16xf32>
      %mul3A_1733 = vector.broadcast %squeeze3A_9 : f32 to vector<16xf32>
      %mul3A_1734 = arith.mulf %mul3A_1733, %get3A_1607 : vector<16xf32>
      %add3A_1735 = arith.addf %add3A_1732, %mul3A_1734 : vector<16xf32>
      %mul3A_1736 = vector.broadcast %squeeze3A_11 : f32 to vector<16xf32>
      %mul3A_1737 = arith.mulf %mul3A_1736, %get3A_1612 : vector<16xf32>
      %add3A_1738 = arith.addf %add3A_1735, %mul3A_1737 : vector<16xf32>
      %ge3A_1739 = arith.constant 0.000000e+00 : f32
      %ge3A_1740 = vector.broadcast %ge3A_1739 : f32 to vector<16xf32>
      %ge3A_1741 = arith.cmpf oge, %add3A_1738, %ge3A_1740 : vector<16xf32>
      %mul3A_1742 = arith.constant 0.00999999977 : f32
      %mul3A_1743 = vector.broadcast %mul3A_1742 : f32 to vector<16xf32>
      %mul3A_1744 = arith.mulf %mul3A_1743, %add3A_1738 : vector<16xf32>
      %select_n3A_1745 = arith.select %ge3A_1741, %add3A_1738, %mul3A_1744 : vector<16xi1>, vector<16xf32>
      %mul3A_1746 = arith.constant 6.553700e+04 : f32
      %mul3A_1747 = vector.broadcast %mul3A_1746 : f32 to vector<16xf32>
      %mul3A_1748 = arith.mulf %select_n3A_1745, %mul3A_1747 : vector<16xf32>
      %sub3A_1749 = arith.subf %mul3A_1748, %select_n3A_1745 : vector<16xf32>
      %sub3A_1750 = arith.subf %mul3A_1748, %sub3A_1749 : vector<16xf32>
      %mul3A_1751 = arith.mulf %sub3A_1750, %get3A_1622 : vector<16xf32>
      %add3A_1752 = arith.addf %add3A_1540, %mul3A_1751 : vector<16xf32>
      %mul3A_1753 = vector.broadcast %squeeze3A_13 : f32 to vector<16xf32>
      %mul3A_1754 = arith.mulf %mul3A_1753, %get3A_1597 : vector<16xf32>
      %add3A_1755 = arith.addf %get3A_1617, %mul3A_1754 : vector<16xf32>
      %mul3A_1756 = vector.broadcast %squeeze3A_15 : f32 to vector<16xf32>
      %mul3A_1757 = arith.mulf %mul3A_1756, %get3A_1602 : vector<16xf32>
      %add3A_1758 = arith.addf %add3A_1755, %mul3A_1757 : vector<16xf32>
      %mul3A_1759 = vector.broadcast %squeeze3A_21 : f32 to vector<16xf32>
      %mul3A_1760 = arith.mulf %mul3A_1759, %get3A_1607 : vector<16xf32>
      %add3A_1761 = arith.addf %add3A_1758, %mul3A_1760 : vector<16xf32>
      %mul3A_1762 = vector.broadcast %squeeze3A_23 : f32 to vector<16xf32>
      %mul3A_1763 = arith.mulf %mul3A_1762, %get3A_1612 : vector<16xf32>
      %add3A_1764 = arith.addf %add3A_1761, %mul3A_1763 : vector<16xf32>
      %ge3A_1765 = arith.constant 0.000000e+00 : f32
      %ge3A_1766 = vector.broadcast %ge3A_1765 : f32 to vector<16xf32>
      %ge3A_1767 = arith.cmpf oge, %add3A_1764, %ge3A_1766 : vector<16xf32>
      %mul3A_1768 = arith.constant 0.00999999977 : f32
      %mul3A_1769 = vector.broadcast %mul3A_1768 : f32 to vector<16xf32>
      %mul3A_1770 = arith.mulf %mul3A_1769, %add3A_1764 : vector<16xf32>
      %select_n3A_1771 = arith.select %ge3A_1767, %add3A_1764, %mul3A_1770 : vector<16xi1>, vector<16xf32>
      %mul3A_1772 = arith.constant 6.553700e+04 : f32
      %mul3A_1773 = vector.broadcast %mul3A_1772 : f32 to vector<16xf32>
      %mul3A_1774 = arith.mulf %select_n3A_1771, %mul3A_1773 : vector<16xf32>
      %sub3A_1775 = arith.subf %mul3A_1774, %select_n3A_1771 : vector<16xf32>
      %sub3A_1776 = arith.subf %mul3A_1774, %sub3A_1775 : vector<16xf32>
      %mul3A_1777 = arith.mulf %sub3A_1776, %get3A_1622 : vector<16xf32>
      %add3A_1778 = arith.addf %add3A_1566, %mul3A_1777 : vector<16xf32>
      %mul3A_1779 = vector.broadcast %squeeze3A_21 : f32 to vector<16xf32>
      %mul3A_1780 = arith.mulf %mul3A_1779, %get3A_1597 : vector<16xf32>
      %add3A_1781 = arith.addf %get3A_1617, %mul3A_1780 : vector<16xf32>
      %mul3A_1782 = vector.broadcast %squeeze3A_23 : f32 to vector<16xf32>
      %mul3A_1783 = arith.mulf %mul3A_1782, %get3A_1602 : vector<16xf32>
      %add3A_1784 = arith.addf %add3A_1781, %mul3A_1783 : vector<16xf32>
      %mul3A_1785 = vector.broadcast %squeeze3A_9 : f32 to vector<16xf32>
      %mul3A_1786 = arith.mulf %mul3A_1785, %get3A_1607 : vector<16xf32>
      %add3A_1787 = arith.addf %add3A_1784, %mul3A_1786 : vector<16xf32>
      %mul3A_1788 = vector.broadcast %squeeze3A_11 : f32 to vector<16xf32>
      %mul3A_1789 = arith.mulf %mul3A_1788, %get3A_1612 : vector<16xf32>
      %add3A_1790 = arith.addf %add3A_1787, %mul3A_1789 : vector<16xf32>
      %ge3A_1791 = arith.constant 0.000000e+00 : f32
      %ge3A_1792 = vector.broadcast %ge3A_1791 : f32 to vector<16xf32>
      %ge3A_1793 = arith.cmpf oge, %add3A_1790, %ge3A_1792 : vector<16xf32>
      %mul3A_1794 = arith.constant 0.00999999977 : f32
      %mul3A_1795 = vector.broadcast %mul3A_1794 : f32 to vector<16xf32>
      %mul3A_1796 = arith.mulf %mul3A_1795, %add3A_1790 : vector<16xf32>
      %select_n3A_1797 = arith.select %ge3A_1793, %add3A_1790, %mul3A_1796 : vector<16xi1>, vector<16xf32>
      %mul3A_1798 = arith.constant 6.553700e+04 : f32
      %mul3A_1799 = vector.broadcast %mul3A_1798 : f32 to vector<16xf32>
      %mul3A_1800 = arith.mulf %select_n3A_1797, %mul3A_1799 : vector<16xf32>
      %sub3A_1801 = arith.subf %mul3A_1800, %select_n3A_1797 : vector<16xf32>
      %sub3A_1802 = arith.subf %mul3A_1800, %sub3A_1801 : vector<16xf32>
      %mul3A_1803 = arith.mulf %sub3A_1802, %get3A_1622 : vector<16xf32>
      %add3A_1804 = arith.addf %add3A_1592, %mul3A_1803 : vector<16xf32>
      %get3A_1805 = arith.constant 0 : i32
      %get3A_1806 = arith.index_cast %get3A_1805 : i32 to index
      %get3A_1807 = arith.constant 128 : index
      %get3A_1808 = tpu.vector_load %arg9[%get3A_1806, %get3A_1807] {strides = array<i32>} : memref<6x256xf32, #tpu.memory_space<vmem>>, vector<1x16xf32>,
      %get3A_1809 = vector.shape_cast %get3A_1808 : vector<1x16xf32> to vector<16xf32>
      %get3A_1810 = arith.constant 1 : i32
      %get3A_1811 = arith.index_cast %get3A_1810 : i32 to index
      %get3A_1812 = arith.constant 128 : index
      %get3A_1813 = tpu.vector_load %arg9[%get3A_1811, %get3A_1812] {strides = array<i32>} : memref<6x256xf32, #tpu.memory_space<vmem>>, vector<1x16xf32>,
      %get3A_1814 = vector.shape_cast %get3A_1813 : vector<1x16xf32> to vector<16xf32>
      %get3A_1815 = arith.constant 2 : i32
      %get3A_1816 = arith.index_cast %get3A_1815 : i32 to index
      %get3A_1817 = arith.constant 128 : index
      %get3A_1818 = tpu.vector_load %arg9[%get3A_1816, %get3A_1817] {strides = array<i32>} : memref<6x256xf32, #tpu.memory_space<vmem>>, vector<1x16xf32>,
      %get3A_1819 = vector.shape_cast %get3A_1818 : vector<1x16xf32> to vector<16xf32>
      %get3A_1820 = arith.constant 3 : i32
      %get3A_1821 = arith.index_cast %get3A_1820 : i32 to index
      %get3A_1822 = arith.constant 128 : index
      %get3A_1823 = tpu.vector_load %arg9[%get3A_1821, %get3A_1822] {strides = array<i32>} : memref<6x256xf32, #tpu.memory_space<vmem>>, vector<1x16xf32>,
      %get3A_1824 = vector.shape_cast %get3A_1823 : vector<1x16xf32> to vector<16xf32>
      %get3A_1825 = arith.constant 4 : i32
      %get3A_1826 = arith.index_cast %get3A_1825 : i32 to index
      %get3A_1827 = arith.constant 128 : index
      %get3A_1828 = tpu.vector_load %arg9[%get3A_1826, %get3A_1827] {strides = array<i32>} : memref<6x256xf32, #tpu.memory_space<vmem>>, vector<1x16xf32>,
      %get3A_1829 = vector.shape_cast %get3A_1828 : vector<1x16xf32> to vector<16xf32>
      %get3A_1830 = arith.constant 5 : i32
      %get3A_1831 = arith.index_cast %get3A_1830 : i32 to index
      %get3A_1832 = arith.constant 128 : index
      %get3A_1833 = tpu.vector_load %arg9[%get3A_1831, %get3A_1832] {strides = array<i32>} : memref<6x256xf32, #tpu.memory_space<vmem>>, vector<1x16xf32>,
      %get3A_1834 = vector.shape_cast %get3A_1833 : vector<1x16xf32> to vector<16xf32>
      %mul3A_1835 = vector.broadcast %squeeze3A : f32 to vector<16xf32>
      %mul3A_1836 = arith.mulf %mul3A_1835, %get3A_1809 : vector<16xf32>
      %add3A_1837 = arith.addf %get3A_1829, %mul3A_1836 : vector<16xf32>
      %mul3A_1838 = vector.broadcast %squeeze3A_7 : f32 to vector<16xf32>
      %mul3A_1839 = arith.mulf %mul3A_1838, %get3A_1814 : vector<16xf32>
      %add3A_1840 = arith.addf %add3A_1837, %mul3A_1839 : vector<16xf32>
      %mul3A_1841 = vector.broadcast %squeeze3A_9 : f32 to vector<16xf32>
      %mul3A_1842 = arith.mulf %mul3A_1841, %get3A_1819 : vector<16xf32>
      %add3A_1843 = arith.addf %add3A_1840, %mul3A_1842 : vector<16xf32>
      %mul3A_1844 = vector.broadcast %squeeze3A_11 : f32 to vector<16xf32>
      %mul3A_1845 = arith.mulf %mul3A_1844, %get3A_1824 : vector<16xf32>
      %add3A_1846 = arith.addf %add3A_1843, %mul3A_1845 : vector<16xf32>
      %ge3A_1847 = arith.constant 0.000000e+00 : f32
      %ge3A_1848 = vector.broadcast %ge3A_1847 : f32 to vector<16xf32>
      %ge3A_1849 = arith.cmpf oge, %add3A_1846, %ge3A_1848 : vector<16xf32>
      %mul3A_1850 = arith.constant 0.00999999977 : f32
      %mul3A_1851 = vector.broadcast %mul3A_1850 : f32 to vector<16xf32>
      %mul3A_1852 = arith.mulf %mul3A_1851, %add3A_1846 : vector<16xf32>
      %select_n3A_1853 = arith.select %ge3A_1849, %add3A_1846, %mul3A_1852 : vector<16xi1>, vector<16xf32>
      %mul3A_1854 = arith.constant 6.553700e+04 : f32
      %mul3A_1855 = vector.broadcast %mul3A_1854 : f32 to vector<16xf32>
      %mul3A_1856 = arith.mulf %select_n3A_1853, %mul3A_1855 : vector<16xf32>
      %sub3A_1857 = arith.subf %mul3A_1856, %select_n3A_1853 : vector<16xf32>
      %sub3A_1858 = arith.subf %mul3A_1856, %sub3A_1857 : vector<16xf32>
      %mul3A_1859 = arith.mulf %sub3A_1858, %get3A_1834 : vector<16xf32>
      %add3A_1860 = arith.addf %add3A_1648, %mul3A_1859 : vector<16xf32>
      %mul3A_1861 = vector.broadcast %squeeze3A : f32 to vector<16xf32>
      %mul3A_1862 = arith.mulf %mul3A_1861, %get3A_1809 : vector<16xf32>
      %add3A_1863 = arith.addf %get3A_1829, %mul3A_1862 : vector<16xf32>
      %mul3A_1864 = vector.broadcast %squeeze3A_7 : f32 to vector<16xf32>
      %mul3A_1865 = arith.mulf %mul3A_1864, %get3A_1814 : vector<16xf32>
      %add3A_1866 = arith.addf %add3A_1863, %mul3A_1865 : vector<16xf32>
      %mul3A_1867 = vector.broadcast %squeeze3A_13 : f32 to vector<16xf32>
      %mul3A_1868 = arith.mulf %mul3A_1867, %get3A_1819 : vector<16xf32>
      %add3A_1869 = arith.addf %add3A_1866, %mul3A_1868 : vector<16xf32>
      %mul3A_1870 = vector.broadcast %squeeze3A_15 : f32 to vector<16xf32>
      %mul3A_1871 = arith.mulf %mul3A_1870, %get3A_1824 : vector<16xf32>
      %add3A_1872 = arith.addf %add3A_1869, %mul3A_1871 : vector<16xf32>
      %ge3A_1873 = arith.constant 0.000000e+00 : f32
      %ge3A_1874 = vector.broadcast %ge3A_1873 : f32 to vector<16xf32>
      %ge3A_1875 = arith.cmpf oge, %add3A_1872, %ge3A_1874 : vector<16xf32>
      %mul3A_1876 = arith.constant 0.00999999977 : f32
      %mul3A_1877 = vector.broadcast %mul3A_1876 : f32 to vector<16xf32>
      %mul3A_1878 = arith.mulf %mul3A_1877, %add3A_1872 : vector<16xf32>
      %select_n3A_1879 = arith.select %ge3A_1875, %add3A_1872, %mul3A_1878 : vector<16xi1>, vector<16xf32>
      %mul3A_1880 = arith.constant 6.553700e+04 : f32
      %mul3A_1881 = vector.broadcast %mul3A_1880 : f32 to vector<16xf32>
      %mul3A_1882 = arith.mulf %select_n3A_1879, %mul3A_1881 : vector<16xf32>
      %sub3A_1883 = arith.subf %mul3A_1882, %select_n3A_1879 : vector<16xf32>
      %sub3A_1884 = arith.subf %mul3A_1882, %sub3A_1883 : vector<16xf32>
      %mul3A_1885 = arith.mulf %sub3A_1884, %get3A_1834 : vector<16xf32>
      %add3A_1886 = arith.addf %add3A_1674, %mul3A_1885 : vector<16xf32>
      %mul3A_1887 = vector.broadcast %squeeze3A : f32 to vector<16xf32>
      %mul3A_1888 = arith.mulf %mul3A_1887, %get3A_1809 : vector<16xf32>
      %add3A_1889 = arith.addf %get3A_1829, %mul3A_1888 : vector<16xf32>
      %mul3A_1890 = vector.broadcast %squeeze3A_7 : f32 to vector<16xf32>
      %mul3A_1891 = arith.mulf %mul3A_1890, %get3A_1814 : vector<16xf32>
      %add3A_1892 = arith.addf %add3A_1889, %mul3A_1891 : vector<16xf32>
      %mul3A_1893 = vector.broadcast %squeeze3A_17 : f32 to vector<16xf32>
      %mul3A_1894 = arith.mulf %mul3A_1893, %get3A_1819 : vector<16xf32>
      %add3A_1895 = arith.addf %add3A_1892, %mul3A_1894 : vector<16xf32>
      %mul3A_1896 = vector.broadcast %squeeze3A_19 : f32 to vector<16xf32>
      %mul3A_1897 = arith.mulf %mul3A_1896, %get3A_1824 : vector<16xf32>
      %add3A_1898 = arith.addf %add3A_1895, %mul3A_1897 : vector<16xf32>
      %ge3A_1899 = arith.constant 0.000000e+00 : f32
      %ge3A_1900 = vector.broadcast %ge3A_1899 : f32 to vector<16xf32>
      %ge3A_1901 = arith.cmpf oge, %add3A_1898, %ge3A_1900 : vector<16xf32>
      %mul3A_1902 = arith.constant 0.00999999977 : f32
      %mul3A_1903 = vector.broadcast %mul3A_1902 : f32 to vector<16xf32>
      %mul3A_1904 = arith.mulf %mul3A_1903, %add3A_1898 : vector<16xf32>
      %select_n3A_1905 = arith.select %ge3A_1901, %add3A_1898, %mul3A_1904 : vector<16xi1>, vector<16xf32>
      %mul3A_1906 = arith.constant 6.553700e+04 : f32
      %mul3A_1907 = vector.broadcast %mul3A_1906 : f32 to vector<16xf32>
      %mul3A_1908 = arith.mulf %select_n3A_1905, %mul3A_1907 : vector<16xf32>
      %sub3A_1909 = arith.subf %mul3A_1908, %select_n3A_1905 : vector<16xf32>
      %sub3A_1910 = arith.subf %mul3A_1908, %sub3A_1909 : vector<16xf32>
      %mul3A_1911 = arith.mulf %sub3A_1910, %get3A_1834 : vector<16xf32>
      %add3A_1912 = arith.addf %add3A_1700, %mul3A_1911 : vector<16xf32>
      %mul3A_1913 = vector.broadcast %squeeze3A_17 : f32 to vector<16xf32>
      %mul3A_1914 = arith.mulf %mul3A_1913, %get3A_1809 : vector<16xf32>
      %add3A_1915 = arith.addf %get3A_1829, %mul3A_1914 : vector<16xf32>
      %mul3A_1916 = vector.broadcast %squeeze3A_19 : f32 to vector<16xf32>
      %mul3A_1917 = arith.mulf %mul3A_1916, %get3A_1814 : vector<16xf32>
      %add3A_1918 = arith.addf %add3A_1915, %mul3A_1917 : vector<16xf32>
      %mul3A_1919 = vector.broadcast %squeeze3A_13 : f32 to vector<16xf32>
      %mul3A_1920 = arith.mulf %mul3A_1919, %get3A_1819 : vector<16xf32>
      %add3A_1921 = arith.addf %add3A_1918, %mul3A_1920 : vector<16xf32>
      %mul3A_1922 = vector.broadcast %squeeze3A_15 : f32 to vector<16xf32>
      %mul3A_1923 = arith.mulf %mul3A_1922, %get3A_1824 : vector<16xf32>
      %add3A_1924 = arith.addf %add3A_1921, %mul3A_1923 : vector<16xf32>
      %ge3A_1925 = arith.constant 0.000000e+00 : f32
      %ge3A_1926 = vector.broadcast %ge3A_1925 : f32 to vector<16xf32>
      %ge3A_1927 = arith.cmpf oge, %add3A_1924, %ge3A_1926 : vector<16xf32>
      %mul3A_1928 = arith.constant 0.00999999977 : f32
      %mul3A_1929 = vector.broadcast %mul3A_1928 : f32 to vector<16xf32>
      %mul3A_1930 = arith.mulf %mul3A_1929, %add3A_1924 : vector<16xf32>
      %select_n3A_1931 = arith.select %ge3A_1927, %add3A_1924, %mul3A_1930 : vector<16xi1>, vector<16xf32>
      %mul3A_1932 = arith.constant 6.553700e+04 : f32
      %mul3A_1933 = vector.broadcast %mul3A_1932 : f32 to vector<16xf32>
      %mul3A_1934 = arith.mulf %select_n3A_1931, %mul3A_1933 : vector<16xf32>
      %sub3A_1935 = arith.subf %mul3A_1934, %select_n3A_1931 : vector<16xf32>
      %sub3A_1936 = arith.subf %mul3A_1934, %sub3A_1935 : vector<16xf32>
      %mul3A_1937 = arith.mulf %sub3A_1936, %get3A_1834 : vector<16xf32>
      %add3A_1938 = arith.addf %add3A_1726, %mul3A_1937 : vector<16xf32>
      %mul3A_1939 = vector.broadcast %squeeze3A_13 : f32 to vector<16xf32>
      %mul3A_1940 = arith.mulf %mul3A_1939, %get3A_1809 : vector<16xf32>
      %add3A_1941 = arith.addf %get3A_1829, %mul3A_1940 : vector<16xf32>
      %mul3A_1942 = vector.broadcast %squeeze3A_15 : f32 to vector<16xf32>
      %mul3A_1943 = arith.mulf %mul3A_1942, %get3A_1814 : vector<16xf32>
      %add3A_1944 = arith.addf %add3A_1941, %mul3A_1943 : vector<16xf32>
      %mul3A_1945 = vector.broadcast %squeeze3A_9 : f32 to vector<16xf32>
      %mul3A_1946 = arith.mulf %mul3A_1945, %get3A_1819 : vector<16xf32>
      %add3A_1947 = arith.addf %add3A_1944, %mul3A_1946 : vector<16xf32>
      %mul3A_1948 = vector.broadcast %squeeze3A_11 : f32 to vector<16xf32>
      %mul3A_1949 = arith.mulf %mul3A_1948, %get3A_1824 : vector<16xf32>
      %add3A_1950 = arith.addf %add3A_1947, %mul3A_1949 : vector<16xf32>
      %ge3A_1951 = arith.constant 0.000000e+00 : f32
      %ge3A_1952 = vector.broadcast %ge3A_1951 : f32 to vector<16xf32>
      %ge3A_1953 = arith.cmpf oge, %add3A_1950, %ge3A_1952 : vector<16xf32>
      %mul3A_1954 = arith.constant 0.00999999977 : f32
      %mul3A_1955 = vector.broadcast %mul3A_1954 : f32 to vector<16xf32>
      %mul3A_1956 = arith.mulf %mul3A_1955, %add3A_1950 : vector<16xf32>
      %select_n3A_1957 = arith.select %ge3A_1953, %add3A_1950, %mul3A_1956 : vector<16xi1>, vector<16xf32>
      %mul3A_1958 = arith.constant 6.553700e+04 : f32
      %mul3A_1959 = vector.broadcast %mul3A_1958 : f32 to vector<16xf32>
      %mul3A_1960 = arith.mulf %select_n3A_1957, %mul3A_1959 : vector<16xf32>
      %sub3A_1961 = arith.subf %mul3A_1960, %select_n3A_1957 : vector<16xf32>
      %sub3A_1962 = arith.subf %mul3A_1960, %sub3A_1961 : vector<16xf32>
      %mul3A_1963 = arith.mulf %sub3A_1962, %get3A_1834 : vector<16xf32>
      %add3A_1964 = arith.addf %add3A_1752, %mul3A_1963 : vector<16xf32>
      %mul3A_1965 = vector.broadcast %squeeze3A_13 : f32 to vector<16xf32>
      %mul3A_1966 = arith.mulf %mul3A_1965, %get3A_1809 : vector<16xf32>
      %add3A_1967 = arith.addf %get3A_1829, %mul3A_1966 : vector<16xf32>
      %mul3A_1968 = vector.broadcast %squeeze3A_15 : f32 to vector<16xf32>
      %mul3A_1969 = arith.mulf %mul3A_1968, %get3A_1814 : vector<16xf32>
      %add3A_1970 = arith.addf %add3A_1967, %mul3A_1969 : vector<16xf32>
      %mul3A_1971 = vector.broadcast %squeeze3A_21 : f32 to vector<16xf32>
      %mul3A_1972 = arith.mulf %mul3A_1971, %get3A_1819 : vector<16xf32>
      %add3A_1973 = arith.addf %add3A_1970, %mul3A_1972 : vector<16xf32>
      %mul3A_1974 = vector.broadcast %squeeze3A_23 : f32 to vector<16xf32>
      %mul3A_1975 = arith.mulf %mul3A_1974, %get3A_1824 : vector<16xf32>
      %add3A_1976 = arith.addf %add3A_1973, %mul3A_1975 : vector<16xf32>
      %ge3A_1977 = arith.constant 0.000000e+00 : f32
      %ge3A_1978 = vector.broadcast %ge3A_1977 : f32 to vector<16xf32>
      %ge3A_1979 = arith.cmpf oge, %add3A_1976, %ge3A_1978 : vector<16xf32>
      %mul3A_1980 = arith.constant 0.00999999977 : f32
      %mul3A_1981 = vector.broadcast %mul3A_1980 : f32 to vector<16xf32>
      %mul3A_1982 = arith.mulf %mul3A_1981, %add3A_1976 : vector<16xf32>
      %select_n3A_1983 = arith.select %ge3A_1979, %add3A_1976, %mul3A_1982 : vector<16xi1>, vector<16xf32>
      %mul3A_1984 = arith.constant 6.553700e+04 : f32
      %mul3A_1985 = vector.broadcast %mul3A_1984 : f32 to vector<16xf32>
      %mul3A_1986 = arith.mulf %select_n3A_1983, %mul3A_1985 : vector<16xf32>
      %sub3A_1987 = arith.subf %mul3A_1986, %select_n3A_1983 : vector<16xf32>
      %sub3A_1988 = arith.subf %mul3A_1986, %sub3A_1987 : vector<16xf32>
      %mul3A_1989 = arith.mulf %sub3A_1988, %get3A_1834 : vector<16xf32>
      %add3A_1990 = arith.addf %add3A_1778, %mul3A_1989 : vector<16xf32>
      %mul3A_1991 = vector.broadcast %squeeze3A_21 : f32 to vector<16xf32>
      %mul3A_1992 = arith.mulf %mul3A_1991, %get3A_1809 : vector<16xf32>
      %add3A_1993 = arith.addf %get3A_1829, %mul3A_1992 : vector<16xf32>
      %mul3A_1994 = vector.broadcast %squeeze3A_23 : f32 to vector<16xf32>
      %mul3A_1995 = arith.mulf %mul3A_1994, %get3A_1814 : vector<16xf32>
      %add3A_1996 = arith.addf %add3A_1993, %mul3A_1995 : vector<16xf32>
      %mul3A_1997 = vector.broadcast %squeeze3A_9 : f32 to vector<16xf32>
      %mul3A_1998 = arith.mulf %mul3A_1997, %get3A_1819 : vector<16xf32>
      %add3A_1999 = arith.addf %add3A_1996, %mul3A_1998 : vector<16xf32>
      %mul3A_2000 = vector.broadcast %squeeze3A_11 : f32 to vector<16xf32>
      %mul3A_2001 = arith.mulf %mul3A_2000, %get3A_1824 : vector<16xf32>
      %add3A_2002 = arith.addf %add3A_1999, %mul3A_2001 : vector<16xf32>
      %ge3A_2003 = arith.constant 0.000000e+00 : f32
      %ge3A_2004 = vector.broadcast %ge3A_2003 : f32 to vector<16xf32>
      %ge3A_2005 = arith.cmpf oge, %add3A_2002, %ge3A_2004 : vector<16xf32>
      %mul3A_2006 = arith.constant 0.00999999977 : f32
      %mul3A_2007 = vector.broadcast %mul3A_2006 : f32 to vector<16xf32>
      %mul3A_2008 = arith.mulf %mul3A_2007, %add3A_2002 : vector<16xf32>
      %select_n3A_2009 = arith.select %ge3A_2005, %add3A_2002, %mul3A_2008 : vector<16xi1>, vector<16xf32>
      %mul3A_2010 = arith.constant 6.553700e+04 : f32
      %mul3A_2011 = vector.broadcast %mul3A_2010 : f32 to vector<16xf32>
      %mul3A_2012 = arith.mulf %select_n3A_2009, %mul3A_2011 : vector<16xf32>
      %sub3A_2013 = arith.subf %mul3A_2012, %select_n3A_2009 : vector<16xf32>
      %sub3A_2014 = arith.subf %mul3A_2012, %sub3A_2013 : vector<16xf32>
      %mul3A_2015 = arith.mulf %sub3A_2014, %get3A_1834 : vector<16xf32>
      %add3A_2016 = arith.addf %add3A_1804, %mul3A_2015 : vector<16xf32>
      %get3A_2017 = arith.constant 0 : i32
      %get3A_2018 = arith.index_cast %get3A_2017 : i32 to index
      %get3A_2019 = arith.constant 144 : index
      %get3A_2020 = tpu.vector_load %arg9[%get3A_2018, %get3A_2019] {strides = array<i32>} : memref<6x256xf32, #tpu.memory_space<vmem>>, vector<1x16xf32>,
      %get3A_2021 = vector.shape_cast %get3A_2020 : vector<1x16xf32> to vector<16xf32>
      %get3A_2022 = arith.constant 1 : i32
      %get3A_2023 = arith.index_cast %get3A_2022 : i32 to index
      %get3A_2024 = arith.constant 144 : index
      %get3A_2025 = tpu.vector_load %arg9[%get3A_2023, %get3A_2024] {strides = array<i32>} : memref<6x256xf32, #tpu.memory_space<vmem>>, vector<1x16xf32>,
      %get3A_2026 = vector.shape_cast %get3A_2025 : vector<1x16xf32> to vector<16xf32>
      %get3A_2027 = arith.constant 2 : i32
      %get3A_2028 = arith.index_cast %get3A_2027 : i32 to index
      %get3A_2029 = arith.constant 144 : index
      %get3A_2030 = tpu.vector_load %arg9[%get3A_2028, %get3A_2029] {strides = array<i32>} : memref<6x256xf32, #tpu.memory_space<vmem>>, vector<1x16xf32>,
      %get3A_2031 = vector.shape_cast %get3A_2030 : vector<1x16xf32> to vector<16xf32>
      %get3A_2032 = arith.constant 3 : i32
      %get3A_2033 = arith.index_cast %get3A_2032 : i32 to index
      %get3A_2034 = arith.constant 144 : index
      %get3A_2035 = tpu.vector_load %arg9[%get3A_2033, %get3A_2034] {strides = array<i32>} : memref<6x256xf32, #tpu.memory_space<vmem>>, vector<1x16xf32>,
      %get3A_2036 = vector.shape_cast %get3A_2035 : vector<1x16xf32> to vector<16xf32>
      %get3A_2037 = arith.constant 4 : i32
      %get3A_2038 = arith.index_cast %get3A_2037 : i32 to index
      %get3A_2039 = arith.constant 144 : index
      %get3A_2040 = tpu.vector_load %arg9[%get3A_2038, %get3A_2039] {strides = array<i32>} : memref<6x256xf32, #tpu.memory_space<vmem>>, vector<1x16xf32>,
      %get3A_2041 = vector.shape_cast %get3A_2040 : vector<1x16xf32> to vector<16xf32>
      %get3A_2042 = arith.constant 5 : i32
      %get3A_2043 = arith.index_cast %get3A_2042 : i32 to index
      %get3A_2044 = arith.constant 144 : index
      %get3A_2045 = tpu.vector_load %arg9[%get3A_2043, %get3A_2044] {strides = array<i32>} : memref<6x256xf32, #tpu.memory_space<vmem>>, vector<1x16xf32>,
      %get3A_2046 = vector.shape_cast %get3A_2045 : vector<1x16xf32> to vector<16xf32>
      %mul3A_2047 = vector.broadcast %squeeze3A : f32 to vector<16xf32>
      %mul3A_2048 = arith.mulf %mul3A_2047, %get3A_2021 : vector<16xf32>
      %add3A_2049 = arith.addf %get3A_2041, %mul3A_2048 : vector<16xf32>
      %mul3A_2050 = vector.broadcast %squeeze3A_7 : f32 to vector<16xf32>
      %mul3A_2051 = arith.mulf %mul3A_2050, %get3A_2026 : vector<16xf32>
      %add3A_2052 = arith.addf %add3A_2049, %mul3A_2051 : vector<16xf32>
      %mul3A_2053 = vector.broadcast %squeeze3A_9 : f32 to vector<16xf32>
      %mul3A_2054 = arith.mulf %mul3A_2053, %get3A_2031 : vector<16xf32>
      %add3A_2055 = arith.addf %add3A_2052, %mul3A_2054 : vector<16xf32>
      %mul3A_2056 = vector.broadcast %squeeze3A_11 : f32 to vector<16xf32>
      %mul3A_2057 = arith.mulf %mul3A_2056, %get3A_2036 : vector<16xf32>
      %add3A_2058 = arith.addf %add3A_2055, %mul3A_2057 : vector<16xf32>
      %ge3A_2059 = arith.constant 0.000000e+00 : f32
      %ge3A_2060 = vector.broadcast %ge3A_2059 : f32 to vector<16xf32>
      %ge3A_2061 = arith.cmpf oge, %add3A_2058, %ge3A_2060 : vector<16xf32>
      %mul3A_2062 = arith.constant 0.00999999977 : f32
      %mul3A_2063 = vector.broadcast %mul3A_2062 : f32 to vector<16xf32>
      %mul3A_2064 = arith.mulf %mul3A_2063, %add3A_2058 : vector<16xf32>
      %select_n3A_2065 = arith.select %ge3A_2061, %add3A_2058, %mul3A_2064 : vector<16xi1>, vector<16xf32>
      %mul3A_2066 = arith.constant 6.553700e+04 : f32
      %mul3A_2067 = vector.broadcast %mul3A_2066 : f32 to vector<16xf32>
      %mul3A_2068 = arith.mulf %select_n3A_2065, %mul3A_2067 : vector<16xf32>
      %sub3A_2069 = arith.subf %mul3A_2068, %select_n3A_2065 : vector<16xf32>
      %sub3A_2070 = arith.subf %mul3A_2068, %sub3A_2069 : vector<16xf32>
      %mul3A_2071 = arith.mulf %sub3A_2070, %get3A_2046 : vector<16xf32>
      %add3A_2072 = arith.addf %add3A_1860, %mul3A_2071 : vector<16xf32>
      %mul3A_2073 = vector.broadcast %squeeze3A : f32 to vector<16xf32>
      %mul3A_2074 = arith.mulf %mul3A_2073, %get3A_2021 : vector<16xf32>
      %add3A_2075 = arith.addf %get3A_2041, %mul3A_2074 : vector<16xf32>
      %mul3A_2076 = vector.broadcast %squeeze3A_7 : f32 to vector<16xf32>
      %mul3A_2077 = arith.mulf %mul3A_2076, %get3A_2026 : vector<16xf32>
      %add3A_2078 = arith.addf %add3A_2075, %mul3A_2077 : vector<16xf32>
      %mul3A_2079 = vector.broadcast %squeeze3A_13 : f32 to vector<16xf32>
      %mul3A_2080 = arith.mulf %mul3A_2079, %get3A_2031 : vector<16xf32>
      %add3A_2081 = arith.addf %add3A_2078, %mul3A_2080 : vector<16xf32>
      %mul3A_2082 = vector.broadcast %squeeze3A_15 : f32 to vector<16xf32>
      %mul3A_2083 = arith.mulf %mul3A_2082, %get3A_2036 : vector<16xf32>
      %add3A_2084 = arith.addf %add3A_2081, %mul3A_2083 : vector<16xf32>
      %ge3A_2085 = arith.constant 0.000000e+00 : f32
      %ge3A_2086 = vector.broadcast %ge3A_2085 : f32 to vector<16xf32>
      %ge3A_2087 = arith.cmpf oge, %add3A_2084, %ge3A_2086 : vector<16xf32>
      %mul3A_2088 = arith.constant 0.00999999977 : f32
      %mul3A_2089 = vector.broadcast %mul3A_2088 : f32 to vector<16xf32>
      %mul3A_2090 = arith.mulf %mul3A_2089, %add3A_2084 : vector<16xf32>
      %select_n3A_2091 = arith.select %ge3A_2087, %add3A_2084, %mul3A_2090 : vector<16xi1>, vector<16xf32>
      %mul3A_2092 = arith.constant 6.553700e+04 : f32
      %mul3A_2093 = vector.broadcast %mul3A_2092 : f32 to vector<16xf32>
      %mul3A_2094 = arith.mulf %select_n3A_2091, %mul3A_2093 : vector<16xf32>
      %sub3A_2095 = arith.subf %mul3A_2094, %select_n3A_2091 : vector<16xf32>
      %sub3A_2096 = arith.subf %mul3A_2094, %sub3A_2095 : vector<16xf32>
      %mul3A_2097 = arith.mulf %sub3A_2096, %get3A_2046 : vector<16xf32>
      %add3A_2098 = arith.addf %add3A_1886, %mul3A_2097 : vector<16xf32>
      %mul3A_2099 = vector.broadcast %squeeze3A : f32 to vector<16xf32>
      %mul3A_2100 = arith.mulf %mul3A_2099, %get3A_2021 : vector<16xf32>
      %add3A_2101 = arith.addf %get3A_2041, %mul3A_2100 : vector<16xf32>
      %mul3A_2102 = vector.broadcast %squeeze3A_7 : f32 to vector<16xf32>
      %mul3A_2103 = arith.mulf %mul3A_2102, %get3A_2026 : vector<16xf32>
      %add3A_2104 = arith.addf %add3A_2101, %mul3A_2103 : vector<16xf32>
      %mul3A_2105 = vector.broadcast %squeeze3A_17 : f32 to vector<16xf32>
      %mul3A_2106 = arith.mulf %mul3A_2105, %get3A_2031 : vector<16xf32>
      %add3A_2107 = arith.addf %add3A_2104, %mul3A_2106 : vector<16xf32>
      %mul3A_2108 = vector.broadcast %squeeze3A_19 : f32 to vector<16xf32>
      %mul3A_2109 = arith.mulf %mul3A_2108, %get3A_2036 : vector<16xf32>
      %add3A_2110 = arith.addf %add3A_2107, %mul3A_2109 : vector<16xf32>
      %ge3A_2111 = arith.constant 0.000000e+00 : f32
      %ge3A_2112 = vector.broadcast %ge3A_2111 : f32 to vector<16xf32>
      %ge3A_2113 = arith.cmpf oge, %add3A_2110, %ge3A_2112 : vector<16xf32>
      %mul3A_2114 = arith.constant 0.00999999977 : f32
      %mul3A_2115 = vector.broadcast %mul3A_2114 : f32 to vector<16xf32>
      %mul3A_2116 = arith.mulf %mul3A_2115, %add3A_2110 : vector<16xf32>
      %select_n3A_2117 = arith.select %ge3A_2113, %add3A_2110, %mul3A_2116 : vector<16xi1>, vector<16xf32>
      %mul3A_2118 = arith.constant 6.553700e+04 : f32
      %mul3A_2119 = vector.broadcast %mul3A_2118 : f32 to vector<16xf32>
      %mul3A_2120 = arith.mulf %select_n3A_2117, %mul3A_2119 : vector<16xf32>
      %sub3A_2121 = arith.subf %mul3A_2120, %select_n3A_2117 : vector<16xf32>
      %sub3A_2122 = arith.subf %mul3A_2120, %sub3A_2121 : vector<16xf32>
      %mul3A_2123 = arith.mulf %sub3A_2122, %get3A_2046 : vector<16xf32>
      %add3A_2124 = arith.addf %add3A_1912, %mul3A_2123 : vector<16xf32>
      %mul3A_2125 = vector.broadcast %squeeze3A_17 : f32 to vector<16xf32>
      %mul3A_2126 = arith.mulf %mul3A_2125, %get3A_2021 : vector<16xf32>
      %add3A_2127 = arith.addf %get3A_2041, %mul3A_2126 : vector<16xf32>
      %mul3A_2128 = vector.broadcast %squeeze3A_19 : f32 to vector<16xf32>
      %mul3A_2129 = arith.mulf %mul3A_2128, %get3A_2026 : vector<16xf32>
      %add3A_2130 = arith.addf %add3A_2127, %mul3A_2129 : vector<16xf32>
      %mul3A_2131 = vector.broadcast %squeeze3A_13 : f32 to vector<16xf32>
      %mul3A_2132 = arith.mulf %mul3A_2131, %get3A_2031 : vector<16xf32>
      %add3A_2133 = arith.addf %add3A_2130, %mul3A_2132 : vector<16xf32>
      %mul3A_2134 = vector.broadcast %squeeze3A_15 : f32 to vector<16xf32>
      %mul3A_2135 = arith.mulf %mul3A_2134, %get3A_2036 : vector<16xf32>
      %add3A_2136 = arith.addf %add3A_2133, %mul3A_2135 : vector<16xf32>
      %ge3A_2137 = arith.constant 0.000000e+00 : f32
      %ge3A_2138 = vector.broadcast %ge3A_2137 : f32 to vector<16xf32>
      %ge3A_2139 = arith.cmpf oge, %add3A_2136, %ge3A_2138 : vector<16xf32>
      %mul3A_2140 = arith.constant 0.00999999977 : f32
      %mul3A_2141 = vector.broadcast %mul3A_2140 : f32 to vector<16xf32>
      %mul3A_2142 = arith.mulf %mul3A_2141, %add3A_2136 : vector<16xf32>
      %select_n3A_2143 = arith.select %ge3A_2139, %add3A_2136, %mul3A_2142 : vector<16xi1>, vector<16xf32>
      %mul3A_2144 = arith.constant 6.553700e+04 : f32
      %mul3A_2145 = vector.broadcast %mul3A_2144 : f32 to vector<16xf32>
      %mul3A_2146 = arith.mulf %select_n3A_2143, %mul3A_2145 : vector<16xf32>
      %sub3A_2147 = arith.subf %mul3A_2146, %select_n3A_2143 : vector<16xf32>
      %sub3A_2148 = arith.subf %mul3A_2146, %sub3A_2147 : vector<16xf32>
      %mul3A_2149 = arith.mulf %sub3A_2148, %get3A_2046 : vector<16xf32>
      %add3A_2150 = arith.addf %add3A_1938, %mul3A_2149 : vector<16xf32>
      %mul3A_2151 = vector.broadcast %squeeze3A_13 : f32 to vector<16xf32>
      %mul3A_2152 = arith.mulf %mul3A_2151, %get3A_2021 : vector<16xf32>
      %add3A_2153 = arith.addf %get3A_2041, %mul3A_2152 : vector<16xf32>
      %mul3A_2154 = vector.broadcast %squeeze3A_15 : f32 to vector<16xf32>
      %mul3A_2155 = arith.mulf %mul3A_2154, %get3A_2026 : vector<16xf32>
      %add3A_2156 = arith.addf %add3A_2153, %mul3A_2155 : vector<16xf32>
      %mul3A_2157 = vector.broadcast %squeeze3A_9 : f32 to vector<16xf32>
      %mul3A_2158 = arith.mulf %mul3A_2157, %get3A_2031 : vector<16xf32>
      %add3A_2159 = arith.addf %add3A_2156, %mul3A_2158 : vector<16xf32>
      %mul3A_2160 = vector.broadcast %squeeze3A_11 : f32 to vector<16xf32>
      %mul3A_2161 = arith.mulf %mul3A_2160, %get3A_2036 : vector<16xf32>
      %add3A_2162 = arith.addf %add3A_2159, %mul3A_2161 : vector<16xf32>
      %ge3A_2163 = arith.constant 0.000000e+00 : f32
      %ge3A_2164 = vector.broadcast %ge3A_2163 : f32 to vector<16xf32>
      %ge3A_2165 = arith.cmpf oge, %add3A_2162, %ge3A_2164 : vector<16xf32>
      %mul3A_2166 = arith.constant 0.00999999977 : f32
      %mul3A_2167 = vector.broadcast %mul3A_2166 : f32 to vector<16xf32>
      %mul3A_2168 = arith.mulf %mul3A_2167, %add3A_2162 : vector<16xf32>
      %select_n3A_2169 = arith.select %ge3A_2165, %add3A_2162, %mul3A_2168 : vector<16xi1>, vector<16xf32>
      %mul3A_2170 = arith.constant 6.553700e+04 : f32
      %mul3A_2171 = vector.broadcast %mul3A_2170 : f32 to vector<16xf32>
      %mul3A_2172 = arith.mulf %select_n3A_2169, %mul3A_2171 : vector<16xf32>
      %sub3A_2173 = arith.subf %mul3A_2172, %select_n3A_2169 : vector<16xf32>
      %sub3A_2174 = arith.subf %mul3A_2172, %sub3A_2173 : vector<16xf32>
      %mul3A_2175 = arith.mulf %sub3A_2174, %get3A_2046 : vector<16xf32>
      %add3A_2176 = arith.addf %add3A_1964, %mul3A_2175 : vector<16xf32>
      %mul3A_2177 = vector.broadcast %squeeze3A_13 : f32 to vector<16xf32>
      %mul3A_2178 = arith.mulf %mul3A_2177, %get3A_2021 : vector<16xf32>
      %add3A_2179 = arith.addf %get3A_2041, %mul3A_2178 : vector<16xf32>
      %mul3A_2180 = vector.broadcast %squeeze3A_15 : f32 to vector<16xf32>
      %mul3A_2181 = arith.mulf %mul3A_2180, %get3A_2026 : vector<16xf32>
      %add3A_2182 = arith.addf %add3A_2179, %mul3A_2181 : vector<16xf32>
      %mul3A_2183 = vector.broadcast %squeeze3A_21 : f32 to vector<16xf32>
      %mul3A_2184 = arith.mulf %mul3A_2183, %get3A_2031 : vector<16xf32>
      %add3A_2185 = arith.addf %add3A_2182, %mul3A_2184 : vector<16xf32>
      %mul3A_2186 = vector.broadcast %squeeze3A_23 : f32 to vector<16xf32>
      %mul3A_2187 = arith.mulf %mul3A_2186, %get3A_2036 : vector<16xf32>
      %add3A_2188 = arith.addf %add3A_2185, %mul3A_2187 : vector<16xf32>
      %ge3A_2189 = arith.constant 0.000000e+00 : f32
      %ge3A_2190 = vector.broadcast %ge3A_2189 : f32 to vector<16xf32>
      %ge3A_2191 = arith.cmpf oge, %add3A_2188, %ge3A_2190 : vector<16xf32>
      %mul3A_2192 = arith.constant 0.00999999977 : f32
      %mul3A_2193 = vector.broadcast %mul3A_2192 : f32 to vector<16xf32>
      %mul3A_2194 = arith.mulf %mul3A_2193, %add3A_2188 : vector<16xf32>
      %select_n3A_2195 = arith.select %ge3A_2191, %add3A_2188, %mul3A_2194 : vector<16xi1>, vector<16xf32>
      %mul3A_2196 = arith.constant 6.553700e+04 : f32
      %mul3A_2197 = vector.broadcast %mul3A_2196 : f32 to vector<16xf32>
      %mul3A_2198 = arith.mulf %select_n3A_2195, %mul3A_2197 : vector<16xf32>
      %sub3A_2199 = arith.subf %mul3A_2198, %select_n3A_2195 : vector<16xf32>
      %sub3A_2200 = arith.subf %mul3A_2198, %sub3A_2199 : vector<16xf32>
      %mul3A_2201 = arith.mulf %sub3A_2200, %get3A_2046 : vector<16xf32>
      %add3A_2202 = arith.addf %add3A_1990, %mul3A_2201 : vector<16xf32>
      %mul3A_2203 = vector.broadcast %squeeze3A_21 : f32 to vector<16xf32>
      %mul3A_2204 = arith.mulf %mul3A_2203, %get3A_2021 : vector<16xf32>
      %add3A_2205 = arith.addf %get3A_2041, %mul3A_2204 : vector<16xf32>
      %mul3A_2206 = vector.broadcast %squeeze3A_23 : f32 to vector<16xf32>
      %mul3A_2207 = arith.mulf %mul3A_2206, %get3A_2026 : vector<16xf32>
      %add3A_2208 = arith.addf %add3A_2205, %mul3A_2207 : vector<16xf32>
      %mul3A_2209 = vector.broadcast %squeeze3A_9 : f32 to vector<16xf32>
      %mul3A_2210 = arith.mulf %mul3A_2209, %get3A_2031 : vector<16xf32>
      %add3A_2211 = arith.addf %add3A_2208, %mul3A_2210 : vector<16xf32>
      %mul3A_2212 = vector.broadcast %squeeze3A_11 : f32 to vector<16xf32>
      %mul3A_2213 = arith.mulf %mul3A_2212, %get3A_2036 : vector<16xf32>
      %add3A_2214 = arith.addf %add3A_2211, %mul3A_2213 : vector<16xf32>
      %ge3A_2215 = arith.constant 0.000000e+00 : f32
      %ge3A_2216 = vector.broadcast %ge3A_2215 : f32 to vector<16xf32>
      %ge3A_2217 = arith.cmpf oge, %add3A_2214, %ge3A_2216 : vector<16xf32>
      %mul3A_2218 = arith.constant 0.00999999977 : f32
      %mul3A_2219 = vector.broadcast %mul3A_2218 : f32 to vector<16xf32>
      %mul3A_2220 = arith.mulf %mul3A_2219, %add3A_2214 : vector<16xf32>
      %select_n3A_2221 = arith.select %ge3A_2217, %add3A_2214, %mul3A_2220 : vector<16xi1>, vector<16xf32>
      %mul3A_2222 = arith.constant 6.553700e+04 : f32
      %mul3A_2223 = vector.broadcast %mul3A_2222 : f32 to vector<16xf32>
      %mul3A_2224 = arith.mulf %select_n3A_2221, %mul3A_2223 : vector<16xf32>
      %sub3A_2225 = arith.subf %mul3A_2224, %select_n3A_2221 : vector<16xf32>
      %sub3A_2226 = arith.subf %mul3A_2224, %sub3A_2225 : vector<16xf32>
      %mul3A_2227 = arith.mulf %sub3A_2226, %get3A_2046 : vector<16xf32>
      %add3A_2228 = arith.addf %add3A_2016, %mul3A_2227 : vector<16xf32>
      %get3A_2229 = arith.constant 0 : i32
      %get3A_2230 = arith.index_cast %get3A_2229 : i32 to index
      %get3A_2231 = arith.constant 160 : index
      %get3A_2232 = tpu.vector_load %arg9[%get3A_2230, %get3A_2231] {strides = array<i32>} : memref<6x256xf32, #tpu.memory_space<vmem>>, vector<1x16xf32>,
      %get3A_2233 = vector.shape_cast %get3A_2232 : vector<1x16xf32> to vector<16xf32>
      %get3A_2234 = arith.constant 1 : i32
      %get3A_2235 = arith.index_cast %get3A_2234 : i32 to index
      %get3A_2236 = arith.constant 160 : index
      %get3A_2237 = tpu.vector_load %arg9[%get3A_2235, %get3A_2236] {strides = array<i32>} : memref<6x256xf32, #tpu.memory_space<vmem>>, vector<1x16xf32>,
      %get3A_2238 = vector.shape_cast %get3A_2237 : vector<1x16xf32> to vector<16xf32>
      %get3A_2239 = arith.constant 2 : i32
      %get3A_2240 = arith.index_cast %get3A_2239 : i32 to index
      %get3A_2241 = arith.constant 160 : index
      %get3A_2242 = tpu.vector_load %arg9[%get3A_2240, %get3A_2241] {strides = array<i32>} : memref<6x256xf32, #tpu.memory_space<vmem>>, vector<1x16xf32>,
      %get3A_2243 = vector.shape_cast %get3A_2242 : vector<1x16xf32> to vector<16xf32>
      %get3A_2244 = arith.constant 3 : i32
      %get3A_2245 = arith.index_cast %get3A_2244 : i32 to index
      %get3A_2246 = arith.constant 160 : index
      %get3A_2247 = tpu.vector_load %arg9[%get3A_2245, %get3A_2246] {strides = array<i32>} : memref<6x256xf32, #tpu.memory_space<vmem>>, vector<1x16xf32>,
      %get3A_2248 = vector.shape_cast %get3A_2247 : vector<1x16xf32> to vector<16xf32>
      %get3A_2249 = arith.constant 4 : i32
      %get3A_2250 = arith.index_cast %get3A_2249 : i32 to index
      %get3A_2251 = arith.constant 160 : index
      %get3A_2252 = tpu.vector_load %arg9[%get3A_2250, %get3A_2251] {strides = array<i32>} : memref<6x256xf32, #tpu.memory_space<vmem>>, vector<1x16xf32>,
      %get3A_2253 = vector.shape_cast %get3A_2252 : vector<1x16xf32> to vector<16xf32>
      %get3A_2254 = arith.constant 5 : i32
      %get3A_2255 = arith.index_cast %get3A_2254 : i32 to index
      %get3A_2256 = arith.constant 160 : index
      %get3A_2257 = tpu.vector_load %arg9[%get3A_2255, %get3A_2256] {strides = array<i32>} : memref<6x256xf32, #tpu.memory_space<vmem>>, vector<1x16xf32>,
      %get3A_2258 = vector.shape_cast %get3A_2257 : vector<1x16xf32> to vector<16xf32>
      %mul3A_2259 = vector.broadcast %squeeze3A : f32 to vector<16xf32>
      %mul3A_2260 = arith.mulf %mul3A_2259, %get3A_2233 : vector<16xf32>
      %add3A_2261 = arith.addf %get3A_2253, %mul3A_2260 : vector<16xf32>
      %mul3A_2262 = vector.broadcast %squeeze3A_7 : f32 to vector<16xf32>
      %mul3A_2263 = arith.mulf %mul3A_2262, %get3A_2238 : vector<16xf32>
      %add3A_2264 = arith.addf %add3A_2261, %mul3A_2263 : vector<16xf32>
      %mul3A_2265 = vector.broadcast %squeeze3A_9 : f32 to vector<16xf32>
      %mul3A_2266 = arith.mulf %mul3A_2265, %get3A_2243 : vector<16xf32>
      %add3A_2267 = arith.addf %add3A_2264, %mul3A_2266 : vector<16xf32>
      %mul3A_2268 = vector.broadcast %squeeze3A_11 : f32 to vector<16xf32>
      %mul3A_2269 = arith.mulf %mul3A_2268, %get3A_2248 : vector<16xf32>
      %add3A_2270 = arith.addf %add3A_2267, %mul3A_2269 : vector<16xf32>
      %ge3A_2271 = arith.constant 0.000000e+00 : f32
      %ge3A_2272 = vector.broadcast %ge3A_2271 : f32 to vector<16xf32>
      %ge3A_2273 = arith.cmpf oge, %add3A_2270, %ge3A_2272 : vector<16xf32>
      %mul3A_2274 = arith.constant 0.00999999977 : f32
      %mul3A_2275 = vector.broadcast %mul3A_2274 : f32 to vector<16xf32>
      %mul3A_2276 = arith.mulf %mul3A_2275, %add3A_2270 : vector<16xf32>
      %select_n3A_2277 = arith.select %ge3A_2273, %add3A_2270, %mul3A_2276 : vector<16xi1>, vector<16xf32>
      %mul3A_2278 = arith.constant 6.553700e+04 : f32
      %mul3A_2279 = vector.broadcast %mul3A_2278 : f32 to vector<16xf32>
      %mul3A_2280 = arith.mulf %select_n3A_2277, %mul3A_2279 : vector<16xf32>
      %sub3A_2281 = arith.subf %mul3A_2280, %select_n3A_2277 : vector<16xf32>
      %sub3A_2282 = arith.subf %mul3A_2280, %sub3A_2281 : vector<16xf32>
      %mul3A_2283 = arith.mulf %sub3A_2282, %get3A_2258 : vector<16xf32>
      %add3A_2284 = arith.addf %add3A_2072, %mul3A_2283 : vector<16xf32>
      %mul3A_2285 = vector.broadcast %squeeze3A : f32 to vector<16xf32>
      %mul3A_2286 = arith.mulf %mul3A_2285, %get3A_2233 : vector<16xf32>
      %add3A_2287 = arith.addf %get3A_2253, %mul3A_2286 : vector<16xf32>
      %mul3A_2288 = vector.broadcast %squeeze3A_7 : f32 to vector<16xf32>
      %mul3A_2289 = arith.mulf %mul3A_2288, %get3A_2238 : vector<16xf32>
      %add3A_2290 = arith.addf %add3A_2287, %mul3A_2289 : vector<16xf32>
      %mul3A_2291 = vector.broadcast %squeeze3A_13 : f32 to vector<16xf32>
      %mul3A_2292 = arith.mulf %mul3A_2291, %get3A_2243 : vector<16xf32>
      %add3A_2293 = arith.addf %add3A_2290, %mul3A_2292 : vector<16xf32>
      %mul3A_2294 = vector.broadcast %squeeze3A_15 : f32 to vector<16xf32>
      %mul3A_2295 = arith.mulf %mul3A_2294, %get3A_2248 : vector<16xf32>
      %add3A_2296 = arith.addf %add3A_2293, %mul3A_2295 : vector<16xf32>
      %ge3A_2297 = arith.constant 0.000000e+00 : f32
      %ge3A_2298 = vector.broadcast %ge3A_2297 : f32 to vector<16xf32>
      %ge3A_2299 = arith.cmpf oge, %add3A_2296, %ge3A_2298 : vector<16xf32>
      %mul3A_2300 = arith.constant 0.00999999977 : f32
      %mul3A_2301 = vector.broadcast %mul3A_2300 : f32 to vector<16xf32>
      %mul3A_2302 = arith.mulf %mul3A_2301, %add3A_2296 : vector<16xf32>
      %select_n3A_2303 = arith.select %ge3A_2299, %add3A_2296, %mul3A_2302 : vector<16xi1>, vector<16xf32>
      %mul3A_2304 = arith.constant 6.553700e+04 : f32
      %mul3A_2305 = vector.broadcast %mul3A_2304 : f32 to vector<16xf32>
      %mul3A_2306 = arith.mulf %select_n3A_2303, %mul3A_2305 : vector<16xf32>
      %sub3A_2307 = arith.subf %mul3A_2306, %select_n3A_2303 : vector<16xf32>
      %sub3A_2308 = arith.subf %mul3A_2306, %sub3A_2307 : vector<16xf32>
      %mul3A_2309 = arith.mulf %sub3A_2308, %get3A_2258 : vector<16xf32>
      %add3A_2310 = arith.addf %add3A_2098, %mul3A_2309 : vector<16xf32>
      %mul3A_2311 = vector.broadcast %squeeze3A : f32 to vector<16xf32>
      %mul3A_2312 = arith.mulf %mul3A_2311, %get3A_2233 : vector<16xf32>
      %add3A_2313 = arith.addf %get3A_2253, %mul3A_2312 : vector<16xf32>
      %mul3A_2314 = vector.broadcast %squeeze3A_7 : f32 to vector<16xf32>
      %mul3A_2315 = arith.mulf %mul3A_2314, %get3A_2238 : vector<16xf32>
      %add3A_2316 = arith.addf %add3A_2313, %mul3A_2315 : vector<16xf32>
      %mul3A_2317 = vector.broadcast %squeeze3A_17 : f32 to vector<16xf32>
      %mul3A_2318 = arith.mulf %mul3A_2317, %get3A_2243 : vector<16xf32>
      %add3A_2319 = arith.addf %add3A_2316, %mul3A_2318 : vector<16xf32>
      %mul3A_2320 = vector.broadcast %squeeze3A_19 : f32 to vector<16xf32>
      %mul3A_2321 = arith.mulf %mul3A_2320, %get3A_2248 : vector<16xf32>
      %add3A_2322 = arith.addf %add3A_2319, %mul3A_2321 : vector<16xf32>
      %ge3A_2323 = arith.constant 0.000000e+00 : f32
      %ge3A_2324 = vector.broadcast %ge3A_2323 : f32 to vector<16xf32>
      %ge3A_2325 = arith.cmpf oge, %add3A_2322, %ge3A_2324 : vector<16xf32>
      %mul3A_2326 = arith.constant 0.00999999977 : f32
      %mul3A_2327 = vector.broadcast %mul3A_2326 : f32 to vector<16xf32>
      %mul3A_2328 = arith.mulf %mul3A_2327, %add3A_2322 : vector<16xf32>
      %select_n3A_2329 = arith.select %ge3A_2325, %add3A_2322, %mul3A_2328 : vector<16xi1>, vector<16xf32>
      %mul3A_2330 = arith.constant 6.553700e+04 : f32
      %mul3A_2331 = vector.broadcast %mul3A_2330 : f32 to vector<16xf32>
      %mul3A_2332 = arith.mulf %select_n3A_2329, %mul3A_2331 : vector<16xf32>
      %sub3A_2333 = arith.subf %mul3A_2332, %select_n3A_2329 : vector<16xf32>
      %sub3A_2334 = arith.subf %mul3A_2332, %sub3A_2333 : vector<16xf32>
      %mul3A_2335 = arith.mulf %sub3A_2334, %get3A_2258 : vector<16xf32>
      %add3A_2336 = arith.addf %add3A_2124, %mul3A_2335 : vector<16xf32>
      %mul3A_2337 = vector.broadcast %squeeze3A_17 : f32 to vector<16xf32>
      %mul3A_2338 = arith.mulf %mul3A_2337, %get3A_2233 : vector<16xf32>
      %add3A_2339 = arith.addf %get3A_2253, %mul3A_2338 : vector<16xf32>
      %mul3A_2340 = vector.broadcast %squeeze3A_19 : f32 to vector<16xf32>
      %mul3A_2341 = arith.mulf %mul3A_2340, %get3A_2238 : vector<16xf32>
      %add3A_2342 = arith.addf %add3A_2339, %mul3A_2341 : vector<16xf32>
      %mul3A_2343 = vector.broadcast %squeeze3A_13 : f32 to vector<16xf32>
      %mul3A_2344 = arith.mulf %mul3A_2343, %get3A_2243 : vector<16xf32>
      %add3A_2345 = arith.addf %add3A_2342, %mul3A_2344 : vector<16xf32>
      %mul3A_2346 = vector.broadcast %squeeze3A_15 : f32 to vector<16xf32>
      %mul3A_2347 = arith.mulf %mul3A_2346, %get3A_2248 : vector<16xf32>
      %add3A_2348 = arith.addf %add3A_2345, %mul3A_2347 : vector<16xf32>
      %ge3A_2349 = arith.constant 0.000000e+00 : f32
      %ge3A_2350 = vector.broadcast %ge3A_2349 : f32 to vector<16xf32>
      %ge3A_2351 = arith.cmpf oge, %add3A_2348, %ge3A_2350 : vector<16xf32>
      %mul3A_2352 = arith.constant 0.00999999977 : f32
      %mul3A_2353 = vector.broadcast %mul3A_2352 : f32 to vector<16xf32>
      %mul3A_2354 = arith.mulf %mul3A_2353, %add3A_2348 : vector<16xf32>
      %select_n3A_2355 = arith.select %ge3A_2351, %add3A_2348, %mul3A_2354 : vector<16xi1>, vector<16xf32>
      %mul3A_2356 = arith.constant 6.553700e+04 : f32
      %mul3A_2357 = vector.broadcast %mul3A_2356 : f32 to vector<16xf32>
      %mul3A_2358 = arith.mulf %select_n3A_2355, %mul3A_2357 : vector<16xf32>
      %sub3A_2359 = arith.subf %mul3A_2358, %select_n3A_2355 : vector<16xf32>
      %sub3A_2360 = arith.subf %mul3A_2358, %sub3A_2359 : vector<16xf32>
      %mul3A_2361 = arith.mulf %sub3A_2360, %get3A_2258 : vector<16xf32>
      %add3A_2362 = arith.addf %add3A_2150, %mul3A_2361 : vector<16xf32>
      %mul3A_2363 = vector.broadcast %squeeze3A_13 : f32 to vector<16xf32>
      %mul3A_2364 = arith.mulf %mul3A_2363, %get3A_2233 : vector<16xf32>
      %add3A_2365 = arith.addf %get3A_2253, %mul3A_2364 : vector<16xf32>
      %mul3A_2366 = vector.broadcast %squeeze3A_15 : f32 to vector<16xf32>
      %mul3A_2367 = arith.mulf %mul3A_2366, %get3A_2238 : vector<16xf32>
      %add3A_2368 = arith.addf %add3A_2365, %mul3A_2367 : vector<16xf32>
      %mul3A_2369 = vector.broadcast %squeeze3A_9 : f32 to vector<16xf32>
      %mul3A_2370 = arith.mulf %mul3A_2369, %get3A_2243 : vector<16xf32>
      %add3A_2371 = arith.addf %add3A_2368, %mul3A_2370 : vector<16xf32>
      %mul3A_2372 = vector.broadcast %squeeze3A_11 : f32 to vector<16xf32>
      %mul3A_2373 = arith.mulf %mul3A_2372, %get3A_2248 : vector<16xf32>
      %add3A_2374 = arith.addf %add3A_2371, %mul3A_2373 : vector<16xf32>
      %ge3A_2375 = arith.constant 0.000000e+00 : f32
      %ge3A_2376 = vector.broadcast %ge3A_2375 : f32 to vector<16xf32>
      %ge3A_2377 = arith.cmpf oge, %add3A_2374, %ge3A_2376 : vector<16xf32>
      %mul3A_2378 = arith.constant 0.00999999977 : f32
      %mul3A_2379 = vector.broadcast %mul3A_2378 : f32 to vector<16xf32>
      %mul3A_2380 = arith.mulf %mul3A_2379, %add3A_2374 : vector<16xf32>
      %select_n3A_2381 = arith.select %ge3A_2377, %add3A_2374, %mul3A_2380 : vector<16xi1>, vector<16xf32>
      %mul3A_2382 = arith.constant 6.553700e+04 : f32
      %mul3A_2383 = vector.broadcast %mul3A_2382 : f32 to vector<16xf32>
      %mul3A_2384 = arith.mulf %select_n3A_2381, %mul3A_2383 : vector<16xf32>
      %sub3A_2385 = arith.subf %mul3A_2384, %select_n3A_2381 : vector<16xf32>
      %sub3A_2386 = arith.subf %mul3A_2384, %sub3A_2385 : vector<16xf32>
      %mul3A_2387 = arith.mulf %sub3A_2386, %get3A_2258 : vector<16xf32>
      %add3A_2388 = arith.addf %add3A_2176, %mul3A_2387 : vector<16xf32>
      %mul3A_2389 = vector.broadcast %squeeze3A_13 : f32 to vector<16xf32>
      %mul3A_2390 = arith.mulf %mul3A_2389, %get3A_2233 : vector<16xf32>
      %add3A_2391 = arith.addf %get3A_2253, %mul3A_2390 : vector<16xf32>
      %mul3A_2392 = vector.broadcast %squeeze3A_15 : f32 to vector<16xf32>
      %mul3A_2393 = arith.mulf %mul3A_2392, %get3A_2238 : vector<16xf32>
      %add3A_2394 = arith.addf %add3A_2391, %mul3A_2393 : vector<16xf32>
      %mul3A_2395 = vector.broadcast %squeeze3A_21 : f32 to vector<16xf32>
      %mul3A_2396 = arith.mulf %mul3A_2395, %get3A_2243 : vector<16xf32>
      %add3A_2397 = arith.addf %add3A_2394, %mul3A_2396 : vector<16xf32>
      %mul3A_2398 = vector.broadcast %squeeze3A_23 : f32 to vector<16xf32>
      %mul3A_2399 = arith.mulf %mul3A_2398, %get3A_2248 : vector<16xf32>
      %add3A_2400 = arith.addf %add3A_2397, %mul3A_2399 : vector<16xf32>
      %ge3A_2401 = arith.constant 0.000000e+00 : f32
      %ge3A_2402 = vector.broadcast %ge3A_2401 : f32 to vector<16xf32>
      %ge3A_2403 = arith.cmpf oge, %add3A_2400, %ge3A_2402 : vector<16xf32>
      %mul3A_2404 = arith.constant 0.00999999977 : f32
      %mul3A_2405 = vector.broadcast %mul3A_2404 : f32 to vector<16xf32>
      %mul3A_2406 = arith.mulf %mul3A_2405, %add3A_2400 : vector<16xf32>
      %select_n3A_2407 = arith.select %ge3A_2403, %add3A_2400, %mul3A_2406 : vector<16xi1>, vector<16xf32>
      %mul3A_2408 = arith.constant 6.553700e+04 : f32
      %mul3A_2409 = vector.broadcast %mul3A_2408 : f32 to vector<16xf32>
      %mul3A_2410 = arith.mulf %select_n3A_2407, %mul3A_2409 : vector<16xf32>
      %sub3A_2411 = arith.subf %mul3A_2410, %select_n3A_2407 : vector<16xf32>
      %sub3A_2412 = arith.subf %mul3A_2410, %sub3A_2411 : vector<16xf32>
      %mul3A_2413 = arith.mulf %sub3A_2412, %get3A_2258 : vector<16xf32>
      %add3A_2414 = arith.addf %add3A_2202, %mul3A_2413 : vector<16xf32>
      %mul3A_2415 = vector.broadcast %squeeze3A_21 : f32 to vector<16xf32>
      %mul3A_2416 = arith.mulf %mul3A_2415, %get3A_2233 : vector<16xf32>
      %add3A_2417 = arith.addf %get3A_2253, %mul3A_2416 : vector<16xf32>
      %mul3A_2418 = vector.broadcast %squeeze3A_23 : f32 to vector<16xf32>
      %mul3A_2419 = arith.mulf %mul3A_2418, %get3A_2238 : vector<16xf32>
      %add3A_2420 = arith.addf %add3A_2417, %mul3A_2419 : vector<16xf32>
      %mul3A_2421 = vector.broadcast %squeeze3A_9 : f32 to vector<16xf32>
      %mul3A_2422 = arith.mulf %mul3A_2421, %get3A_2243 : vector<16xf32>
      %add3A_2423 = arith.addf %add3A_2420, %mul3A_2422 : vector<16xf32>
      %mul3A_2424 = vector.broadcast %squeeze3A_11 : f32 to vector<16xf32>
      %mul3A_2425 = arith.mulf %mul3A_2424, %get3A_2248 : vector<16xf32>
      %add3A_2426 = arith.addf %add3A_2423, %mul3A_2425 : vector<16xf32>
      %ge3A_2427 = arith.constant 0.000000e+00 : f32
      %ge3A_2428 = vector.broadcast %ge3A_2427 : f32 to vector<16xf32>
      %ge3A_2429 = arith.cmpf oge, %add3A_2426, %ge3A_2428 : vector<16xf32>
      %mul3A_2430 = arith.constant 0.00999999977 : f32
      %mul3A_2431 = vector.broadcast %mul3A_2430 : f32 to vector<16xf32>
      %mul3A_2432 = arith.mulf %mul3A_2431, %add3A_2426 : vector<16xf32>
      %select_n3A_2433 = arith.select %ge3A_2429, %add3A_2426, %mul3A_2432 : vector<16xi1>, vector<16xf32>
      %mul3A_2434 = arith.constant 6.553700e+04 : f32
      %mul3A_2435 = vector.broadcast %mul3A_2434 : f32 to vector<16xf32>
      %mul3A_2436 = arith.mulf %select_n3A_2433, %mul3A_2435 : vector<16xf32>
      %sub3A_2437 = arith.subf %mul3A_2436, %select_n3A_2433 : vector<16xf32>
      %sub3A_2438 = arith.subf %mul3A_2436, %sub3A_2437 : vector<16xf32>
      %mul3A_2439 = arith.mulf %sub3A_2438, %get3A_2258 : vector<16xf32>
      %add3A_2440 = arith.addf %add3A_2228, %mul3A_2439 : vector<16xf32>
      %get3A_2441 = arith.constant 0 : i32
      %get3A_2442 = arith.index_cast %get3A_2441 : i32 to index
      %get3A_2443 = arith.constant 176 : index
      %get3A_2444 = tpu.vector_load %arg9[%get3A_2442, %get3A_2443] {strides = array<i32>} : memref<6x256xf32, #tpu.memory_space<vmem>>, vector<1x16xf32>,
      %get3A_2445 = vector.shape_cast %get3A_2444 : vector<1x16xf32> to vector<16xf32>
      %get3A_2446 = arith.constant 1 : i32
      %get3A_2447 = arith.index_cast %get3A_2446 : i32 to index
      %get3A_2448 = arith.constant 176 : index
      %get3A_2449 = tpu.vector_load %arg9[%get3A_2447, %get3A_2448] {strides = array<i32>} : memref<6x256xf32, #tpu.memory_space<vmem>>, vector<1x16xf32>,
      %get3A_2450 = vector.shape_cast %get3A_2449 : vector<1x16xf32> to vector<16xf32>
      %get3A_2451 = arith.constant 2 : i32
      %get3A_2452 = arith.index_cast %get3A_2451 : i32 to index
      %get3A_2453 = arith.constant 176 : index
      %get3A_2454 = tpu.vector_load %arg9[%get3A_2452, %get3A_2453] {strides = array<i32>} : memref<6x256xf32, #tpu.memory_space<vmem>>, vector<1x16xf32>,
      %get3A_2455 = vector.shape_cast %get3A_2454 : vector<1x16xf32> to vector<16xf32>
      %get3A_2456 = arith.constant 3 : i32
      %get3A_2457 = arith.index_cast %get3A_2456 : i32 to index
      %get3A_2458 = arith.constant 176 : index
      %get3A_2459 = tpu.vector_load %arg9[%get3A_2457, %get3A_2458] {strides = array<i32>} : memref<6x256xf32, #tpu.memory_space<vmem>>, vector<1x16xf32>,
      %get3A_2460 = vector.shape_cast %get3A_2459 : vector<1x16xf32> to vector<16xf32>
      %get3A_2461 = arith.constant 4 : i32
      %get3A_2462 = arith.index_cast %get3A_2461 : i32 to index
      %get3A_2463 = arith.constant 176 : index
      %get3A_2464 = tpu.vector_load %arg9[%get3A_2462, %get3A_2463] {strides = array<i32>} : memref<6x256xf32, #tpu.memory_space<vmem>>, vector<1x16xf32>,
      %get3A_2465 = vector.shape_cast %get3A_2464 : vector<1x16xf32> to vector<16xf32>
      %get3A_2466 = arith.constant 5 : i32
      %get3A_2467 = arith.index_cast %get3A_2466 : i32 to index
      %get3A_2468 = arith.constant 176 : index
      %get3A_2469 = tpu.vector_load %arg9[%get3A_2467, %get3A_2468] {strides = array<i32>} : memref<6x256xf32, #tpu.memory_space<vmem>>, vector<1x16xf32>,
      %get3A_2470 = vector.shape_cast %get3A_2469 : vector<1x16xf32> to vector<16xf32>
      %mul3A_2471 = vector.broadcast %squeeze3A : f32 to vector<16xf32>
      %mul3A_2472 = arith.mulf %mul3A_2471, %get3A_2445 : vector<16xf32>
      %add3A_2473 = arith.addf %get3A_2465, %mul3A_2472 : vector<16xf32>
      %mul3A_2474 = vector.broadcast %squeeze3A_7 : f32 to vector<16xf32>
      %mul3A_2475 = arith.mulf %mul3A_2474, %get3A_2450 : vector<16xf32>
      %add3A_2476 = arith.addf %add3A_2473, %mul3A_2475 : vector<16xf32>
      %mul3A_2477 = vector.broadcast %squeeze3A_9 : f32 to vector<16xf32>
      %mul3A_2478 = arith.mulf %mul3A_2477, %get3A_2455 : vector<16xf32>
      %add3A_2479 = arith.addf %add3A_2476, %mul3A_2478 : vector<16xf32>
      %mul3A_2480 = vector.broadcast %squeeze3A_11 : f32 to vector<16xf32>
      %mul3A_2481 = arith.mulf %mul3A_2480, %get3A_2460 : vector<16xf32>
      %add3A_2482 = arith.addf %add3A_2479, %mul3A_2481 : vector<16xf32>
      %ge3A_2483 = arith.constant 0.000000e+00 : f32
      %ge3A_2484 = vector.broadcast %ge3A_2483 : f32 to vector<16xf32>
      %ge3A_2485 = arith.cmpf oge, %add3A_2482, %ge3A_2484 : vector<16xf32>
      %mul3A_2486 = arith.constant 0.00999999977 : f32
      %mul3A_2487 = vector.broadcast %mul3A_2486 : f32 to vector<16xf32>
      %mul3A_2488 = arith.mulf %mul3A_2487, %add3A_2482 : vector<16xf32>
      %select_n3A_2489 = arith.select %ge3A_2485, %add3A_2482, %mul3A_2488 : vector<16xi1>, vector<16xf32>
      %mul3A_2490 = arith.constant 6.553700e+04 : f32
      %mul3A_2491 = vector.broadcast %mul3A_2490 : f32 to vector<16xf32>
      %mul3A_2492 = arith.mulf %select_n3A_2489, %mul3A_2491 : vector<16xf32>
      %sub3A_2493 = arith.subf %mul3A_2492, %select_n3A_2489 : vector<16xf32>
      %sub3A_2494 = arith.subf %mul3A_2492, %sub3A_2493 : vector<16xf32>
      %mul3A_2495 = arith.mulf %sub3A_2494, %get3A_2470 : vector<16xf32>
      %add3A_2496 = arith.addf %add3A_2284, %mul3A_2495 : vector<16xf32>
      %mul3A_2497 = vector.broadcast %squeeze3A : f32 to vector<16xf32>
      %mul3A_2498 = arith.mulf %mul3A_2497, %get3A_2445 : vector<16xf32>
      %add3A_2499 = arith.addf %get3A_2465, %mul3A_2498 : vector<16xf32>
      %mul3A_2500 = vector.broadcast %squeeze3A_7 : f32 to vector<16xf32>
      %mul3A_2501 = arith.mulf %mul3A_2500, %get3A_2450 : vector<16xf32>
      %add3A_2502 = arith.addf %add3A_2499, %mul3A_2501 : vector<16xf32>
      %mul3A_2503 = vector.broadcast %squeeze3A_13 : f32 to vector<16xf32>
      %mul3A_2504 = arith.mulf %mul3A_2503, %get3A_2455 : vector<16xf32>
      %add3A_2505 = arith.addf %add3A_2502, %mul3A_2504 : vector<16xf32>
      %mul3A_2506 = vector.broadcast %squeeze3A_15 : f32 to vector<16xf32>
      %mul3A_2507 = arith.mulf %mul3A_2506, %get3A_2460 : vector<16xf32>
      %add3A_2508 = arith.addf %add3A_2505, %mul3A_2507 : vector<16xf32>
      %ge3A_2509 = arith.constant 0.000000e+00 : f32
      %ge3A_2510 = vector.broadcast %ge3A_2509 : f32 to vector<16xf32>
      %ge3A_2511 = arith.cmpf oge, %add3A_2508, %ge3A_2510 : vector<16xf32>
      %mul3A_2512 = arith.constant 0.00999999977 : f32
      %mul3A_2513 = vector.broadcast %mul3A_2512 : f32 to vector<16xf32>
      %mul3A_2514 = arith.mulf %mul3A_2513, %add3A_2508 : vector<16xf32>
      %select_n3A_2515 = arith.select %ge3A_2511, %add3A_2508, %mul3A_2514 : vector<16xi1>, vector<16xf32>
      %mul3A_2516 = arith.constant 6.553700e+04 : f32
      %mul3A_2517 = vector.broadcast %mul3A_2516 : f32 to vector<16xf32>
      %mul3A_2518 = arith.mulf %select_n3A_2515, %mul3A_2517 : vector<16xf32>
      %sub3A_2519 = arith.subf %mul3A_2518, %select_n3A_2515 : vector<16xf32>
      %sub3A_2520 = arith.subf %mul3A_2518, %sub3A_2519 : vector<16xf32>
      %mul3A_2521 = arith.mulf %sub3A_2520, %get3A_2470 : vector<16xf32>
      %add3A_2522 = arith.addf %add3A_2310, %mul3A_2521 : vector<16xf32>
      %mul3A_2523 = vector.broadcast %squeeze3A : f32 to vector<16xf32>
      %mul3A_2524 = arith.mulf %mul3A_2523, %get3A_2445 : vector<16xf32>
      %add3A_2525 = arith.addf %get3A_2465, %mul3A_2524 : vector<16xf32>
      %mul3A_2526 = vector.broadcast %squeeze3A_7 : f32 to vector<16xf32>
      %mul3A_2527 = arith.mulf %mul3A_2526, %get3A_2450 : vector<16xf32>
      %add3A_2528 = arith.addf %add3A_2525, %mul3A_2527 : vector<16xf32>
      %mul3A_2529 = vector.broadcast %squeeze3A_17 : f32 to vector<16xf32>
      %mul3A_2530 = arith.mulf %mul3A_2529, %get3A_2455 : vector<16xf32>
      %add3A_2531 = arith.addf %add3A_2528, %mul3A_2530 : vector<16xf32>
      %mul3A_2532 = vector.broadcast %squeeze3A_19 : f32 to vector<16xf32>
      %mul3A_2533 = arith.mulf %mul3A_2532, %get3A_2460 : vector<16xf32>
      %add3A_2534 = arith.addf %add3A_2531, %mul3A_2533 : vector<16xf32>
      %ge3A_2535 = arith.constant 0.000000e+00 : f32
      %ge3A_2536 = vector.broadcast %ge3A_2535 : f32 to vector<16xf32>
      %ge3A_2537 = arith.cmpf oge, %add3A_2534, %ge3A_2536 : vector<16xf32>
      %mul3A_2538 = arith.constant 0.00999999977 : f32
      %mul3A_2539 = vector.broadcast %mul3A_2538 : f32 to vector<16xf32>
      %mul3A_2540 = arith.mulf %mul3A_2539, %add3A_2534 : vector<16xf32>
      %select_n3A_2541 = arith.select %ge3A_2537, %add3A_2534, %mul3A_2540 : vector<16xi1>, vector<16xf32>
      %mul3A_2542 = arith.constant 6.553700e+04 : f32
      %mul3A_2543 = vector.broadcast %mul3A_2542 : f32 to vector<16xf32>
      %mul3A_2544 = arith.mulf %select_n3A_2541, %mul3A_2543 : vector<16xf32>
      %sub3A_2545 = arith.subf %mul3A_2544, %select_n3A_2541 : vector<16xf32>
      %sub3A_2546 = arith.subf %mul3A_2544, %sub3A_2545 : vector<16xf32>
      %mul3A_2547 = arith.mulf %sub3A_2546, %get3A_2470 : vector<16xf32>
      %add3A_2548 = arith.addf %add3A_2336, %mul3A_2547 : vector<16xf32>
      %mul3A_2549 = vector.broadcast %squeeze3A_17 : f32 to vector<16xf32>
      %mul3A_2550 = arith.mulf %mul3A_2549, %get3A_2445 : vector<16xf32>
      %add3A_2551 = arith.addf %get3A_2465, %mul3A_2550 : vector<16xf32>
      %mul3A_2552 = vector.broadcast %squeeze3A_19 : f32 to vector<16xf32>
      %mul3A_2553 = arith.mulf %mul3A_2552, %get3A_2450 : vector<16xf32>
      %add3A_2554 = arith.addf %add3A_2551, %mul3A_2553 : vector<16xf32>
      %mul3A_2555 = vector.broadcast %squeeze3A_13 : f32 to vector<16xf32>
      %mul3A_2556 = arith.mulf %mul3A_2555, %get3A_2455 : vector<16xf32>
      %add3A_2557 = arith.addf %add3A_2554, %mul3A_2556 : vector<16xf32>
      %mul3A_2558 = vector.broadcast %squeeze3A_15 : f32 to vector<16xf32>
      %mul3A_2559 = arith.mulf %mul3A_2558, %get3A_2460 : vector<16xf32>
      %add3A_2560 = arith.addf %add3A_2557, %mul3A_2559 : vector<16xf32>
      %ge3A_2561 = arith.constant 0.000000e+00 : f32
      %ge3A_2562 = vector.broadcast %ge3A_2561 : f32 to vector<16xf32>
      %ge3A_2563 = arith.cmpf oge, %add3A_2560, %ge3A_2562 : vector<16xf32>
      %mul3A_2564 = arith.constant 0.00999999977 : f32
      %mul3A_2565 = vector.broadcast %mul3A_2564 : f32 to vector<16xf32>
      %mul3A_2566 = arith.mulf %mul3A_2565, %add3A_2560 : vector<16xf32>
      %select_n3A_2567 = arith.select %ge3A_2563, %add3A_2560, %mul3A_2566 : vector<16xi1>, vector<16xf32>
      %mul3A_2568 = arith.constant 6.553700e+04 : f32
      %mul3A_2569 = vector.broadcast %mul3A_2568 : f32 to vector<16xf32>
      %mul3A_2570 = arith.mulf %select_n3A_2567, %mul3A_2569 : vector<16xf32>
      %sub3A_2571 = arith.subf %mul3A_2570, %select_n3A_2567 : vector<16xf32>
      %sub3A_2572 = arith.subf %mul3A_2570, %sub3A_2571 : vector<16xf32>
      %mul3A_2573 = arith.mulf %sub3A_2572, %get3A_2470 : vector<16xf32>
      %add3A_2574 = arith.addf %add3A_2362, %mul3A_2573 : vector<16xf32>
      %mul3A_2575 = vector.broadcast %squeeze3A_13 : f32 to vector<16xf32>
      %mul3A_2576 = arith.mulf %mul3A_2575, %get3A_2445 : vector<16xf32>
      %add3A_2577 = arith.addf %get3A_2465, %mul3A_2576 : vector<16xf32>
      %mul3A_2578 = vector.broadcast %squeeze3A_15 : f32 to vector<16xf32>
      %mul3A_2579 = arith.mulf %mul3A_2578, %get3A_2450 : vector<16xf32>
      %add3A_2580 = arith.addf %add3A_2577, %mul3A_2579 : vector<16xf32>
      %mul3A_2581 = vector.broadcast %squeeze3A_9 : f32 to vector<16xf32>
      %mul3A_2582 = arith.mulf %mul3A_2581, %get3A_2455 : vector<16xf32>
      %add3A_2583 = arith.addf %add3A_2580, %mul3A_2582 : vector<16xf32>
      %mul3A_2584 = vector.broadcast %squeeze3A_11 : f32 to vector<16xf32>
      %mul3A_2585 = arith.mulf %mul3A_2584, %get3A_2460 : vector<16xf32>
      %add3A_2586 = arith.addf %add3A_2583, %mul3A_2585 : vector<16xf32>
      %ge3A_2587 = arith.constant 0.000000e+00 : f32
      %ge3A_2588 = vector.broadcast %ge3A_2587 : f32 to vector<16xf32>
      %ge3A_2589 = arith.cmpf oge, %add3A_2586, %ge3A_2588 : vector<16xf32>
      %mul3A_2590 = arith.constant 0.00999999977 : f32
      %mul3A_2591 = vector.broadcast %mul3A_2590 : f32 to vector<16xf32>
      %mul3A_2592 = arith.mulf %mul3A_2591, %add3A_2586 : vector<16xf32>
      %select_n3A_2593 = arith.select %ge3A_2589, %add3A_2586, %mul3A_2592 : vector<16xi1>, vector<16xf32>
      %mul3A_2594 = arith.constant 6.553700e+04 : f32
      %mul3A_2595 = vector.broadcast %mul3A_2594 : f32 to vector<16xf32>
      %mul3A_2596 = arith.mulf %select_n3A_2593, %mul3A_2595 : vector<16xf32>
      %sub3A_2597 = arith.subf %mul3A_2596, %select_n3A_2593 : vector<16xf32>
      %sub3A_2598 = arith.subf %mul3A_2596, %sub3A_2597 : vector<16xf32>
      %mul3A_2599 = arith.mulf %sub3A_2598, %get3A_2470 : vector<16xf32>
      %add3A_2600 = arith.addf %add3A_2388, %mul3A_2599 : vector<16xf32>
      %mul3A_2601 = vector.broadcast %squeeze3A_13 : f32 to vector<16xf32>
      %mul3A_2602 = arith.mulf %mul3A_2601, %get3A_2445 : vector<16xf32>
      %add3A_2603 = arith.addf %get3A_2465, %mul3A_2602 : vector<16xf32>
      %mul3A_2604 = vector.broadcast %squeeze3A_15 : f32 to vector<16xf32>
      %mul3A_2605 = arith.mulf %mul3A_2604, %get3A_2450 : vector<16xf32>
      %add3A_2606 = arith.addf %add3A_2603, %mul3A_2605 : vector<16xf32>
      %mul3A_2607 = vector.broadcast %squeeze3A_21 : f32 to vector<16xf32>
      %mul3A_2608 = arith.mulf %mul3A_2607, %get3A_2455 : vector<16xf32>
      %add3A_2609 = arith.addf %add3A_2606, %mul3A_2608 : vector<16xf32>
      %mul3A_2610 = vector.broadcast %squeeze3A_23 : f32 to vector<16xf32>
      %mul3A_2611 = arith.mulf %mul3A_2610, %get3A_2460 : vector<16xf32>
      %add3A_2612 = arith.addf %add3A_2609, %mul3A_2611 : vector<16xf32>
      %ge3A_2613 = arith.constant 0.000000e+00 : f32
      %ge3A_2614 = vector.broadcast %ge3A_2613 : f32 to vector<16xf32>
      %ge3A_2615 = arith.cmpf oge, %add3A_2612, %ge3A_2614 : vector<16xf32>
      %mul3A_2616 = arith.constant 0.00999999977 : f32
      %mul3A_2617 = vector.broadcast %mul3A_2616 : f32 to vector<16xf32>
      %mul3A_2618 = arith.mulf %mul3A_2617, %add3A_2612 : vector<16xf32>
      %select_n3A_2619 = arith.select %ge3A_2615, %add3A_2612, %mul3A_2618 : vector<16xi1>, vector<16xf32>
      %mul3A_2620 = arith.constant 6.553700e+04 : f32
      %mul3A_2621 = vector.broadcast %mul3A_2620 : f32 to vector<16xf32>
      %mul3A_2622 = arith.mulf %select_n3A_2619, %mul3A_2621 : vector<16xf32>
      %sub3A_2623 = arith.subf %mul3A_2622, %select_n3A_2619 : vector<16xf32>
      %sub3A_2624 = arith.subf %mul3A_2622, %sub3A_2623 : vector<16xf32>
      %mul3A_2625 = arith.mulf %sub3A_2624, %get3A_2470 : vector<16xf32>
      %add3A_2626 = arith.addf %add3A_2414, %mul3A_2625 : vector<16xf32>
      %mul3A_2627 = vector.broadcast %squeeze3A_21 : f32 to vector<16xf32>
      %mul3A_2628 = arith.mulf %mul3A_2627, %get3A_2445 : vector<16xf32>
      %add3A_2629 = arith.addf %get3A_2465, %mul3A_2628 : vector<16xf32>
      %mul3A_2630 = vector.broadcast %squeeze3A_23 : f32 to vector<16xf32>
      %mul3A_2631 = arith.mulf %mul3A_2630, %get3A_2450 : vector<16xf32>
      %add3A_2632 = arith.addf %add3A_2629, %mul3A_2631 : vector<16xf32>
      %mul3A_2633 = vector.broadcast %squeeze3A_9 : f32 to vector<16xf32>
      %mul3A_2634 = arith.mulf %mul3A_2633, %get3A_2455 : vector<16xf32>
      %add3A_2635 = arith.addf %add3A_2632, %mul3A_2634 : vector<16xf32>
      %mul3A_2636 = vector.broadcast %squeeze3A_11 : f32 to vector<16xf32>
      %mul3A_2637 = arith.mulf %mul3A_2636, %get3A_2460 : vector<16xf32>
      %add3A_2638 = arith.addf %add3A_2635, %mul3A_2637 : vector<16xf32>
      %ge3A_2639 = arith.constant 0.000000e+00 : f32
      %ge3A_2640 = vector.broadcast %ge3A_2639 : f32 to vector<16xf32>
      %ge3A_2641 = arith.cmpf oge, %add3A_2638, %ge3A_2640 : vector<16xf32>
      %mul3A_2642 = arith.constant 0.00999999977 : f32
      %mul3A_2643 = vector.broadcast %mul3A_2642 : f32 to vector<16xf32>
      %mul3A_2644 = arith.mulf %mul3A_2643, %add3A_2638 : vector<16xf32>
      %select_n3A_2645 = arith.select %ge3A_2641, %add3A_2638, %mul3A_2644 : vector<16xi1>, vector<16xf32>
      %mul3A_2646 = arith.constant 6.553700e+04 : f32
      %mul3A_2647 = vector.broadcast %mul3A_2646 : f32 to vector<16xf32>
      %mul3A_2648 = arith.mulf %select_n3A_2645, %mul3A_2647 : vector<16xf32>
      %sub3A_2649 = arith.subf %mul3A_2648, %select_n3A_2645 : vector<16xf32>
      %sub3A_2650 = arith.subf %mul3A_2648, %sub3A_2649 : vector<16xf32>
      %mul3A_2651 = arith.mulf %sub3A_2650, %get3A_2470 : vector<16xf32>
      %add3A_2652 = arith.addf %add3A_2440, %mul3A_2651 : vector<16xf32>
      %get3A_2653 = arith.constant 0 : i32
      %get3A_2654 = arith.index_cast %get3A_2653 : i32 to index
      %get3A_2655 = arith.constant 192 : index
      %get3A_2656 = tpu.vector_load %arg9[%get3A_2654, %get3A_2655] {strides = array<i32>} : memref<6x256xf32, #tpu.memory_space<vmem>>, vector<1x16xf32>,
      %get3A_2657 = vector.shape_cast %get3A_2656 : vector<1x16xf32> to vector<16xf32>
      %get3A_2658 = arith.constant 1 : i32
      %get3A_2659 = arith.index_cast %get3A_2658 : i32 to index
      %get3A_2660 = arith.constant 192 : index
      %get3A_2661 = tpu.vector_load %arg9[%get3A_2659, %get3A_2660] {strides = array<i32>} : memref<6x256xf32, #tpu.memory_space<vmem>>, vector<1x16xf32>,
      %get3A_2662 = vector.shape_cast %get3A_2661 : vector<1x16xf32> to vector<16xf32>
      %get3A_2663 = arith.constant 2 : i32
      %get3A_2664 = arith.index_cast %get3A_2663 : i32 to index
      %get3A_2665 = arith.constant 192 : index
      %get3A_2666 = tpu.vector_load %arg9[%get3A_2664, %get3A_2665] {strides = array<i32>} : memref<6x256xf32, #tpu.memory_space<vmem>>, vector<1x16xf32>,
      %get3A_2667 = vector.shape_cast %get3A_2666 : vector<1x16xf32> to vector<16xf32>
      %get3A_2668 = arith.constant 3 : i32
      %get3A_2669 = arith.index_cast %get3A_2668 : i32 to index
      %get3A_2670 = arith.constant 192 : index
      %get3A_2671 = tpu.vector_load %arg9[%get3A_2669, %get3A_2670] {strides = array<i32>} : memref<6x256xf32, #tpu.memory_space<vmem>>, vector<1x16xf32>,
      %get3A_2672 = vector.shape_cast %get3A_2671 : vector<1x16xf32> to vector<16xf32>
      %get3A_2673 = arith.constant 4 : i32
      %get3A_2674 = arith.index_cast %get3A_2673 : i32 to index
      %get3A_2675 = arith.constant 192 : index
      %get3A_2676 = tpu.vector_load %arg9[%get3A_2674, %get3A_2675] {strides = array<i32>} : memref<6x256xf32, #tpu.memory_space<vmem>>, vector<1x16xf32>,
      %get3A_2677 = vector.shape_cast %get3A_2676 : vector<1x16xf32> to vector<16xf32>
      %get3A_2678 = arith.constant 5 : i32
      %get3A_2679 = arith.index_cast %get3A_2678 : i32 to index
      %get3A_2680 = arith.constant 192 : index
      %get3A_2681 = tpu.vector_load %arg9[%get3A_2679, %get3A_2680] {strides = array<i32>} : memref<6x256xf32, #tpu.memory_space<vmem>>, vector<1x16xf32>,
      %get3A_2682 = vector.shape_cast %get3A_2681 : vector<1x16xf32> to vector<16xf32>
      %mul3A_2683 = vector.broadcast %squeeze3A : f32 to vector<16xf32>
      %mul3A_2684 = arith.mulf %mul3A_2683, %get3A_2657 : vector<16xf32>
      %add3A_2685 = arith.addf %get3A_2677, %mul3A_2684 : vector<16xf32>
      %mul3A_2686 = vector.broadcast %squeeze3A_7 : f32 to vector<16xf32>
      %mul3A_2687 = arith.mulf %mul3A_2686, %get3A_2662 : vector<16xf32>
      %add3A_2688 = arith.addf %add3A_2685, %mul3A_2687 : vector<16xf32>
      %mul3A_2689 = vector.broadcast %squeeze3A_9 : f32 to vector<16xf32>
      %mul3A_2690 = arith.mulf %mul3A_2689, %get3A_2667 : vector<16xf32>
      %add3A_2691 = arith.addf %add3A_2688, %mul3A_2690 : vector<16xf32>
      %mul3A_2692 = vector.broadcast %squeeze3A_11 : f32 to vector<16xf32>
      %mul3A_2693 = arith.mulf %mul3A_2692, %get3A_2672 : vector<16xf32>
      %add3A_2694 = arith.addf %add3A_2691, %mul3A_2693 : vector<16xf32>
      %ge3A_2695 = arith.constant 0.000000e+00 : f32
      %ge3A_2696 = vector.broadcast %ge3A_2695 : f32 to vector<16xf32>
      %ge3A_2697 = arith.cmpf oge, %add3A_2694, %ge3A_2696 : vector<16xf32>
      %mul3A_2698 = arith.constant 0.00999999977 : f32
      %mul3A_2699 = vector.broadcast %mul3A_2698 : f32 to vector<16xf32>
      %mul3A_2700 = arith.mulf %mul3A_2699, %add3A_2694 : vector<16xf32>
      %select_n3A_2701 = arith.select %ge3A_2697, %add3A_2694, %mul3A_2700 : vector<16xi1>, vector<16xf32>
      %mul3A_2702 = arith.constant 6.553700e+04 : f32
      %mul3A_2703 = vector.broadcast %mul3A_2702 : f32 to vector<16xf32>
      %mul3A_2704 = arith.mulf %select_n3A_2701, %mul3A_2703 : vector<16xf32>
      %sub3A_2705 = arith.subf %mul3A_2704, %select_n3A_2701 : vector<16xf32>
      %sub3A_2706 = arith.subf %mul3A_2704, %sub3A_2705 : vector<16xf32>
      %mul3A_2707 = arith.mulf %sub3A_2706, %get3A_2682 : vector<16xf32>
      %add3A_2708 = arith.addf %add3A_2496, %mul3A_2707 : vector<16xf32>
      %mul3A_2709 = vector.broadcast %squeeze3A : f32 to vector<16xf32>
      %mul3A_2710 = arith.mulf %mul3A_2709, %get3A_2657 : vector<16xf32>
      %add3A_2711 = arith.addf %get3A_2677, %mul3A_2710 : vector<16xf32>
      %mul3A_2712 = vector.broadcast %squeeze3A_7 : f32 to vector<16xf32>
      %mul3A_2713 = arith.mulf %mul3A_2712, %get3A_2662 : vector<16xf32>
      %add3A_2714 = arith.addf %add3A_2711, %mul3A_2713 : vector<16xf32>
      %mul3A_2715 = vector.broadcast %squeeze3A_13 : f32 to vector<16xf32>
      %mul3A_2716 = arith.mulf %mul3A_2715, %get3A_2667 : vector<16xf32>
      %add3A_2717 = arith.addf %add3A_2714, %mul3A_2716 : vector<16xf32>
      %mul3A_2718 = vector.broadcast %squeeze3A_15 : f32 to vector<16xf32>
      %mul3A_2719 = arith.mulf %mul3A_2718, %get3A_2672 : vector<16xf32>
      %add3A_2720 = arith.addf %add3A_2717, %mul3A_2719 : vector<16xf32>
      %ge3A_2721 = arith.constant 0.000000e+00 : f32
      %ge3A_2722 = vector.broadcast %ge3A_2721 : f32 to vector<16xf32>
      %ge3A_2723 = arith.cmpf oge, %add3A_2720, %ge3A_2722 : vector<16xf32>
      %mul3A_2724 = arith.constant 0.00999999977 : f32
      %mul3A_2725 = vector.broadcast %mul3A_2724 : f32 to vector<16xf32>
      %mul3A_2726 = arith.mulf %mul3A_2725, %add3A_2720 : vector<16xf32>
      %select_n3A_2727 = arith.select %ge3A_2723, %add3A_2720, %mul3A_2726 : vector<16xi1>, vector<16xf32>
      %mul3A_2728 = arith.constant 6.553700e+04 : f32
      %mul3A_2729 = vector.broadcast %mul3A_2728 : f32 to vector<16xf32>
      %mul3A_2730 = arith.mulf %select_n3A_2727, %mul3A_2729 : vector<16xf32>
      %sub3A_2731 = arith.subf %mul3A_2730, %select_n3A_2727 : vector<16xf32>
      %sub3A_2732 = arith.subf %mul3A_2730, %sub3A_2731 : vector<16xf32>
      %mul3A_2733 = arith.mulf %sub3A_2732, %get3A_2682 : vector<16xf32>
      %add3A_2734 = arith.addf %add3A_2522, %mul3A_2733 : vector<16xf32>
      %mul3A_2735 = vector.broadcast %squeeze3A : f32 to vector<16xf32>
      %mul3A_2736 = arith.mulf %mul3A_2735, %get3A_2657 : vector<16xf32>
      %add3A_2737 = arith.addf %get3A_2677, %mul3A_2736 : vector<16xf32>
      %mul3A_2738 = vector.broadcast %squeeze3A_7 : f32 to vector<16xf32>
      %mul3A_2739 = arith.mulf %mul3A_2738, %get3A_2662 : vector<16xf32>
      %add3A_2740 = arith.addf %add3A_2737, %mul3A_2739 : vector<16xf32>
      %mul3A_2741 = vector.broadcast %squeeze3A_17 : f32 to vector<16xf32>
      %mul3A_2742 = arith.mulf %mul3A_2741, %get3A_2667 : vector<16xf32>
      %add3A_2743 = arith.addf %add3A_2740, %mul3A_2742 : vector<16xf32>
      %mul3A_2744 = vector.broadcast %squeeze3A_19 : f32 to vector<16xf32>
      %mul3A_2745 = arith.mulf %mul3A_2744, %get3A_2672 : vector<16xf32>
      %add3A_2746 = arith.addf %add3A_2743, %mul3A_2745 : vector<16xf32>
      %ge3A_2747 = arith.constant 0.000000e+00 : f32
      %ge3A_2748 = vector.broadcast %ge3A_2747 : f32 to vector<16xf32>
      %ge3A_2749 = arith.cmpf oge, %add3A_2746, %ge3A_2748 : vector<16xf32>
      %mul3A_2750 = arith.constant 0.00999999977 : f32
      %mul3A_2751 = vector.broadcast %mul3A_2750 : f32 to vector<16xf32>
      %mul3A_2752 = arith.mulf %mul3A_2751, %add3A_2746 : vector<16xf32>
      %select_n3A_2753 = arith.select %ge3A_2749, %add3A_2746, %mul3A_2752 : vector<16xi1>, vector<16xf32>
      %mul3A_2754 = arith.constant 6.553700e+04 : f32
      %mul3A_2755 = vector.broadcast %mul3A_2754 : f32 to vector<16xf32>
      %mul3A_2756 = arith.mulf %select_n3A_2753, %mul3A_2755 : vector<16xf32>
      %sub3A_2757 = arith.subf %mul3A_2756, %select_n3A_2753 : vector<16xf32>
      %sub3A_2758 = arith.subf %mul3A_2756, %sub3A_2757 : vector<16xf32>
      %mul3A_2759 = arith.mulf %sub3A_2758, %get3A_2682 : vector<16xf32>
      %add3A_2760 = arith.addf %add3A_2548, %mul3A_2759 : vector<16xf32>
      %mul3A_2761 = vector.broadcast %squeeze3A_17 : f32 to vector<16xf32>
      %mul3A_2762 = arith.mulf %mul3A_2761, %get3A_2657 : vector<16xf32>
      %add3A_2763 = arith.addf %get3A_2677, %mul3A_2762 : vector<16xf32>
      %mul3A_2764 = vector.broadcast %squeeze3A_19 : f32 to vector<16xf32>
      %mul3A_2765 = arith.mulf %mul3A_2764, %get3A_2662 : vector<16xf32>
      %add3A_2766 = arith.addf %add3A_2763, %mul3A_2765 : vector<16xf32>
      %mul3A_2767 = vector.broadcast %squeeze3A_13 : f32 to vector<16xf32>
      %mul3A_2768 = arith.mulf %mul3A_2767, %get3A_2667 : vector<16xf32>
      %add3A_2769 = arith.addf %add3A_2766, %mul3A_2768 : vector<16xf32>
      %mul3A_2770 = vector.broadcast %squeeze3A_15 : f32 to vector<16xf32>
      %mul3A_2771 = arith.mulf %mul3A_2770, %get3A_2672 : vector<16xf32>
      %add3A_2772 = arith.addf %add3A_2769, %mul3A_2771 : vector<16xf32>
      %ge3A_2773 = arith.constant 0.000000e+00 : f32
      %ge3A_2774 = vector.broadcast %ge3A_2773 : f32 to vector<16xf32>
      %ge3A_2775 = arith.cmpf oge, %add3A_2772, %ge3A_2774 : vector<16xf32>
      %mul3A_2776 = arith.constant 0.00999999977 : f32
      %mul3A_2777 = vector.broadcast %mul3A_2776 : f32 to vector<16xf32>
      %mul3A_2778 = arith.mulf %mul3A_2777, %add3A_2772 : vector<16xf32>
      %select_n3A_2779 = arith.select %ge3A_2775, %add3A_2772, %mul3A_2778 : vector<16xi1>, vector<16xf32>
      %mul3A_2780 = arith.constant 6.553700e+04 : f32
      %mul3A_2781 = vector.broadcast %mul3A_2780 : f32 to vector<16xf32>
      %mul3A_2782 = arith.mulf %select_n3A_2779, %mul3A_2781 : vector<16xf32>
      %sub3A_2783 = arith.subf %mul3A_2782, %select_n3A_2779 : vector<16xf32>
      %sub3A_2784 = arith.subf %mul3A_2782, %sub3A_2783 : vector<16xf32>
      %mul3A_2785 = arith.mulf %sub3A_2784, %get3A_2682 : vector<16xf32>
      %add3A_2786 = arith.addf %add3A_2574, %mul3A_2785 : vector<16xf32>
      %mul3A_2787 = vector.broadcast %squeeze3A_13 : f32 to vector<16xf32>
      %mul3A_2788 = arith.mulf %mul3A_2787, %get3A_2657 : vector<16xf32>
      %add3A_2789 = arith.addf %get3A_2677, %mul3A_2788 : vector<16xf32>
      %mul3A_2790 = vector.broadcast %squeeze3A_15 : f32 to vector<16xf32>
      %mul3A_2791 = arith.mulf %mul3A_2790, %get3A_2662 : vector<16xf32>
      %add3A_2792 = arith.addf %add3A_2789, %mul3A_2791 : vector<16xf32>
      %mul3A_2793 = vector.broadcast %squeeze3A_9 : f32 to vector<16xf32>
      %mul3A_2794 = arith.mulf %mul3A_2793, %get3A_2667 : vector<16xf32>
      %add3A_2795 = arith.addf %add3A_2792, %mul3A_2794 : vector<16xf32>
      %mul3A_2796 = vector.broadcast %squeeze3A_11 : f32 to vector<16xf32>
      %mul3A_2797 = arith.mulf %mul3A_2796, %get3A_2672 : vector<16xf32>
      %add3A_2798 = arith.addf %add3A_2795, %mul3A_2797 : vector<16xf32>
      %ge3A_2799 = arith.constant 0.000000e+00 : f32
      %ge3A_2800 = vector.broadcast %ge3A_2799 : f32 to vector<16xf32>
      %ge3A_2801 = arith.cmpf oge, %add3A_2798, %ge3A_2800 : vector<16xf32>
      %mul3A_2802 = arith.constant 0.00999999977 : f32
      %mul3A_2803 = vector.broadcast %mul3A_2802 : f32 to vector<16xf32>
      %mul3A_2804 = arith.mulf %mul3A_2803, %add3A_2798 : vector<16xf32>
      %select_n3A_2805 = arith.select %ge3A_2801, %add3A_2798, %mul3A_2804 : vector<16xi1>, vector<16xf32>
      %mul3A_2806 = arith.constant 6.553700e+04 : f32
      %mul3A_2807 = vector.broadcast %mul3A_2806 : f32 to vector<16xf32>
      %mul3A_2808 = arith.mulf %select_n3A_2805, %mul3A_2807 : vector<16xf32>
      %sub3A_2809 = arith.subf %mul3A_2808, %select_n3A_2805 : vector<16xf32>
      %sub3A_2810 = arith.subf %mul3A_2808, %sub3A_2809 : vector<16xf32>
      %mul3A_2811 = arith.mulf %sub3A_2810, %get3A_2682 : vector<16xf32>
      %add3A_2812 = arith.addf %add3A_2600, %mul3A_2811 : vector<16xf32>
      %mul3A_2813 = vector.broadcast %squeeze3A_13 : f32 to vector<16xf32>
      %mul3A_2814 = arith.mulf %mul3A_2813, %get3A_2657 : vector<16xf32>
      %add3A_2815 = arith.addf %get3A_2677, %mul3A_2814 : vector<16xf32>
      %mul3A_2816 = vector.broadcast %squeeze3A_15 : f32 to vector<16xf32>
      %mul3A_2817 = arith.mulf %mul3A_2816, %get3A_2662 : vector<16xf32>
      %add3A_2818 = arith.addf %add3A_2815, %mul3A_2817 : vector<16xf32>
      %mul3A_2819 = vector.broadcast %squeeze3A_21 : f32 to vector<16xf32>
      %mul3A_2820 = arith.mulf %mul3A_2819, %get3A_2667 : vector<16xf32>
      %add3A_2821 = arith.addf %add3A_2818, %mul3A_2820 : vector<16xf32>
      %mul3A_2822 = vector.broadcast %squeeze3A_23 : f32 to vector<16xf32>
      %mul3A_2823 = arith.mulf %mul3A_2822, %get3A_2672 : vector<16xf32>
      %add3A_2824 = arith.addf %add3A_2821, %mul3A_2823 : vector<16xf32>
      %ge3A_2825 = arith.constant 0.000000e+00 : f32
      %ge3A_2826 = vector.broadcast %ge3A_2825 : f32 to vector<16xf32>
      %ge3A_2827 = arith.cmpf oge, %add3A_2824, %ge3A_2826 : vector<16xf32>
      %mul3A_2828 = arith.constant 0.00999999977 : f32
      %mul3A_2829 = vector.broadcast %mul3A_2828 : f32 to vector<16xf32>
      %mul3A_2830 = arith.mulf %mul3A_2829, %add3A_2824 : vector<16xf32>
      %select_n3A_2831 = arith.select %ge3A_2827, %add3A_2824, %mul3A_2830 : vector<16xi1>, vector<16xf32>
      %mul3A_2832 = arith.constant 6.553700e+04 : f32
      %mul3A_2833 = vector.broadcast %mul3A_2832 : f32 to vector<16xf32>
      %mul3A_2834 = arith.mulf %select_n3A_2831, %mul3A_2833 : vector<16xf32>
      %sub3A_2835 = arith.subf %mul3A_2834, %select_n3A_2831 : vector<16xf32>
      %sub3A_2836 = arith.subf %mul3A_2834, %sub3A_2835 : vector<16xf32>
      %mul3A_2837 = arith.mulf %sub3A_2836, %get3A_2682 : vector<16xf32>
      %add3A_2838 = arith.addf %add3A_2626, %mul3A_2837 : vector<16xf32>
      %mul3A_2839 = vector.broadcast %squeeze3A_21 : f32 to vector<16xf32>
      %mul3A_2840 = arith.mulf %mul3A_2839, %get3A_2657 : vector<16xf32>
      %add3A_2841 = arith.addf %get3A_2677, %mul3A_2840 : vector<16xf32>
      %mul3A_2842 = vector.broadcast %squeeze3A_23 : f32 to vector<16xf32>
      %mul3A_2843 = arith.mulf %mul3A_2842, %get3A_2662 : vector<16xf32>
      %add3A_2844 = arith.addf %add3A_2841, %mul3A_2843 : vector<16xf32>
      %mul3A_2845 = vector.broadcast %squeeze3A_9 : f32 to vector<16xf32>
      %mul3A_2846 = arith.mulf %mul3A_2845, %get3A_2667 : vector<16xf32>
      %add3A_2847 = arith.addf %add3A_2844, %mul3A_2846 : vector<16xf32>
      %mul3A_2848 = vector.broadcast %squeeze3A_11 : f32 to vector<16xf32>
      %mul3A_2849 = arith.mulf %mul3A_2848, %get3A_2672 : vector<16xf32>
      %add3A_2850 = arith.addf %add3A_2847, %mul3A_2849 : vector<16xf32>
      %ge3A_2851 = arith.constant 0.000000e+00 : f32
      %ge3A_2852 = vector.broadcast %ge3A_2851 : f32 to vector<16xf32>
      %ge3A_2853 = arith.cmpf oge, %add3A_2850, %ge3A_2852 : vector<16xf32>
      %mul3A_2854 = arith.constant 0.00999999977 : f32
      %mul3A_2855 = vector.broadcast %mul3A_2854 : f32 to vector<16xf32>
      %mul3A_2856 = arith.mulf %mul3A_2855, %add3A_2850 : vector<16xf32>
      %select_n3A_2857 = arith.select %ge3A_2853, %add3A_2850, %mul3A_2856 : vector<16xi1>, vector<16xf32>
      %mul3A_2858 = arith.constant 6.553700e+04 : f32
      %mul3A_2859 = vector.broadcast %mul3A_2858 : f32 to vector<16xf32>
      %mul3A_2860 = arith.mulf %select_n3A_2857, %mul3A_2859 : vector<16xf32>
      %sub3A_2861 = arith.subf %mul3A_2860, %select_n3A_2857 : vector<16xf32>
      %sub3A_2862 = arith.subf %mul3A_2860, %sub3A_2861 : vector<16xf32>
      %mul3A_2863 = arith.mulf %sub3A_2862, %get3A_2682 : vector<16xf32>
      %add3A_2864 = arith.addf %add3A_2652, %mul3A_2863 : vector<16xf32>
      %get3A_2865 = arith.constant 0 : i32
      %get3A_2866 = arith.index_cast %get3A_2865 : i32 to index
      %get3A_2867 = arith.constant 208 : index
      %get3A_2868 = tpu.vector_load %arg9[%get3A_2866, %get3A_2867] {strides = array<i32>} : memref<6x256xf32, #tpu.memory_space<vmem>>, vector<1x16xf32>,
      %get3A_2869 = vector.shape_cast %get3A_2868 : vector<1x16xf32> to vector<16xf32>
      %get3A_2870 = arith.constant 1 : i32
      %get3A_2871 = arith.index_cast %get3A_2870 : i32 to index
      %get3A_2872 = arith.constant 208 : index
      %get3A_2873 = tpu.vector_load %arg9[%get3A_2871, %get3A_2872] {strides = array<i32>} : memref<6x256xf32, #tpu.memory_space<vmem>>, vector<1x16xf32>,
      %get3A_2874 = vector.shape_cast %get3A_2873 : vector<1x16xf32> to vector<16xf32>
      %get3A_2875 = arith.constant 2 : i32
      %get3A_2876 = arith.index_cast %get3A_2875 : i32 to index
      %get3A_2877 = arith.constant 208 : index
      %get3A_2878 = tpu.vector_load %arg9[%get3A_2876, %get3A_2877] {strides = array<i32>} : memref<6x256xf32, #tpu.memory_space<vmem>>, vector<1x16xf32>,
      %get3A_2879 = vector.shape_cast %get3A_2878 : vector<1x16xf32> to vector<16xf32>
      %get3A_2880 = arith.constant 3 : i32
      %get3A_2881 = arith.index_cast %get3A_2880 : i32 to index
      %get3A_2882 = arith.constant 208 : index
      %get3A_2883 = tpu.vector_load %arg9[%get3A_2881, %get3A_2882] {strides = array<i32>} : memref<6x256xf32, #tpu.memory_space<vmem>>, vector<1x16xf32>,
      %get3A_2884 = vector.shape_cast %get3A_2883 : vector<1x16xf32> to vector<16xf32>
      %get3A_2885 = arith.constant 4 : i32
      %get3A_2886 = arith.index_cast %get3A_2885 : i32 to index
      %get3A_2887 = arith.constant 208 : index
      %get3A_2888 = tpu.vector_load %arg9[%get3A_2886, %get3A_2887] {strides = array<i32>} : memref<6x256xf32, #tpu.memory_space<vmem>>, vector<1x16xf32>,
      %get3A_2889 = vector.shape_cast %get3A_2888 : vector<1x16xf32> to vector<16xf32>
      %get3A_2890 = arith.constant 5 : i32
      %get3A_2891 = arith.index_cast %get3A_2890 : i32 to index
      %get3A_2892 = arith.constant 208 : index
      %get3A_2893 = tpu.vector_load %arg9[%get3A_2891, %get3A_2892] {strides = array<i32>} : memref<6x256xf32, #tpu.memory_space<vmem>>, vector<1x16xf32>,
      %get3A_2894 = vector.shape_cast %get3A_2893 : vector<1x16xf32> to vector<16xf32>
      %mul3A_2895 = vector.broadcast %squeeze3A : f32 to vector<16xf32>
      %mul3A_2896 = arith.mulf %mul3A_2895, %get3A_2869 : vector<16xf32>
      %add3A_2897 = arith.addf %get3A_2889, %mul3A_2896 : vector<16xf32>
      %mul3A_2898 = vector.broadcast %squeeze3A_7 : f32 to vector<16xf32>
      %mul3A_2899 = arith.mulf %mul3A_2898, %get3A_2874 : vector<16xf32>
      %add3A_2900 = arith.addf %add3A_2897, %mul3A_2899 : vector<16xf32>
      %mul3A_2901 = vector.broadcast %squeeze3A_9 : f32 to vector<16xf32>
      %mul3A_2902 = arith.mulf %mul3A_2901, %get3A_2879 : vector<16xf32>
      %add3A_2903 = arith.addf %add3A_2900, %mul3A_2902 : vector<16xf32>
      %mul3A_2904 = vector.broadcast %squeeze3A_11 : f32 to vector<16xf32>
      %mul3A_2905 = arith.mulf %mul3A_2904, %get3A_2884 : vector<16xf32>
      %add3A_2906 = arith.addf %add3A_2903, %mul3A_2905 : vector<16xf32>
      %ge3A_2907 = arith.constant 0.000000e+00 : f32
      %ge3A_2908 = vector.broadcast %ge3A_2907 : f32 to vector<16xf32>
      %ge3A_2909 = arith.cmpf oge, %add3A_2906, %ge3A_2908 : vector<16xf32>
      %mul3A_2910 = arith.constant 0.00999999977 : f32
      %mul3A_2911 = vector.broadcast %mul3A_2910 : f32 to vector<16xf32>
      %mul3A_2912 = arith.mulf %mul3A_2911, %add3A_2906 : vector<16xf32>
      %select_n3A_2913 = arith.select %ge3A_2909, %add3A_2906, %mul3A_2912 : vector<16xi1>, vector<16xf32>
      %mul3A_2914 = arith.constant 6.553700e+04 : f32
      %mul3A_2915 = vector.broadcast %mul3A_2914 : f32 to vector<16xf32>
      %mul3A_2916 = arith.mulf %select_n3A_2913, %mul3A_2915 : vector<16xf32>
      %sub3A_2917 = arith.subf %mul3A_2916, %select_n3A_2913 : vector<16xf32>
      %sub3A_2918 = arith.subf %mul3A_2916, %sub3A_2917 : vector<16xf32>
      %mul3A_2919 = arith.mulf %sub3A_2918, %get3A_2894 : vector<16xf32>
      %add3A_2920 = arith.addf %add3A_2708, %mul3A_2919 : vector<16xf32>
      %mul3A_2921 = vector.broadcast %squeeze3A : f32 to vector<16xf32>
      %mul3A_2922 = arith.mulf %mul3A_2921, %get3A_2869 : vector<16xf32>
      %add3A_2923 = arith.addf %get3A_2889, %mul3A_2922 : vector<16xf32>
      %mul3A_2924 = vector.broadcast %squeeze3A_7 : f32 to vector<16xf32>
      %mul3A_2925 = arith.mulf %mul3A_2924, %get3A_2874 : vector<16xf32>
      %add3A_2926 = arith.addf %add3A_2923, %mul3A_2925 : vector<16xf32>
      %mul3A_2927 = vector.broadcast %squeeze3A_13 : f32 to vector<16xf32>
      %mul3A_2928 = arith.mulf %mul3A_2927, %get3A_2879 : vector<16xf32>
      %add3A_2929 = arith.addf %add3A_2926, %mul3A_2928 : vector<16xf32>
      %mul3A_2930 = vector.broadcast %squeeze3A_15 : f32 to vector<16xf32>
      %mul3A_2931 = arith.mulf %mul3A_2930, %get3A_2884 : vector<16xf32>
      %add3A_2932 = arith.addf %add3A_2929, %mul3A_2931 : vector<16xf32>
      %ge3A_2933 = arith.constant 0.000000e+00 : f32
      %ge3A_2934 = vector.broadcast %ge3A_2933 : f32 to vector<16xf32>
      %ge3A_2935 = arith.cmpf oge, %add3A_2932, %ge3A_2934 : vector<16xf32>
      %mul3A_2936 = arith.constant 0.00999999977 : f32
      %mul3A_2937 = vector.broadcast %mul3A_2936 : f32 to vector<16xf32>
      %mul3A_2938 = arith.mulf %mul3A_2937, %add3A_2932 : vector<16xf32>
      %select_n3A_2939 = arith.select %ge3A_2935, %add3A_2932, %mul3A_2938 : vector<16xi1>, vector<16xf32>
      %mul3A_2940 = arith.constant 6.553700e+04 : f32
      %mul3A_2941 = vector.broadcast %mul3A_2940 : f32 to vector<16xf32>
      %mul3A_2942 = arith.mulf %select_n3A_2939, %mul3A_2941 : vector<16xf32>
      %sub3A_2943 = arith.subf %mul3A_2942, %select_n3A_2939 : vector<16xf32>
      %sub3A_2944 = arith.subf %mul3A_2942, %sub3A_2943 : vector<16xf32>
      %mul3A_2945 = arith.mulf %sub3A_2944, %get3A_2894 : vector<16xf32>
      %add3A_2946 = arith.addf %add3A_2734, %mul3A_2945 : vector<16xf32>
      %mul3A_2947 = vector.broadcast %squeeze3A : f32 to vector<16xf32>
      %mul3A_2948 = arith.mulf %mul3A_2947, %get3A_2869 : vector<16xf32>
      %add3A_2949 = arith.addf %get3A_2889, %mul3A_2948 : vector<16xf32>
      %mul3A_2950 = vector.broadcast %squeeze3A_7 : f32 to vector<16xf32>
      %mul3A_2951 = arith.mulf %mul3A_2950, %get3A_2874 : vector<16xf32>
      %add3A_2952 = arith.addf %add3A_2949, %mul3A_2951 : vector<16xf32>
      %mul3A_2953 = vector.broadcast %squeeze3A_17 : f32 to vector<16xf32>
      %mul3A_2954 = arith.mulf %mul3A_2953, %get3A_2879 : vector<16xf32>
      %add3A_2955 = arith.addf %add3A_2952, %mul3A_2954 : vector<16xf32>
      %mul3A_2956 = vector.broadcast %squeeze3A_19 : f32 to vector<16xf32>
      %mul3A_2957 = arith.mulf %mul3A_2956, %get3A_2884 : vector<16xf32>
      %add3A_2958 = arith.addf %add3A_2955, %mul3A_2957 : vector<16xf32>
      %ge3A_2959 = arith.constant 0.000000e+00 : f32
      %ge3A_2960 = vector.broadcast %ge3A_2959 : f32 to vector<16xf32>
      %ge3A_2961 = arith.cmpf oge, %add3A_2958, %ge3A_2960 : vector<16xf32>
      %mul3A_2962 = arith.constant 0.00999999977 : f32
      %mul3A_2963 = vector.broadcast %mul3A_2962 : f32 to vector<16xf32>
      %mul3A_2964 = arith.mulf %mul3A_2963, %add3A_2958 : vector<16xf32>
      %select_n3A_2965 = arith.select %ge3A_2961, %add3A_2958, %mul3A_2964 : vector<16xi1>, vector<16xf32>
      %mul3A_2966 = arith.constant 6.553700e+04 : f32
      %mul3A_2967 = vector.broadcast %mul3A_2966 : f32 to vector<16xf32>
      %mul3A_2968 = arith.mulf %select_n3A_2965, %mul3A_2967 : vector<16xf32>
      %sub3A_2969 = arith.subf %mul3A_2968, %select_n3A_2965 : vector<16xf32>
      %sub3A_2970 = arith.subf %mul3A_2968, %sub3A_2969 : vector<16xf32>
      %mul3A_2971 = arith.mulf %sub3A_2970, %get3A_2894 : vector<16xf32>
      %add3A_2972 = arith.addf %add3A_2760, %mul3A_2971 : vector<16xf32>
      %mul3A_2973 = vector.broadcast %squeeze3A_17 : f32 to vector<16xf32>
      %mul3A_2974 = arith.mulf %mul3A_2973, %get3A_2869 : vector<16xf32>
      %add3A_2975 = arith.addf %get3A_2889, %mul3A_2974 : vector<16xf32>
      %mul3A_2976 = vector.broadcast %squeeze3A_19 : f32 to vector<16xf32>
      %mul3A_2977 = arith.mulf %mul3A_2976, %get3A_2874 : vector<16xf32>
      %add3A_2978 = arith.addf %add3A_2975, %mul3A_2977 : vector<16xf32>
      %mul3A_2979 = vector.broadcast %squeeze3A_13 : f32 to vector<16xf32>
      %mul3A_2980 = arith.mulf %mul3A_2979, %get3A_2879 : vector<16xf32>
      %add3A_2981 = arith.addf %add3A_2978, %mul3A_2980 : vector<16xf32>
      %mul3A_2982 = vector.broadcast %squeeze3A_15 : f32 to vector<16xf32>
      %mul3A_2983 = arith.mulf %mul3A_2982, %get3A_2884 : vector<16xf32>
      %add3A_2984 = arith.addf %add3A_2981, %mul3A_2983 : vector<16xf32>
      %ge3A_2985 = arith.constant 0.000000e+00 : f32
      %ge3A_2986 = vector.broadcast %ge3A_2985 : f32 to vector<16xf32>
      %ge3A_2987 = arith.cmpf oge, %add3A_2984, %ge3A_2986 : vector<16xf32>
      %mul3A_2988 = arith.constant 0.00999999977 : f32
      %mul3A_2989 = vector.broadcast %mul3A_2988 : f32 to vector<16xf32>
      %mul3A_2990 = arith.mulf %mul3A_2989, %add3A_2984 : vector<16xf32>
      %select_n3A_2991 = arith.select %ge3A_2987, %add3A_2984, %mul3A_2990 : vector<16xi1>, vector<16xf32>
      %mul3A_2992 = arith.constant 6.553700e+04 : f32
      %mul3A_2993 = vector.broadcast %mul3A_2992 : f32 to vector<16xf32>
      %mul3A_2994 = arith.mulf %select_n3A_2991, %mul3A_2993 : vector<16xf32>
      %sub3A_2995 = arith.subf %mul3A_2994, %select_n3A_2991 : vector<16xf32>
      %sub3A_2996 = arith.subf %mul3A_2994, %sub3A_2995 : vector<16xf32>
      %mul3A_2997 = arith.mulf %sub3A_2996, %get3A_2894 : vector<16xf32>
      %add3A_2998 = arith.addf %add3A_2786, %mul3A_2997 : vector<16xf32>
      %mul3A_2999 = vector.broadcast %squeeze3A_13 : f32 to vector<16xf32>
      %mul3A_3000 = arith.mulf %mul3A_2999, %get3A_2869 : vector<16xf32>
      %add3A_3001 = arith.addf %get3A_2889, %mul3A_3000 : vector<16xf32>
      %mul3A_3002 = vector.broadcast %squeeze3A_15 : f32 to vector<16xf32>
      %mul3A_3003 = arith.mulf %mul3A_3002, %get3A_2874 : vector<16xf32>
      %add3A_3004 = arith.addf %add3A_3001, %mul3A_3003 : vector<16xf32>
      %mul3A_3005 = vector.broadcast %squeeze3A_9 : f32 to vector<16xf32>
      %mul3A_3006 = arith.mulf %mul3A_3005, %get3A_2879 : vector<16xf32>
      %add3A_3007 = arith.addf %add3A_3004, %mul3A_3006 : vector<16xf32>
      %mul3A_3008 = vector.broadcast %squeeze3A_11 : f32 to vector<16xf32>
      %mul3A_3009 = arith.mulf %mul3A_3008, %get3A_2884 : vector<16xf32>
      %add3A_3010 = arith.addf %add3A_3007, %mul3A_3009 : vector<16xf32>
      %ge3A_3011 = arith.constant 0.000000e+00 : f32
      %ge3A_3012 = vector.broadcast %ge3A_3011 : f32 to vector<16xf32>
      %ge3A_3013 = arith.cmpf oge, %add3A_3010, %ge3A_3012 : vector<16xf32>
      %mul3A_3014 = arith.constant 0.00999999977 : f32
      %mul3A_3015 = vector.broadcast %mul3A_3014 : f32 to vector<16xf32>
      %mul3A_3016 = arith.mulf %mul3A_3015, %add3A_3010 : vector<16xf32>
      %select_n3A_3017 = arith.select %ge3A_3013, %add3A_3010, %mul3A_3016 : vector<16xi1>, vector<16xf32>
      %mul3A_3018 = arith.constant 6.553700e+04 : f32
      %mul3A_3019 = vector.broadcast %mul3A_3018 : f32 to vector<16xf32>
      %mul3A_3020 = arith.mulf %select_n3A_3017, %mul3A_3019 : vector<16xf32>
      %sub3A_3021 = arith.subf %mul3A_3020, %select_n3A_3017 : vector<16xf32>
      %sub3A_3022 = arith.subf %mul3A_3020, %sub3A_3021 : vector<16xf32>
      %mul3A_3023 = arith.mulf %sub3A_3022, %get3A_2894 : vector<16xf32>
      %add3A_3024 = arith.addf %add3A_2812, %mul3A_3023 : vector<16xf32>
      %mul3A_3025 = vector.broadcast %squeeze3A_13 : f32 to vector<16xf32>
      %mul3A_3026 = arith.mulf %mul3A_3025, %get3A_2869 : vector<16xf32>
      %add3A_3027 = arith.addf %get3A_2889, %mul3A_3026 : vector<16xf32>
      %mul3A_3028 = vector.broadcast %squeeze3A_15 : f32 to vector<16xf32>
      %mul3A_3029 = arith.mulf %mul3A_3028, %get3A_2874 : vector<16xf32>
      %add3A_3030 = arith.addf %add3A_3027, %mul3A_3029 : vector<16xf32>
      %mul3A_3031 = vector.broadcast %squeeze3A_21 : f32 to vector<16xf32>
      %mul3A_3032 = arith.mulf %mul3A_3031, %get3A_2879 : vector<16xf32>
      %add3A_3033 = arith.addf %add3A_3030, %mul3A_3032 : vector<16xf32>
      %mul3A_3034 = vector.broadcast %squeeze3A_23 : f32 to vector<16xf32>
      %mul3A_3035 = arith.mulf %mul3A_3034, %get3A_2884 : vector<16xf32>
      %add3A_3036 = arith.addf %add3A_3033, %mul3A_3035 : vector<16xf32>
      %ge3A_3037 = arith.constant 0.000000e+00 : f32
      %ge3A_3038 = vector.broadcast %ge3A_3037 : f32 to vector<16xf32>
      %ge3A_3039 = arith.cmpf oge, %add3A_3036, %ge3A_3038 : vector<16xf32>
      %mul3A_3040 = arith.constant 0.00999999977 : f32
      %mul3A_3041 = vector.broadcast %mul3A_3040 : f32 to vector<16xf32>
      %mul3A_3042 = arith.mulf %mul3A_3041, %add3A_3036 : vector<16xf32>
      %select_n3A_3043 = arith.select %ge3A_3039, %add3A_3036, %mul3A_3042 : vector<16xi1>, vector<16xf32>
      %mul3A_3044 = arith.constant 6.553700e+04 : f32
      %mul3A_3045 = vector.broadcast %mul3A_3044 : f32 to vector<16xf32>
      %mul3A_3046 = arith.mulf %select_n3A_3043, %mul3A_3045 : vector<16xf32>
      %sub3A_3047 = arith.subf %mul3A_3046, %select_n3A_3043 : vector<16xf32>
      %sub3A_3048 = arith.subf %mul3A_3046, %sub3A_3047 : vector<16xf32>
      %mul3A_3049 = arith.mulf %sub3A_3048, %get3A_2894 : vector<16xf32>
      %add3A_3050 = arith.addf %add3A_2838, %mul3A_3049 : vector<16xf32>
      %mul3A_3051 = vector.broadcast %squeeze3A_21 : f32 to vector<16xf32>
      %mul3A_3052 = arith.mulf %mul3A_3051, %get3A_2869 : vector<16xf32>
      %add3A_3053 = arith.addf %get3A_2889, %mul3A_3052 : vector<16xf32>
      %mul3A_3054 = vector.broadcast %squeeze3A_23 : f32 to vector<16xf32>
      %mul3A_3055 = arith.mulf %mul3A_3054, %get3A_2874 : vector<16xf32>
      %add3A_3056 = arith.addf %add3A_3053, %mul3A_3055 : vector<16xf32>
      %mul3A_3057 = vector.broadcast %squeeze3A_9 : f32 to vector<16xf32>
      %mul3A_3058 = arith.mulf %mul3A_3057, %get3A_2879 : vector<16xf32>
      %add3A_3059 = arith.addf %add3A_3056, %mul3A_3058 : vector<16xf32>
      %mul3A_3060 = vector.broadcast %squeeze3A_11 : f32 to vector<16xf32>
      %mul3A_3061 = arith.mulf %mul3A_3060, %get3A_2884 : vector<16xf32>
      %add3A_3062 = arith.addf %add3A_3059, %mul3A_3061 : vector<16xf32>
      %ge3A_3063 = arith.constant 0.000000e+00 : f32
      %ge3A_3064 = vector.broadcast %ge3A_3063 : f32 to vector<16xf32>
      %ge3A_3065 = arith.cmpf oge, %add3A_3062, %ge3A_3064 : vector<16xf32>
      %mul3A_3066 = arith.constant 0.00999999977 : f32
      %mul3A_3067 = vector.broadcast %mul3A_3066 : f32 to vector<16xf32>
      %mul3A_3068 = arith.mulf %mul3A_3067, %add3A_3062 : vector<16xf32>
      %select_n3A_3069 = arith.select %ge3A_3065, %add3A_3062, %mul3A_3068 : vector<16xi1>, vector<16xf32>
      %mul3A_3070 = arith.constant 6.553700e+04 : f32
      %mul3A_3071 = vector.broadcast %mul3A_3070 : f32 to vector<16xf32>
      %mul3A_3072 = arith.mulf %select_n3A_3069, %mul3A_3071 : vector<16xf32>
      %sub3A_3073 = arith.subf %mul3A_3072, %select_n3A_3069 : vector<16xf32>
      %sub3A_3074 = arith.subf %mul3A_3072, %sub3A_3073 : vector<16xf32>
      %mul3A_3075 = arith.mulf %sub3A_3074, %get3A_2894 : vector<16xf32>
      %add3A_3076 = arith.addf %add3A_2864, %mul3A_3075 : vector<16xf32>
      %get3A_3077 = arith.constant 0 : i32
      %get3A_3078 = arith.index_cast %get3A_3077 : i32 to index
      %get3A_3079 = arith.constant 224 : index
      %get3A_3080 = tpu.vector_load %arg9[%get3A_3078, %get3A_3079] {strides = array<i32>} : memref<6x256xf32, #tpu.memory_space<vmem>>, vector<1x16xf32>,
      %get3A_3081 = vector.shape_cast %get3A_3080 : vector<1x16xf32> to vector<16xf32>
      %get3A_3082 = arith.constant 1 : i32
      %get3A_3083 = arith.index_cast %get3A_3082 : i32 to index
      %get3A_3084 = arith.constant 224 : index
      %get3A_3085 = tpu.vector_load %arg9[%get3A_3083, %get3A_3084] {strides = array<i32>} : memref<6x256xf32, #tpu.memory_space<vmem>>, vector<1x16xf32>,
      %get3A_3086 = vector.shape_cast %get3A_3085 : vector<1x16xf32> to vector<16xf32>
      %get3A_3087 = arith.constant 2 : i32
      %get3A_3088 = arith.index_cast %get3A_3087 : i32 to index
      %get3A_3089 = arith.constant 224 : index
      %get3A_3090 = tpu.vector_load %arg9[%get3A_3088, %get3A_3089] {strides = array<i32>} : memref<6x256xf32, #tpu.memory_space<vmem>>, vector<1x16xf32>,
      %get3A_3091 = vector.shape_cast %get3A_3090 : vector<1x16xf32> to vector<16xf32>
      %get3A_3092 = arith.constant 3 : i32
      %get3A_3093 = arith.index_cast %get3A_3092 : i32 to index
      %get3A_3094 = arith.constant 224 : index
      %get3A_3095 = tpu.vector_load %arg9[%get3A_3093, %get3A_3094] {strides = array<i32>} : memref<6x256xf32, #tpu.memory_space<vmem>>, vector<1x16xf32>,
      %get3A_3096 = vector.shape_cast %get3A_3095 : vector<1x16xf32> to vector<16xf32>
      %get3A_3097 = arith.constant 4 : i32
      %get3A_3098 = arith.index_cast %get3A_3097 : i32 to index
      %get3A_3099 = arith.constant 224 : index
      %get3A_3100 = tpu.vector_load %arg9[%get3A_3098, %get3A_3099] {strides = array<i32>} : memref<6x256xf32, #tpu.memory_space<vmem>>, vector<1x16xf32>,
      %get3A_3101 = vector.shape_cast %get3A_3100 : vector<1x16xf32> to vector<16xf32>
      %get3A_3102 = arith.constant 5 : i32
      %get3A_3103 = arith.index_cast %get3A_3102 : i32 to index
      %get3A_3104 = arith.constant 224 : index
      %get3A_3105 = tpu.vector_load %arg9[%get3A_3103, %get3A_3104] {strides = array<i32>} : memref<6x256xf32, #tpu.memory_space<vmem>>, vector<1x16xf32>,
      %get3A_3106 = vector.shape_cast %get3A_3105 : vector<1x16xf32> to vector<16xf32>
      %mul3A_3107 = vector.broadcast %squeeze3A : f32 to vector<16xf32>
      %mul3A_3108 = arith.mulf %mul3A_3107, %get3A_3081 : vector<16xf32>
      %add3A_3109 = arith.addf %get3A_3101, %mul3A_3108 : vector<16xf32>
      %mul3A_3110 = vector.broadcast %squeeze3A_7 : f32 to vector<16xf32>
      %mul3A_3111 = arith.mulf %mul3A_3110, %get3A_3086 : vector<16xf32>
      %add3A_3112 = arith.addf %add3A_3109, %mul3A_3111 : vector<16xf32>
      %mul3A_3113 = vector.broadcast %squeeze3A_9 : f32 to vector<16xf32>
      %mul3A_3114 = arith.mulf %mul3A_3113, %get3A_3091 : vector<16xf32>
      %add3A_3115 = arith.addf %add3A_3112, %mul3A_3114 : vector<16xf32>
      %mul3A_3116 = vector.broadcast %squeeze3A_11 : f32 to vector<16xf32>
      %mul3A_3117 = arith.mulf %mul3A_3116, %get3A_3096 : vector<16xf32>
      %add3A_3118 = arith.addf %add3A_3115, %mul3A_3117 : vector<16xf32>
      %ge3A_3119 = arith.constant 0.000000e+00 : f32
      %ge3A_3120 = vector.broadcast %ge3A_3119 : f32 to vector<16xf32>
      %ge3A_3121 = arith.cmpf oge, %add3A_3118, %ge3A_3120 : vector<16xf32>
      %mul3A_3122 = arith.constant 0.00999999977 : f32
      %mul3A_3123 = vector.broadcast %mul3A_3122 : f32 to vector<16xf32>
      %mul3A_3124 = arith.mulf %mul3A_3123, %add3A_3118 : vector<16xf32>
      %select_n3A_3125 = arith.select %ge3A_3121, %add3A_3118, %mul3A_3124 : vector<16xi1>, vector<16xf32>
      %mul3A_3126 = arith.constant 6.553700e+04 : f32
      %mul3A_3127 = vector.broadcast %mul3A_3126 : f32 to vector<16xf32>
      %mul3A_3128 = arith.mulf %select_n3A_3125, %mul3A_3127 : vector<16xf32>
      %sub3A_3129 = arith.subf %mul3A_3128, %select_n3A_3125 : vector<16xf32>
      %sub3A_3130 = arith.subf %mul3A_3128, %sub3A_3129 : vector<16xf32>
      %mul3A_3131 = arith.mulf %sub3A_3130, %get3A_3106 : vector<16xf32>
      %add3A_3132 = arith.addf %add3A_2920, %mul3A_3131 : vector<16xf32>
      %mul3A_3133 = vector.broadcast %squeeze3A : f32 to vector<16xf32>
      %mul3A_3134 = arith.mulf %mul3A_3133, %get3A_3081 : vector<16xf32>
      %add3A_3135 = arith.addf %get3A_3101, %mul3A_3134 : vector<16xf32>
      %mul3A_3136 = vector.broadcast %squeeze3A_7 : f32 to vector<16xf32>
      %mul3A_3137 = arith.mulf %mul3A_3136, %get3A_3086 : vector<16xf32>
      %add3A_3138 = arith.addf %add3A_3135, %mul3A_3137 : vector<16xf32>
      %mul3A_3139 = vector.broadcast %squeeze3A_13 : f32 to vector<16xf32>
      %mul3A_3140 = arith.mulf %mul3A_3139, %get3A_3091 : vector<16xf32>
      %add3A_3141 = arith.addf %add3A_3138, %mul3A_3140 : vector<16xf32>
      %mul3A_3142 = vector.broadcast %squeeze3A_15 : f32 to vector<16xf32>
      %mul3A_3143 = arith.mulf %mul3A_3142, %get3A_3096 : vector<16xf32>
      %add3A_3144 = arith.addf %add3A_3141, %mul3A_3143 : vector<16xf32>
      %ge3A_3145 = arith.constant 0.000000e+00 : f32
      %ge3A_3146 = vector.broadcast %ge3A_3145 : f32 to vector<16xf32>
      %ge3A_3147 = arith.cmpf oge, %add3A_3144, %ge3A_3146 : vector<16xf32>
      %mul3A_3148 = arith.constant 0.00999999977 : f32
      %mul3A_3149 = vector.broadcast %mul3A_3148 : f32 to vector<16xf32>
      %mul3A_3150 = arith.mulf %mul3A_3149, %add3A_3144 : vector<16xf32>
      %select_n3A_3151 = arith.select %ge3A_3147, %add3A_3144, %mul3A_3150 : vector<16xi1>, vector<16xf32>
      %mul3A_3152 = arith.constant 6.553700e+04 : f32
      %mul3A_3153 = vector.broadcast %mul3A_3152 : f32 to vector<16xf32>
      %mul3A_3154 = arith.mulf %select_n3A_3151, %mul3A_3153 : vector<16xf32>
      %sub3A_3155 = arith.subf %mul3A_3154, %select_n3A_3151 : vector<16xf32>
      %sub3A_3156 = arith.subf %mul3A_3154, %sub3A_3155 : vector<16xf32>
      %mul3A_3157 = arith.mulf %sub3A_3156, %get3A_3106 : vector<16xf32>
      %add3A_3158 = arith.addf %add3A_2946, %mul3A_3157 : vector<16xf32>
      %mul3A_3159 = vector.broadcast %squeeze3A : f32 to vector<16xf32>
      %mul3A_3160 = arith.mulf %mul3A_3159, %get3A_3081 : vector<16xf32>
      %add3A_3161 = arith.addf %get3A_3101, %mul3A_3160 : vector<16xf32>
      %mul3A_3162 = vector.broadcast %squeeze3A_7 : f32 to vector<16xf32>
      %mul3A_3163 = arith.mulf %mul3A_3162, %get3A_3086 : vector<16xf32>
      %add3A_3164 = arith.addf %add3A_3161, %mul3A_3163 : vector<16xf32>
      %mul3A_3165 = vector.broadcast %squeeze3A_17 : f32 to vector<16xf32>
      %mul3A_3166 = arith.mulf %mul3A_3165, %get3A_3091 : vector<16xf32>
      %add3A_3167 = arith.addf %add3A_3164, %mul3A_3166 : vector<16xf32>
      %mul3A_3168 = vector.broadcast %squeeze3A_19 : f32 to vector<16xf32>
      %mul3A_3169 = arith.mulf %mul3A_3168, %get3A_3096 : vector<16xf32>
      %add3A_3170 = arith.addf %add3A_3167, %mul3A_3169 : vector<16xf32>
      %ge3A_3171 = arith.constant 0.000000e+00 : f32
      %ge3A_3172 = vector.broadcast %ge3A_3171 : f32 to vector<16xf32>
      %ge3A_3173 = arith.cmpf oge, %add3A_3170, %ge3A_3172 : vector<16xf32>
      %mul3A_3174 = arith.constant 0.00999999977 : f32
      %mul3A_3175 = vector.broadcast %mul3A_3174 : f32 to vector<16xf32>
      %mul3A_3176 = arith.mulf %mul3A_3175, %add3A_3170 : vector<16xf32>
      %select_n3A_3177 = arith.select %ge3A_3173, %add3A_3170, %mul3A_3176 : vector<16xi1>, vector<16xf32>
      %mul3A_3178 = arith.constant 6.553700e+04 : f32
      %mul3A_3179 = vector.broadcast %mul3A_3178 : f32 to vector<16xf32>
      %mul3A_3180 = arith.mulf %select_n3A_3177, %mul3A_3179 : vector<16xf32>
      %sub3A_3181 = arith.subf %mul3A_3180, %select_n3A_3177 : vector<16xf32>
      %sub3A_3182 = arith.subf %mul3A_3180, %sub3A_3181 : vector<16xf32>
      %mul3A_3183 = arith.mulf %sub3A_3182, %get3A_3106 : vector<16xf32>
      %add3A_3184 = arith.addf %add3A_2972, %mul3A_3183 : vector<16xf32>
      %mul3A_3185 = vector.broadcast %squeeze3A_17 : f32 to vector<16xf32>
      %mul3A_3186 = arith.mulf %mul3A_3185, %get3A_3081 : vector<16xf32>
      %add3A_3187 = arith.addf %get3A_3101, %mul3A_3186 : vector<16xf32>
      %mul3A_3188 = vector.broadcast %squeeze3A_19 : f32 to vector<16xf32>
      %mul3A_3189 = arith.mulf %mul3A_3188, %get3A_3086 : vector<16xf32>
      %add3A_3190 = arith.addf %add3A_3187, %mul3A_3189 : vector<16xf32>
      %mul3A_3191 = vector.broadcast %squeeze3A_13 : f32 to vector<16xf32>
      %mul3A_3192 = arith.mulf %mul3A_3191, %get3A_3091 : vector<16xf32>
      %add3A_3193 = arith.addf %add3A_3190, %mul3A_3192 : vector<16xf32>
      %mul3A_3194 = vector.broadcast %squeeze3A_15 : f32 to vector<16xf32>
      %mul3A_3195 = arith.mulf %mul3A_3194, %get3A_3096 : vector<16xf32>
      %add3A_3196 = arith.addf %add3A_3193, %mul3A_3195 : vector<16xf32>
      %ge3A_3197 = arith.constant 0.000000e+00 : f32
      %ge3A_3198 = vector.broadcast %ge3A_3197 : f32 to vector<16xf32>
      %ge3A_3199 = arith.cmpf oge, %add3A_3196, %ge3A_3198 : vector<16xf32>
      %mul3A_3200 = arith.constant 0.00999999977 : f32
      %mul3A_3201 = vector.broadcast %mul3A_3200 : f32 to vector<16xf32>
      %mul3A_3202 = arith.mulf %mul3A_3201, %add3A_3196 : vector<16xf32>
      %select_n3A_3203 = arith.select %ge3A_3199, %add3A_3196, %mul3A_3202 : vector<16xi1>, vector<16xf32>
      %mul3A_3204 = arith.constant 6.553700e+04 : f32
      %mul3A_3205 = vector.broadcast %mul3A_3204 : f32 to vector<16xf32>
      %mul3A_3206 = arith.mulf %select_n3A_3203, %mul3A_3205 : vector<16xf32>
      %sub3A_3207 = arith.subf %mul3A_3206, %select_n3A_3203 : vector<16xf32>
      %sub3A_3208 = arith.subf %mul3A_3206, %sub3A_3207 : vector<16xf32>
      %mul3A_3209 = arith.mulf %sub3A_3208, %get3A_3106 : vector<16xf32>
      %add3A_3210 = arith.addf %add3A_2998, %mul3A_3209 : vector<16xf32>
      %mul3A_3211 = vector.broadcast %squeeze3A_13 : f32 to vector<16xf32>
      %mul3A_3212 = arith.mulf %mul3A_3211, %get3A_3081 : vector<16xf32>
      %add3A_3213 = arith.addf %get3A_3101, %mul3A_3212 : vector<16xf32>
      %mul3A_3214 = vector.broadcast %squeeze3A_15 : f32 to vector<16xf32>
      %mul3A_3215 = arith.mulf %mul3A_3214, %get3A_3086 : vector<16xf32>
      %add3A_3216 = arith.addf %add3A_3213, %mul3A_3215 : vector<16xf32>
      %mul3A_3217 = vector.broadcast %squeeze3A_9 : f32 to vector<16xf32>
      %mul3A_3218 = arith.mulf %mul3A_3217, %get3A_3091 : vector<16xf32>
      %add3A_3219 = arith.addf %add3A_3216, %mul3A_3218 : vector<16xf32>
      %mul3A_3220 = vector.broadcast %squeeze3A_11 : f32 to vector<16xf32>
      %mul3A_3221 = arith.mulf %mul3A_3220, %get3A_3096 : vector<16xf32>
      %add3A_3222 = arith.addf %add3A_3219, %mul3A_3221 : vector<16xf32>
      %ge3A_3223 = arith.constant 0.000000e+00 : f32
      %ge3A_3224 = vector.broadcast %ge3A_3223 : f32 to vector<16xf32>
      %ge3A_3225 = arith.cmpf oge, %add3A_3222, %ge3A_3224 : vector<16xf32>
      %mul3A_3226 = arith.constant 0.00999999977 : f32
      %mul3A_3227 = vector.broadcast %mul3A_3226 : f32 to vector<16xf32>
      %mul3A_3228 = arith.mulf %mul3A_3227, %add3A_3222 : vector<16xf32>
      %select_n3A_3229 = arith.select %ge3A_3225, %add3A_3222, %mul3A_3228 : vector<16xi1>, vector<16xf32>
      %mul3A_3230 = arith.constant 6.553700e+04 : f32
      %mul3A_3231 = vector.broadcast %mul3A_3230 : f32 to vector<16xf32>
      %mul3A_3232 = arith.mulf %select_n3A_3229, %mul3A_3231 : vector<16xf32>
      %sub3A_3233 = arith.subf %mul3A_3232, %select_n3A_3229 : vector<16xf32>
      %sub3A_3234 = arith.subf %mul3A_3232, %sub3A_3233 : vector<16xf32>
      %mul3A_3235 = arith.mulf %sub3A_3234, %get3A_3106 : vector<16xf32>
      %add3A_3236 = arith.addf %add3A_3024, %mul3A_3235 : vector<16xf32>
      %mul3A_3237 = vector.broadcast %squeeze3A_13 : f32 to vector<16xf32>
      %mul3A_3238 = arith.mulf %mul3A_3237, %get3A_3081 : vector<16xf32>
      %add3A_3239 = arith.addf %get3A_3101, %mul3A_3238 : vector<16xf32>
      %mul3A_3240 = vector.broadcast %squeeze3A_15 : f32 to vector<16xf32>
      %mul3A_3241 = arith.mulf %mul3A_3240, %get3A_3086 : vector<16xf32>
      %add3A_3242 = arith.addf %add3A_3239, %mul3A_3241 : vector<16xf32>
      %mul3A_3243 = vector.broadcast %squeeze3A_21 : f32 to vector<16xf32>
      %mul3A_3244 = arith.mulf %mul3A_3243, %get3A_3091 : vector<16xf32>
      %add3A_3245 = arith.addf %add3A_3242, %mul3A_3244 : vector<16xf32>
      %mul3A_3246 = vector.broadcast %squeeze3A_23 : f32 to vector<16xf32>
      %mul3A_3247 = arith.mulf %mul3A_3246, %get3A_3096 : vector<16xf32>
      %add3A_3248 = arith.addf %add3A_3245, %mul3A_3247 : vector<16xf32>
      %ge3A_3249 = arith.constant 0.000000e+00 : f32
      %ge3A_3250 = vector.broadcast %ge3A_3249 : f32 to vector<16xf32>
      %ge3A_3251 = arith.cmpf oge, %add3A_3248, %ge3A_3250 : vector<16xf32>
      %mul3A_3252 = arith.constant 0.00999999977 : f32
      %mul3A_3253 = vector.broadcast %mul3A_3252 : f32 to vector<16xf32>
      %mul3A_3254 = arith.mulf %mul3A_3253, %add3A_3248 : vector<16xf32>
      %select_n3A_3255 = arith.select %ge3A_3251, %add3A_3248, %mul3A_3254 : vector<16xi1>, vector<16xf32>
      %mul3A_3256 = arith.constant 6.553700e+04 : f32
      %mul3A_3257 = vector.broadcast %mul3A_3256 : f32 to vector<16xf32>
      %mul3A_3258 = arith.mulf %select_n3A_3255, %mul3A_3257 : vector<16xf32>
      %sub3A_3259 = arith.subf %mul3A_3258, %select_n3A_3255 : vector<16xf32>
      %sub3A_3260 = arith.subf %mul3A_3258, %sub3A_3259 : vector<16xf32>
      %mul3A_3261 = arith.mulf %sub3A_3260, %get3A_3106 : vector<16xf32>
      %add3A_3262 = arith.addf %add3A_3050, %mul3A_3261 : vector<16xf32>
      %mul3A_3263 = vector.broadcast %squeeze3A_21 : f32 to vector<16xf32>
      %mul3A_3264 = arith.mulf %mul3A_3263, %get3A_3081 : vector<16xf32>
      %add3A_3265 = arith.addf %get3A_3101, %mul3A_3264 : vector<16xf32>
      %mul3A_3266 = vector.broadcast %squeeze3A_23 : f32 to vector<16xf32>
      %mul3A_3267 = arith.mulf %mul3A_3266, %get3A_3086 : vector<16xf32>
      %add3A_3268 = arith.addf %add3A_3265, %mul3A_3267 : vector<16xf32>
      %mul3A_3269 = vector.broadcast %squeeze3A_9 : f32 to vector<16xf32>
      %mul3A_3270 = arith.mulf %mul3A_3269, %get3A_3091 : vector<16xf32>
      %add3A_3271 = arith.addf %add3A_3268, %mul3A_3270 : vector<16xf32>
      %mul3A_3272 = vector.broadcast %squeeze3A_11 : f32 to vector<16xf32>
      %mul3A_3273 = arith.mulf %mul3A_3272, %get3A_3096 : vector<16xf32>
      %add3A_3274 = arith.addf %add3A_3271, %mul3A_3273 : vector<16xf32>
      %ge3A_3275 = arith.constant 0.000000e+00 : f32
      %ge3A_3276 = vector.broadcast %ge3A_3275 : f32 to vector<16xf32>
      %ge3A_3277 = arith.cmpf oge, %add3A_3274, %ge3A_3276 : vector<16xf32>
      %mul3A_3278 = arith.constant 0.00999999977 : f32
      %mul3A_3279 = vector.broadcast %mul3A_3278 : f32 to vector<16xf32>
      %mul3A_3280 = arith.mulf %mul3A_3279, %add3A_3274 : vector<16xf32>
      %select_n3A_3281 = arith.select %ge3A_3277, %add3A_3274, %mul3A_3280 : vector<16xi1>, vector<16xf32>
      %mul3A_3282 = arith.constant 6.553700e+04 : f32
      %mul3A_3283 = vector.broadcast %mul3A_3282 : f32 to vector<16xf32>
      %mul3A_3284 = arith.mulf %select_n3A_3281, %mul3A_3283 : vector<16xf32>
      %sub3A_3285 = arith.subf %mul3A_3284, %select_n3A_3281 : vector<16xf32>
      %sub3A_3286 = arith.subf %mul3A_3284, %sub3A_3285 : vector<16xf32>
      %mul3A_3287 = arith.mulf %sub3A_3286, %get3A_3106 : vector<16xf32>
      %add3A_3288 = arith.addf %add3A_3076, %mul3A_3287 : vector<16xf32>
      %get3A_3289 = arith.constant 0 : i32
      %get3A_3290 = arith.index_cast %get3A_3289 : i32 to index
      %get3A_3291 = arith.constant 240 : index
      %get3A_3292 = tpu.vector_load %arg9[%get3A_3290, %get3A_3291] {strides = array<i32>} : memref<6x256xf32, #tpu.memory_space<vmem>>, vector<1x16xf32>,
      %get3A_3293 = vector.shape_cast %get3A_3292 : vector<1x16xf32> to vector<16xf32>
      %get3A_3294 = arith.constant 1 : i32
      %get3A_3295 = arith.index_cast %get3A_3294 : i32 to index
      %get3A_3296 = arith.constant 240 : index
      %get3A_3297 = tpu.vector_load %arg9[%get3A_3295, %get3A_3296] {strides = array<i32>} : memref<6x256xf32, #tpu.memory_space<vmem>>, vector<1x16xf32>,
      %get3A_3298 = vector.shape_cast %get3A_3297 : vector<1x16xf32> to vector<16xf32>
      %get3A_3299 = arith.constant 2 : i32
      %get3A_3300 = arith.index_cast %get3A_3299 : i32 to index
      %get3A_3301 = arith.constant 240 : index
      %get3A_3302 = tpu.vector_load %arg9[%get3A_3300, %get3A_3301] {strides = array<i32>} : memref<6x256xf32, #tpu.memory_space<vmem>>, vector<1x16xf32>,
      %get3A_3303 = vector.shape_cast %get3A_3302 : vector<1x16xf32> to vector<16xf32>
      %get3A_3304 = arith.constant 3 : i32
      %get3A_3305 = arith.index_cast %get3A_3304 : i32 to index
      %get3A_3306 = arith.constant 240 : index
      %get3A_3307 = tpu.vector_load %arg9[%get3A_3305, %get3A_3306] {strides = array<i32>} : memref<6x256xf32, #tpu.memory_space<vmem>>, vector<1x16xf32>,
      %get3A_3308 = vector.shape_cast %get3A_3307 : vector<1x16xf32> to vector<16xf32>
      %get3A_3309 = arith.constant 4 : i32
      %get3A_3310 = arith.index_cast %get3A_3309 : i32 to index
      %get3A_3311 = arith.constant 240 : index
      %get3A_3312 = tpu.vector_load %arg9[%get3A_3310, %get3A_3311] {strides = array<i32>} : memref<6x256xf32, #tpu.memory_space<vmem>>, vector<1x16xf32>,
      %get3A_3313 = vector.shape_cast %get3A_3312 : vector<1x16xf32> to vector<16xf32>
      %get3A_3314 = arith.constant 5 : i32
      %get3A_3315 = arith.index_cast %get3A_3314 : i32 to index
      %get3A_3316 = arith.constant 240 : index
      %get3A_3317 = tpu.vector_load %arg9[%get3A_3315, %get3A_3316] {strides = array<i32>} : memref<6x256xf32, #tpu.memory_space<vmem>>, vector<1x16xf32>,
      %get3A_3318 = vector.shape_cast %get3A_3317 : vector<1x16xf32> to vector<16xf32>
      %mul3A_3319 = vector.broadcast %squeeze3A : f32 to vector<16xf32>
      %mul3A_3320 = arith.mulf %mul3A_3319, %get3A_3293 : vector<16xf32>
      %add3A_3321 = arith.addf %get3A_3313, %mul3A_3320 : vector<16xf32>
      %mul3A_3322 = vector.broadcast %squeeze3A_7 : f32 to vector<16xf32>
      %mul3A_3323 = arith.mulf %mul3A_3322, %get3A_3298 : vector<16xf32>
      %add3A_3324 = arith.addf %add3A_3321, %mul3A_3323 : vector<16xf32>
      %mul3A_3325 = vector.broadcast %squeeze3A_9 : f32 to vector<16xf32>
      %mul3A_3326 = arith.mulf %mul3A_3325, %get3A_3303 : vector<16xf32>
      %add3A_3327 = arith.addf %add3A_3324, %mul3A_3326 : vector<16xf32>
      %mul3A_3328 = vector.broadcast %squeeze3A_11 : f32 to vector<16xf32>
      %mul3A_3329 = arith.mulf %mul3A_3328, %get3A_3308 : vector<16xf32>
      %add3A_3330 = arith.addf %add3A_3327, %mul3A_3329 : vector<16xf32>
      %ge3A_3331 = arith.constant 0.000000e+00 : f32
      %ge3A_3332 = vector.broadcast %ge3A_3331 : f32 to vector<16xf32>
      %ge3A_3333 = arith.cmpf oge, %add3A_3330, %ge3A_3332 : vector<16xf32>
      %mul3A_3334 = arith.constant 0.00999999977 : f32
      %mul3A_3335 = vector.broadcast %mul3A_3334 : f32 to vector<16xf32>
      %mul3A_3336 = arith.mulf %mul3A_3335, %add3A_3330 : vector<16xf32>
      %select_n3A_3337 = arith.select %ge3A_3333, %add3A_3330, %mul3A_3336 : vector<16xi1>, vector<16xf32>
      %mul3A_3338 = arith.constant 6.553700e+04 : f32
      %mul3A_3339 = vector.broadcast %mul3A_3338 : f32 to vector<16xf32>
      %mul3A_3340 = arith.mulf %select_n3A_3337, %mul3A_3339 : vector<16xf32>
      %sub3A_3341 = arith.subf %mul3A_3340, %select_n3A_3337 : vector<16xf32>
      %sub3A_3342 = arith.subf %mul3A_3340, %sub3A_3341 : vector<16xf32>
      %mul3A_3343 = arith.mulf %sub3A_3342, %get3A_3318 : vector<16xf32>
      %add3A_3344 = arith.addf %add3A_3132, %mul3A_3343 : vector<16xf32>
      %mul3A_3345 = vector.broadcast %squeeze3A : f32 to vector<16xf32>
      %mul3A_3346 = arith.mulf %mul3A_3345, %get3A_3293 : vector<16xf32>
      %add3A_3347 = arith.addf %get3A_3313, %mul3A_3346 : vector<16xf32>
      %mul3A_3348 = vector.broadcast %squeeze3A_7 : f32 to vector<16xf32>
      %mul3A_3349 = arith.mulf %mul3A_3348, %get3A_3298 : vector<16xf32>
      %add3A_3350 = arith.addf %add3A_3347, %mul3A_3349 : vector<16xf32>
      %mul3A_3351 = vector.broadcast %squeeze3A_13 : f32 to vector<16xf32>
      %mul3A_3352 = arith.mulf %mul3A_3351, %get3A_3303 : vector<16xf32>
      %add3A_3353 = arith.addf %add3A_3350, %mul3A_3352 : vector<16xf32>
      %mul3A_3354 = vector.broadcast %squeeze3A_15 : f32 to vector<16xf32>
      %mul3A_3355 = arith.mulf %mul3A_3354, %get3A_3308 : vector<16xf32>
      %add3A_3356 = arith.addf %add3A_3353, %mul3A_3355 : vector<16xf32>
      %ge3A_3357 = arith.constant 0.000000e+00 : f32
      %ge3A_3358 = vector.broadcast %ge3A_3357 : f32 to vector<16xf32>
      %ge3A_3359 = arith.cmpf oge, %add3A_3356, %ge3A_3358 : vector<16xf32>
      %mul3A_3360 = arith.constant 0.00999999977 : f32
      %mul3A_3361 = vector.broadcast %mul3A_3360 : f32 to vector<16xf32>
      %mul3A_3362 = arith.mulf %mul3A_3361, %add3A_3356 : vector<16xf32>
      %select_n3A_3363 = arith.select %ge3A_3359, %add3A_3356, %mul3A_3362 : vector<16xi1>, vector<16xf32>
      %mul3A_3364 = arith.constant 6.553700e+04 : f32
      %mul3A_3365 = vector.broadcast %mul3A_3364 : f32 to vector<16xf32>
      %mul3A_3366 = arith.mulf %select_n3A_3363, %mul3A_3365 : vector<16xf32>
      %sub3A_3367 = arith.subf %mul3A_3366, %select_n3A_3363 : vector<16xf32>
      %sub3A_3368 = arith.subf %mul3A_3366, %sub3A_3367 : vector<16xf32>
      %mul3A_3369 = arith.mulf %sub3A_3368, %get3A_3318 : vector<16xf32>
      %add3A_3370 = arith.addf %add3A_3158, %mul3A_3369 : vector<16xf32>
      %mul3A_3371 = vector.broadcast %squeeze3A : f32 to vector<16xf32>
      %mul3A_3372 = arith.mulf %mul3A_3371, %get3A_3293 : vector<16xf32>
      %add3A_3373 = arith.addf %get3A_3313, %mul3A_3372 : vector<16xf32>
      %mul3A_3374 = vector.broadcast %squeeze3A_7 : f32 to vector<16xf32>
      %mul3A_3375 = arith.mulf %mul3A_3374, %get3A_3298 : vector<16xf32>
      %add3A_3376 = arith.addf %add3A_3373, %mul3A_3375 : vector<16xf32>
      %mul3A_3377 = vector.broadcast %squeeze3A_17 : f32 to vector<16xf32>
      %mul3A_3378 = arith.mulf %mul3A_3377, %get3A_3303 : vector<16xf32>
      %add3A_3379 = arith.addf %add3A_3376, %mul3A_3378 : vector<16xf32>
      %mul3A_3380 = vector.broadcast %squeeze3A_19 : f32 to vector<16xf32>
      %mul3A_3381 = arith.mulf %mul3A_3380, %get3A_3308 : vector<16xf32>
      %add3A_3382 = arith.addf %add3A_3379, %mul3A_3381 : vector<16xf32>
      %ge3A_3383 = arith.constant 0.000000e+00 : f32
      %ge3A_3384 = vector.broadcast %ge3A_3383 : f32 to vector<16xf32>
      %ge3A_3385 = arith.cmpf oge, %add3A_3382, %ge3A_3384 : vector<16xf32>
      %mul3A_3386 = arith.constant 0.00999999977 : f32
      %mul3A_3387 = vector.broadcast %mul3A_3386 : f32 to vector<16xf32>
      %mul3A_3388 = arith.mulf %mul3A_3387, %add3A_3382 : vector<16xf32>
      %select_n3A_3389 = arith.select %ge3A_3385, %add3A_3382, %mul3A_3388 : vector<16xi1>, vector<16xf32>
      %mul3A_3390 = arith.constant 6.553700e+04 : f32
      %mul3A_3391 = vector.broadcast %mul3A_3390 : f32 to vector<16xf32>
      %mul3A_3392 = arith.mulf %select_n3A_3389, %mul3A_3391 : vector<16xf32>
      %sub3A_3393 = arith.subf %mul3A_3392, %select_n3A_3389 : vector<16xf32>
      %sub3A_3394 = arith.subf %mul3A_3392, %sub3A_3393 : vector<16xf32>
      %mul3A_3395 = arith.mulf %sub3A_3394, %get3A_3318 : vector<16xf32>
      %add3A_3396 = arith.addf %add3A_3184, %mul3A_3395 : vector<16xf32>
      %mul3A_3397 = vector.broadcast %squeeze3A_17 : f32 to vector<16xf32>
      %mul3A_3398 = arith.mulf %mul3A_3397, %get3A_3293 : vector<16xf32>
      %add3A_3399 = arith.addf %get3A_3313, %mul3A_3398 : vector<16xf32>
      %mul3A_3400 = vector.broadcast %squeeze3A_19 : f32 to vector<16xf32>
      %mul3A_3401 = arith.mulf %mul3A_3400, %get3A_3298 : vector<16xf32>
      %add3A_3402 = arith.addf %add3A_3399, %mul3A_3401 : vector<16xf32>
      %mul3A_3403 = vector.broadcast %squeeze3A_13 : f32 to vector<16xf32>
      %mul3A_3404 = arith.mulf %mul3A_3403, %get3A_3303 : vector<16xf32>
      %add3A_3405 = arith.addf %add3A_3402, %mul3A_3404 : vector<16xf32>
      %mul3A_3406 = vector.broadcast %squeeze3A_15 : f32 to vector<16xf32>
      %mul3A_3407 = arith.mulf %mul3A_3406, %get3A_3308 : vector<16xf32>
      %add3A_3408 = arith.addf %add3A_3405, %mul3A_3407 : vector<16xf32>
      %ge3A_3409 = arith.constant 0.000000e+00 : f32
      %ge3A_3410 = vector.broadcast %ge3A_3409 : f32 to vector<16xf32>
      %ge3A_3411 = arith.cmpf oge, %add3A_3408, %ge3A_3410 : vector<16xf32>
      %mul3A_3412 = arith.constant 0.00999999977 : f32
      %mul3A_3413 = vector.broadcast %mul3A_3412 : f32 to vector<16xf32>
      %mul3A_3414 = arith.mulf %mul3A_3413, %add3A_3408 : vector<16xf32>
      %select_n3A_3415 = arith.select %ge3A_3411, %add3A_3408, %mul3A_3414 : vector<16xi1>, vector<16xf32>
      %mul3A_3416 = arith.constant 6.553700e+04 : f32
      %mul3A_3417 = vector.broadcast %mul3A_3416 : f32 to vector<16xf32>
      %mul3A_3418 = arith.mulf %select_n3A_3415, %mul3A_3417 : vector<16xf32>
      %sub3A_3419 = arith.subf %mul3A_3418, %select_n3A_3415 : vector<16xf32>
      %sub3A_3420 = arith.subf %mul3A_3418, %sub3A_3419 : vector<16xf32>
      %mul3A_3421 = arith.mulf %sub3A_3420, %get3A_3318 : vector<16xf32>
      %add3A_3422 = arith.addf %add3A_3210, %mul3A_3421 : vector<16xf32>
      %mul3A_3423 = vector.broadcast %squeeze3A_13 : f32 to vector<16xf32>
      %mul3A_3424 = arith.mulf %mul3A_3423, %get3A_3293 : vector<16xf32>
      %add3A_3425 = arith.addf %get3A_3313, %mul3A_3424 : vector<16xf32>
      %mul3A_3426 = vector.broadcast %squeeze3A_15 : f32 to vector<16xf32>
      %mul3A_3427 = arith.mulf %mul3A_3426, %get3A_3298 : vector<16xf32>
      %add3A_3428 = arith.addf %add3A_3425, %mul3A_3427 : vector<16xf32>
      %mul3A_3429 = vector.broadcast %squeeze3A_9 : f32 to vector<16xf32>
      %mul3A_3430 = arith.mulf %mul3A_3429, %get3A_3303 : vector<16xf32>
      %add3A_3431 = arith.addf %add3A_3428, %mul3A_3430 : vector<16xf32>
      %mul3A_3432 = vector.broadcast %squeeze3A_11 : f32 to vector<16xf32>
      %mul3A_3433 = arith.mulf %mul3A_3432, %get3A_3308 : vector<16xf32>
      %add3A_3434 = arith.addf %add3A_3431, %mul3A_3433 : vector<16xf32>
      %ge3A_3435 = arith.constant 0.000000e+00 : f32
      %ge3A_3436 = vector.broadcast %ge3A_3435 : f32 to vector<16xf32>
      %ge3A_3437 = arith.cmpf oge, %add3A_3434, %ge3A_3436 : vector<16xf32>
      %mul3A_3438 = arith.constant 0.00999999977 : f32
      %mul3A_3439 = vector.broadcast %mul3A_3438 : f32 to vector<16xf32>
      %mul3A_3440 = arith.mulf %mul3A_3439, %add3A_3434 : vector<16xf32>
      %select_n3A_3441 = arith.select %ge3A_3437, %add3A_3434, %mul3A_3440 : vector<16xi1>, vector<16xf32>
      %mul3A_3442 = arith.constant 6.553700e+04 : f32
      %mul3A_3443 = vector.broadcast %mul3A_3442 : f32 to vector<16xf32>
      %mul3A_3444 = arith.mulf %select_n3A_3441, %mul3A_3443 : vector<16xf32>
      %sub3A_3445 = arith.subf %mul3A_3444, %select_n3A_3441 : vector<16xf32>
      %sub3A_3446 = arith.subf %mul3A_3444, %sub3A_3445 : vector<16xf32>
      %mul3A_3447 = arith.mulf %sub3A_3446, %get3A_3318 : vector<16xf32>
      %add3A_3448 = arith.addf %add3A_3236, %mul3A_3447 : vector<16xf32>
      %mul3A_3449 = vector.broadcast %squeeze3A_13 : f32 to vector<16xf32>
      %mul3A_3450 = arith.mulf %mul3A_3449, %get3A_3293 : vector<16xf32>
      %add3A_3451 = arith.addf %get3A_3313, %mul3A_3450 : vector<16xf32>
      %mul3A_3452 = vector.broadcast %squeeze3A_15 : f32 to vector<16xf32>
      %mul3A_3453 = arith.mulf %mul3A_3452, %get3A_3298 : vector<16xf32>
      %add3A_3454 = arith.addf %add3A_3451, %mul3A_3453 : vector<16xf32>
      %mul3A_3455 = vector.broadcast %squeeze3A_21 : f32 to vector<16xf32>
      %mul3A_3456 = arith.mulf %mul3A_3455, %get3A_3303 : vector<16xf32>
      %add3A_3457 = arith.addf %add3A_3454, %mul3A_3456 : vector<16xf32>
      %mul3A_3458 = vector.broadcast %squeeze3A_23 : f32 to vector<16xf32>
      %mul3A_3459 = arith.mulf %mul3A_3458, %get3A_3308 : vector<16xf32>
      %add3A_3460 = arith.addf %add3A_3457, %mul3A_3459 : vector<16xf32>
      %ge3A_3461 = arith.constant 0.000000e+00 : f32
      %ge3A_3462 = vector.broadcast %ge3A_3461 : f32 to vector<16xf32>
      %ge3A_3463 = arith.cmpf oge, %add3A_3460, %ge3A_3462 : vector<16xf32>
      %mul3A_3464 = arith.constant 0.00999999977 : f32
      %mul3A_3465 = vector.broadcast %mul3A_3464 : f32 to vector<16xf32>
      %mul3A_3466 = arith.mulf %mul3A_3465, %add3A_3460 : vector<16xf32>
      %select_n3A_3467 = arith.select %ge3A_3463, %add3A_3460, %mul3A_3466 : vector<16xi1>, vector<16xf32>
      %mul3A_3468 = arith.constant 6.553700e+04 : f32
      %mul3A_3469 = vector.broadcast %mul3A_3468 : f32 to vector<16xf32>
      %mul3A_3470 = arith.mulf %select_n3A_3467, %mul3A_3469 : vector<16xf32>
      %sub3A_3471 = arith.subf %mul3A_3470, %select_n3A_3467 : vector<16xf32>
      %sub3A_3472 = arith.subf %mul3A_3470, %sub3A_3471 : vector<16xf32>
      %mul3A_3473 = arith.mulf %sub3A_3472, %get3A_3318 : vector<16xf32>
      %add3A_3474 = arith.addf %add3A_3262, %mul3A_3473 : vector<16xf32>
      %mul3A_3475 = vector.broadcast %squeeze3A_21 : f32 to vector<16xf32>
      %mul3A_3476 = arith.mulf %mul3A_3475, %get3A_3293 : vector<16xf32>
      %add3A_3477 = arith.addf %get3A_3313, %mul3A_3476 : vector<16xf32>
      %mul3A_3478 = vector.broadcast %squeeze3A_23 : f32 to vector<16xf32>
      %mul3A_3479 = arith.mulf %mul3A_3478, %get3A_3298 : vector<16xf32>
      %add3A_3480 = arith.addf %add3A_3477, %mul3A_3479 : vector<16xf32>
      %mul3A_3481 = vector.broadcast %squeeze3A_9 : f32 to vector<16xf32>
      %mul3A_3482 = arith.mulf %mul3A_3481, %get3A_3303 : vector<16xf32>
      %add3A_3483 = arith.addf %add3A_3480, %mul3A_3482 : vector<16xf32>
      %mul3A_3484 = vector.broadcast %squeeze3A_11 : f32 to vector<16xf32>
      %mul3A_3485 = arith.mulf %mul3A_3484, %get3A_3308 : vector<16xf32>
      %add3A_3486 = arith.addf %add3A_3483, %mul3A_3485 : vector<16xf32>
      %ge3A_3487 = arith.constant 0.000000e+00 : f32
      %ge3A_3488 = vector.broadcast %ge3A_3487 : f32 to vector<16xf32>
      %ge3A_3489 = arith.cmpf oge, %add3A_3486, %ge3A_3488 : vector<16xf32>
      %mul3A_3490 = arith.constant 0.00999999977 : f32
      %mul3A_3491 = vector.broadcast %mul3A_3490 : f32 to vector<16xf32>
      %mul3A_3492 = arith.mulf %mul3A_3491, %add3A_3486 : vector<16xf32>
      %select_n3A_3493 = arith.select %ge3A_3489, %add3A_3486, %mul3A_3492 : vector<16xi1>, vector<16xf32>
      %mul3A_3494 = arith.constant 6.553700e+04 : f32
      %mul3A_3495 = vector.broadcast %mul3A_3494 : f32 to vector<16xf32>
      %mul3A_3496 = arith.mulf %select_n3A_3493, %mul3A_3495 : vector<16xf32>
      %sub3A_3497 = arith.subf %mul3A_3496, %select_n3A_3493 : vector<16xf32>
      %sub3A_3498 = arith.subf %mul3A_3496, %sub3A_3497 : vector<16xf32>
      %mul3A_3499 = arith.mulf %sub3A_3498, %get3A_3318 : vector<16xf32>
      %add3A_3500 = arith.addf %add3A_3288, %mul3A_3499 : vector<16xf32>
      %slice3A_3501 = vector.extract_strided_slice %add3A_3344 {offsets = [0], sizes = [1], strides = [1]} : vector<16xf32> to vector<1xf32>
      %squeeze3A_3502 = vector.extract %slice3A_3501[0] : f32 from vector<1xf32>
      %slice3A_3503 = vector.extract_strided_slice %add3A_3344 {offsets = [1], sizes = [1], strides = [1]} : vector<16xf32> to vector<1xf32>
      %squeeze3A_3504 = vector.extract %slice3A_3503[0] : f32 from vector<1xf32>
      %slice3A_3505 = vector.extract_strided_slice %add3A_3344 {offsets = [2], sizes = [1], strides = [1]} : vector<16xf32> to vector<1xf32>
      %squeeze3A_3506 = vector.extract %slice3A_3505[0] : f32 from vector<1xf32>
      %slice3A_3507 = vector.extract_strided_slice %add3A_3344 {offsets = [3], sizes = [1], strides = [1]} : vector<16xf32> to vector<1xf32>
      %squeeze3A_3508 = vector.extract %slice3A_3507[0] : f32 from vector<1xf32>
      %slice3A_3509 = vector.extract_strided_slice %add3A_3344 {offsets = [4], sizes = [1], strides = [1]} : vector<16xf32> to vector<1xf32>
      %squeeze3A_3510 = vector.extract %slice3A_3509[0] : f32 from vector<1xf32>
      %slice3A_3511 = vector.extract_strided_slice %add3A_3344 {offsets = [5], sizes = [1], strides = [1]} : vector<16xf32> to vector<1xf32>
      %squeeze3A_3512 = vector.extract %slice3A_3511[0] : f32 from vector<1xf32>
      %slice3A_3513 = vector.extract_strided_slice %add3A_3344 {offsets = [6], sizes = [1], strides = [1]} : vector<16xf32> to vector<1xf32>
      %squeeze3A_3514 = vector.extract %slice3A_3513[0] : f32 from vector<1xf32>
      %slice3A_3515 = vector.extract_strided_slice %add3A_3344 {offsets = [7], sizes = [1], strides = [1]} : vector<16xf32> to vector<1xf32>
      %squeeze3A_3516 = vector.extract %slice3A_3515[0] : f32 from vector<1xf32>
      %slice3A_3517 = vector.extract_strided_slice %add3A_3344 {offsets = [8], sizes = [1], strides = [1]} : vector<16xf32> to vector<1xf32>
      %squeeze3A_3518 = vector.extract %slice3A_3517[0] : f32 from vector<1xf32>
      %slice3A_3519 = vector.extract_strided_slice %add3A_3344 {offsets = [9], sizes = [1], strides = [1]} : vector<16xf32> to vector<1xf32>
      %squeeze3A_3520 = vector.extract %slice3A_3519[0] : f32 from vector<1xf32>
      %slice3A_3521 = vector.extract_strided_slice %add3A_3344 {offsets = [10], sizes = [1], strides = [1]} : vector<16xf32> to vector<1xf32>
      %squeeze3A_3522 = vector.extract %slice3A_3521[0] : f32 from vector<1xf32>
      %slice3A_3523 = vector.extract_strided_slice %add3A_3344 {offsets = [11], sizes = [1], strides = [1]} : vector<16xf32> to vector<1xf32>
      %squeeze3A_3524 = vector.extract %slice3A_3523[0] : f32 from vector<1xf32>
      %slice3A_3525 = vector.extract_strided_slice %add3A_3344 {offsets = [12], sizes = [1], strides = [1]} : vector<16xf32> to vector<1xf32>
      %squeeze3A_3526 = vector.extract %slice3A_3525[0] : f32 from vector<1xf32>
      %slice3A_3527 = vector.extract_strided_slice %add3A_3344 {offsets = [13], sizes = [1], strides = [1]} : vector<16xf32> to vector<1xf32>
      %squeeze3A_3528 = vector.extract %slice3A_3527[0] : f32 from vector<1xf32>
      %slice3A_3529 = vector.extract_strided_slice %add3A_3344 {offsets = [14], sizes = [1], strides = [1]} : vector<16xf32> to vector<1xf32>
      %squeeze3A_3530 = vector.extract %slice3A_3529[0] : f32 from vector<1xf32>
      %slice3A_3531 = vector.extract_strided_slice %add3A_3344 {offsets = [15], sizes = [1], strides = [1]} : vector<16xf32> to vector<1xf32>
      %squeeze3A_3532 = vector.extract %slice3A_3531[0] : f32 from vector<1xf32>
      %add3A_3533 = arith.addf %squeeze3A_3502, %squeeze3A_3504 : f32
      %add3A_3534 = arith.addf %squeeze3A_3506, %squeeze3A_3508 : f32
      %add3A_3535 = arith.addf %squeeze3A_3510, %squeeze3A_3512 : f32
      %add3A_3536 = arith.addf %squeeze3A_3514, %squeeze3A_3516 : f32
      %add3A_3537 = arith.addf %squeeze3A_3518, %squeeze3A_3520 : f32
      %add3A_3538 = arith.addf %squeeze3A_3522, %squeeze3A_3524 : f32
      %add3A_3539 = arith.addf %squeeze3A_3526, %squeeze3A_3528 : f32
      %add3A_3540 = arith.addf %squeeze3A_3530, %squeeze3A_3532 : f32
      %add3A_3541 = arith.addf %add3A_3533, %add3A_3534 : f32
      %add3A_3542 = arith.addf %add3A_3535, %add3A_3536 : f32
      %add3A_3543 = arith.addf %add3A_3537, %add3A_3538 : f32
      %add3A_3544 = arith.addf %add3A_3539, %add3A_3540 : f32
      %add3A_3545 = arith.addf %add3A_3541, %add3A_3542 : f32
      %add3A_3546 = arith.addf %add3A_3543, %add3A_3544 : f32
      %add3A_3547 = arith.addf %add3A_3545, %add3A_3546 : f32
      %add3A_3548 = arith.addf %add3A_3547, %squeeze3A_25 : f32
      %slice3A_3549 = vector.extract_strided_slice %add3A_3370 {offsets = [0], sizes = [1], strides = [1]} : vector<16xf32> to vector<1xf32>
      %squeeze3A_3550 = vector.extract %slice3A_3549[0] : f32 from vector<1xf32>
      %slice3A_3551 = vector.extract_strided_slice %add3A_3370 {offsets = [1], sizes = [1], strides = [1]} : vector<16xf32> to vector<1xf32>
      %squeeze3A_3552 = vector.extract %slice3A_3551[0] : f32 from vector<1xf32>
      %slice3A_3553 = vector.extract_strided_slice %add3A_3370 {offsets = [2], sizes = [1], strides = [1]} : vector<16xf32> to vector<1xf32>
      %squeeze3A_3554 = vector.extract %slice3A_3553[0] : f32 from vector<1xf32>
      %slice3A_3555 = vector.extract_strided_slice %add3A_3370 {offsets = [3], sizes = [1], strides = [1]} : vector<16xf32> to vector<1xf32>
      %squeeze3A_3556 = vector.extract %slice3A_3555[0] : f32 from vector<1xf32>
      %slice3A_3557 = vector.extract_strided_slice %add3A_3370 {offsets = [4], sizes = [1], strides = [1]} : vector<16xf32> to vector<1xf32>
      %squeeze3A_3558 = vector.extract %slice3A_3557[0] : f32 from vector<1xf32>
      %slice3A_3559 = vector.extract_strided_slice %add3A_3370 {offsets = [5], sizes = [1], strides = [1]} : vector<16xf32> to vector<1xf32>
      %squeeze3A_3560 = vector.extract %slice3A_3559[0] : f32 from vector<1xf32>
      %slice3A_3561 = vector.extract_strided_slice %add3A_3370 {offsets = [6], sizes = [1], strides = [1]} : vector<16xf32> to vector<1xf32>
      %squeeze3A_3562 = vector.extract %slice3A_3561[0] : f32 from vector<1xf32>
      %slice3A_3563 = vector.extract_strided_slice %add3A_3370 {offsets = [7], sizes = [1], strides = [1]} : vector<16xf32> to vector<1xf32>
      %squeeze3A_3564 = vector.extract %slice3A_3563[0] : f32 from vector<1xf32>
      %slice3A_3565 = vector.extract_strided_slice %add3A_3370 {offsets = [8], sizes = [1], strides = [1]} : vector<16xf32> to vector<1xf32>
      %squeeze3A_3566 = vector.extract %slice3A_3565[0] : f32 from vector<1xf32>
      %slice3A_3567 = vector.extract_strided_slice %add3A_3370 {offsets = [9], sizes = [1], strides = [1]} : vector<16xf32> to vector<1xf32>
      %squeeze3A_3568 = vector.extract %slice3A_3567[0] : f32 from vector<1xf32>
      %slice3A_3569 = vector.extract_strided_slice %add3A_3370 {offsets = [10], sizes = [1], strides = [1]} : vector<16xf32> to vector<1xf32>
      %squeeze3A_3570 = vector.extract %slice3A_3569[0] : f32 from vector<1xf32>
      %slice3A_3571 = vector.extract_strided_slice %add3A_3370 {offsets = [11], sizes = [1], strides = [1]} : vector<16xf32> to vector<1xf32>
      %squeeze3A_3572 = vector.extract %slice3A_3571[0] : f32 from vector<1xf32>
      %slice3A_3573 = vector.extract_strided_slice %add3A_3370 {offsets = [12], sizes = [1], strides = [1]} : vector<16xf32> to vector<1xf32>
      %squeeze3A_3574 = vector.extract %slice3A_3573[0] : f32 from vector<1xf32>
      %slice3A_3575 = vector.extract_strided_slice %add3A_3370 {offsets = [13], sizes = [1], strides = [1]} : vector<16xf32> to vector<1xf32>
      %squeeze3A_3576 = vector.extract %slice3A_3575[0] : f32 from vector<1xf32>
      %slice3A_3577 = vector.extract_strided_slice %add3A_3370 {offsets = [14], sizes = [1], strides = [1]} : vector<16xf32> to vector<1xf32>
      %squeeze3A_3578 = vector.extract %slice3A_3577[0] : f32 from vector<1xf32>
      %slice3A_3579 = vector.extract_strided_slice %add3A_3370 {offsets = [15], sizes = [1], strides = [1]} : vector<16xf32> to vector<1xf32>
      %squeeze3A_3580 = vector.extract %slice3A_3579[0] : f32 from vector<1xf32>
      %add3A_3581 = arith.addf %squeeze3A_3550, %squeeze3A_3552 : f32
      %add3A_3582 = arith.addf %squeeze3A_3554, %squeeze3A_3556 : f32
      %add3A_3583 = arith.addf %squeeze3A_3558, %squeeze3A_3560 : f32
      %add3A_3584 = arith.addf %squeeze3A_3562, %squeeze3A_3564 : f32
      %add3A_3585 = arith.addf %squeeze3A_3566, %squeeze3A_3568 : f32
      %add3A_3586 = arith.addf %squeeze3A_3570, %squeeze3A_3572 : f32
      %add3A_3587 = arith.addf %squeeze3A_3574, %squeeze3A_3576 : f32
      %add3A_3588 = arith.addf %squeeze3A_3578, %squeeze3A_3580 : f32
      %add3A_3589 = arith.addf %add3A_3581, %add3A_3582 : f32
      %add3A_3590 = arith.addf %add3A_3583, %add3A_3584 : f32
      %add3A_3591 = arith.addf %add3A_3585, %add3A_3586 : f32
      %add3A_3592 = arith.addf %add3A_3587, %add3A_3588 : f32
      %add3A_3593 = arith.addf %add3A_3589, %add3A_3590 : f32
      %add3A_3594 = arith.addf %add3A_3591, %add3A_3592 : f32
      %add3A_3595 = arith.addf %add3A_3593, %add3A_3594 : f32
      %add3A_3596 = arith.addf %add3A_3595, %squeeze3A_25 : f32
      %slice3A_3597 = vector.extract_strided_slice %add3A_3396 {offsets = [0], sizes = [1], strides = [1]} : vector<16xf32> to vector<1xf32>
      %squeeze3A_3598 = vector.extract %slice3A_3597[0] : f32 from vector<1xf32>
      %slice3A_3599 = vector.extract_strided_slice %add3A_3396 {offsets = [1], sizes = [1], strides = [1]} : vector<16xf32> to vector<1xf32>
      %squeeze3A_3600 = vector.extract %slice3A_3599[0] : f32 from vector<1xf32>
      %slice3A_3601 = vector.extract_strided_slice %add3A_3396 {offsets = [2], sizes = [1], strides = [1]} : vector<16xf32> to vector<1xf32>
      %squeeze3A_3602 = vector.extract %slice3A_3601[0] : f32 from vector<1xf32>
      %slice3A_3603 = vector.extract_strided_slice %add3A_3396 {offsets = [3], sizes = [1], strides = [1]} : vector<16xf32> to vector<1xf32>
      %squeeze3A_3604 = vector.extract %slice3A_3603[0] : f32 from vector<1xf32>
      %slice3A_3605 = vector.extract_strided_slice %add3A_3396 {offsets = [4], sizes = [1], strides = [1]} : vector<16xf32> to vector<1xf32>
      %squeeze3A_3606 = vector.extract %slice3A_3605[0] : f32 from vector<1xf32>
      %slice3A_3607 = vector.extract_strided_slice %add3A_3396 {offsets = [5], sizes = [1], strides = [1]} : vector<16xf32> to vector<1xf32>
      %squeeze3A_3608 = vector.extract %slice3A_3607[0] : f32 from vector<1xf32>
      %slice3A_3609 = vector.extract_strided_slice %add3A_3396 {offsets = [6], sizes = [1], strides = [1]} : vector<16xf32> to vector<1xf32>
      %squeeze3A_3610 = vector.extract %slice3A_3609[0] : f32 from vector<1xf32>
      %slice3A_3611 = vector.extract_strided_slice %add3A_3396 {offsets = [7], sizes = [1], strides = [1]} : vector<16xf32> to vector<1xf32>
      %squeeze3A_3612 = vector.extract %slice3A_3611[0] : f32 from vector<1xf32>
      %slice3A_3613 = vector.extract_strided_slice %add3A_3396 {offsets = [8], sizes = [1], strides = [1]} : vector<16xf32> to vector<1xf32>
      %squeeze3A_3614 = vector.extract %slice3A_3613[0] : f32 from vector<1xf32>
      %slice3A_3615 = vector.extract_strided_slice %add3A_3396 {offsets = [9], sizes = [1], strides = [1]} : vector<16xf32> to vector<1xf32>
      %squeeze3A_3616 = vector.extract %slice3A_3615[0] : f32 from vector<1xf32>
      %slice3A_3617 = vector.extract_strided_slice %add3A_3396 {offsets = [10], sizes = [1], strides = [1]} : vector<16xf32> to vector<1xf32>
      %squeeze3A_3618 = vector.extract %slice3A_3617[0] : f32 from vector<1xf32>
      %slice3A_3619 = vector.extract_strided_slice %add3A_3396 {offsets = [11], sizes = [1], strides = [1]} : vector<16xf32> to vector<1xf32>
      %squeeze3A_3620 = vector.extract %slice3A_3619[0] : f32 from vector<1xf32>
      %slice3A_3621 = vector.extract_strided_slice %add3A_3396 {offsets = [12], sizes = [1], strides = [1]} : vector<16xf32> to vector<1xf32>
      %squeeze3A_3622 = vector.extract %slice3A_3621[0] : f32 from vector<1xf32>
      %slice3A_3623 = vector.extract_strided_slice %add3A_3396 {offsets = [13], sizes = [1], strides = [1]} : vector<16xf32> to vector<1xf32>
      %squeeze3A_3624 = vector.extract %slice3A_3623[0] : f32 from vector<1xf32>
      %slice3A_3625 = vector.extract_strided_slice %add3A_3396 {offsets = [14], sizes = [1], strides = [1]} : vector<16xf32> to vector<1xf32>
      %squeeze3A_3626 = vector.extract %slice3A_3625[0] : f32 from vector<1xf32>
      %slice3A_3627 = vector.extract_strided_slice %add3A_3396 {offsets = [15], sizes = [1], strides = [1]} : vector<16xf32> to vector<1xf32>
      %squeeze3A_3628 = vector.extract %slice3A_3627[0] : f32 from vector<1xf32>
      %add3A_3629 = arith.addf %squeeze3A_3598, %squeeze3A_3600 : f32
      %add3A_3630 = arith.addf %squeeze3A_3602, %squeeze3A_3604 : f32
      %add3A_3631 = arith.addf %squeeze3A_3606, %squeeze3A_3608 : f32
      %add3A_3632 = arith.addf %squeeze3A_3610, %squeeze3A_3612 : f32
      %add3A_3633 = arith.addf %squeeze3A_3614, %squeeze3A_3616 : f32
      %add3A_3634 = arith.addf %squeeze3A_3618, %squeeze3A_3620 : f32
      %add3A_3635 = arith.addf %squeeze3A_3622, %squeeze3A_3624 : f32
      %add3A_3636 = arith.addf %squeeze3A_3626, %squeeze3A_3628 : f32
      %add3A_3637 = arith.addf %add3A_3629, %add3A_3630 : f32
      %add3A_3638 = arith.addf %add3A_3631, %add3A_3632 : f32
      %add3A_3639 = arith.addf %add3A_3633, %add3A_3634 : f32
      %add3A_3640 = arith.addf %add3A_3635, %add3A_3636 : f32
      %add3A_3641 = arith.addf %add3A_3637, %add3A_3638 : f32
      %add3A_3642 = arith.addf %add3A_3639, %add3A_3640 : f32
      %add3A_3643 = arith.addf %add3A_3641, %add3A_3642 : f32
      %add3A_3644 = arith.addf %add3A_3643, %squeeze3A_25 : f32
      %slice3A_3645 = vector.extract_strided_slice %add3A_3422 {offsets = [0], sizes = [1], strides = [1]} : vector<16xf32> to vector<1xf32>
      %squeeze3A_3646 = vector.extract %slice3A_3645[0] : f32 from vector<1xf32>
      %slice3A_3647 = vector.extract_strided_slice %add3A_3422 {offsets = [1], sizes = [1], strides = [1]} : vector<16xf32> to vector<1xf32>
      %squeeze3A_3648 = vector.extract %slice3A_3647[0] : f32 from vector<1xf32>
      %slice3A_3649 = vector.extract_strided_slice %add3A_3422 {offsets = [2], sizes = [1], strides = [1]} : vector<16xf32> to vector<1xf32>
      %squeeze3A_3650 = vector.extract %slice3A_3649[0] : f32 from vector<1xf32>
      %slice3A_3651 = vector.extract_strided_slice %add3A_3422 {offsets = [3], sizes = [1], strides = [1]} : vector<16xf32> to vector<1xf32>
      %squeeze3A_3652 = vector.extract %slice3A_3651[0] : f32 from vector<1xf32>
      %slice3A_3653 = vector.extract_strided_slice %add3A_3422 {offsets = [4], sizes = [1], strides = [1]} : vector<16xf32> to vector<1xf32>
      %squeeze3A_3654 = vector.extract %slice3A_3653[0] : f32 from vector<1xf32>
      %slice3A_3655 = vector.extract_strided_slice %add3A_3422 {offsets = [5], sizes = [1], strides = [1]} : vector<16xf32> to vector<1xf32>
      %squeeze3A_3656 = vector.extract %slice3A_3655[0] : f32 from vector<1xf32>
      %slice3A_3657 = vector.extract_strided_slice %add3A_3422 {offsets = [6], sizes = [1], strides = [1]} : vector<16xf32> to vector<1xf32>
      %squeeze3A_3658 = vector.extract %slice3A_3657[0] : f32 from vector<1xf32>
      %slice3A_3659 = vector.extract_strided_slice %add3A_3422 {offsets = [7], sizes = [1], strides = [1]} : vector<16xf32> to vector<1xf32>
      %squeeze3A_3660 = vector.extract %slice3A_3659[0] : f32 from vector<1xf32>
      %slice3A_3661 = vector.extract_strided_slice %add3A_3422 {offsets = [8], sizes = [1], strides = [1]} : vector<16xf32> to vector<1xf32>
      %squeeze3A_3662 = vector.extract %slice3A_3661[0] : f32 from vector<1xf32>
      %slice3A_3663 = vector.extract_strided_slice %add3A_3422 {offsets = [9], sizes = [1], strides = [1]} : vector<16xf32> to vector<1xf32>
      %squeeze3A_3664 = vector.extract %slice3A_3663[0] : f32 from vector<1xf32>
      %slice3A_3665 = vector.extract_strided_slice %add3A_3422 {offsets = [10], sizes = [1], strides = [1]} : vector<16xf32> to vector<1xf32>
      %squeeze3A_3666 = vector.extract %slice3A_3665[0] : f32 from vector<1xf32>
      %slice3A_3667 = vector.extract_strided_slice %add3A_3422 {offsets = [11], sizes = [1], strides = [1]} : vector<16xf32> to vector<1xf32>
      %squeeze3A_3668 = vector.extract %slice3A_3667[0] : f32 from vector<1xf32>
      %slice3A_3669 = vector.extract_strided_slice %add3A_3422 {offsets = [12], sizes = [1], strides = [1]} : vector<16xf32> to vector<1xf32>
      %squeeze3A_3670 = vector.extract %slice3A_3669[0] : f32 from vector<1xf32>
      %slice3A_3671 = vector.extract_strided_slice %add3A_3422 {offsets = [13], sizes = [1], strides = [1]} : vector<16xf32> to vector<1xf32>
      %squeeze3A_3672 = vector.extract %slice3A_3671[0] : f32 from vector<1xf32>
      %slice3A_3673 = vector.extract_strided_slice %add3A_3422 {offsets = [14], sizes = [1], strides = [1]} : vector<16xf32> to vector<1xf32>
      %squeeze3A_3674 = vector.extract %slice3A_3673[0] : f32 from vector<1xf32>
      %slice3A_3675 = vector.extract_strided_slice %add3A_3422 {offsets = [15], sizes = [1], strides = [1]} : vector<16xf32> to vector<1xf32>
      %squeeze3A_3676 = vector.extract %slice3A_3675[0] : f32 from vector<1xf32>
      %add3A_3677 = arith.addf %squeeze3A_3646, %squeeze3A_3648 : f32
      %add3A_3678 = arith.addf %squeeze3A_3650, %squeeze3A_3652 : f32
      %add3A_3679 = arith.addf %squeeze3A_3654, %squeeze3A_3656 : f32
      %add3A_3680 = arith.addf %squeeze3A_3658, %squeeze3A_3660 : f32
      %add3A_3681 = arith.addf %squeeze3A_3662, %squeeze3A_3664 : f32
      %add3A_3682 = arith.addf %squeeze3A_3666, %squeeze3A_3668 : f32
      %add3A_3683 = arith.addf %squeeze3A_3670, %squeeze3A_3672 : f32
      %add3A_3684 = arith.addf %squeeze3A_3674, %squeeze3A_3676 : f32
      %add3A_3685 = arith.addf %add3A_3677, %add3A_3678 : f32
      %add3A_3686 = arith.addf %add3A_3679, %add3A_3680 : f32
      %add3A_3687 = arith.addf %add3A_3681, %add3A_3682 : f32
      %add3A_3688 = arith.addf %add3A_3683, %add3A_3684 : f32
      %add3A_3689 = arith.addf %add3A_3685, %add3A_3686 : f32
      %add3A_3690 = arith.addf %add3A_3687, %add3A_3688 : f32
      %add3A_3691 = arith.addf %add3A_3689, %add3A_3690 : f32
      %add3A_3692 = arith.addf %add3A_3691, %squeeze3A_25 : f32
      %slice3A_3693 = vector.extract_strided_slice %add3A_3448 {offsets = [0], sizes = [1], strides = [1]} : vector<16xf32> to vector<1xf32>
      %squeeze3A_3694 = vector.extract %slice3A_3693[0] : f32 from vector<1xf32>
      %slice3A_3695 = vector.extract_strided_slice %add3A_3448 {offsets = [1], sizes = [1], strides = [1]} : vector<16xf32> to vector<1xf32>
      %squeeze3A_3696 = vector.extract %slice3A_3695[0] : f32 from vector<1xf32>
      %slice3A_3697 = vector.extract_strided_slice %add3A_3448 {offsets = [2], sizes = [1], strides = [1]} : vector<16xf32> to vector<1xf32>
      %squeeze3A_3698 = vector.extract %slice3A_3697[0] : f32 from vector<1xf32>
      %slice3A_3699 = vector.extract_strided_slice %add3A_3448 {offsets = [3], sizes = [1], strides = [1]} : vector<16xf32> to vector<1xf32>
      %squeeze3A_3700 = vector.extract %slice3A_3699[0] : f32 from vector<1xf32>
      %slice3A_3701 = vector.extract_strided_slice %add3A_3448 {offsets = [4], sizes = [1], strides = [1]} : vector<16xf32> to vector<1xf32>
      %squeeze3A_3702 = vector.extract %slice3A_3701[0] : f32 from vector<1xf32>
      %slice3A_3703 = vector.extract_strided_slice %add3A_3448 {offsets = [5], sizes = [1], strides = [1]} : vector<16xf32> to vector<1xf32>
      %squeeze3A_3704 = vector.extract %slice3A_3703[0] : f32 from vector<1xf32>
      %slice3A_3705 = vector.extract_strided_slice %add3A_3448 {offsets = [6], sizes = [1], strides = [1]} : vector<16xf32> to vector<1xf32>
      %squeeze3A_3706 = vector.extract %slice3A_3705[0] : f32 from vector<1xf32>
      %slice3A_3707 = vector.extract_strided_slice %add3A_3448 {offsets = [7], sizes = [1], strides = [1]} : vector<16xf32> to vector<1xf32>
      %squeeze3A_3708 = vector.extract %slice3A_3707[0] : f32 from vector<1xf32>
      %slice3A_3709 = vector.extract_strided_slice %add3A_3448 {offsets = [8], sizes = [1], strides = [1]} : vector<16xf32> to vector<1xf32>
      %squeeze3A_3710 = vector.extract %slice3A_3709[0] : f32 from vector<1xf32>
      %slice3A_3711 = vector.extract_strided_slice %add3A_3448 {offsets = [9], sizes = [1], strides = [1]} : vector<16xf32> to vector<1xf32>
      %squeeze3A_3712 = vector.extract %slice3A_3711[0] : f32 from vector<1xf32>
      %slice3A_3713 = vector.extract_strided_slice %add3A_3448 {offsets = [10], sizes = [1], strides = [1]} : vector<16xf32> to vector<1xf32>
      %squeeze3A_3714 = vector.extract %slice3A_3713[0] : f32 from vector<1xf32>
      %slice3A_3715 = vector.extract_strided_slice %add3A_3448 {offsets = [11], sizes = [1], strides = [1]} : vector<16xf32> to vector<1xf32>
      %squeeze3A_3716 = vector.extract %slice3A_3715[0] : f32 from vector<1xf32>
      %slice3A_3717 = vector.extract_strided_slice %add3A_3448 {offsets = [12], sizes = [1], strides = [1]} : vector<16xf32> to vector<1xf32>
      %squeeze3A_3718 = vector.extract %slice3A_3717[0] : f32 from vector<1xf32>
      %slice3A_3719 = vector.extract_strided_slice %add3A_3448 {offsets = [13], sizes = [1], strides = [1]} : vector<16xf32> to vector<1xf32>
      %squeeze3A_3720 = vector.extract %slice3A_3719[0] : f32 from vector<1xf32>
      %slice3A_3721 = vector.extract_strided_slice %add3A_3448 {offsets = [14], sizes = [1], strides = [1]} : vector<16xf32> to vector<1xf32>
      %squeeze3A_3722 = vector.extract %slice3A_3721[0] : f32 from vector<1xf32>
      %slice3A_3723 = vector.extract_strided_slice %add3A_3448 {offsets = [15], sizes = [1], strides = [1]} : vector<16xf32> to vector<1xf32>
      %squeeze3A_3724 = vector.extract %slice3A_3723[0] : f32 from vector<1xf32>
      %add3A_3725 = arith.addf %squeeze3A_3694, %squeeze3A_3696 : f32
      %add3A_3726 = arith.addf %squeeze3A_3698, %squeeze3A_3700 : f32
      %add3A_3727 = arith.addf %squeeze3A_3702, %squeeze3A_3704 : f32
      %add3A_3728 = arith.addf %squeeze3A_3706, %squeeze3A_3708 : f32
      %add3A_3729 = arith.addf %squeeze3A_3710, %squeeze3A_3712 : f32
      %add3A_3730 = arith.addf %squeeze3A_3714, %squeeze3A_3716 : f32
      %add3A_3731 = arith.addf %squeeze3A_3718, %squeeze3A_3720 : f32
      %add3A_3732 = arith.addf %squeeze3A_3722, %squeeze3A_3724 : f32
      %add3A_3733 = arith.addf %add3A_3725, %add3A_3726 : f32
      %add3A_3734 = arith.addf %add3A_3727, %add3A_3728 : f32
      %add3A_3735 = arith.addf %add3A_3729, %add3A_3730 : f32
      %add3A_3736 = arith.addf %add3A_3731, %add3A_3732 : f32
      %add3A_3737 = arith.addf %add3A_3733, %add3A_3734 : f32
      %add3A_3738 = arith.addf %add3A_3735, %add3A_3736 : f32
      %add3A_3739 = arith.addf %add3A_3737, %add3A_3738 : f32
      %add3A_3740 = arith.addf %add3A_3739, %squeeze3A_25 : f32
      %slice3A_3741 = vector.extract_strided_slice %add3A_3474 {offsets = [0], sizes = [1], strides = [1]} : vector<16xf32> to vector<1xf32>
      %squeeze3A_3742 = vector.extract %slice3A_3741[0] : f32 from vector<1xf32>
      %slice3A_3743 = vector.extract_strided_slice %add3A_3474 {offsets = [1], sizes = [1], strides = [1]} : vector<16xf32> to vector<1xf32>
      %squeeze3A_3744 = vector.extract %slice3A_3743[0] : f32 from vector<1xf32>
      %slice3A_3745 = vector.extract_strided_slice %add3A_3474 {offsets = [2], sizes = [1], strides = [1]} : vector<16xf32> to vector<1xf32>
      %squeeze3A_3746 = vector.extract %slice3A_3745[0] : f32 from vector<1xf32>
      %slice3A_3747 = vector.extract_strided_slice %add3A_3474 {offsets = [3], sizes = [1], strides = [1]} : vector<16xf32> to vector<1xf32>
      %squeeze3A_3748 = vector.extract %slice3A_3747[0] : f32 from vector<1xf32>
      %slice3A_3749 = vector.extract_strided_slice %add3A_3474 {offsets = [4], sizes = [1], strides = [1]} : vector<16xf32> to vector<1xf32>
      %squeeze3A_3750 = vector.extract %slice3A_3749[0] : f32 from vector<1xf32>
      %slice3A_3751 = vector.extract_strided_slice %add3A_3474 {offsets = [5], sizes = [1], strides = [1]} : vector<16xf32> to vector<1xf32>
      %squeeze3A_3752 = vector.extract %slice3A_3751[0] : f32 from vector<1xf32>
      %slice3A_3753 = vector.extract_strided_slice %add3A_3474 {offsets = [6], sizes = [1], strides = [1]} : vector<16xf32> to vector<1xf32>
      %squeeze3A_3754 = vector.extract %slice3A_3753[0] : f32 from vector<1xf32>
      %slice3A_3755 = vector.extract_strided_slice %add3A_3474 {offsets = [7], sizes = [1], strides = [1]} : vector<16xf32> to vector<1xf32>
      %squeeze3A_3756 = vector.extract %slice3A_3755[0] : f32 from vector<1xf32>
      %slice3A_3757 = vector.extract_strided_slice %add3A_3474 {offsets = [8], sizes = [1], strides = [1]} : vector<16xf32> to vector<1xf32>
      %squeeze3A_3758 = vector.extract %slice3A_3757[0] : f32 from vector<1xf32>
      %slice3A_3759 = vector.extract_strided_slice %add3A_3474 {offsets = [9], sizes = [1], strides = [1]} : vector<16xf32> to vector<1xf32>
      %squeeze3A_3760 = vector.extract %slice3A_3759[0] : f32 from vector<1xf32>
      %slice3A_3761 = vector.extract_strided_slice %add3A_3474 {offsets = [10], sizes = [1], strides = [1]} : vector<16xf32> to vector<1xf32>
      %squeeze3A_3762 = vector.extract %slice3A_3761[0] : f32 from vector<1xf32>
      %slice3A_3763 = vector.extract_strided_slice %add3A_3474 {offsets = [11], sizes = [1], strides = [1]} : vector<16xf32> to vector<1xf32>
      %squeeze3A_3764 = vector.extract %slice3A_3763[0] : f32 from vector<1xf32>
      %slice3A_3765 = vector.extract_strided_slice %add3A_3474 {offsets = [12], sizes = [1], strides = [1]} : vector<16xf32> to vector<1xf32>
      %squeeze3A_3766 = vector.extract %slice3A_3765[0] : f32 from vector<1xf32>
      %slice3A_3767 = vector.extract_strided_slice %add3A_3474 {offsets = [13], sizes = [1], strides = [1]} : vector<16xf32> to vector<1xf32>
      %squeeze3A_3768 = vector.extract %slice3A_3767[0] : f32 from vector<1xf32>
      %slice3A_3769 = vector.extract_strided_slice %add3A_3474 {offsets = [14], sizes = [1], strides = [1]} : vector<16xf32> to vector<1xf32>
      %squeeze3A_3770 = vector.extract %slice3A_3769[0] : f32 from vector<1xf32>
      %slice3A_3771 = vector.extract_strided_slice %add3A_3474 {offsets = [15], sizes = [1], strides = [1]} : vector<16xf32> to vector<1xf32>
      %squeeze3A_3772 = vector.extract %slice3A_3771[0] : f32 from vector<1xf32>
      %add3A_3773 = arith.addf %squeeze3A_3742, %squeeze3A_3744 : f32
      %add3A_3774 = arith.addf %squeeze3A_3746, %squeeze3A_3748 : f32
      %add3A_3775 = arith.addf %squeeze3A_3750, %squeeze3A_3752 : f32
      %add3A_3776 = arith.addf %squeeze3A_3754, %squeeze3A_3756 : f32
      %add3A_3777 = arith.addf %squeeze3A_3758, %squeeze3A_3760 : f32
      %add3A_3778 = arith.addf %squeeze3A_3762, %squeeze3A_3764 : f32
      %add3A_3779 = arith.addf %squeeze3A_3766, %squeeze3A_3768 : f32
      %add3A_3780 = arith.addf %squeeze3A_3770, %squeeze3A_3772 : f32
      %add3A_3781 = arith.addf %add3A_3773, %add3A_3774 : f32
      %add3A_3782 = arith.addf %add3A_3775, %add3A_3776 : f32
      %add3A_3783 = arith.addf %add3A_3777, %add3A_3778 : f32
      %add3A_3784 = arith.addf %add3A_3779, %add3A_3780 : f32
      %add3A_3785 = arith.addf %add3A_3781, %add3A_3782 : f32
      %add3A_3786 = arith.addf %add3A_3783, %add3A_3784 : f32
      %add3A_3787 = arith.addf %add3A_3785, %add3A_3786 : f32
      %add3A_3788 = arith.addf %add3A_3787, %squeeze3A_25 : f32
      %slice3A_3789 = vector.extract_strided_slice %add3A_3500 {offsets = [0], sizes = [1], strides = [1]} : vector<16xf32> to vector<1xf32>
      %squeeze3A_3790 = vector.extract %slice3A_3789[0] : f32 from vector<1xf32>
      %slice3A_3791 = vector.extract_strided_slice %add3A_3500 {offsets = [1], sizes = [1], strides = [1]} : vector<16xf32> to vector<1xf32>
      %squeeze3A_3792 = vector.extract %slice3A_3791[0] : f32 from vector<1xf32>
      %slice3A_3793 = vector.extract_strided_slice %add3A_3500 {offsets = [2], sizes = [1], strides = [1]} : vector<16xf32> to vector<1xf32>
      %squeeze3A_3794 = vector.extract %slice3A_3793[0] : f32 from vector<1xf32>
      %slice3A_3795 = vector.extract_strided_slice %add3A_3500 {offsets = [3], sizes = [1], strides = [1]} : vector<16xf32> to vector<1xf32>
      %squeeze3A_3796 = vector.extract %slice3A_3795[0] : f32 from vector<1xf32>
      %slice3A_3797 = vector.extract_strided_slice %add3A_3500 {offsets = [4], sizes = [1], strides = [1]} : vector<16xf32> to vector<1xf32>
      %squeeze3A_3798 = vector.extract %slice3A_3797[0] : f32 from vector<1xf32>
      %slice3A_3799 = vector.extract_strided_slice %add3A_3500 {offsets = [5], sizes = [1], strides = [1]} : vector<16xf32> to vector<1xf32>
      %squeeze3A_3800 = vector.extract %slice3A_3799[0] : f32 from vector<1xf32>
      %slice3A_3801 = vector.extract_strided_slice %add3A_3500 {offsets = [6], sizes = [1], strides = [1]} : vector<16xf32> to vector<1xf32>
      %squeeze3A_3802 = vector.extract %slice3A_3801[0] : f32 from vector<1xf32>
      %slice3A_3803 = vector.extract_strided_slice %add3A_3500 {offsets = [7], sizes = [1], strides = [1]} : vector<16xf32> to vector<1xf32>
      %squeeze3A_3804 = vector.extract %slice3A_3803[0] : f32 from vector<1xf32>
      %slice3A_3805 = vector.extract_strided_slice %add3A_3500 {offsets = [8], sizes = [1], strides = [1]} : vector<16xf32> to vector<1xf32>
      %squeeze3A_3806 = vector.extract %slice3A_3805[0] : f32 from vector<1xf32>
      %slice3A_3807 = vector.extract_strided_slice %add3A_3500 {offsets = [9], sizes = [1], strides = [1]} : vector<16xf32> to vector<1xf32>
      %squeeze3A_3808 = vector.extract %slice3A_3807[0] : f32 from vector<1xf32>
      %slice3A_3809 = vector.extract_strided_slice %add3A_3500 {offsets = [10], sizes = [1], strides = [1]} : vector<16xf32> to vector<1xf32>
      %squeeze3A_3810 = vector.extract %slice3A_3809[0] : f32 from vector<1xf32>
      %slice3A_3811 = vector.extract_strided_slice %add3A_3500 {offsets = [11], sizes = [1], strides = [1]} : vector<16xf32> to vector<1xf32>
      %squeeze3A_3812 = vector.extract %slice3A_3811[0] : f32 from vector<1xf32>
      %slice3A_3813 = vector.extract_strided_slice %add3A_3500 {offsets = [12], sizes = [1], strides = [1]} : vector<16xf32> to vector<1xf32>
      %squeeze3A_3814 = vector.extract %slice3A_3813[0] : f32 from vector<1xf32>
      %slice3A_3815 = vector.extract_strided_slice %add3A_3500 {offsets = [13], sizes = [1], strides = [1]} : vector<16xf32> to vector<1xf32>
      %squeeze3A_3816 = vector.extract %slice3A_3815[0] : f32 from vector<1xf32>
      %slice3A_3817 = vector.extract_strided_slice %add3A_3500 {offsets = [14], sizes = [1], strides = [1]} : vector<16xf32> to vector<1xf32>
      %squeeze3A_3818 = vector.extract %slice3A_3817[0] : f32 from vector<1xf32>
      %slice3A_3819 = vector.extract_strided_slice %add3A_3500 {offsets = [15], sizes = [1], strides = [1]} : vector<16xf32> to vector<1xf32>
      %squeeze3A_3820 = vector.extract %slice3A_3819[0] : f32 from vector<1xf32>
      %add3A_3821 = arith.addf %squeeze3A_3790, %squeeze3A_3792 : f32
      %add3A_3822 = arith.addf %squeeze3A_3794, %squeeze3A_3796 : f32
      %add3A_3823 = arith.addf %squeeze3A_3798, %squeeze3A_3800 : f32
      %add3A_3824 = arith.addf %squeeze3A_3802, %squeeze3A_3804 : f32
      %add3A_3825 = arith.addf %squeeze3A_3806, %squeeze3A_3808 : f32
      %add3A_3826 = arith.addf %squeeze3A_3810, %squeeze3A_3812 : f32
      %add3A_3827 = arith.addf %squeeze3A_3814, %squeeze3A_3816 : f32
      %add3A_3828 = arith.addf %squeeze3A_3818, %squeeze3A_3820 : f32
      %add3A_3829 = arith.addf %add3A_3821, %add3A_3822 : f32
      %add3A_3830 = arith.addf %add3A_3823, %add3A_3824 : f32
      %add3A_3831 = arith.addf %add3A_3825, %add3A_3826 : f32
      %add3A_3832 = arith.addf %add3A_3827, %add3A_3828 : f32
      %add3A_3833 = arith.addf %add3A_3829, %add3A_3830 : f32
      %add3A_3834 = arith.addf %add3A_3831, %add3A_3832 : f32
      %add3A_3835 = arith.addf %add3A_3833, %add3A_3834 : f32
      %add3A_3836 = arith.addf %add3A_3835, %squeeze3A_25 : f32
      %dma_wait3A = arith.constant 0 : i32
      %dma_wait3A_3837 = tpu.memref_slice %arg5[%dma_wait3A] : memref<16777216xf32, #tpu.memory_space<hbm>> -> memref<16777216xf32, #tpu.memory_space<hbm>>
      tpu.wait_indirect_dma semaphore(%arg14 : memref<!tpu.dma_semaphore, #tpu.memory_space<semaphore_mem>>) src(%dma_wait3A_3837 : memref<16777216xf32, #tpu.memory_space<hbm>>) dst(%arg11 : memref<16xf32, #tpu.memory_space<vmem>>)
      %get3A_3838 = arith.constant 0 : index
      %get3A_3839 = tpu.vector_load %arg11[%get3A_3838] {strides = array<i32>} : memref<16xf32, #tpu.memory_space<vmem>>, vector<16xf32>,
      %get3A_3840 = vector.shape_cast %get3A_3839 : vector<16xf32> to vector<16xf32>
      %slice3A_3841 = vector.extract_strided_slice %get3A_3840 {offsets = [0], sizes = [1], strides = [1]} : vector<16xf32> to vector<1xf32>
      %squeeze3A_3842 = vector.extract %slice3A_3841[0] : f32 from vector<1xf32>
      %slice3A_3843 = vector.extract_strided_slice %get3A_3840 {offsets = [1], sizes = [1], strides = [1]} : vector<16xf32> to vector<1xf32>
      %squeeze3A_3844 = vector.extract %slice3A_3843[0] : f32 from vector<1xf32>
      %slice3A_3845 = vector.extract_strided_slice %get3A_3840 {offsets = [2], sizes = [1], strides = [1]} : vector<16xf32> to vector<1xf32>
      %squeeze3A_3846 = vector.extract %slice3A_3845[0] : f32 from vector<1xf32>
      %slice3A_3847 = vector.extract_strided_slice %get3A_3840 {offsets = [3], sizes = [1], strides = [1]} : vector<16xf32> to vector<1xf32>
      %squeeze3A_3848 = vector.extract %slice3A_3847[0] : f32 from vector<1xf32>
      %slice3A_3849 = vector.extract_strided_slice %get3A_3840 {offsets = [4], sizes = [1], strides = [1]} : vector<16xf32> to vector<1xf32>
      %squeeze3A_3850 = vector.extract %slice3A_3849[0] : f32 from vector<1xf32>
      %slice3A_3851 = vector.extract_strided_slice %get3A_3840 {offsets = [5], sizes = [1], strides = [1]} : vector<16xf32> to vector<1xf32>
      %squeeze3A_3852 = vector.extract %slice3A_3851[0] : f32 from vector<1xf32>
      %slice3A_3853 = vector.extract_strided_slice %get3A_3840 {offsets = [6], sizes = [1], strides = [1]} : vector<16xf32> to vector<1xf32>
      %squeeze3A_3854 = vector.extract %slice3A_3853[0] : f32 from vector<1xf32>
      %sub3A_3855 = arith.subf %add3A_3548, %squeeze3A_3842 : f32
      %abs3A = math.absf %sub3A_3855 : f32
      %sub3A_3856 = arith.subf %add3A_3596, %squeeze3A_3844 : f32
      %abs3A_3857 = math.absf %sub3A_3856 : f32
      %sub3A_3858 = arith.subf %add3A_3644, %squeeze3A_3846 : f32
      %abs3A_3859 = math.absf %sub3A_3858 : f32
      %sub3A_3860 = arith.subf %add3A_3692, %squeeze3A_3848 : f32
      %abs3A_3861 = math.absf %sub3A_3860 : f32
      %sub3A_3862 = arith.subf %add3A_3740, %squeeze3A_3850 : f32
      %abs3A_3863 = math.absf %sub3A_3862 : f32
      %sub3A_3864 = arith.subf %add3A_3788, %squeeze3A_3852 : f32
      %abs3A_3865 = math.absf %sub3A_3864 : f32
      %sub3A_3866 = arith.subf %add3A_3836, %squeeze3A_3854 : f32
      %abs3A_3867 = math.absf %sub3A_3866 : f32
      %eq3A_3868 = arith.cmpi eq, %squeeze3A_34, %squeeze3A_32 : i32
      %eq3A_3869 = arith.cmpi eq, %squeeze3A_34, %squeeze3A_30 : i32
      %or3A = arith.ori %eq3A_3868, %eq3A_3869 : i1
      %eq3A_3870 = arith.cmpi eq, %squeeze3A_36, %squeeze3A_34 : i32
      %eq3A_3871 = arith.cmpi eq, %squeeze3A_36, %squeeze3A_30 : i32
      %or3A_3872 = arith.ori %eq3A_3870, %eq3A_3871 : i1
      %eq3A_3873 = arith.cmpi eq, %squeeze3A_38, %squeeze3A_32 : i32
      %eq3A_3874 = arith.cmpi eq, %squeeze3A_38, %squeeze3A_34 : i32
      %or3A_3875 = arith.ori %eq3A_3873, %eq3A_3874 : i1
      %add3A_3876 = arith.addf %add3A_3644, %add3A_3692 : f32
      %select_n3A_3877 = arith.select %or3A_3872, %add3A_3596, %add3A_3876 : f32
      %add3A_3878 = arith.addf %add3A_3788, %add3A_3836 : f32
      %select_n3A_3879 = arith.select %or3A_3875, %add3A_3740, %add3A_3878 : f32
      %add3A_3880 = arith.addf %select_n3A_3877, %select_n3A_3879 : f32
      %select_n3A_3881 = arith.select %or3A, %add3A_3548, %add3A_3880 : f32
      %add3A_3882 = arith.addf %squeeze3A_3846, %squeeze3A_3848 : f32
      %select_n3A_3883 = arith.select %or3A_3872, %squeeze3A_3844, %add3A_3882 : f32
      %add3A_3884 = arith.addf %squeeze3A_3852, %squeeze3A_3854 : f32
      %select_n3A_3885 = arith.select %or3A_3875, %squeeze3A_3850, %add3A_3884 : f32
      %add3A_3886 = arith.addf %select_n3A_3883, %select_n3A_3885 : f32
      %select_n3A_3887 = arith.select %or3A, %squeeze3A_3842, %add3A_3886 : f32
      %add3A_3888 = arith.addf %abs3A_3859, %abs3A_3861 : f32
      %select_n3A_3889 = arith.select %or3A_3872, %abs3A_3857, %add3A_3888 : f32
      %add3A_3890 = arith.addf %abs3A_3865, %abs3A_3867 : f32
      %select_n3A_3891 = arith.select %or3A_3875, %abs3A_3863, %add3A_3890 : f32
      %add3A_3892 = arith.addf %select_n3A_3889, %select_n3A_3891 : f32
      %select_n3A_3893 = arith.select %or3A, %abs3A, %add3A_3892 : f32
      %eq3A_3894 = arith.constant 0 : i32
      %eq3A_3895 = vector.broadcast %eq3A_3894 : i32 to vector<16xi32>
      %eq3A_3896 = arith.cmpi eq, %iota3A, %eq3A_3895 : vector<16xi32>
      %eq3A_3897 = arith.constant 1 : i32
      %eq3A_3898 = vector.broadcast %eq3A_3897 : i32 to vector<16xi32>
      %eq3A_3899 = arith.cmpi eq, %iota3A, %eq3A_3898 : vector<16xi32>
      %eq3A_3900 = arith.constant 2 : i32
      %eq3A_3901 = vector.broadcast %eq3A_3900 : i32 to vector<16xi32>
      %eq3A_3902 = arith.cmpi eq, %iota3A, %eq3A_3901 : vector<16xi32>
      %jit3A = arith.constant 0.000000e+00 : f32
      %broadcast_in_dim3A_3903 = vector.broadcast %select_n3A_3893 : f32 to vector<16xf32>
      %broadcast_in_dim3A_3904 = vector.broadcast %jit3A : f32 to vector<16xf32>
      %select_n3A_3905 = arith.select %eq3A_3902, %broadcast_in_dim3A_3903, %broadcast_in_dim3A_3904 : vector<16xi1>, vector<16xf32>
      %broadcast_in_dim3A_3906 = vector.broadcast %select_n3A_3887 : f32 to vector<16xf32>
      %select_n3A_3907 = arith.select %eq3A_3899, %broadcast_in_dim3A_3906, %select_n3A_3905 : vector<16xi1>, vector<16xf32>
      %broadcast_in_dim3A_3908 = vector.broadcast %select_n3A_3881 : f32 to vector<16xf32>
      %select_n3A_3909 = arith.select %eq3A_3896, %broadcast_in_dim3A_3908, %select_n3A_3907 : vector<16xi1>, vector<16xf32>
      %swap3A_3910 = arith.constant 0 : index
      %swap3A_3911 = tpu.vector_load %arg12[%swap3A_3910] {strides = array<i32>} : memref<16xf32, #tpu.memory_space<vmem>>, vector<16xf32>,
      %swap3A_3912 = vector.shape_cast %swap3A_3911 : vector<16xf32> to vector<16xf32>
      %swap3A_3913 = vector.shape_cast %select_n3A_3909 : vector<16xf32> to vector<16xf32>
      tpu.vector_store %arg12[%swap3A_3910], %swap3A_3913 {strides = array<i32>} : memref<16xf32, #tpu.memory_space<vmem>>, vector<16xf32>,
      "tpu.region"() ({
        %run_scoped3A = tpu.sem_alloc : memref<!tpu.dma_semaphore, #tpu.memory_space<semaphore_mem>>
        tpu.enqueue_dma source(%arg12 : memref<16xf32, #tpu.memory_space<vmem>>) target(%arg6 : memref<16xf32, #tpu.memory_space<hbm>>) target_semaphore(%run_scoped3A : memref<!tpu.dma_semaphore, #tpu.memory_space<semaphore_mem>>)
        tpu.wait_dma2 semaphore(%run_scoped3A : memref<!tpu.dma_semaphore, #tpu.memory_space<semaphore_mem>>) src(%arg12 : memref<16xf32, #tpu.memory_space<vmem>>) dst(%arg6 : memref<16xf32, #tpu.memory_space<hbm>>)
        tpu.yield
      }) : () -> ()
    } else {
    }
    return
  }
}

</mosaic_0001>

<sc_bundles>
// kernel: kernel.3.cloned.1.call-start
scs
__scs_entry_jumppad:
0x0: {  	(pc) =	sbr.rel $0x88, $3  }
0x1: {  	(tag) =	ssettag $0x0;
	lr =	simm.s32 $0x1  }
0x2: {  	[smem:$0x3F92] =	sst lr;
	_ =	strace $0xD0000000  }
0x3: {  	_ = 	snop  }
0x4: {  	_ = 	snop  }
0x5: {  	_ = 	snop  }
0x6: {  	_ = 	snop  }
0x7: {  	_ = 	snop  }
__scs_overlays_trampoline_lowered:
0x8: {  	[smem:$0x3FA1] =	sst s0  }
0x9: {  	[smem:$0x3FA2] =	sst s1  }
0xa: {  	[smem:$0x3FA3] =	sst s2  }
0xb: {  	[smem:$0x3FA4] =	sst s3  }
0xc: {  	[smem:$0x3FA5] =	sst s4  }
0xd: {  	[smem:$0x3FA6] =	sst s5  }
0xe: {  	[smem:$0x3FA7] =	sst s6  }
0xf: {  	[smem:$0x3FA8] =	sst s7  }
0x10: {  	[smem:$0x3FA9] =	sst s8  }
0x11: {  	[smem:$0x3FAA] =	sst s9;
	s0 =	simm.s32 @!p0 $0x0  }
0x12: {  	s1 =	sld [smem:$0x3F90];
	s0 =	simm.s32 @p0 $0x1  }
0x13: {  	[smem:$0x3FAB] =	sst s0;
	s0 =	simm.s32 @!p1 $0x0  }
0x14: {  	s2 =	sld [smem:$0x3F8F];
	s0 =	simm.s32 @p1 $0x1  }
0x15: {  	[smem:$0x3FAC] =	sst s0;
	s0 =	simm.s32 @!p2 $0x0  }
0x16: {  	s3 =	sld [smem:$0x3FDB];
	s0 =	simm.s32 @p2 $0x1  }
0x17: {  	s4 =	simm.s32 $0x1BF5;
	[smem:$0x3FAE] =	sst s0  }
0x18: {  	s0 =	sld [smem:$0x3F91];
	_ =	swait.ge [sflag:s4], $0x0  }
0x19: {  	s7 =	sld [smem:$0x3F92]  }
0x1a: {  	s8 =	sadd.s32 $0xFFFFE003, lr  }
0x1b: {  	s9 =	sadd.s32 $0xFFFFFEF7, lr;
	s5 =	simm.s32 $0xFFFFFFFF;
	p2 =	slt.u32 s8, $0xFFFFF086  }
0x1c: {  	p1 =	slt.u32 s9, $0xF7A;
	s5 =	simm.s32 @!p2 $0x0  }
0x1d: {  	s5 =	simm.s32 @p1 $0x1;
	p0 =	seq.s32 s7, s2  }
0x1e: {  	s7 =	smul.u32 @!p0 $0xF7A, s2;
	p2 =	seq.s32 @!p0 s5, $0x0  }
0x1f: {  	s9 =	smul.u32 $0xF7A, s1;
	s8 =	simm.s32 @!p0 $0x1BF5;
	p2 =	por !p2, p0  }
0x20: {  	[sflag:s8] =	ssyncset.s32 @!p0 $0xFFFFF086;
	s6 =	sadd.s32 @!p0 s3, s7;
	s7 =	simm.s32 @!p0 $0x108  }
0x21: {  	s3 =	sadd.s32 s3, s9;
	s6 =	sadd.s32 @!p0 $0x88, s6;
	s7 =	simm.s32 @p2 $0x1082  }
0x22: {  	[simem:s7], [sflag:s8] =	dma.local @!p0 [hbm:s6], $0xF7A  }
0x23: {  	s9 =	sor.u32 $0xD0000000, s2;
	s6 =	simm.s32 $0x108;
	_ =	swait.ge @!p0 [sflag:s8], $0x0  }
0x24: {  	s3 =	sadd.s32 $0x88, s3;
	s6 =	simm.s32 @!p1 $0x1082;
	[sflag:s4] =	ssyncset.s32 $0xFFFFF086  }
0x25: {  	[simem:s6], [sflag:s4] =	dma.local [hbm:s3], $0xF7A  }
0x26: {  	[smem:$0x3F92] =	sst s1;
	(tag) =	ssettag s2;
	_ =	strace s9  }
0x27: {  	s1 =	sld [smem:$0x3FA2]  }
0x28: {  	s2 =	sld [smem:$0x3FA3]  }
0x29: {  	s4 =	sld [smem:$0x3FA5]  }
0x2a: {  	p0 =	seq.s32 s5, $0x0;
	s5 =	sld [smem:$0x3FA6]  }
0x2b: {  	s6 =	sld [smem:$0x3FA7]  }
0x2c: {  	s7 =	sld [smem:$0x3FA8]  }
0x2d: {  	s3 =	simm.s32 $0x108;
	s8 =	sld [smem:$0x3FA9]  }
0x2e: {  	s3 =	simm.s32 @!p0 $0x1082;
	s9 =	sld [smem:$0x3FAA]  }
0x2f: {  	lr =	sadd.s32 s0, s3;
	s0 =	sld [smem:$0x3FA1]  }
0x30: {  	s3 =	sld [smem:$0x3FA4]  }
0x31: {  	[smem:$0x3FAD] =	sst s10  }
0x32: {  	s10 =	sld [smem:$0x3FAB];
	_ =	sdelay $0x3  }
0x33: {  	p0 =	seq.s32 s10, $0x1;
	s10 =	sld [smem:$0x3FAD];
	_ =	sdelay $0x3  }
0x34: {  	[smem:$0x3FAD] =	sst s10  }
0x35: {  	s10 =	sld [smem:$0x3FAC];
	_ =	sdelay $0x3  }
0x36: {  	p1 =	seq.s32 s10, $0x1;
	s10 =	sld [smem:$0x3FAD];
	_ =	sdelay $0x3  }
0x37: {  	[smem:$0x3FAD] =	sst s10  }
0x38: {  	s10 =	sld [smem:$0x3FAE]  }
0x39: {  	_ = 	snop;
	(pc) =	sbr.ind lr, $3  }
0x3a: {  	_ = 	snop  }
0x3b: {  	_ = 	snop  }
0x3c: {  	p2 =	seq.s32 s10, $0x1;
	s10 =	sld [smem:$0x3FAD]  }
0x3d: {  	_ =	shalt  }
0x3e: {  	_ =	shalt  }
0x3f: {  	_ =	shalt  }
0x40: {  	_ =	shalt  }
0x41: {  	_ =	shalt  }
0x42: {  	_ =	shalt  }
0x43: {  	_ =	shalt  }
0x44: {  	_ =	shalt  }
0x45: {  	_ =	shalt  }
0x46: {  	_ =	shalt  }
0x47: {  	_ =	shalt  }
0x48: {  	_ =	shalt  }
0x49: {  	_ =	shalt  }
0x4a: {  	_ =	shalt  }
0x4b: {  	_ =	shalt  }
0x4c: {  	_ =	shalt  }
0x4d: {  	_ =	shalt  }
0x4e: {  	_ =	shalt  }
0x4f: {  	_ =	shalt  }
0x50: {  	_ =	shalt  }
0x51: {  	_ =	shalt  }
0x52: {  	_ =	shalt  }
0x53: {  	_ =	shalt  }
0x54: {  	_ =	shalt  }
0x55: {  	_ =	shalt  }
0x56: {  	_ =	shalt  }
0x57: {  	_ =	shalt  }
0x58: {  	_ =	shalt  }
0x59: {  	_ =	shalt  }
0x5a: {  	_ =	shalt  }
0x5b: {  	_ =	shalt  }
0x5c: {  	_ =	shalt  }
0x5d: {  	_ =	shalt  }
0x5e: {  	_ =	shalt  }
0x5f: {  	_ =	shalt  }
0x60: {  	_ =	shalt  }
0x61: {  	_ =	shalt  }
0x62: {  	_ =	shalt  }
0x63: {  	_ =	shalt  }
0x64: {  	_ =	shalt  }
0x65: {  	_ =	shalt  }
0x66: {  	_ =	shalt  }
0x67: {  	_ =	shalt  }
0x68: {  	_ =	shalt  }
0x69: {  	_ =	shalt  }
0x6a: {  	_ =	shalt  }
0x6b: {  	_ =	shalt  }
0x6c: {  	_ =	shalt  }
0x6d: {  	_ =	shalt  }
0x6e: {  	_ =	shalt  }
0x6f: {  	_ =	shalt  }
0x70: {  	_ =	shalt  }
0x71: {  	_ =	shalt  }
0x72: {  	_ =	shalt  }
0x73: {  	_ =	shalt  }
0x74: {  	_ =	shalt  }
0x75: {  	_ =	shalt  }
0x76: {  	_ =	shalt  }
0x77: {  	_ =	shalt  }
0x78: {  	_ =	shalt  }
0x79: {  	_ =	shalt  }
0x7a: {  	_ =	shalt  }
0x7b: {  	_ =	shalt  }
0x7c: {  	_ =	shalt  }
0x7d: {  	_ =	shalt  }
0x7e: {  	_ =	shalt  }
0x7f: {  	_ =	shalt  }
0x80: {  	_ =	shalt  }
0x81: {  	_ =	shalt  }
0x82: {  	_ =	shalt  }
0x83: {  	_ =	shalt  }
0x84: {  	_ =	shalt  }
0x85: {  	_ =	shalt  }
0x86: {  	_ =	shalt  }
0x87: {  	_ =	shalt  }
.Lfunc_end0:
.L_simem_size_0:
called_computation.1_lowered:
.L_overlay_start_0:
0x88: {  	s2 =	sld [smem:$0x3FD9]  }
0x89: {  	s3 =	sld [smem:$0x3FFE];
	_ =	sdelay $0x1  }
0x8a: {  	s1 =	srdreg.scid  }
0x8b: {  	s0 =	sand.u32 $0x1, s1  }
0x8c: {  	s14 =	sshll.u32 s0, $0xA;
	s2 =	sadd.s32 s3, s2  }
0x8d: {  	s2 =	sadd.s32 s2, s14  }
0x8e: {  	[smem:$0x3FB9] =	sst s2  }
0x8f: {  	_ = 	snop  }
0x90: {  	s2 =	sld [smem:$0x3FD0];
	_ =	sdelay $0x2  }
0x91: {  	s15 =	simm.s32 $0xA;
	s4 =	simm.s32 $0x10  }
0x92: {  	[smem:s4], [sflag:s15] =	dma.local [hbm:s2], $0x1  }
0x93: {  	_ =	swait.eq [sflag:s15], $0x1  }
0x94: {  	[sflag:s15] =	ssyncset.done $0x0  }
0x95: {  	s16 =	sld [smem:$0x10];
	[sflag:s15] =	ssyncadd.s32 $0xFFFFFFFF  }
0x96: {  	s17 =	sld [smem:$0x11];
	(tm) =	ssettm $0x1  }
0x97: {  	s18 =	sld [smem:$0x3FFB];
	_ =	sdelay $0x3  }
0x98: {  	_ =	strace s18  }
0x99: {  	s4 =	sld [smem:$0x3FFC];
	_ =	sdelay $0x3  }
0x9a: {  	_ =	strace s4  }
0x9b: {  	s4 =	sld [smem:$0x3FFD];
	_ =	sdelay $0x3  }
0x9c: {  	_ =	strace s4  }
0x9d: {  	_ =	strace $0x8FFFFFFF  }
0x9e: {  	s19 =	sld [smem:$0x3FDB];
	_ =	sdelay $0x1  }
0x9f: {  	s5 =	simm.s32 $_scs_section_size  }
0xa0: {  	s6 =	simm.s32 $_size__tile_overlayer_lowered;
	s7 =	simm.s32 $_tile_overlayer_lowered  }
0xa1: {  	s22 =	simm.s32 $0x1BFF;
	s21 =	sshll.u32 s7, $0x1;
	s4 =	sadd.s32 s5, s19  }
0xa2: {  	s8 =	simm.s32 $0x0;
	s20 =	sshll.u32 s6, $0x1;
	s6 =	sadd.s32 s21, s4  }
0xa3: {  	[timem:s8], [sflag:s22] =	dma.local [hbm:s6], s20  }
0xa4: {  	_ =	swait.ge [sflag:s22], s20  }
0xa5: {  	s5 =	ssub.s32 $0x0, s20;
	[sflag:s22] =	ssyncset.done $0x0  }
0xa6: {  	[sflag:s22] =	ssyncadd.s32 s5;
	_ =	sdelay $0x1  }
0xa7: {  	s23 =	simm.s32 $0x1B8B  }
0xa8: {  	_ =	swait.ge [sflag:s23], $0x1  }
0xa9: {  	[sflag:s23] =	ssyncset.done $0x0  }
0xaa: {  	s25 =	simm.s32 $0x1B8E;
	s24 =	sld [smem:$0x3FFE];
	[sflag:s23] =	ssyncadd.s32 $0xFFFFFFFF  }
0xab: {  	s26 =	simm.s32 $execute0_lowered;
	[smem:$0x3FD2] =	sst s25  }
0xac: {  	s6 =	sshll.u32 s26, $0x1;
	_ =	strace $0x80000049;
	[dreg:$0x1] =	wrdreg $0xFFFFFFFF  }
0xad: {  	s28 =	simm.s32 $_size_execute0_lowered;
	s4 =	sadd.s32 s4, s6;
	[dreg:$0x0] =	wrdreg $0x0  }
0xae: {  	s6 =	sshll.u32 s28, $0x1;
	[dreg:$0x2] =	wrdreg s4  }
0xaf: {  	[dreg:$0x3] =	wrdreg s6  }
0xb0: {  	[dreg:$0x4] =	wrdreg $0xC0  }
0xb1: {  	_ =	task [dreg:s8], $0x5FFFF  }
0xb2: {  	[dreg:$0x1] =	wrdreg $0xFFFFFFFF  }
0xb3: {  	[dreg:$0x0] =	wrdreg $0x60  }
0xb4: {  	[dreg:$0x2] =	wrdreg s16  }
0xb5: {  	[dreg:$0x3] =	wrdreg s17  }
0xb6: {  	[dreg:$0x4] =	wrdreg s24  }
0xb7: {  	[dreg:$0x5] =	wrdreg $0x9  }
0xb8: {  	_ =	task.clear_ibuf [dreg:s8], $0x6FFFF;
	_ =	strace $0x90000049  }
0xb9: {  	s29 =	simm.s32 $0x9;
	_ =	strace $0x8000004B  }
0xba: {  	_ =	swait.ge [sflag:s29], $0x1  }
0xbb: {  	[sflag:s29] =	ssyncadd.s32 $0xFFFFFFFF  }
0xbc: {  	_ =	strace $0x9000004B  }
0xbd: {  	_ =	sfence  }
0xbe: {  	s30 =	sld [smem:$0x0];
	_ =	sdelay $0x2  }
0xbf: {  	s31 =	sshll.u32 s1, $0xD;
	s1 =	sshrl.u32 s1, $0x2  }
0xc0: {  	s3 =	sand.u32 $0x4000, s31;
	s1 =	sadd.s32 s1, s30  }
0xc1: {  	s0 =	sor.u32 s3, s0;
	s1 =	sshll.u32 s1, $0x11  }
0xc2: {  	s0 =	sor.u32 s1, s0  }
0xc3: {  	s0 =	sadd.s32 $0x8F2B, s0  }
0xc4: {  	[sflag:s0] =	ssyncadd.remote.s32 $0x1  }
0xc5: {  	_ =	sfence.sel $0xFFFF  }
0xc6: {  	[dreg:$0x0] =	wrdreg $0xFFFFFFFF;
	(pc) =	sbr.abs _section_cstart, $3  }
0xc7: {  	[dreg:$0x1] =	wrdreg $0xFFFFFFFF  }
0xc8: {  	_ =	task.clear_ibuf [dreg:s8], $0x2FFFF;
	_ =	strace $0x9FFFFFFF  }
0xc9: {  	(tm) =	ssettm $0x7FFFFFFF  }
tec
execute0_lowered:
.L_overlay_start_1:
0x0: {  	(tag) =	ssettag $0x1  }
0x1: {  	s0 =	rddreg [dreg:$0x0];
	s1 =	srdreg.scid  }
0x2: {  	s31 =	stileid.u32;
	[dreg:$0x6] =	wrdreg s0;
	s0 =	sand.u32 $0x1, s1  }
0x3: {  	s1 =	sor.u32 s31, s0  }
0x4: {  	p0 =	sne.s32 s1, $0x0  }
.Ltmp0:
0x5: {  	_ = 	snop;
	(pc) =	sbr.rel @p0 .LBB2_3-.Ltmp0, $4  }
0x6: {  	_ = 	snop  }
0x7: {  	s30 =	rddreg [dreg:$0x1]  }
0x8: {  	[dreg:$0x8] =	wrdreg s30  }
0x9: {  	_ =	strace $0x8000004A  }
0xa: {  	s2 =	rddreg [dreg:$0x2];
	s24 =	simm.s32 $0x100  }
0xb: {  	s25 =	simm.s32 $0x80;
	[dreg:$0x4] =	wrdreg s24  }
0xc: {  	s28 =	simm.s32 $0x10;
	[dreg:$0x7] =	wrdreg s25  }
0xd: {  	s29 =	simm.s32 $0x900;
	[dreg:$0xb] =	wrdreg s28  }
0xe: {  	s30 =	simm.s32 $0x980;
	[dreg:$0xa] =	wrdreg s29  }
0xf: {  	s31 =	simm.s32 $0xA00;
	[dreg:$0x9] =	wrdreg s30  }
0x10: {  	s0 =	ssub.s32 $0x2, s0;
	vm0 =	vcmask $0x300;
	s1 =	sadd.s32 $0x200000, s2;
	[dreg:$0xd] =	wrdreg s31  }
0x11: {  	vm1 =	vcmask $0x704;
	vm2 =	vcmask $0xB08;
	vm3 =	vcmask $0xF0C;
	s23 =	sadd.s32 $0x200200, s2;
	s26 =	sshrl.u32 s0, $0x1;
	[dreg:$0x5] =	wrdreg s1  }
0x12: {  	vm4 =	vcmask $0x1310;
	vm5 =	vcmask $0x1714;
	vm6 =	vcmask $0x1B18;
	[dreg:$0xc] =	wrdreg s23;
	s2 =	ssub.s32 s0, s26  }
.LBB2_2:
0x13: {  	[dreg:$0xe] =	wrdreg s2  }
0x14: {  	s0 =	rddreg [dreg:$0x4]  }
0x15: {  	s1 =	rddreg [dreg:$0x5];
	s3 =	simm.s32 $0x0  }
0x16: {  	[tilespmem:s0], [sflag:$0x1] =	stream.linear.gather [hbm4b:s1+s3], $0x800, $0x38;
	[tilespmem:$0xA80] =	vst v63  }
0x17: {  	s15 =	rddreg [dreg:$0x6];
	s16 =	simm.s32 $0x3  }
0x18: {  	[tilespmem:s3], [sflag:$0x3] =	stream.linear.gather [hbm4b:s15+s3], $0x80, $0x38;
	[tilespmem:$0xA80] =	vst v63  }
0x19: {  	_ =	swait.ge [sflag:s16], $0x80  }
0x1a: {  	s17 =	rddreg [dreg:$0x7];
	[sflag:s16] =	ssyncset.done $0x0  }
0x1b: {  	s18 =	rddreg [dreg:$0x8];
	[sflag:s16] =	ssyncadd.s32 $0xFFFFFF80  }
0x1c: {  	[tilespmem:s17], [sflag:$0x3] =	stream.linear.gather [hbm4b:s18+s3], $0x80, $0x38;
	[tilespmem:$0xA80] =	vst v63  }
0x1d: {  	_ =	swait.ge [sflag:s16], $0x80  }
0x1e: {  	[sflag:s16] =	ssyncset.done $0x0  }
0x1f: {  	[sflag:s16] =	ssyncadd.s32 $0xFFFFFF80  }
0x20: {  	v0 =	vld [tilespmem:$0x0]  }
0x21: {  	v1 =	vld [tilespmem:$0x80];
	_ =	sdelay $0x3  }
0x22: {  	(v2sf) =	vpush v0, $0xA  }
0x23: {  	(v2sf) =	vpush v1, $0x0  }
0x24: {  	(v2sf) =	vpush v1, $0x1;
	_ =	sdelay $0x1  }
0x25: {  	(v2sf) =	vpush v1, $0x2  }
0x26: {  	(v2sf) =	vpush v1, $0x3;
	_ =	sdelay $0x2  }
0x27: {  	(v2sf) =	vpush v1, $0x4;
	_ =	sdelay $0x6  }
0x28: {  	s11 =	spop (v2sf)  }
0x29: {  	s19 =	spop (v2sf)  }
0x2a: {  	s4 =	spop (v2sf);
	s0 =	sshll.u32 s19, $0xC  }
0x2b: {  	s20 =	sadd.s32 s4, s0  }
0x2c: {  	s9 =	spop (v2sf);
	v35 =	vmov s20  }
0x2d: {  	s28 =	rddreg [dreg:$0x9];
	s21 =	spop (v2sf);
	s22 =	sadd.s32 s9, s0;
	v1 =	vnsel vm0, $0x0, v35  }
0x2e: {  	s29 =	rddreg [dreg:$0xa];
	s0 =	sadd.s32 s21, s0;
	s2 =	sshll.u32 s21, $0xC;
	v1 =	vsel vm1, s22, v1  }
0x2f: {  	s30 =	rddreg [dreg:$0xb];
	s24 =	sshll.u32 s9, $0xC;
	s23 =	sadd.s32 s9, s2;
	v1 =	vsel vm2, s0, v1  }
0x30: {  	s31 =	rddreg [dreg:$0x2];
	s25 =	spop (v2sf);
	s26 =	sadd.s32 s4, s24;
	v1 =	vsel vm3, s23, v1  }
0x31: {  	[dreg:$0xf] =	wrdreg s19;
	s2 =	sadd.s32 s25, s24;
	s3 =	sshll.u32 s25, $0xC;
	v1 =	vsel vm4, s26, v1  }
0x32: {  	[dreg:$0x12] =	wrdreg s4;
	s3 =	sadd.s32 s4, s3;
	v1 =	vsel vm5, s2, v1  }
0x33: {  	[dreg:$0x10] =	wrdreg s21;
	v1 =	vsel vm6, s3, v1  }
0x34: {  	s1 =	simm.s32 $0x1;
	[dreg:$0x11] =	wrdreg s25;
	[tilespmem:$0x900] =	vst v1  }
0x35: {  	[tilespmem:s28], [sflag:$0x2] =	stream.indirect.gather [hbm4b:s31+s30], $0x1, s29, s30, $0xb8;
	[tilespmem:$0xA80] =	vst v63  }
0x36: {  	_ =	swait.ge [sflag:s1], $0x800  }
0x37: {  	[sflag:s1] =	ssyncset.done $0x0  }
0x38: {  	[sflag:s1] =	ssyncadd.s32 $0xFFFFF800  }
0x39: {  	v10 =	vld [tilespmem:$0x100]  }
0x3a: {  	v11 =	vld [tilespmem:$0x180]  }
0x3b: {  	v12 =	vld [tilespmem:$0x300]  }
0x3c: {  	v9 =	vbroadcast v0, $0x0  }
0x3d: {  	v13 =	vld [tilespmem:$0x200]  }
0x3e: {  	v8 =	vbroadcast v0, $0x1;
	v14 =	vld [tilespmem:$0x280];
	v36 =	vmul.f32 v10, v9  }
0x3f: {  	v51 =	vld [tilespmem:$0x110]  }
0x40: {  	v7 =	vbroadcast v0, $0x2;
	v53 =	vld [tilespmem:$0x190];
	v2 =	vmul.f32 v11, v8;
	v1 =	vadd.f32 v12, v36  }
0x41: {  	v6 =	vbroadcast v0, $0x3;
	v57 =	vld [tilespmem:$0x210]  }
0x42: {  	v3 =	vbroadcast v0, $0x4;
	v59 =	vld [tilespmem:$0x290];
	v15 =	vmul.f32 v13, v7;
	v1 =	vadd.f32 v1, v2  }
0x43: {  	v16 =	vmul.f32 v14, v6  }
0x44: {  	v17 =	vmul.f32 v13, v3;
	v26 =	vmul.f32 v10, v3;
	v2 =	vadd.f32 v1, v15  }
0x45: {  	v58 =	vmul.f32 v51, v9;
	v60 =	vmul.f32 v53, v8  }
0x46: {  	v61 =	vmul.f32 v57, v7;
	v4 =	vadd.f32 v2, v16;
	v2 =	vbroadcast v0, $0x5  }
0x47: {  	v63 =	vmul.f32 v59, v6;
	v27 =	vmul.f32 v57, v3;
	v41 =	vadd.f32 v12, v26  }
0x48: {  	v20 =	vadd.f32 v1, v17;
	v5 =	vmul.f32 $9.999999770e-03, v4;
	v21 =	vmul.f32 v14, v2  }
0x49: {  	vm7 =	vge.f32 v4, $0.0e+00;
	v42 =	vmul.f32 v11, v2;
	v29 =	vmul.f32 v59, v2  }
0x4a: {  	v18 =	vsel vm7, v4, v5;
	v5 =	vbroadcast v0, $0x6;
	v4 =	vbroadcast v0, $0x7  }
0x4b: {  	v20 =	vadd.f32 v20, v21;
	v44 =	vadd.f32 v41, v42;
	v42 =	vmul.f32 v51, v3  }
0x4c: {  	v19 =	vmul.f32 $6.553700000e+04, v18;
	v23 =	vmul.f32 v13, v5  }
0x4d: {  	v54 =	vld [tilespmem:$0x310];
	v37 =	vmul.f32 v14, v4;
	v38 =	vmul.f32 $9.999999770e-03, v20  }
0x4e: {  	vm7 =	vge.f32 v20, $0.0e+00;
	v39 =	vmul.f32 v10, v5;
	v18 =	vsub.f32 v19, v18  }
0x4f: {  	v22 =	vld [tilespmem:$0x380];
	v25 =	vmul.f32 v11, v4;
	v45 =	vadd.f32 v44, v15;
	v1 =	vadd.f32 v1, v23  }
0x50: {  	v30 =	vmul.f32 v51, v5;
	v18 =	vsub.f32 v19, v18;
	v19 =	vsel vm7, v20, v38  }
0x51: {  	v36 =	vmul.f32 v57, v5;
	v1 =	vadd.f32 v1, v37;
	v40 =	vmul.f32 $6.553700000e+04, v19  }
0x52: {  	v20 =	vadd.f32 v12, v39;
	v38 =	vadd.f32 v54, v30;
	v39 =	vmul.f32 v53, v4  }
0x53: {  	v37 =	vmul.f32 v59, v4;
	v24 =	vmul.f32 $9.999999770e-03, v1;
	v19 =	vsub.f32 v40, v19  }
0x54: {  	v18 =	vmul.f32 v18, v22;
	v20 =	vadd.f32 v20, v25;
	vm7 =	vge.f32 v1, $0.0e+00  }
0x55: {  	v24 =	vsel vm7, v1, v24;
	v19 =	vsub.f32 v40, v19;
	v1 =	vbroadcast v0, $0x8  }
0x56: {  	v17 =	vadd.f32 v20, v17;
	v0 =	vbroadcast v0, $0x9;
	v43 =	vmul.f32 $6.553700000e+04, v24  }
0x57: {  	v18 =	vadd.f32 $0.0e+00, v18;
	v10 =	vmul.f32 v10, v1;
	v19 =	vmul.f32 v19, v22  }
0x58: {  	v17 =	vadd.f32 v17, v21;
	v13 =	vmul.f32 v13, v1;
	v11 =	vmul.f32 v11, v0  }
0x59: {  	v21 =	vadd.f32 v45, v16;
	v14 =	vmul.f32 v14, v0;
	v25 =	vmul.f32 v57, v1  }
0x5a: {  	v24 =	vsub.f32 v43, v24;
	vm7 =	vge.f32 v17, $0.0e+00;
	v46 =	vmul.f32 $9.999999770e-03, v17  }
0x5b: {  	v48 =	vmul.f32 $9.999999770e-03, v21;
	v10 =	vadd.f32 v12, v10;
	v13 =	vadd.f32 v44, v13  }
0x5c: {  	v44 =	vmul.f32 v53, v2;
	v47 =	vsub.f32 v43, v24;
	v12 =	vsel vm7, v17, v46  }
0x5d: {  	vm7 =	vge.f32 v21, $0.0e+00;
	v10 =	vadd.f32 v10, v11;
	v11 =	vadd.f32 $0.0e+00, v19  }
0x5e: {  	v13 =	vadd.f32 v13, v14;
	v50 =	vmul.f32 $6.553700000e+04, v12;
	v17 =	vsel vm7, v21, v48  }
0x5f: {  	v24 =	vld [tilespmem:$0x2A0];
	v19 =	vmul.f32 v51, v1;
	v49 =	vmul.f32 v47, v22;
	v10 =	vadd.f32 v10, v15  }
0x60: {  	v21 =	vmul.f32 $6.553700000e+04, v17;
	v12 =	vsub.f32 v50, v12;
	v15 =	vadd.f32 v54, v58  }
0x61: {  	v52 =	vmul.f32 $9.999999770e-03, v13;
	v19 =	vadd.f32 v54, v19;
	v14 =	vadd.f32 $0.0e+00, v49  }
0x62: {  	vm7 =	vge.f32 v13, $0.0e+00;
	v17 =	vsub.f32 v21, v17;
	v10 =	vadd.f32 v10, v16  }
0x63: {  	v13 =	vsel vm7, v13, v52;
	v12 =	vsub.f32 v50, v12;
	v16 =	vmul.f32 v53, v0  }
0x64: {  	v15 =	vadd.f32 v15, v60;
	v60 =	vmul.f32 v24, v2;
	v56 =	vmul.f32 $6.553700000e+04, v13  }
0x65: {  	v17 =	vsub.f32 v21, v17;
	v21 =	vmul.f32 v59, v0;
	v55 =	vmul.f32 $9.999999770e-03, v10  }
0x66: {  	vm7 =	vge.f32 v10, $0.0e+00;
	v62 =	vadd.f32 v15, v61;
	v28 =	vadd.f32 v15, v27  }
0x67: {  	v12 =	vmul.f32 v12, v22;
	v15 =	vadd.f32 v15, v36;
	v16 =	vadd.f32 v19, v16  }
0x68: {  	v19 =	vld [tilespmem:$0x220];
	v36 =	vmul.f32 v24, v4;
	v13 =	vsub.f32 v56, v13;
	v10 =	vsel vm7, v10, v55  }
0x69: {  	v28 =	vadd.f32 v28, v29;
	v15 =	vadd.f32 v15, v37;
	v20 =	vmul.f32 $6.553700000e+04, v10  }
0x6a: {  	v17 =	vmul.f32 v17, v22;
	v16 =	vadd.f32 v16, v61;
	v13 =	vsub.f32 v56, v13  }
0x6b: {  	v12 =	vadd.f32 $0.0e+00, v12;
	v40 =	vmul.f32 $9.999999770e-03, v28;
	v10 =	vsub.f32 v20, v10  }
0x6c: {  	v32 =	vmul.f32 $9.999999770e-03, v15;
	v16 =	vadd.f32 v16, v63;
	v13 =	vmul.f32 v13, v22  }
0x6d: {  	v26 =	vmul.f32 v19, v7;
	v10 =	vsub.f32 v20, v10;
	v20 =	vadd.f32 v62, v63  }
0x6e: {  	v17 =	vadd.f32 $0.0e+00, v17;
	v56 =	vmul.f32 v19, v3;
	v55 =	vmul.f32 $9.999999770e-03, v16  }
0x6f: {  	v10 =	vmul.f32 v10, v22;
	v31 =	vmul.f32 $9.999999770e-03, v20;
	v22 =	vadd.f32 v38, v39  }
0x70: {  	v13 =	vadd.f32 $0.0e+00, v13;
	v62 =	vmul.f32 v19, v5;
	vm7 =	vge.f32 v20, $0.0e+00  }
0x71: {  	v20 =	vsel vm7, v20, v31;
	vm7 =	vge.f32 v28, $0.0e+00;
	v22 =	vadd.f32 v22, v27  }
0x72: {  	v27 =	vadd.f32 v54, v42;
	v28 =	vsel vm7, v28, v40;
	vm7 =	vge.f32 v15, $0.0e+00  }
0x73: {  	v19 =	vmul.f32 v19, v1;
	v41 =	vmul.f32 $6.553700000e+04, v20;
	v15 =	vsel vm7, v15, v32  }
0x74: {  	v31 =	vld [tilespmem:$0x390];
	v43 =	vmul.f32 $6.553700000e+04, v28;
	v22 =	vadd.f32 v22, v29;
	v27 =	vadd.f32 v27, v44  }
0x75: {  	v10 =	vadd.f32 $0.0e+00, v10;
	v20 =	vsub.f32 v41, v20;
	v33 =	vmul.f32 $6.553700000e+04, v15  }
0x76: {  	v28 =	vsub.f32 v43, v28;
	v45 =	vmul.f32 $9.999999770e-03, v22;
	v29 =	vadd.f32 v27, v61  }
0x77: {  	vm7 =	vge.f32 v22, $0.0e+00;
	v25 =	vadd.f32 v27, v25;
	v20 =	vsub.f32 v41, v20  }
0x78: {  	v15 =	vsub.f32 v33, v15;
	v28 =	vsub.f32 v43, v28;
	v22 =	vsel vm7, v22, v45  }
0x79: {  	v29 =	vadd.f32 v29, v63;
	v21 =	vadd.f32 v25, v21;
	v20 =	vmul.f32 v20, v31  }
0x7a: {  	v15 =	vsub.f32 v33, v15;
	v46 =	vmul.f32 $6.553700000e+04, v22;
	v28 =	vmul.f32 v28, v31  }
0x7b: {  	v47 =	vmul.f32 $9.999999770e-03, v29;
	vm7 =	vge.f32 v29, $0.0e+00;
	v18 =	vadd.f32 v20, v18  }
0x7c: {  	v50 =	vmul.f32 $9.999999770e-03, v21;
	v22 =	vsub.f32 v46, v22;
	v11 =	vadd.f32 v28, v11;
	v28 =	vld [tilespmem:$0x120]  }
0x7d: {  	v15 =	vmul.f32 v15, v31;
	v48 =	vsel vm7, v29, v47;
	vm7 =	vge.f32 v21, $0.0e+00  }
0x7e: {  	v20 =	vsub.f32 v46, v22;
	v22 =	vld [tilespmem:$0x1A0];
	v49 =	vmul.f32 $6.553700000e+04, v48;
	v21 =	vsel vm7, v21, v50  }
0x7f: {  	v23 =	vld [tilespmem:$0x320];
	v14 =	vadd.f32 v15, v14;
	vm7 =	vge.f32 v16, $0.0e+00;
	v52 =	vmul.f32 $6.553700000e+04, v21  }
0x80: {  	v16 =	vsel vm7, v16, v55;
	v20 =	vmul.f32 v20, v31;
	v25 =	vsub.f32 v49, v48  }
0x81: {  	v61 =	vmul.f32 $6.553700000e+04, v16;
	v21 =	vsub.f32 v52, v21;
	v51 =	vmul.f32 v28, v9  }
0x82: {  	v12 =	vadd.f32 v20, v12;
	v15 =	vsub.f32 v49, v25;
	v34 =	vmul.f32 v28, v5  }
0x83: {  	v16 =	vsub.f32 v61, v16;
	v54 =	vmul.f32 v22, v8;
	v20 =	vsub.f32 v52, v21  }
0x84: {  	v39 =	vmul.f32 v22, v4;
	v53 =	vadd.f32 v23, v51;
	v15 =	vmul.f32 v15, v31  }
0x85: {  	v38 =	vadd.f32 v23, v34;
	v16 =	vsub.f32 v61, v16;
	v57 =	vmul.f32 v20, v31  }
0x86: {  	v29 =	vmul.f32 v24, v6;
	v25 =	vadd.f32 v53, v54;
	v15 =	vadd.f32 v15, v17  }
0x87: {  	v32 =	vadd.f32 v38, v39;
	v16 =	vmul.f32 v16, v31;
	v13 =	vadd.f32 v57, v13  }
0x88: {  	v53 =	vmul.f32 v24, v0;
	v24 =	vld [tilespmem:$0x1B0];
	v27 =	vadd.f32 v25, v26;
	v59 =	vadd.f32 v25, v56  }
0x89: {  	v46 =	vmul.f32 v28, v3;
	v25 =	vadd.f32 v25, v62;
	v30 =	vadd.f32 v32, v56  }
0x8a: {  	v47 =	vmul.f32 v22, v2;
	v10 =	vadd.f32 v16, v10;
	v58 =	vadd.f32 v27, v29  }
0x8b: {  	v52 =	vmul.f32 v28, v1;
	v21 =	vadd.f32 v59, v60;
	v25 =	vadd.f32 v25, v36  }
0x8c: {  	v22 =	vmul.f32 v22, v0;
	v45 =	vadd.f32 v30, v60;
	v27 =	vadd.f32 v23, v46  }
0x8d: {  	v23 =	vadd.f32 v23, v52;
	v59 =	vmul.f32 v24, v8;
	v36 =	vmul.f32 v24, v4  }
0x8e: {  	v33 =	vmul.f32 v24, v0;
	vm7 =	vge.f32 v58, $0.0e+00;
	v63 =	vmul.f32 $9.999999770e-03, v58  }
0x8f: {  	v37 =	vmul.f32 $9.999999770e-03, v21;
	v41 =	vmul.f32 $9.999999770e-03, v25;
	v50 =	vadd.f32 v27, v47  }
0x90: {  	v28 =	vld [tilespmem:$0x2B0];
	v30 =	vmul.f32 $9.999999770e-03, v45;
	v54 =	vadd.f32 v23, v22;
	v20 =	vsel vm7, v58, v63  }
0x91: {  	vm7 =	vge.f32 v21, $0.0e+00;
	v27 =	vadd.f32 v50, v26;
	v19 =	vadd.f32 v50, v19  }
0x92: {  	v40 =	vmul.f32 $6.553700000e+04, v20;
	v21 =	vsel vm7, v21, v37;
	vm7 =	vge.f32 v25, $0.0e+00  }
0x93: {  	v35 =	vld [tilespmem:$0x3A0];
	v42 =	vmul.f32 $6.553700000e+04, v21;
	v25 =	vsel vm7, v25, v41;
	v27 =	vadd.f32 v27, v29  }
0x94: {  	vm7 =	vge.f32 v45, $0.0e+00;
	v19 =	vadd.f32 v19, v53;
	v20 =	vsub.f32 v40, v20  }
0x95: {  	v53 =	vmul.f32 v28, v4;
	v44 =	vmul.f32 $6.553700000e+04, v25;
	v16 =	vsel vm7, v45, v30  }
0x96: {  	v43 =	vsub.f32 v42, v21;
	v51 =	vmul.f32 $6.553700000e+04, v16;
	v21 =	vld [tilespmem:$0x230];
	v17 =	vsub.f32 v40, v20  }
0x97: {  	v30 =	vmul.f32 v28, v6;
	v55 =	vmul.f32 $9.999999770e-03, v27;
	v25 =	vsub.f32 v44, v25  }
0x98: {  	v20 =	vsub.f32 v42, v43;
	v16 =	vsub.f32 v51, v16;
	v17 =	vmul.f32 v17, v35  }
0x99: {  	v56 =	vmul.f32 $9.999999770e-03, v19;
	v42 =	vmul.f32 v28, v2;
	v49 =	vsub.f32 v44, v25  }
0x9a: {  	v25 =	vld [tilespmem:$0x130];
	v48 =	vmul.f32 v20, v35;
	v16 =	vsub.f32 v51, v16;
	v17 =	vadd.f32 v17, v18  }
0x9b: {  	v20 =	vmul.f32 v49, v35;
	v18 =	vadd.f32 v54, v26;
	v26 =	vmul.f32 v21, v7  }
0x9c: {  	v22 =	vld [tilespmem:$0x330];
	vm7 =	vge.f32 v27, $0.0e+00;
	v63 =	vmul.f32 v21, v3;
	v49 =	vmul.f32 v21, v5  }
0x9d: {  	v11 =	vadd.f32 v48, v11;
	v16 =	vmul.f32 v16, v35;
	v14 =	vadd.f32 v20, v14  }
0x9e: {  	v20 =	vsel vm7, v27, v55;
	vm7 =	vge.f32 v19, $0.0e+00;
	v18 =	vadd.f32 v18, v29  }
0x9f: {  	v57 =	vmul.f32 v25, v9;
	v27 =	vmul.f32 $6.553700000e+04, v20;
	v19 =	vsel vm7, v19, v56  }
0xa0: {  	v12 =	vadd.f32 v16, v12;
	v51 =	vmul.f32 v25, v5;
	v29 =	vmul.f32 v25, v1  }
0xa1: {  	v60 =	vmul.f32 $6.553700000e+04, v19;
	v61 =	vmul.f32 $9.999999770e-03, v18;
	v58 =	vadd.f32 v22, v57  }
0xa2: {  	vm7 =	vge.f32 v18, $0.0e+00;
	v20 =	vsub.f32 v27, v20;
	v32 =	vadd.f32 v22, v51  }
0xa3: {  	v19 =	vsub.f32 v60, v19;
	v18 =	vsel vm7, v18, v61;
	v23 =	vadd.f32 v58, v59  }
0xa4: {  	v20 =	vsub.f32 v27, v20;
	v40 =	vmul.f32 $6.553700000e+04, v18;
	v55 =	vadd.f32 v32, v36  }
0xa5: {  	v61 =	vmul.f32 v24, v2;
	v19 =	vsub.f32 v60, v19;
	v62 =	vadd.f32 v23, v26  }
0xa6: {  	v24 =	vld [tilespmem:$0x240];
	v58 =	vmul.f32 v25, v3;
	v41 =	vadd.f32 v23, v63;
	v18 =	vsub.f32 v40, v18  }
0xa7: {  	v25 =	vld [tilespmem:$0x140];
	v20 =	vmul.f32 v20, v35;
	v52 =	vadd.f32 v23, v49;
	v23 =	vadd.f32 v55, v63  }
0xa8: {  	v60 =	vadd.f32 v22, v58;
	v63 =	vmul.f32 v21, v1;
	v21 =	vadd.f32 v22, v29  }
0xa9: {  	v32 =	vmul.f32 v28, v0;
	v27 =	vadd.f32 v62, v30;
	v15 =	vadd.f32 v20, v15  }
0xaa: {  	v43 =	vmul.f32 v19, v35;
	v45 =	vadd.f32 v41, v42;
	v46 =	vsub.f32 v40, v18  }
0xab: {  	v20 =	vadd.f32 v52, v53;
	v29 =	vmul.f32 v24, v7;
	v55 =	vmul.f32 v24, v5  }
0xac: {  	v23 =	vadd.f32 v23, v42;
	v39 =	vmul.f32 v25, v9;
	v44 =	vmul.f32 $9.999999770e-03, v27  }
0xad: {  	v42 =	vld [tilespmem:$0x2C0];
	vm7 =	vge.f32 v27, $0.0e+00;
	v48 =	vmul.f32 $9.999999770e-03, v45;
	v16 =	vmul.f32 v46, v35  }
0xae: {  	v35 =	vadd.f32 v21, v33;
	v21 =	vld [tilespmem:$0x1C0];
	v47 =	vsel vm7, v27, v44;
	vm7 =	vge.f32 v45, $0.0e+00  }
0xaf: {  	v57 =	vmul.f32 $9.999999770e-03, v20;
	v50 =	vmul.f32 $6.553700000e+04, v47;
	v19 =	vsel vm7, v45, v48  }
0xb0: {  	v13 =	vadd.f32 v43, v13;
	v62 =	vmul.f32 $9.999999770e-03, v23;
	v27 =	vld [tilespmem:$0x3B0];
	v54 =	vmul.f32 $6.553700000e+04, v19  }
0xb1: {  	v10 =	vadd.f32 v16, v10;
	vm7 =	vge.f32 v20, $0.0e+00;
	v18 =	vsub.f32 v50, v47  }
0xb2: {  	v48 =	vmul.f32 v24, v3;
	v58 =	vmul.f32 v42, v4;
	v19 =	vsub.f32 v54, v19  }
0xb3: {  	v24 =	vmul.f32 v24, v1;
	v44 =	vmul.f32 v21, v8;
	v56 =	vsub.f32 v50, v18  }
0xb4: {  	v47 =	vmul.f32 v42, v6;
	v18 =	vsel vm7, v20, v57;
	v19 =	vsub.f32 v54, v19  }
0xb5: {  	vm7 =	vge.f32 v23, $0.0e+00;
	v59 =	vmul.f32 $6.553700000e+04, v18;
	v16 =	vmul.f32 v56, v27  }
0xb6: {  	v20 =	vadd.f32 v35, v26;
	v50 =	vmul.f32 v42, v2;
	v19 =	vmul.f32 v19, v27  }
0xb7: {  	v57 =	vmul.f32 v21, v4;
	v18 =	vsub.f32 v59, v18;
	v16 =	vadd.f32 v16, v17  }
0xb8: {  	v17 =	vadd.f32 v60, v61;
	v11 =	vadd.f32 v19, v11;
	v19 =	vsel vm7, v23, v62  }
0xb9: {  	v22 =	vld [tilespmem:$0x340];
	v42 =	vmul.f32 v42, v0;
	v20 =	vadd.f32 v20, v30;
	v23 =	vmul.f32 $6.553700000e+04, v19  }
0xba: {  	v54 =	vmul.f32 v25, v5;
	v18 =	vsub.f32 v59, v18;
	v31 =	vadd.f32 v17, v26  }
0xbb: {  	v43 =	vmul.f32 $9.999999770e-03, v20;
	v17 =	vadd.f32 v17, v63;
	v19 =	vsub.f32 v23, v19  }
0xbc: {  	v59 =	vmul.f32 v25, v3;
	v18 =	vmul.f32 v18, v27;
	v34 =	vadd.f32 v31, v30  }
0xbd: {  	v62 =	vmul.f32 v21, v2;
	v17 =	vadd.f32 v17, v32;
	v36 =	vsub.f32 v23, v19  }
0xbe: {  	v14 =	vadd.f32 v18, v14;
	v37 =	vmul.f32 $9.999999770e-03, v34;
	v23 =	vadd.f32 v22, v39  }
0xbf: {  	vm7 =	vge.f32 v34, $0.0e+00;
	v38 =	vmul.f32 $9.999999770e-03, v17;
	v18 =	vmul.f32 v36, v27  }
0xc0: {  	v19 =	vsel vm7, v34, v37;
	vm7 =	vge.f32 v17, $0.0e+00;
	v23 =	vadd.f32 v23, v44  }
0xc1: {  	v61 =	vadd.f32 v22, v59;
	v17 =	vsel vm7, v17, v38;
	v40 =	vmul.f32 $6.553700000e+04, v19  }
0xc2: {  	v12 =	vadd.f32 v18, v12;
	v41 =	vmul.f32 $6.553700000e+04, v17;
	v46 =	vadd.f32 v23, v29  }
0xc3: {  	vm7 =	vge.f32 v20, $0.0e+00;
	v49 =	vadd.f32 v23, v48;
	v23 =	vadd.f32 v23, v55  }
0xc4: {  	v20 =	vsel vm7, v20, v43;
	v19 =	vsub.f32 v40, v19;
	v17 =	vsub.f32 v41, v17  }
0xc5: {  	v45 =	vmul.f32 $6.553700000e+04, v20;
	v26 =	vadd.f32 v46, v47;
	v53 =	vadd.f32 v49, v50  }
0xc6: {  	v25 =	vmul.f32 v25, v1;
	v23 =	vadd.f32 v23, v58;
	v18 =	vsub.f32 v40, v19  }
0xc7: {  	v28 =	vld [tilespmem:$0x2D0];
	v21 =	vmul.f32 v21, v0;
	v20 =	vsub.f32 v45, v20;
	v17 =	vsub.f32 v41, v17  }
0xc8: {  	v52 =	vmul.f32 $9.999999770e-03, v26;
	vm7 =	vge.f32 v26, $0.0e+00;
	v56 =	vmul.f32 $9.999999770e-03, v53  }
0xc9: {  	v18 =	vmul.f32 v18, v27;
	v51 =	vsub.f32 v45, v20;
	v20 =	vadd.f32 v22, v54  }
0xca: {  	v36 =	vmul.f32 $9.999999770e-03, v23;
	v22 =	vadd.f32 v22, v25;
	v17 =	vmul.f32 v17, v27  }
0xcb: {  	v15 =	vadd.f32 v18, v15;
	v18 =	vmul.f32 v51, v27;
	v20 =	vadd.f32 v20, v57  }
0xcc: {  	v25 =	vld [tilespmem:$0x150];
	v21 =	vadd.f32 v22, v21;
	v57 =	vmul.f32 v28, v4;
	v13 =	vadd.f32 v17, v13  }
0xcd: {  	v17 =	vsel vm7, v26, v52;
	vm7 =	vge.f32 v53, $0.0e+00;
	v26 =	vadd.f32 v61, v62  }
0xce: {  	v60 =	vmul.f32 $6.553700000e+04, v17;
	v19 =	vsel vm7, v53, v56;
	v10 =	vadd.f32 v18, v10  }
0xcf: {  	v22 =	vld [tilespmem:$0x350];
	v20 =	vadd.f32 v20, v48;
	vm7 =	vge.f32 v23, $0.0e+00;
	v21 =	vadd.f32 v21, v29  }
0xd0: {  	v56 =	vmul.f32 v28, v2;
	v63 =	vmul.f32 $6.553700000e+04, v19;
	v23 =	vsel vm7, v23, v36  }
0xd1: {  	v27 =	vadd.f32 v26, v29;
	v41 =	vadd.f32 v26, v24;
	v46 =	vmul.f32 v25, v9  }
0xd2: {  	v29 =	vmul.f32 v28, v6;
	v17 =	vsub.f32 v60, v17;
	v20 =	vadd.f32 v20, v50  }
0xd3: {  	v18 =	vld [tilespmem:$0x3C0];
	v62 =	vmul.f32 v25, v5;
	v21 =	vadd.f32 v21, v47;
	v19 =	vsub.f32 v63, v19  }
0xd4: {  	v26 =	vld [tilespmem:$0x1D0];
	v31 =	vmul.f32 $6.553700000e+04, v23;
	v27 =	vadd.f32 v27, v47;
	v47 =	vadd.f32 v22, v46  }
0xd5: {  	v24 =	vld [tilespmem:$0x250];
	v17 =	vsub.f32 v60, v17;
	v37 =	vmul.f32 $9.999999770e-03, v20;
	vm7 =	vge.f32 v20, $0.0e+00  }
0xd6: {  	v23 =	vsub.f32 v31, v23;
	v50 =	vmul.f32 $9.999999770e-03, v21;
	v39 =	vmul.f32 $9.999999770e-03, v27  }
0xd7: {  	v19 =	vsub.f32 v63, v19;
	v20 =	vsel vm7, v20, v37;
	vm7 =	vge.f32 v27, $0.0e+00  }
0xd8: {  	v17 =	vmul.f32 v17, v18;
	v38 =	vmul.f32 $6.553700000e+04, v20;
	v27 =	vsel vm7, v27, v39  }
0xd9: {  	v23 =	vsub.f32 v31, v23;
	v48 =	vmul.f32 v26, v8;
	v40 =	vmul.f32 $6.553700000e+04, v27  }
0xda: {  	v52 =	vmul.f32 v24, v3;
	v19 =	vmul.f32 v19, v18;
	v20 =	vsub.f32 v38, v20  }
0xdb: {  	v16 =	vadd.f32 v17, v16;
	v43 =	vmul.f32 v23, v18;
	v27 =	vsub.f32 v40, v27  }
0xdc: {  	v54 =	vmul.f32 v24, v5;
	v17 =	vsub.f32 v38, v20;
	v20 =	vadd.f32 v41, v42  }
0xdd: {  	v11 =	vadd.f32 v19, v11;
	v14 =	vadd.f32 v43, v14;
	v43 =	vmul.f32 v26, v2  }
0xde: {  	v41 =	vmul.f32 v25, v3;
	v44 =	vsub.f32 v40, v27;
	v45 =	vmul.f32 $9.999999770e-03, v20  }
0xdf: {  	v27 =	vmul.f32 v24, v7;
	v17 =	vmul.f32 v17, v18;
	vm7 =	vge.f32 v20, $0.0e+00  }
0xe0: {  	v23 =	vmul.f32 v44, v18;
	v19 =	vsel vm7, v20, v45;
	v20 =	vadd.f32 v47, v48  }
0xe1: {  	v12 =	vadd.f32 v17, v12;
	vm7 =	vge.f32 v21, $0.0e+00;
	v49 =	vmul.f32 $6.553700000e+04, v19  }
0xe2: {  	v15 =	vadd.f32 v23, v15;
	v21 =	vsel vm7, v21, v50;
	v51 =	vadd.f32 v20, v27  }
0xe3: {  	v53 =	vmul.f32 $6.553700000e+04, v21;
	v55 =	vadd.f32 v20, v52;
	v20 =	vadd.f32 v20, v54  }
0xe4: {  	v40 =	vmul.f32 v26, v4;
	v19 =	vsub.f32 v49, v19;
	v23 =	vadd.f32 v51, v29  }
0xe5: {  	v47 =	vmul.f32 v25, v1;
	v21 =	vsub.f32 v53, v21;
	v32 =	vadd.f32 v55, v56  }
0xe6: {  	v50 =	vmul.f32 v26, v0;
	v59 =	vadd.f32 v20, v57;
	v17 =	vsub.f32 v49, v19  }
0xe7: {  	v49 =	vmul.f32 v24, v1;
	v58 =	vmul.f32 $9.999999770e-03, v23;
	vm7 =	vge.f32 v23, $0.0e+00  }
0xe8: {  	v19 =	vsub.f32 v53, v21;
	v61 =	vmul.f32 $9.999999770e-03, v32;
	v17 =	vmul.f32 v17, v18  }
0xe9: {  	v31 =	vmul.f32 $9.999999770e-03, v59;
	v60 =	vsel vm7, v23, v58;
	vm7 =	vge.f32 v32, $0.0e+00  }
0xea: {  	v25 =	vld [tilespmem:$0x160];
	v18 =	vmul.f32 v19, v18;
	v13 =	vadd.f32 v17, v13;
	v23 =	vmul.f32 $6.553700000e+04, v60  }
0xeb: {  	v24 =	vld [tilespmem:$0x1E0];
	v21 =	vsel vm7, v32, v61;
	vm7 =	vge.f32 v59, $0.0e+00;
	v32 =	vadd.f32 v22, v62  }
0xec: {  	v63 =	vmul.f32 $6.553700000e+04, v21;
	v17 =	vsel vm7, v59, v31;
	v20 =	vsub.f32 v23, v60  }
0xed: {  	v34 =	vld [tilespmem:$0x3D0];
	v10 =	vadd.f32 v18, v10;
	v31 =	vmul.f32 $6.553700000e+04, v17;
	v42 =	vadd.f32 v32, v40  }
0xee: {  	v26 =	vld [tilespmem:$0x360];
	v51 =	vmul.f32 v28, v0;
	v21 =	vsub.f32 v63, v21;
	v20 =	vsub.f32 v23, v20  }
0xef: {  	v53 =	vmul.f32 v25, v9;
	v17 =	vsub.f32 v31, v17;
	v23 =	vadd.f32 v22, v41  }
0xf0: {  	v57 =	vmul.f32 v24, v8;
	v19 =	vadd.f32 v42, v52;
	v22 =	vadd.f32 v22, v47  }
0xf1: {  	v47 =	vmul.f32 v24, v4;
	v21 =	vsub.f32 v63, v21;
	v17 =	vsub.f32 v31, v17  }
0xf2: {  	v20 =	vmul.f32 v20, v34;
	v45 =	vadd.f32 v23, v43;
	v19 =	vadd.f32 v19, v56  }
0xf3: {  	v22 =	vadd.f32 v22, v50;
	v23 =	vld [tilespmem:$0x260];
	v44 =	vmul.f32 v21, v34;
	v21 =	vadd.f32 v26, v53  }
0xf4: {  	v16 =	vadd.f32 v20, v16;
	v17 =	vmul.f32 v17, v34;
	v46 =	vadd.f32 v45, v27  }
0xf5: {  	v48 =	vmul.f32 $9.999999770e-03, v19;
	v55 =	vadd.f32 v22, v27;
	v18 =	vadd.f32 v44, v11  }
0xf6: {  	vm7 =	vge.f32 v19, $0.0e+00;
	v11 =	vadd.f32 v17, v14;
	v17 =	vadd.f32 v45, v49  }
0xf7: {  	v22 =	vld [tilespmem:$0x2E0];
	v14 =	vsel vm7, v19, v48;
	v45 =	vmul.f32 v25, v5;
	v48 =	vmul.f32 v25, v3  }
0xf8: {  	v20 =	vadd.f32 v46, v29;
	v54 =	vmul.f32 $6.553700000e+04, v14;
	v27 =	vmul.f32 v23, v7  }
0xf9: {  	v36 =	vmul.f32 v23, v3;
	v46 =	vmul.f32 v23, v5  }
0xfa: {  	v21 =	vadd.f32 v21, v57;
	v23 =	vmul.f32 v23, v1;
	v52 =	vmul.f32 $9.999999770e-03, v20  }
0xfb: {  	vm7 =	vge.f32 v20, $0.0e+00;
	v17 =	vadd.f32 v17, v51;
	v51 =	vadd.f32 v26, v48  }
0xfc: {  	v14 =	vsub.f32 v54, v14;
	v61 =	vadd.f32 v21, v27;
	v33 =	vmul.f32 v22, v6  }
0xfd: {  	v38 =	vadd.f32 v21, v36;
	v39 =	vmul.f32 v22, v2;
	v21 =	vadd.f32 v21, v46  }
0xfe: {  	v30 =	vld [tilespmem:$0x170];
	v50 =	vmul.f32 v22, v4;
	v22 =	vmul.f32 v22, v0;
	v19 =	vsel vm7, v20, v52  }
0xff: {  	v56 =	vmul.f32 $9.999999770e-03, v17;
	vm7 =	vge.f32 v17, $0.0e+00;
	v20 =	vadd.f32 v55, v29  }
0x100: {  	v52 =	vmul.f32 v24, v2;
	v24 =	vmul.f32 v24, v0;
	v14 =	vsub.f32 v54, v14  }
0x101: {  	v58 =	vmul.f32 $6.553700000e+04, v19;
	v63 =	vadd.f32 v61, v33;
	v41 =	vadd.f32 v38, v39  }
0x102: {  	v21 =	vadd.f32 v21, v50;
	v17 =	vsel vm7, v17, v56;
	v60 =	vmul.f32 $9.999999770e-03, v20  }
0x103: {  	v53 =	vadd.f32 v51, v52;
	v51 =	vmul.f32 v30, v3;
	v59 =	vmul.f32 $6.553700000e+04, v17  }
0x104: {  	vm7 =	vge.f32 v20, $0.0e+00;
	v14 =	vmul.f32 v14, v34;
	v37 =	vmul.f32 $9.999999770e-03, v63  }
0x105: {  	v19 =	vsub.f32 v58, v19;
	v44 =	vmul.f32 $9.999999770e-03, v41;
	v55 =	vmul.f32 $9.999999770e-03, v21  }
0x106: {  	v20 =	vsel vm7, v20, v60;
	vm7 =	vge.f32 v63, $0.0e+00;
	v23 =	vadd.f32 v53, v23  }
0x107: {  	v17 =	vsub.f32 v59, v17;
	v62 =	vmul.f32 $6.553700000e+04, v20;
	v19 =	vsub.f32 v58, v19  }
0x108: {  	v40 =	vsel vm7, v63, v37;
	v14 =	vadd.f32 v14, v12;
	vm7 =	vge.f32 v41, $0.0e+00  }
0x109: {  	v29 =	vmul.f32 $6.553700000e+04, v40;
	v22 =	vadd.f32 v23, v22;
	v17 =	vsub.f32 v59, v17  }
0x10a: {  	v20 =	vsub.f32 v62, v20;
	v19 =	vmul.f32 v19, v34;
	v59 =	vmul.f32 v25, v1  }
0x10b: {  	v43 =	vsub.f32 v29, v40;
	v61 =	vmul.f32 $9.999999770e-03, v22;
	v17 =	vmul.f32 v17, v34  }
0x10c: {  	v12 =	vld [tilespmem:$0x3E0];
	v20 =	vsub.f32 v62, v20;
	v15 =	vadd.f32 v19, v15;
	v19 =	vsel vm7, v41, v44  }
0x10d: {  	v23 =	vadd.f32 v26, v59;
	v49 =	vmul.f32 $6.553700000e+04, v19;
	v13 =	vadd.f32 v17, v13  }
0x10e: {  	v42 =	vmul.f32 v20, v34;
	v17 =	vsub.f32 v29, v43;
	v20 =	vadd.f32 v26, v45  }
0x10f: {  	vm7 =	vge.f32 v21, $0.0e+00;
	v29 =	vadd.f32 v53, v27;
	v23 =	vadd.f32 v23, v24  }
0x110: {  	v41 =	vmul.f32 v30, v5;
	v24 =	vld [tilespmem:$0x1F0];
	v19 =	vsub.f32 v49, v19;
	v20 =	vadd.f32 v20, v47  }
0x111: {  	v17 =	vmul.f32 v17, v12;
	v29 =	vadd.f32 v29, v33;
	v31 =	vadd.f32 v23, v27  }
0x112: {  	v54 =	vsub.f32 v49, v19;
	v19 =	vsel vm7, v21, v55;
	v20 =	vadd.f32 v20, v36  }
0x113: {  	v23 =	vld [tilespmem:$0x270];
	v16 =	vadd.f32 v17, v16;
	v57 =	vmul.f32 $6.553700000e+04, v19;
	v58 =	vmul.f32 $9.999999770e-03, v29  }
0x114: {  	v32 =	vadd.f32 v31, v33;
	v33 =	vmul.f32 v30, v9;
	v17 =	vmul.f32 v54, v12  }
0x115: {  	v37 =	vmul.f32 v24, v8;
	v45 =	vmul.f32 v24, v4;
	v20 =	vadd.f32 v20, v39  }
0x116: {  	v28 =	vld [tilespmem:$0x370];
	v10 =	vadd.f32 v42, v10;
	v55 =	vmul.f32 v24, v2;
	v24 =	vmul.f32 v24, v0  }
0x117: {  	v19 =	vsub.f32 v57, v19;
	v36 =	vmul.f32 $9.999999770e-03, v32;
	v56 =	vmul.f32 $9.999999770e-03, v20  }
0x118: {  	v17 =	vadd.f32 v17, v18;
	v40 =	vmul.f32 v23, v3;
	vm7 =	vge.f32 v20, $0.0e+00  }
0x119: {  	v19 =	vsub.f32 v57, v19;
	v20 =	vsel vm7, v20, v56;
	vm7 =	vge.f32 v29, $0.0e+00  }
0x11a: {  	v60 =	vmul.f32 $6.553700000e+04, v20;
	v21 =	vsel vm7, v29, v58;
	vm7 =	vge.f32 v22, $0.0e+00  }
0x11b: {  	v29 =	vmul.f32 v19, v12;
	v19 =	vadd.f32 v28, v33;
	v62 =	vmul.f32 $6.553700000e+04, v21  }
0x11c: {  	v22 =	vsel vm7, v22, v61;
	vm7 =	vge.f32 v32, $0.0e+00;
	v20 =	vsub.f32 v60, v20  }
0x11d: {  	v63 =	vmul.f32 $6.553700000e+04, v22;
	v11 =	vadd.f32 v29, v11;
	v19 =	vadd.f32 v19, v37  }
0x11e: {  	v18 =	vsel vm7, v32, v36;
	v29 =	vadd.f32 v28, v41;
	v21 =	vsub.f32 v62, v21  }
0x11f: {  	v39 =	vmul.f32 $6.553700000e+04, v18;
	v20 =	vsub.f32 v60, v20;
	v22 =	vsub.f32 v63, v22  }
0x120: {  	v44 =	vmul.f32 v23, v5;
	v29 =	vadd.f32 v29, v45;
	v21 =	vsub.f32 v62, v21  }
0x121: {  	v41 =	vmul.f32 v30, v1;
	v18 =	vsub.f32 v39, v18;
	v35 =	vsub.f32 v63, v22;
	v22 =	vld [tilespmem:$0x2F0]  }
0x122: {  	v42 =	vadd.f32 v19, v40;
	v20 =	vmul.f32 v20, v12;
	v25 =	vadd.f32 v29, v40  }
0x123: {  	v34 =	vmul.f32 v21, v12;
	v21 =	vmul.f32 v23, v7;
	v18 =	vsub.f32 v39, v18  }
0x124: {  	v40 =	vmul.f32 v23, v1;
	v23 =	vadd.f32 v28, v41;
	v14 =	vadd.f32 v20, v14  }
0x125: {  	v38 =	vmul.f32 v35, v12;
	v15 =	vadd.f32 v34, v15;
	v26 =	vadd.f32 v19, v21  }
0x126: {  	v19 =	vadd.f32 v19, v44;
	v27 =	vmul.f32 v22, v6;
	v43 =	vmul.f32 v22, v2  }
0x127: {  	v23 =	vadd.f32 v23, v24;
	v13 =	vadd.f32 v38, v13;
	v46 =	vmul.f32 v22, v4  }
0x128: {  	v12 =	vmul.f32 v18, v12;
	v26 =	vadd.f32 v26, v27;
	v31 =	vadd.f32 v42, v43  }
0x129: {  	v22 =	vmul.f32 v22, v0;
	v19 =	vadd.f32 v19, v46;
	v25 =	vadd.f32 v25, v43  }
0x12a: {  	v10 =	vadd.f32 v12, v10;
	v47 =	vmul.f32 $9.999999770e-03, v26;
	v48 =	vmul.f32 $9.999999770e-03, v31  }
0x12b: {  	vm7 =	vge.f32 v26, $0.0e+00;
	v50 =	vmul.f32 $9.999999770e-03, v19;
	v54 =	vmul.f32 $9.999999770e-03, v25  }
0x12c: {  	v26 =	vsel vm7, v26, v47;
	vm7 =	vge.f32 v31, $0.0e+00;
	v47 =	vadd.f32 v23, v21  }
0x12d: {  	v32 =	vld [tilespmem:$0x500];
	v49 =	vsel vm7, v31, v48;
	vm7 =	vge.f32 v19, $0.0e+00;
	v52 =	vmul.f32 $6.553700000e+04, v26  }
0x12e: {  	v31 =	vadd.f32 v28, v51;
	v28 =	vld [tilespmem:$0x680];
	v53 =	vmul.f32 $6.553700000e+04, v49;
	v19 =	vsel vm7, v19, v50  }
0x12f: {  	v35 =	vld [tilespmem:$0x3F0];
	vm7 =	vge.f32 v25, $0.0e+00;
	v26 =	vsub.f32 v52, v26;
	v56 =	vmul.f32 $6.553700000e+04, v19  }
0x130: {  	v25 =	vsel vm7, v25, v54;
	v57 =	vadd.f32 v31, v55;
	v20 =	vsub.f32 v53, v49  }
0x131: {  	v58 =	vmul.f32 $6.553700000e+04, v25;
	v26 =	vsub.f32 v52, v26;
	v19 =	vsub.f32 v56, v19  }
0x132: {  	v43 =	vmul.f32 v32, v9;
	v59 =	vadd.f32 v57, v21;
	v20 =	vsub.f32 v53, v20  }
0x133: {  	v61 =	vsub.f32 v58, v25;
	v29 =	vmul.f32 v28, v6;
	v60 =	vsub.f32 v56, v19  }
0x134: {  	v25 =	vld [tilespmem:$0x700];
	v53 =	vmul.f32 v28, v2;
	v62 =	vmul.f32 v26, v35;
	v63 =	vadd.f32 v59, v27  }
0x135: {  	v19 =	vld [tilespmem:$0x580];
	v20 =	vmul.f32 v20, v35;
	v36 =	vsub.f32 v58, v61;
	v34 =	vmul.f32 v60, v35  }
0x136: {  	v26 =	vld [tilespmem:$0x600];
	v16 =	vadd.f32 v62, v16;
	v37 =	vmul.f32 $9.999999770e-03, v63;
	vm7 =	vge.f32 v63, $0.0e+00  }
0x137: {  	v17 =	vadd.f32 v20, v17;
	v38 =	vmul.f32 v36, v35;
	v20 =	vadd.f32 v57, v40  }
0x138: {  	v36 =	vmul.f32 v32, v5;
	v40 =	vmul.f32 v32, v3;
	v11 =	vadd.f32 v34, v11  }
0x139: {  	v39 =	vsel vm7, v63, v37;
	v44 =	vadd.f32 v25, v43;
	v63 =	vmul.f32 v28, v4  }
0x13a: {  	v12 =	vadd.f32 v38, v14;
	v42 =	vmul.f32 $6.553700000e+04, v39;
	v45 =	vmul.f32 v19, v8  }
0x13b: {  	v20 =	vadd.f32 v20, v22;
	v24 =	vmul.f32 v26, v7;
	v50 =	vmul.f32 v26, v3  }
0x13c: {  	v37 =	vadd.f32 v25, v36;
	v38 =	vmul.f32 v19, v4;
	v41 =	vadd.f32 v25, v40  }
0x13d: {  	v60 =	vmul.f32 v26, v5;
	v18 =	vsub.f32 v42, v39;
	v46 =	vadd.f32 v44, v45  }
0x13e: {  	v48 =	vmul.f32 $9.999999770e-03, v20;
	vm7 =	vge.f32 v20, $0.0e+00;
	v22 =	vadd.f32 v37, v38  }
0x13f: {  	v45 =	vmul.f32 v32, v1;
	v14 =	vsub.f32 v42, v18;
	v49 =	vadd.f32 v46, v24  }
0x140: {  	v18 =	vadd.f32 v47, v27;
	v20 =	vsel vm7, v20, v48;
	v30 =	vadd.f32 v46, v50  }
0x141: {  	v62 =	vadd.f32 v46, v60;
	v42 =	vmul.f32 v19, v2;
	v46 =	vmul.f32 v26, v1  }
0x142: {  	v22 =	vadd.f32 v22, v50;
	v19 =	vmul.f32 v19, v0;
	v54 =	vmul.f32 $6.553700000e+04, v20  }
0x143: {  	v14 =	vmul.f32 v14, v35;
	v51 =	vadd.f32 v49, v29;
	v52 =	vmul.f32 $9.999999770e-03, v18  }
0x144: {  	vm7 =	vge.f32 v18, $0.0e+00;
	v56 =	vadd.f32 v30, v53;
	v44 =	vadd.f32 v41, v42  }
0x145: {  	v22 =	vadd.f32 v22, v53;
	v49 =	vmul.f32 v28, v0;
	v20 =	vsub.f32 v54, v20  }
0x146: {  	v26 =	vld [tilespmem:$0x590];
	v55 =	vmul.f32 $9.999999770e-03, v51;
	v18 =	vsel vm7, v18, v52;
	vm7 =	vge.f32 v51, $0.0e+00  }
0x147: {  	v28 =	vld [tilespmem:$0x610];
	v14 =	vadd.f32 v14, v15;
	v59 =	vmul.f32 $9.999999770e-03, v56;
	v47 =	vadd.f32 v44, v24  }
0x148: {  	v57 =	vmul.f32 $6.553700000e+04, v18;
	v20 =	vsub.f32 v54, v20;
	v21 =	vsel vm7, v51, v55  }
0x149: {  	v50 =	vmul.f32 $9.999999770e-03, v22;
	vm7 =	vge.f32 v56, $0.0e+00;
	v58 =	vmul.f32 $6.553700000e+04, v21  }
0x14a: {  	v31 =	vld [tilespmem:$0x5A0];
	v18 =	vsub.f32 v57, v18;
	v23 =	vsel vm7, v56, v59;
	v20 =	vmul.f32 v20, v35  }
0x14b: {  	v33 =	vld [tilespmem:$0x780];
	v51 =	vadd.f32 v47, v29;
	v59 =	vmul.f32 v26, v8;
	v61 =	vmul.f32 $6.553700000e+04, v23  }
0x14c: {  	v37 =	vmul.f32 v28, v5;
	v21 =	vsub.f32 v58, v21;
	v18 =	vsub.f32 v57, v18  }
0x14d: {  	v53 =	vmul.f32 $9.999999770e-03, v51;
	v13 =	vadd.f32 v20, v13;
	v34 =	vsub.f32 v61, v23  }
0x14e: {  	v15 =	vsub.f32 v58, v21;
	v18 =	vmul.f32 v18, v35;
	v21 =	vadd.f32 v62, v63  }
0x14f: {  	v63 =	vmul.f32 v28, v3;
	v20 =	vsub.f32 v61, v34;
	v34 =	vmul.f32 v31, v8  }
0x150: {  	v48 =	vadd.f32 v44, v46;
	v15 =	vmul.f32 v15, v33;
	v39 =	vmul.f32 $9.999999770e-03, v21  }
0x151: {  	v10 =	vadd.f32 v18, v10;
	vm7 =	vge.f32 v21, $0.0e+00;
	v20 =	vmul.f32 v20, v33  }
0x152: {  	v18 =	vsel vm7, v21, v39;
	v21 =	vadd.f32 v25, v45;
	vm7 =	vge.f32 v22, $0.0e+00  }
0x153: {  	v15 =	vadd.f32 v15, v16;
	v43 =	vmul.f32 $6.553700000e+04, v18;
	v52 =	vsel vm7, v22, v50;
	v22 =	vld [tilespmem:$0x510]  }
0x154: {  	v45 =	vmul.f32 v26, v4;
	vm7 =	vge.f32 v51, $0.0e+00;
	v19 =	vadd.f32 v21, v19  }
0x155: {  	v23 =	vmul.f32 $6.553700000e+04, v52;
	v21 =	vsel vm7, v51, v53;
	v18 =	vsub.f32 v43, v18  }
0x156: {  	v17 =	vadd.f32 v20, v17;
	v55 =	vmul.f32 $6.553700000e+04, v21;
	v19 =	vadd.f32 v19, v24  }
0x157: {  	v25 =	vld [tilespmem:$0x710];
	v20 =	vsub.f32 v23, v52;
	v52 =	vmul.f32 v26, v2;
	v16 =	vsub.f32 v43, v18  }
0x158: {  	v18 =	vadd.f32 v48, v49;
	v21 =	vsub.f32 v55, v21;
	v58 =	vmul.f32 v22, v9  }
0x159: {  	v19 =	vadd.f32 v19, v29;
	v41 =	vmul.f32 v22, v5;
	v51 =	vmul.f32 v22, v3  }
0x15a: {  	v20 =	vsub.f32 v23, v20;
	v22 =	vmul.f32 v22, v1;
	v16 =	vmul.f32 v16, v33  }
0x15b: {  	v54 =	vmul.f32 $9.999999770e-03, v18;
	vm7 =	vge.f32 v18, $0.0e+00;
	v21 =	vsub.f32 v55, v21  }
0x15c: {  	v57 =	vmul.f32 $9.999999770e-03, v19;
	v23 =	vadd.f32 v25, v58;
	v20 =	vmul.f32 v20, v33  }
0x15d: {  	v29 =	vld [tilespmem:$0x690];
	v44 =	vadd.f32 v25, v41;
	v22 =	vadd.f32 v25, v22;
	v18 =	vsel vm7, v18, v54  }
0x15e: {  	v11 =	vadd.f32 v16, v11;
	vm7 =	vge.f32 v19, $0.0e+00;
	v62 =	vmul.f32 v21, v33  }
0x15f: {  	v21 =	vadd.f32 v25, v51;
	v56 =	vmul.f32 $6.553700000e+04, v18;
	v19 =	vsel vm7, v19, v57  }
0x160: {  	v61 =	vadd.f32 v23, v59;
	v23 =	vmul.f32 v28, v7;
	v12 =	vadd.f32 v20, v12  }
0x161: {  	v32 =	vld [tilespmem:$0x620];
	v24 =	vmul.f32 $6.553700000e+04, v19;
	v14 =	vadd.f32 v62, v14;
	v21 =	vadd.f32 v21, v52  }
0x162: {  	v27 =	vmul.f32 v29, v6;
	v18 =	vsub.f32 v56, v18;
	v35 =	vadd.f32 v61, v23  }
0x163: {  	v62 =	vmul.f32 v26, v0;
	v30 =	vadd.f32 v61, v63;
	v60 =	vsub.f32 v24, v19  }
0x164: {  	v36 =	vmul.f32 v29, v2;
	v19 =	vadd.f32 v44, v45;
	v54 =	vadd.f32 v21, v23  }
0x165: {  	v58 =	vmul.f32 v28, v1;
	v26 =	vld [tilespmem:$0x6A0];
	v22 =	vadd.f32 v22, v62;
	v16 =	vsub.f32 v56, v18  }
0x166: {  	v28 =	vmul.f32 v32, v7;
	v38 =	vadd.f32 v35, v27;
	v39 =	vadd.f32 v30, v36  }
0x167: {  	v40 =	vmul.f32 v29, v4;
	v18 =	vsub.f32 v24, v60;
	v19 =	vadd.f32 v19, v63  }
0x168: {  	v56 =	vadd.f32 v54, v27;
	v60 =	vmul.f32 v29, v0;
	v16 =	vmul.f32 v16, v33  }
0x169: {  	v22 =	vadd.f32 v22, v23;
	v42 =	vmul.f32 $9.999999770e-03, v38;
	v43 =	vmul.f32 $9.999999770e-03, v39  }
0x16a: {  	vm7 =	vge.f32 v38, $0.0e+00;
	v25 =	vmul.f32 v26, v6;
	v45 =	vmul.f32 v26, v2  }
0x16b: {  	v52 =	vmul.f32 v26, v4;
	v18 =	vmul.f32 v18, v33;
	v13 =	vadd.f32 v16, v13  }
0x16c: {  	v30 =	vld [tilespmem:$0x520];
	v16 =	vadd.f32 v61, v37;
	v46 =	vsel vm7, v38, v42;
	vm7 =	vge.f32 v39, $0.0e+00  }
0x16d: {  	v19 =	vadd.f32 v19, v36;
	v59 =	vmul.f32 $9.999999770e-03, v56;
	v47 =	vsel vm7, v39, v43  }
0x16e: {  	v22 =	vadd.f32 v22, v27;
	v16 =	vadd.f32 v16, v40;
	v50 =	vmul.f32 $6.553700000e+04, v47  }
0x16f: {  	v33 =	vld [tilespmem:$0x790];
	v42 =	vmul.f32 v32, v3;
	v10 =	vadd.f32 v18, v10;
	v49 =	vmul.f32 $6.553700000e+04, v46  }
0x170: {  	v53 =	vmul.f32 $9.999999770e-03, v19;
	v48 =	vmul.f32 $9.999999770e-03, v16;
	v20 =	vsub.f32 v50, v47  }
0x171: {  	v61 =	vmul.f32 v30, v9;
	v41 =	vmul.f32 $9.999999770e-03, v22;
	vm7 =	vge.f32 v16, $0.0e+00  }
0x172: {  	v16 =	vsel vm7, v16, v48;
	v20 =	vsub.f32 v50, v20;
	vm7 =	vge.f32 v19, $0.0e+00  }
0x173: {  	v18 =	vsub.f32 v49, v46;
	v24 =	vmul.f32 $6.553700000e+04, v16;
	v19 =	vsel vm7, v19, v53  }
0x174: {  	v20 =	vmul.f32 v20, v33;
	v55 =	vmul.f32 $6.553700000e+04, v19  }
0x175: {  	v46 =	vmul.f32 v30, v5;
	v18 =	vsub.f32 v49, v18;
	v16 =	vsub.f32 v24, v16  }
0x176: {  	vm7 =	vge.f32 v56, $0.0e+00;
	v17 =	vadd.f32 v20, v17;
	v57 =	vsub.f32 v55, v19  }
0x177: {  	v19 =	vadd.f32 v21, v58;
	v20 =	vsel vm7, v56, v59;
	v16 =	vsub.f32 v24, v16  }
0x178: {  	v18 =	vmul.f32 v18, v33;
	v24 =	vld [tilespmem:$0x720];
	v35 =	vmul.f32 $6.553700000e+04, v20  }
0x179: {  	v48 =	vmul.f32 v32, v5;
	v19 =	vadd.f32 v19, v60;
	v16 =	vmul.f32 v16, v33  }
0x17a: {  	v50 =	vmul.f32 v31, v4;
	v15 =	vadd.f32 v18, v15;
	v20 =	vsub.f32 v35, v20  }
0x17b: {  	v60 =	vmul.f32 v32, v1;
	v36 =	vmul.f32 $9.999999770e-03, v19;
	v11 =	vadd.f32 v16, v11  }
0x17c: {  	vm7 =	vge.f32 v19, $0.0e+00;
	v16 =	vsub.f32 v55, v57;
	v18 =	vsub.f32 v35, v20  }
0x17d: {  	v55 =	vmul.f32 v30, v3;
	v63 =	vadd.f32 v24, v61;
	v19 =	vsel vm7, v19, v36  }
0x17e: {  	vm7 =	vge.f32 v22, $0.0e+00;
	v49 =	vadd.f32 v24, v46;
	v61 =	vmul.f32 v30, v1  }
0x17f: {  	v16 =	vmul.f32 v16, v33;
	v38 =	vmul.f32 $6.553700000e+04, v19;
	v21 =	vadd.f32 v63, v34  }
0x180: {  	v18 =	vmul.f32 v18, v33;
	v56 =	vadd.f32 v24, v55;
	v24 =	vadd.f32 v24, v61  }
0x181: {  	v30 =	vld [tilespmem:$0x6B0];
	v34 =	vmul.f32 v31, v0;
	v12 =	vadd.f32 v16, v12;
	v37 =	vadd.f32 v21, v28  }
0x182: {  	v40 =	vsub.f32 v38, v19;
	v19 =	vsel vm7, v22, v41;
	v14 =	vadd.f32 v18, v14  }
0x183: {  	v22 =	vmul.f32 $6.553700000e+04, v19;
	v44 =	vadd.f32 v21, v42;
	v39 =	vadd.f32 v37, v25  }
0x184: {  	v57 =	vmul.f32 v31, v2;
	v21 =	vadd.f32 v21, v48;
	v36 =	vadd.f32 v24, v34  }
0x185: {  	v16 =	vsub.f32 v38, v40;
	v19 =	vsub.f32 v22, v19;
	v23 =	vmul.f32 $9.999999770e-03, v39  }
0x186: {  	v31 =	vmul.f32 v30, v6;
	v47 =	vadd.f32 v44, v45;
	vm7 =	vge.f32 v39, $0.0e+00  }
0x187: {  	v16 =	vmul.f32 v16, v33;
	v19 =	vsub.f32 v22, v19;
	v20 =	vsel vm7, v39, v23  }
0x188: {  	v21 =	vadd.f32 v21, v52;
	v51 =	vmul.f32 $9.999999770e-03, v47;
	v43 =	vmul.f32 $6.553700000e+04, v20  }
0x189: {  	v13 =	vadd.f32 v16, v13;
	v16 =	vld [tilespmem:$0x7A0];
	v19 =	vmul.f32 v19, v33;
	vm7 =	vge.f32 v47, $0.0e+00  }
0x18a: {  	v33 =	vmul.f32 v26, v0;
	v23 =	vadd.f32 v36, v28;
	v26 =	vld [tilespmem:$0x630];
	v20 =	vsub.f32 v43, v20  }
0x18b: {  	v24 =	vld [tilespmem:$0x530];
	v55 =	vmul.f32 v30, v4;
	v54 =	vmul.f32 $9.999999770e-03, v21;
	v22 =	vsel vm7, v47, v51  }
0x18c: {  	v53 =	vmul.f32 $6.553700000e+04, v22;
	v23 =	vadd.f32 v23, v25;
	v18 =	vsub.f32 v43, v20  }
0x18d: {  	v27 =	vld [tilespmem:$0x730];
	vm7 =	vge.f32 v21, $0.0e+00;
	v10 =	vadd.f32 v19, v10;
	v20 =	vadd.f32 v49, v50  }
0x18e: {  	v22 =	vsub.f32 v53, v22;
	v41 =	vmul.f32 $9.999999770e-03, v23;
	v18 =	vmul.f32 v18, v16  }
0x18f: {  	v47 =	vmul.f32 v26, v3;
	v49 =	vmul.f32 v30, v2;
	v20 =	vadd.f32 v20, v42  }
0x190: {  	v19 =	vsub.f32 v53, v22;
	v42 =	vmul.f32 v24, v9;
	v15 =	vadd.f32 v18, v15  }
0x191: {  	v20 =	vadd.f32 v20, v45;
	v18 =	vsel vm7, v21, v54;
	v21 =	vadd.f32 v56, v57  }
0x192: {  	v51 =	vmul.f32 v26, v5;
	v19 =	vmul.f32 v19, v16;
	v43 =	vadd.f32 v27, v42  }
0x193: {  	v58 =	vmul.f32 $6.553700000e+04, v18;
	v59 =	vmul.f32 $9.999999770e-03, v20;
	v63 =	vadd.f32 v21, v28  }
0x194: {  	v17 =	vadd.f32 v19, v17;
	vm7 =	vge.f32 v20, $0.0e+00;
	v21 =	vadd.f32 v21, v60;
	v28 =	vld [tilespmem:$0x5B0]  }
0x195: {  	v18 =	vsub.f32 v58, v18;
	v20 =	vsel vm7, v20, v59;
	v35 =	vadd.f32 v63, v25  }
0x196: {  	v21 =	vadd.f32 v21, v33;
	v59 =	vmul.f32 v24, v5;
	v63 =	vmul.f32 v24, v3  }
0x197: {  	v62 =	vmul.f32 $6.553700000e+04, v20;
	v18 =	vsub.f32 v58, v18;
	v37 =	vmul.f32 $9.999999770e-03, v35  }
0x198: {  	vm7 =	vge.f32 v35, $0.0e+00;
	v38 =	vmul.f32 $9.999999770e-03, v21;
	v36 =	vadd.f32 v27, v63  }
0x199: {  	v20 =	vsub.f32 v62, v20;
	v18 =	vmul.f32 v18, v16;
	v44 =	vmul.f32 v28, v8  }
0x19a: {  	v22 =	vsel vm7, v35, v37;
	vm7 =	vge.f32 v21, $0.0e+00;
	v37 =	vmul.f32 v28, v2  }
0x19b: {  	v20 =	vsub.f32 v62, v20;
	v21 =	vsel vm7, v21, v38;
	v39 =	vmul.f32 $6.553700000e+04, v22  }
0x19c: {  	v11 =	vadd.f32 v18, v11;
	vm7 =	vge.f32 v23, $0.0e+00;
	v46 =	vadd.f32 v43, v44  }
0x19d: {  	v40 =	vmul.f32 $6.553700000e+04, v21;
	v18 =	vsel vm7, v23, v41;
	v23 =	vmul.f32 v26, v7  }
0x19e: {  	v25 =	vld [tilespmem:$0x540];
	v20 =	vmul.f32 v20, v16;
	v22 =	vsub.f32 v39, v22;
	v48 =	vadd.f32 v46, v47  }
0x19f: {  	v45 =	vmul.f32 $6.553700000e+04, v18;
	v54 =	vadd.f32 v46, v51;
	v21 =	vsub.f32 v40, v21  }
0x1a0: {  	v62 =	vmul.f32 v28, v4;
	v29 =	vadd.f32 v46, v23;
	v12 =	vadd.f32 v20, v12  }
0x1a1: {  	v41 =	vmul.f32 v26, v1;
	v19 =	vsub.f32 v39, v22;
	v18 =	vsub.f32 v45, v18  }
0x1a2: {  	v51 =	vmul.f32 v28, v0;
	v52 =	vadd.f32 v48, v49;
	v57 =	vadd.f32 v54, v55  }
0x1a3: {  	v39 =	vadd.f32 v36, v37;
	v54 =	vmul.f32 v25, v9;
	v21 =	vsub.f32 v40, v21  }
0x1a4: {  	v50 =	vadd.f32 v29, v31;
	v19 =	vmul.f32 v19, v16;
	v56 =	vmul.f32 $9.999999770e-03, v52  }
0x1a5: {  	v18 =	vsub.f32 v45, v18;
	v61 =	vmul.f32 $9.999999770e-03, v57;
	v45 =	vmul.f32 v30, v0  }
0x1a6: {  	v40 =	vadd.f32 v39, v23;
	v21 =	vmul.f32 v21, v16;
	v53 =	vmul.f32 $9.999999770e-03, v50  }
0x1a7: {  	v14 =	vadd.f32 v19, v14;
	v16 =	vmul.f32 v18, v16;
	v18 =	vadd.f32 v27, v59  }
0x1a8: {  	vm7 =	vge.f32 v50, $0.0e+00;
	v44 =	vadd.f32 v40, v31;
	v13 =	vadd.f32 v21, v13  }
0x1a9: {  	v29 =	vld [tilespmem:$0x640];
	v19 =	vsel vm7, v50, v53;
	vm7 =	vge.f32 v52, $0.0e+00;
	v10 =	vadd.f32 v16, v10  }
0x1aa: {  	v30 =	vld [tilespmem:$0x6C0];
	v58 =	vmul.f32 $6.553700000e+04, v19;
	v16 =	vsel vm7, v52, v56;
	vm7 =	vge.f32 v57, $0.0e+00  }
0x1ab: {  	v33 =	vld [tilespmem:$0x7B0];
	v18 =	vadd.f32 v18, v62;
	v60 =	vmul.f32 $6.553700000e+04, v16;
	v20 =	vsel vm7, v57, v61  }
0x1ac: {  	v46 =	vmul.f32 $9.999999770e-03, v44;
	v19 =	vsub.f32 v58, v19;
	v38 =	vmul.f32 $6.553700000e+04, v20  }
0x1ad: {  	v18 =	vadd.f32 v18, v47;
	v47 =	vmul.f32 v24, v1;
	v24 =	vld [tilespmem:$0x5C0];
	v16 =	vsub.f32 v60, v16  }
0x1ae: {  	v36 =	vmul.f32 v29, v3;
	v19 =	vsub.f32 v58, v19;
	v20 =	vsub.f32 v38, v20  }
0x1af: {  	v32 =	vmul.f32 v30, v6;
	v18 =	vadd.f32 v18, v49;
	v22 =	vadd.f32 v27, v47  }
0x1b0: {  	v16 =	vsub.f32 v60, v16;
	v19 =	vmul.f32 v19, v33;
	v42 =	vsub.f32 v38, v20  }
0x1b1: {  	v43 =	vmul.f32 $9.999999770e-03, v18;
	vm7 =	vge.f32 v18, $0.0e+00;
	v38 =	vmul.f32 v25, v5  }
0x1b2: {  	v53 =	vadd.f32 v22, v51;
	v16 =	vmul.f32 v16, v33;
	v57 =	vmul.f32 v24, v8  }
0x1b3: {  	v51 =	vmul.f32 v24, v2;
	v15 =	vadd.f32 v19, v15;
	v19 =	vmul.f32 v42, v33  }
0x1b4: {  	v20 =	vld [tilespmem:$0x740];
	v18 =	vsel vm7, v18, v43;
	v21 =	vadd.f32 v53, v23;
	v23 =	vmul.f32 v29, v7  }
0x1b5: {  	vm7 =	vge.f32 v44, $0.0e+00;
	v42 =	vmul.f32 v24, v4;
	v43 =	vmul.f32 v29, v5  }
0x1b6: {  	v16 =	vadd.f32 v16, v17;
	v17 =	vadd.f32 v39, v41;
	v48 =	vmul.f32 $6.553700000e+04, v18  }
0x1b7: {  	v49 =	vsel vm7, v44, v46;
	v41 =	vmul.f32 v30, v2;
	v26 =	vadd.f32 v19, v11  }
0x1b8: {  	v52 =	vmul.f32 $6.553700000e+04, v49;
	v21 =	vadd.f32 v21, v31;
	v17 =	vadd.f32 v17, v45  }
0x1b9: {  	v46 =	vmul.f32 v30, v4;
	v18 =	vsub.f32 v48, v18;
	v22 =	vadd.f32 v20, v54  }
0x1ba: {  	v55 =	vsub.f32 v52, v49;
	v59 =	vmul.f32 $9.999999770e-03, v21;
	v49 =	vmul.f32 v25, v3  }
0x1bb: {  	v50 =	vmul.f32 $9.999999770e-03, v17;
	v11 =	vsub.f32 v48, v18;
	v22 =	vadd.f32 v22, v57  }
0x1bc: {  	v25 =	vmul.f32 v25, v1;
	vm7 =	vge.f32 v17, $0.0e+00;
	v18 =	vsub.f32 v52, v55  }
0x1bd: {  	v17 =	vsel vm7, v17, v50;
	v11 =	vmul.f32 v11, v33;
	v60 =	vadd.f32 v22, v23  }
0x1be: {  	vm7 =	vge.f32 v21, $0.0e+00;
	v40 =	vadd.f32 v22, v36;
	v45 =	vadd.f32 v22, v43  }
0x1bf: {  	v22 =	vadd.f32 v20, v49;
	v56 =	vmul.f32 $6.553700000e+04, v17;
	v58 =	vmul.f32 v18, v33  }
0x1c0: {  	v62 =	vsel vm7, v21, v59;
	v12 =	vadd.f32 v11, v12;
	v63 =	vadd.f32 v60, v32  }
0x1c1: {  	v59 =	vmul.f32 v29, v1;
	v28 =	vadd.f32 v40, v41;
	v48 =	vadd.f32 v45, v46  }
0x1c2: {  	v37 =	vmul.f32 $6.553700000e+04, v62;
	v22 =	vadd.f32 v22, v51;
	v17 =	vsub.f32 v56, v17  }
0x1c3: {  	v14 =	vadd.f32 v58, v14;
	vm7 =	vge.f32 v63, $0.0e+00;
	v39 =	vmul.f32 $9.999999770e-03, v63  }
0x1c4: {  	v31 =	vld [tilespmem:$0x650];
	v47 =	vmul.f32 $9.999999770e-03, v28;
	v50 =	vmul.f32 $9.999999770e-03, v48;
	v17 =	vsub.f32 v56, v17  }
0x1c5: {  	v55 =	vadd.f32 v22, v23;
	v18 =	vsel vm7, v63, v39;
	vm7 =	vge.f32 v28, $0.0e+00  }
0x1c6: {  	v61 =	vmul.f32 v17, v33;
	v17 =	vsub.f32 v37, v62;
	v44 =	vmul.f32 $6.553700000e+04, v18  }
0x1c7: {  	v34 =	vld [tilespmem:$0x6D0];
	v27 =	vsel vm7, v28, v47;
	vm7 =	vge.f32 v48, $0.0e+00;
	v62 =	vmul.f32 v30, v0  }
0x1c8: {  	v30 =	vmul.f32 v24, v0;
	v21 =	vadd.f32 v61, v13;
	v13 =	vadd.f32 v20, v38  }
0x1c9: {  	v11 =	vld [tilespmem:$0x7C0];
	v47 =	vmul.f32 v31, v3;
	v52 =	vmul.f32 $6.553700000e+04, v27;
	v17 =	vsub.f32 v37, v17  }
0x1ca: {  	v19 =	vsel vm7, v48, v50;
	v18 =	vsub.f32 v44, v18;
	v13 =	vadd.f32 v13, v42  }
0x1cb: {  	v28 =	vmul.f32 $6.553700000e+04, v19;
	v20 =	vadd.f32 v20, v25;
	v27 =	vsub.f32 v52, v27  }
0x1cc: {  	v50 =	vmul.f32 v34, v2;
	v18 =	vsub.f32 v44, v18;
	v13 =	vadd.f32 v13, v36  }
0x1cd: {  	v17 =	vmul.f32 v17, v33;
	v19 =	vsub.f32 v28, v19;
	v33 =	vadd.f32 v55, v32  }
0x1ce: {  	v27 =	vsub.f32 v52, v27;
	v18 =	vmul.f32 v18, v11;
	v13 =	vadd.f32 v13, v41  }
0x1cf: {  	v10 =	vadd.f32 v17, v10;
	v57 =	vsub.f32 v28, v19;
	v58 =	vmul.f32 $9.999999770e-03, v33;
	v19 =	vld [tilespmem:$0x5D0]  }
0x1d0: {  	v56 =	vmul.f32 v27, v11;
	v27 =	vld [tilespmem:$0x550];
	v15 =	vadd.f32 v18, v15;
	v53 =	vmul.f32 $9.999999770e-03, v13  }
0x1d1: {  	v60 =	vmul.f32 v57, v11;
	v57 =	vmul.f32 v31, v5;
	vm7 =	vge.f32 v13, $0.0e+00  }
0x1d2: {  	v28 =	vld [tilespmem:$0x750];
	v36 =	vadd.f32 v56, v16;
	v16 =	vadd.f32 v22, v59;
	v13 =	vsel vm7, v13, v53  }
0x1d3: {  	v22 =	vadd.f32 v20, v30;
	v20 =	vmul.f32 v31, v7;
	v54 =	vmul.f32 $6.553700000e+04, v13  }
0x1d4: {  	v31 =	vmul.f32 v31, v1;
	v16 =	vadd.f32 v16, v62;
	v41 =	vmul.f32 v19, v8  }
0x1d5: {  	v45 =	vadd.f32 v22, v23;
	v29 =	vmul.f32 v27, v9;
	v13 =	vsub.f32 v54, v13  }
0x1d6: {  	v39 =	vmul.f32 v19, v4;
	vm7 =	vge.f32 v33, $0.0e+00;
	v59 =	vmul.f32 v27, v5  }
0x1d7: {  	v61 =	vsel vm7, v33, v58;
	v40 =	vadd.f32 v28, v29;
	v13 =	vsub.f32 v54, v13  }
0x1d8: {  	v33 =	vadd.f32 v60, v26;
	v42 =	vmul.f32 $9.999999770e-03, v16;
	v63 =	vmul.f32 $6.553700000e+04, v61  }
0x1d9: {  	vm7 =	vge.f32 v16, $0.0e+00;
	v43 =	vadd.f32 v40, v41;
	v13 =	vmul.f32 v13, v11  }
0x1da: {  	v17 =	vadd.f32 v45, v32;
	v60 =	vmul.f32 v34, v4;
	v18 =	vsub.f32 v63, v61  }
0x1db: {  	v46 =	vadd.f32 v43, v20;
	v37 =	vadd.f32 v13, v12;
	v13 =	vmul.f32 v34, v6  }
0x1dc: {  	v16 =	vsel vm7, v16, v42;
	v52 =	vmul.f32 $9.999999770e-03, v17;
	vm7 =	vge.f32 v17, $0.0e+00  }
0x1dd: {  	v48 =	vmul.f32 $6.553700000e+04, v16;
	v44 =	vsub.f32 v63, v18;
	v18 =	vadd.f32 v46, v13  }
0x1de: {  	v42 =	vmul.f32 v19, v2;
	v19 =	vmul.f32 v19, v0;
	v49 =	vadd.f32 v43, v47  }
0x1df: {  	v55 =	vsel vm7, v17, v52;
	v51 =	vsub.f32 v48, v16;
	v53 =	vmul.f32 $9.999999770e-03, v18  }
0x1e0: {  	v25 =	vadd.f32 v43, v57;
	v23 =	vadd.f32 v49, v50;
	vm7 =	vge.f32 v18, $0.0e+00  }
0x1e1: {  	v54 =	vsub.f32 v48, v51;
	v12 =	vmul.f32 v44, v11;
	v16 =	vsel vm7, v18, v53  }
0x1e2: {  	v25 =	vadd.f32 v25, v60;
	v56 =	vmul.f32 $9.999999770e-03, v23;
	v18 =	vmul.f32 $6.553700000e+04, v16  }
0x1e3: {  	v40 =	vmul.f32 v54, v11;
	v35 =	vadd.f32 v12, v14;
	v12 =	vld [tilespmem:$0x7D0];
	vm7 =	vge.f32 v23, $0.0e+00  }
0x1e4: {  	v22 =	vld [tilespmem:$0x560];
	v62 =	vmul.f32 $9.999999770e-03, v25;
	v17 =	vsel vm7, v23, v56;
	v16 =	vsub.f32 v18, v16  }
0x1e5: {  	v14 =	vmul.f32 $6.553700000e+04, v55;
	v23 =	vadd.f32 v28, v59;
	v38 =	vmul.f32 $6.553700000e+04, v17  }
0x1e6: {  	v29 =	vld [tilespmem:$0x660];
	v32 =	vadd.f32 v40, v21;
	vm7 =	vge.f32 v25, $0.0e+00;
	v16 =	vsub.f32 v18, v16  }
0x1e7: {  	v63 =	vsel vm7, v25, v62;
	v39 =	vadd.f32 v23, v39;
	v23 =	vld [tilespmem:$0x760];
	v17 =	vsub.f32 v38, v17  }
0x1e8: {  	v58 =	vsub.f32 v14, v55;
	v41 =	vmul.f32 $6.553700000e+04, v63;
	v18 =	vld [tilespmem:$0x5E0];
	v16 =	vmul.f32 v16, v12  }
0x1e9: {  	v49 =	vmul.f32 v22, v9;
	v24 =	vadd.f32 v39, v47;
	v61 =	vsub.f32 v38, v17;
	v17 =	vld [tilespmem:$0x570]  }
0x1ea: {  	v34 =	vmul.f32 v34, v0;
	v53 =	vsub.f32 v41, v63;
	v38 =	vadd.f32 v16, v15;
	v15 =	vld [tilespmem:$0x5F0]  }
0x1eb: {  	v14 =	vsub.f32 v14, v58;
	v48 =	vadd.f32 v24, v50;
	v50 =	vmul.f32 v27, v3;
	v16 =	vld [tilespmem:$0x770]  }
0x1ec: {  	v30 =	vld [tilespmem:$0x6E0];
	v55 =	vsub.f32 v41, v53;
	v27 =	vmul.f32 v27, v1;
	v21 =	vmul.f32 v61, v12  }
0x1ed: {  	v26 =	vld [tilespmem:$0x670];
	v24 =	vadd.f32 v23, v49;
	vm7 =	vge.f32 v48, $0.0e+00;
	v51 =	vmul.f32 v18, v8  }
0x1ee: {  	v27 =	vadd.f32 v28, v27;
	v36 =	vadd.f32 v21, v36;
	v9 =	vmul.f32 v17, v9  }
0x1ef: {  	v25 =	vld [tilespmem:$0x6F0];
	v43 =	vmul.f32 $9.999999770e-03, v48;
	v21 =	vadd.f32 v28, v50;
	v44 =	vadd.f32 v24, v51  }
0x1f0: {  	v24 =	vmul.f32 v29, v7;
	v9 =	vadd.f32 v16, v9;
	v8 =	vmul.f32 v15, v8  }
0x1f1: {  	v40 =	vsel vm7, v48, v43;
	v42 =	vadd.f32 v21, v42;
	v21 =	vmul.f32 v30, v6  }
0x1f2: {  	v52 =	vadd.f32 v44, v24;
	v46 =	vadd.f32 v9, v8;
	v9 =	vmul.f32 v26, v7  }
0x1f3: {  	v19 =	vadd.f32 v27, v19;
	v54 =	vmul.f32 $6.553700000e+04, v40;
	v45 =	vadd.f32 v42, v20  }
0x1f4: {  	v43 =	vadd.f32 v52, v21;
	v8 =	vmul.f32 v25, v6;
	v47 =	vadd.f32 v46, v9  }
0x1f5: {  	v63 =	vmul.f32 v55, v12;
	v56 =	vsub.f32 v54, v40;
	v45 =	vadd.f32 v45, v13  }
0x1f6: {  	v31 =	vadd.f32 v42, v31;
	v57 =	vmul.f32 $9.999999770e-03, v43;
	v47 =	vadd.f32 v47, v8  }
0x1f7: {  	v7 =	vsub.f32 v54, v56;
	v58 =	vmul.f32 $9.999999770e-03, v45;
	vm7 =	vge.f32 v43, $0.0e+00  }
0x1f8: {  	v59 =	vsel vm7, v43, v57;
	vm7 =	vge.f32 v45, $0.0e+00;
	v62 =	vmul.f32 $9.999999770e-03, v47  }
0x1f9: {  	v60 =	vsel vm7, v45, v58;
	v61 =	vmul.f32 $6.553700000e+04, v59;
	vm7 =	vge.f32 v47, $0.0e+00  }
0x1fa: {  	v6 =	vld [tilespmem:$0x7E0];
	v31 =	vadd.f32 v31, v34;
	v7 =	vmul.f32 v7, v12;
	v43 =	vsel vm7, v47, v62  }
0x1fb: {  	v34 =	vmul.f32 v26, v3;
	v39 =	vsub.f32 v61, v59;
	v47 =	vmul.f32 $6.553700000e+04, v43  }
0x1fc: {  	v45 =	vadd.f32 v63, v33;
	v33 =	vadd.f32 v7, v37;
	v7 =	vld [tilespmem:$0x7F0];
	v48 =	vmul.f32 $6.553700000e+04, v60  }
0x1fd: {  	v55 =	vmul.f32 $9.999999770e-03, v31;
	v50 =	vsub.f32 v61, v39;
	v52 =	vsub.f32 v47, v43  }
0x1fe: {  	v56 =	vadd.f32 v46, v34;
	v40 =	vsub.f32 v48, v60;
	vm7 =	vge.f32 v31, $0.0e+00  }
0x1ff: {  	v60 =	vmul.f32 v29, v5;
	v37 =	vmul.f32 v50, v6;
	v41 =	vsub.f32 v47, v52  }
0x200: {  	v42 =	vsel vm7, v31, v55;
	v51 =	vsub.f32 v48, v40;
	v40 =	vmul.f32 v29, v3  }
0x201: {  	v62 =	vmul.f32 $6.553700000e+04, v42;
	v37 =	vadd.f32 v37, v38;
	v41 =	vmul.f32 v41, v7  }
0x202: {  	v48 =	vmul.f32 v25, v2;
	v43 =	vmul.f32 v30, v2;
	v53 =	vadd.f32 v44, v40  }
0x203: {  	v39 =	vmul.f32 v51, v12;
	v42 =	vsub.f32 v62, v42;
	v37 =	vadd.f32 v41, v37  }
0x204: {  	v51 =	vmul.f32 v26, v5;
	v47 =	vadd.f32 v56, v48;
	v54 =	vadd.f32 v53, v43  }
0x205: {  	v52 =	vmul.f32 v22, v5;
	v5 =	vmul.f32 v17, v5;
	(v2sf) =	vpush v37, $0x0  }
0x206: {  	v31 =	vadd.f32 v39, v35;
	v57 =	vmul.f32 $9.999999770e-03, v54;
	(v2sf) =	vpush v37, $0x1  }
0x207: {  	v59 =	vmul.f32 $9.999999770e-03, v47;
	vm7 =	vge.f32 v54, $0.0e+00;
	(v2sf) =	vpush v37, $0x2  }
0x208: {  	v58 =	vsel vm7, v54, v57;
	vm7 =	vge.f32 v47, $0.0e+00;
	(v2sf) =	vpush v37, $0x3  }
0x209: {  	v38 =	vmul.f32 $6.553700000e+04, v58;
	v39 =	vsel vm7, v47, v59;
	(v2sf) =	vpush v37, $0x4  }
0x20a: {  	v5 =	vadd.f32 v16, v5;
	v63 =	vmul.f32 $6.553700000e+04, v39;
	(v2sf) =	vpush v37, $0x5  }
0x20b: {  	v35 =	vsub.f32 v38, v58;
	(v2sf) =	vpush v37, $0x6  }
0x20c: {  	v39 =	vsub.f32 v63, v39;
	(v2sf) =	vpush v37, $0x7  }
0x20d: {  	v35 =	vsub.f32 v38, v35;
	(v2sf) =	vpush v37, $0x8  }
0x20e: {  	v61 =	vmul.f32 v30, v4;
	v41 =	vadd.f32 v44, v60;
	(v2sf) =	vpush v37, $0x9  }
0x20f: {  	v39 =	vsub.f32 v63, v39;
	v35 =	vmul.f32 v35, v6;
	(v2sf) =	vpush v37, $0xA  }
0x210: {  	v53 =	vmul.f32 v25, v4;
	v41 =	vadd.f32 v41, v61;
	(v2sf) =	vpush v37, $0xB  }
0x211: {  	v39 =	vmul.f32 v39, v7;
	v35 =	vadd.f32 v35, v36;
	(v2sf) =	vpush v37, $0xC  }
0x212: {  	v54 =	vmul.f32 v18, v4;
	v38 =	vsub.f32 v62, v42;
	(v2sf) =	vpush v37, $0xD  }
0x213: {  	v4 =	vmul.f32 v15, v4;
	v35 =	vadd.f32 v39, v35;
	(v2sf) =	vpush v37, $0xE  }
0x214: {  	v49 =	vmul.f32 $9.999999770e-03, v41;
	v42 =	vadd.f32 v46, v51;
	(v2sf) =	vpush v37, $0xF;
	s14 =	spop (v2sf)  }
0x215: {  	v4 =	vadd.f32 v5, v4;
	vm7 =	vge.f32 v41, $0.0e+00;
	s2 =	spop (v2sf);
	(v2sf) =	vpush v35, $0x0  }
0x216: {  	v50 =	vsel vm7, v41, v49;
	v37 =	vadd.f32 v42, v53;
	s3 =	spop (v2sf);
	(v2sf) =	vpush v35, $0x1  }
0x217: {  	v19 =	vadd.f32 v19, v20;
	v41 =	vmul.f32 $6.553700000e+04, v50;
	s4 =	spop (v2sf);
	(v2sf) =	vpush v35, $0x2  }
0x218: {  	v4 =	vadd.f32 v4, v34;
	v55 =	vmul.f32 $9.999999770e-03, v37;
	s6 =	spop (v2sf);
	(v2sf) =	vpush v35, $0x3  }
0x219: {  	v36 =	vsub.f32 v41, v50;
	vm7 =	vge.f32 v37, $0.0e+00;
	s5 =	spop (v2sf);
	(v2sf) =	vpush v35, $0x4  }
0x21a: {  	v39 =	vadd.f32 v23, v52;
	v37 =	vsel vm7, v37, v55;
	s25 =	spop (v2sf);
	(v2sf) =	vpush v35, $0x5  }
0x21b: {  	v36 =	vsub.f32 v41, v36;
	v56 =	vmul.f32 $6.553700000e+04, v37;
	s7 =	spop (v2sf);
	(v2sf) =	vpush v35, $0x6  }
0x21c: {  	v39 =	vadd.f32 v39, v54;
	s28 =	spop (v2sf);
	(v2sf) =	vpush v35, $0x7  }
0x21d: {  	v37 =	vsub.f32 v56, v37;
	s12 =	spop (v2sf);
	(v2sf) =	vpush v35, $0x8  }
0x21e: {  	v36 =	vmul.f32 v36, v6;
	v39 =	vadd.f32 v39, v40;
	s8 =	spop (v2sf);
	(v2sf) =	vpush v35, $0x9  }
0x21f: {  	v37 =	vsub.f32 v56, v37;
	s13 =	spop (v2sf);
	(v2sf) =	vpush v35, $0xA  }
0x220: {  	v36 =	vadd.f32 v36, v45;
	s15 =	spop (v2sf);
	(v2sf) =	vpush v35, $0xB  }
0x221: {  	v39 =	vadd.f32 v39, v43;
	v37 =	vmul.f32 v37, v7;
	s20 =	spop (v2sf);
	(v2sf) =	vpush v35, $0xC  }
0x222: {  	v62 =	vmul.f32 v22, v3;
	v38 =	vmul.f32 v38, v12;
	s21 =	spop (v2sf);
	(v2sf) =	vpush v35, $0xD  }
0x223: {  	s0 =	sadd.f32 s2, s14;
	v57 =	vmul.f32 $9.999999770e-03, v39;
	v58 =	vadd.f32 v37, v36;
	s10 =	spop (v2sf);
	(v2sf) =	vpush v35, $0xE  }
0x224: {  	v4 =	vadd.f32 v4, v48;
	vm7 =	vge.f32 v39, $0.0e+00;
	s1 =	sadd.f32 s4, s3;
	(v2sf) =	vpush v35, $0xF;
	s16 =	spop (v2sf)  }
0x225: {  	v32 =	vadd.f32 v38, v32;
	v38 =	vsel vm7, v39, v57;
	s14 =	sadd.f32 s5, s6;
	s18 =	spop (v2sf);
	(v2sf) =	vpush v58, $0x0  }
0x226: {  	v61 =	vmul.f32 $9.999999770e-03, v4;
	v59 =	vmul.f32 $6.553700000e+04, v38;
	s0 =	sadd.f32 s1, s0;
	s17 =	spop (v2sf);
	(v2sf) =	vpush v58, $0x1  }
0x227: {  	v51 =	vadd.f32 v19, v13;
	vm7 =	vge.f32 v4, $0.0e+00;
	s4 =	sadd.f32 s7, s25;
	s19 =	spop (v2sf);
	(v2sf) =	vpush v58, $0x2  }
0x228: {  	v4 =	vsel vm7, v4, v61;
	v60 =	vsub.f32 v59, v38;
	s3 =	sadd.f32 s12, s28;
	(v2sf) =	vpush v58, $0x3;
	s22 =	spop (v2sf)  }
0x229: {  	v28 =	vadd.f32 v23, v62;
	v63 =	vmul.f32 $6.553700000e+04, v4;
	s4 =	sadd.f32 s4, s14;
	(v2sf) =	vpush v58, $0x4;
	s24 =	spop (v2sf)  }
0x22a: {  	v3 =	vmul.f32 v17, v3;
	v34 =	vsub.f32 v59, v60;
	s25 =	sadd.f32 s13, s8;
	(v2sf) =	vpush v58, $0x5;
	s23 =	spop (v2sf)  }
0x22b: {  	v4 =	vsub.f32 v63, v4;
	s14 =	sadd.f32 s4, s0;
	(v2sf) =	vpush v58, $0x6;
	s29 =	spop (v2sf)  }
0x22c: {  	v3 =	vadd.f32 v16, v3;
	v34 =	vmul.f32 v34, v6;
	s28 =	sadd.f32 s20, s15;
	(v2sf) =	vpush v58, $0x7;
	s26 =	spop (v2sf)  }
0x22d: {  	v4 =	vsub.f32 v63, v4;
	v36 =	vmul.f32 v18, v2;
	s10 =	sadd.f32 s10, s21;
	(v2sf) =	vpush v58, $0x8;
	s31 =	spop (v2sf)  }
0x22e: {  	v2 =	vmul.f32 v15, v2;
	v33 =	vadd.f32 v34, v33;
	s3 =	sadd.f32 s25, s3;
	(v2sf) =	vpush v58, $0x9;
	s30 =	spop (v2sf)  }
0x22f: {  	v38 =	vmul.f32 v4, v7;
	v28 =	vadd.f32 v28, v36;
	s13 =	sadd.f32 s10, s28;
	(v2sf) =	vpush v58, $0xA;
	s6 =	spop (v2sf)  }
0x230: {  	v2 =	vadd.f32 v3, v2;
	s18 =	sadd.f32 s18, s16;
	(v2sf) =	vpush v58, $0xB;
	s2 =	spop (v2sf)  }
0x231: {  	v3 =	vadd.f32 v38, v33;
	s3 =	sadd.f32 s13, s3;
	(v2sf) =	vpush v58, $0xC;
	s5 =	spop (v2sf)  }
0x232: {  	v37 =	vadd.f32 v28, v24;
	s19 =	sadd.f32 s19, s17;
	(v2sf) =	vpush v58, $0xD;
	s8 =	spop (v2sf)  }
0x233: {  	v41 =	vadd.f32 v2, v9;
	s14 =	sadd.f32 s3, s14;
	(v2sf) =	vpush v58, $0xE;
	s12 =	spop (v2sf)  }
0x234: {  	v39 =	vadd.f32 v37, v21;
	s22 =	sadd.f32 s24, s22;
	(v2sf) =	vpush v58, $0xF;
	s15 =	spop (v2sf)  }
0x235: {  	v29 =	vmul.f32 v29, v1;
	v5 =	vadd.f32 v41, v8;
	s23 =	sadd.f32 s29, s23;
	(v2sf) =	vpush v3, $0x0;
	s20 =	spop (v2sf)  }
0x236: {  	v52 =	vmul.f32 v22, v1;
	v40 =	vmul.f32 $9.999999770e-03, v39;
	s26 =	sadd.f32 s31, s26;
	(v2sf) =	vpush v3, $0x1;
	s21 =	spop (v2sf)  }
0x237: {  	vm7 =	vge.f32 v39, $0.0e+00;
	v44 =	vmul.f32 $9.999999770e-03, v5;
	s6 =	sadd.f32 s6, s30;
	(v2sf) =	vpush v3, $0x2;
	s25 =	spop (v2sf)  }
0x238: {  	v4 =	vsel vm7, v39, v40;
	vm7 =	vge.f32 v5, $0.0e+00;
	s2 =	sadd.f32 s5, s2;
	(v2sf) =	vpush v3, $0x3;
	s28 =	spop (v2sf)  }
0x239: {  	v43 =	vmul.f32 $6.553700000e+04, v4;
	v5 =	vsel vm7, v5, v44;
	s26 =	sadd.f32 s6, s26;
	(v2sf) =	vpush v3, $0x4;
	s1 =	spop (v2sf)  }
0x23a: {  	v13 =	vadd.f32 v23, v52;
	v45 =	vmul.f32 $6.553700000e+04, v5;
	s5 =	sadd.f32 s12, s8;
	(v2sf) =	vpush v3, $0x5;
	s0 =	spop (v2sf)  }
0x23b: {  	v26 =	vmul.f32 v26, v1;
	v4 =	vsub.f32 v43, v4;
	s8 =	sadd.f32 s19, s18;
	(v2sf) =	vpush v3, $0x6;
	s7 =	spop (v2sf)  }
0x23c: {  	v1 =	vmul.f32 v17, v1;
	v5 =	vsub.f32 v45, v5;
	s12 =	sadd.f32 s23, s22;
	(v2sf) =	vpush v3, $0x7;
	s4 =	spop (v2sf)  }
0x23d: {  	v4 =	vsub.f32 v43, v4;
	s2 =	sadd.f32 s5, s2;
	(v2sf) =	vpush v3, $0x8;
	s16 =	spop (v2sf)  }
0x23e: {  	v1 =	vadd.f32 v16, v1;
	s6 =	sadd.f32 s12, s8;
	(v2sf) =	vpush v3, $0x9;
	s3 =	spop (v2sf)  }
0x23f: {  	v5 =	vsub.f32 v45, v5;
	v4 =	vmul.f32 v4, v6;
	s8 =	sadd.f32 s20, s15;
	(v2sf) =	vpush v3, $0xA;
	s13 =	spop (v2sf)  }
0x240: {  	v28 =	vadd.f32 v28, v29;
	s12 =	sadd.f32 s2, s26;
	(v2sf) =	vpush v3, $0xB;
	s29 =	spop (v2sf)  }
0x241: {  	v5 =	vmul.f32 v5, v7;
	v4 =	vadd.f32 v4, v31;
	s15 =	sadd.f32 s25, s21;
	(v2sf) =	vpush v3, $0xC;
	s31 =	spop (v2sf)  }
0x242: {  	v42 =	vmul.f32 v30, v0;
	v2 =	vadd.f32 v2, v26;
	s25 =	sadd.f32 s1, s28;
	(v2sf) =	vpush v3, $0xD;
	s30 =	spop (v2sf)  }
0x243: {  	v49 =	vmul.f32 v25, v0;
	v4 =	vadd.f32 v5, v4;
	s15 =	sadd.f32 s15, s8;
	(v2sf) =	vpush v3, $0xE;
	s10 =	spop (v2sf)  }
0x244: {  	v18 =	vmul.f32 v18, v0;
	v28 =	vadd.f32 v28, v42;
	s28 =	sadd.f32 s7, s0;
	(v2sf) =	vpush v3, $0xF;
	s17 =	spop (v2sf)  }
0x245: {  	v0 =	vmul.f32 v15, v0;
	v2 =	vadd.f32 v2, v49;
	s16 =	sadd.f32 s16, s4;
	(v2sf) =	vpush v4, $0x0;
	s19 =	spop (v2sf)  }
0x246: {  	v13 =	vadd.f32 v13, v18;
	v46 =	vmul.f32 $9.999999770e-03, v28;
	s25 =	sadd.f32 s28, s25;
	(v2sf) =	vpush v4, $0x1;
	s18 =	spop (v2sf)  }
0x247: {  	v53 =	vmul.f32 $9.999999770e-03, v2;
	vm7 =	vge.f32 v28, $0.0e+00;
	s3 =	sadd.f32 s13, s3;
	(v2sf) =	vpush v4, $0x2;
	s22 =	spop (v2sf)  }
0x248: {  	v47 =	vsel vm7, v28, v46;
	vm7 =	vge.f32 v2, $0.0e+00;
	s29 =	sadd.f32 s31, s29;
	(v2sf) =	vpush v4, $0x3;
	s23 =	spop (v2sf)  }
0x249: {  	v48 =	vmul.f32 $6.553700000e+04, v47;
	v2 =	vsel vm7, v2, v53;
	s16 =	sadd.f32 s3, s16;
	(v2sf) =	vpush v4, $0x4;
	s24 =	spop (v2sf)  }
0x24a: {  	v0 =	vadd.f32 v1, v0;
	v19 =	vmul.f32 $6.553700000e+04, v2;
	s31 =	sadd.f32 s25, s15;
	(v2sf) =	vpush v4, $0x5;
	s26 =	spop (v2sf)  }
0x24b: {  	v27 =	vsub.f32 v48, v47;
	s30 =	sadd.f32 s10, s30;
	(v2sf) =	vpush v4, $0x6;
	s2 =	spop (v2sf)  }
0x24c: {  	v2 =	vsub.f32 v19, v2;
	s15 =	sadd.f32 s12, s6;
	(v2sf) =	vpush v4, $0x7;
	s20 =	spop (v2sf)  }
0x24d: {  	v50 =	vsub.f32 v48, v27;
	s30 =	sadd.f32 s30, s29;
	(v2sf) =	vpush v4, $0x8;
	s1 =	spop (v2sf)  }
0x24e: {  	v13 =	vadd.f32 v13, v24;
	s17 =	sadd.f32 s19, s17;
	(v2sf) =	vpush v4, $0x9;
	s0 =	spop (v2sf)  }
0x24f: {  	v2 =	vsub.f32 v19, v2;
	v3 =	vmul.f32 v50, v6;
	s16 =	sadd.f32 s30, s16;
	(v2sf) =	vpush v4, $0xA;
	s5 =	spop (v2sf)  }
0x250: {  	v11 =	vmul.f32 v14, v11;
	v0 =	vadd.f32 v0, v9;
	s18 =	sadd.f32 s22, s18;
	(v2sf) =	vpush v4, $0xB;
	s7 =	spop (v2sf)  }
0x251: {  	v2 =	vmul.f32 v2, v7;
	v3 =	vadd.f32 v3, v32;
	s16 =	sadd.f32 s16, s31;
	(v2sf) =	vpush v4, $0xC;
	s13 =	spop (v2sf)  }
0x252: {  	v54 =	vmul.f32 $9.999999770e-03, v51;
	v13 =	vadd.f32 v13, v21;
	s23 =	sadd.f32 s24, s23;
	(v2sf) =	vpush v4, $0xD;
	s21 =	spop (v2sf)  }
0x253: {  	vm7 =	vge.f32 v51, $0.0e+00;
	v55 =	vadd.f32 v2, v3;
	s17 =	sadd.f32 s18, s17;
	(v2sf) =	vpush v4, $0xE;
	s10 =	spop (v2sf)  }
0x254: {  	v0 =	vadd.f32 v0, v8;
	v56 =	vsel vm7, v51, v54;
	s2 =	sadd.f32 s2, s26;
	(v2sf) =	vpush v4, $0xF;
	s4 =	spop (v2sf)  }
0x255: {  	v61 =	vadd.f32 v11, v10;
	v57 =	vmul.f32 $6.553700000e+04, v56;
	s1 =	sadd.f32 s1, s20;
	(v2sf) =	vpush v55, $0x0;
	s3 =	spop (v2sf)  }
0x256: {  	v8 =	vmul.f32 $9.999999770e-03, v0;
	v58 =	vmul.f32 $9.999999770e-03, v13;
	s2 =	sadd.f32 s2, s23;
	(v2sf) =	vpush v55, $0x1;
	s8 =	spop (v2sf)  }
0x257: {  	vm7 =	vge.f32 v13, $0.0e+00;
	v2 =	vsub.f32 v57, v56;
	s0 =	sadd.f32 s5, s0;
	(v2sf) =	vpush v55, $0x2;
	s25 =	spop (v2sf)  }
0x258: {  	s2 =	sadd.f32 s2, s17;
	v4 =	vsel vm7, v13, v58;
	vm7 =	vge.f32 v0, $0.0e+00;
	(v2sf) =	vpush v55, $0x3;
	s28 =	spop (v2sf)  }
0x259: {  	s7 =	sadd.f32 s13, s7;
	v59 =	vmul.f32 $6.553700000e+04, v4;
	v0 =	vsel vm7, v0, v8;
	(v2sf) =	vpush v55, $0x4;
	s6 =	spop (v2sf)  }
0x25a: {  	v2 =	vsub.f32 v57, v2;
	s10 =	sadd.f32 s10, s21;
	v8 =	vmul.f32 $6.553700000e+04, v0;
	(v2sf) =	vpush v55, $0x5;
	s12 =	spop (v2sf)  }
0x25b: {  	s0 =	sadd.f32 s0, s1;
	v60 =	vsub.f32 v59, v4;
	(v2sf) =	vpush v55, $0x6;
	s19 =	spop (v2sf)  }
0x25c: {  	v2 =	vmul.f32 v2, v12;
	s7 =	sadd.f32 s10, s7;
	v0 =	vsub.f32 v8, v0;
	(v2sf) =	vpush v55, $0x7;
	s22 =	spop (v2sf)  }
0x25d: {  	s3 =	sadd.f32 s3, s4;
	v3 =	vsub.f32 v59, v60;
	(v2sf) =	vpush v55, $0x8;
	s24 =	spop (v2sf)  }
0x25e: {  	v2 =	vadd.f32 v2, v61;
	s0 =	sadd.f32 s7, s0;
	(v2sf) =	vpush v55, $0x9;
	s26 =	spop (v2sf)  }
0x25f: {  	s8 =	sadd.f32 s25, s8;
	v0 =	vsub.f32 v8, v0;
	v3 =	vmul.f32 v3, v6;
	(v2sf) =	vpush v55, $0xA;
	s20 =	spop (v2sf)  }
0x260: {  	s6 =	sadd.f32 s6, s28;
	(v2sf) =	vpush v55, $0xB;
	s5 =	spop (v2sf)  }
0x261: {  	s3 =	sadd.f32 s8, s3;
	v0 =	vmul.f32 v0, v7;
	v2 =	vadd.f32 v3, v2;
	(v2sf) =	vpush v55, $0xC;
	s29 =	spop (v2sf)  }
0x262: {  	s0 =	sadd.f32 s0, s2;
	(v2sf) =	vpush v55, $0xD;
	s30 =	spop (v2sf)  }
0x263: {  	s12 =	sadd.f32 s19, s12;
	v0 =	vadd.f32 v0, v2;
	(v2sf) =	vpush v55, $0xE;
	s31 =	spop (v2sf)  }
0x264: {  	s0 =	sadd.f32 s0, s11;
	(v2sf) =	vpush v55, $0xF;
	s23 =	spop (v2sf)  }
0x265: {  	s22 =	sadd.f32 s24, s22;
	(v2sf) =	vpush v0, $0x0;
	s1 =	spop (v2sf)  }
0x266: {  	s6 =	sadd.f32 s12, s6;
	(v2sf) =	vpush v0, $0x1;
	s10 =	spop (v2sf)  }
0x267: {  	s20 =	sadd.f32 s20, s26;
	(v2sf) =	vpush v0, $0x2;
	s17 =	spop (v2sf)  }
0x268: {  	s3 =	sadd.f32 s6, s3;
	(v2sf) =	vpush v0, $0x3;
	s7 =	spop (v2sf)  }
0x269: {  	s5 =	sadd.f32 s29, s5;
	(v2sf) =	vpush v0, $0x4;
	s4 =	spop (v2sf)  }
0x26a: {  	s18 =	sadd.f32 s31, s30;
	(v2sf) =	vpush v0, $0x5;
	s25 =	spop (v2sf)  }
0x26b: {  	s20 =	sadd.f32 s20, s22;
	(v2sf) =	vpush v0, $0x6;
	s28 =	spop (v2sf)  }
0x26c: {  	s5 =	sadd.f32 s18, s5;
	(v2sf) =	vpush v0, $0x7;
	s19 =	spop (v2sf)  }
0x26d: {  	s1 =	sadd.f32 s1, s23;
	(v2sf) =	vpush v0, $0x8;
	s24 =	spop (v2sf)  }
0x26e: {  	s5 =	sadd.f32 s5, s20;
	(v2sf) =	vpush v0, $0x9;
	s26 =	spop (v2sf)  }
0x26f: {  	s10 =	sadd.f32 s17, s10;
	(v2sf) =	vpush v0, $0xA;
	s13 =	spop (v2sf)  }
0x270: {  	s3 =	sadd.f32 s5, s3;
	(v2sf) =	vpush v0, $0xB;
	s21 =	spop (v2sf)  }
0x271: {  	s4 =	sadd.f32 s4, s7;
	(v2sf) =	vpush v0, $0xC;
	s29 =	spop (v2sf)  }
0x272: {  	s1 =	sadd.f32 s10, s1;
	(v2sf) =	vpush v0, $0xD;
	s30 =	spop (v2sf)  }
0x273: {  	s25 =	sadd.f32 s28, s25;
	(v2sf) =	vpush v0, $0xE;
	s31 =	spop (v2sf)  }
0x274: {  	s3 =	sadd.f32 s3, s11;
	(v2sf) =	vpush v0, $0xF;
	s18 =	spop (v2sf)  }
0x275: {  	s19 =	sadd.f32 s24, s19;
	s6 =	spop (v2sf)  }
0x276: {  	s4 =	sadd.f32 s25, s4;
	s20 =	spop (v2sf)  }
0x277: {  	s13 =	sadd.f32 s13, s26;
	s2 =	spop (v2sf)  }
0x278: {  	s1 =	sadd.f32 s4, s1;
	s5 =	spop (v2sf)  }
0x279: {  	s8 =	sadd.f32 s29, s21;
	s23 =	spop (v2sf)  }
0x27a: {  	s12 =	sadd.f32 s31, s30;
	s17 =	spop (v2sf)  }
0x27b: {  	s13 =	sadd.f32 s13, s19;
	s7 =	spop (v2sf)  }
0x27c: {  	s8 =	sadd.f32 s12, s8;
	s28 =	spop (v2sf)  }
0x27d: {  	s6 =	sadd.f32 s6, s18;
	s24 =	spop (v2sf)  }
0x27e: {  	s4 =	sadd.f32 s8, s13;
	s26 =	spop (v2sf)  }
0x27f: {  	s2 =	sadd.f32 s2, s20;
	s21 =	spop (v2sf)  }
0x280: {  	s8 =	sadd.f32 s14, s11;
	s22 =	spop (v2sf)  }
0x281: {  	s5 =	sadd.f32 s23, s5;
	s10 =	spop (v2sf)  }
0x282: {  	s2 =	sadd.f32 s2, s6;
	s29 =	spop (v2sf)  }
0x283: {  	s31 =	simm.s32 $0x2;
	s1 =	sadd.f32 s4, s1;
	s30 =	spop (v2sf)  }
0x284: {  	s7 =	sadd.f32 s7, s17;
	_ =	swait.ge [sflag:s31], $0x10  }
0x285: {  	s1 =	sadd.f32 s1, s11;
	[sflag:s31] =	ssyncset.done $0x0  }
0x286: {  	s24 =	sadd.f32 s24, s28;
	[sflag:s31] =	ssyncadd.s32 $0xFFFFFFF0  }
0x287: {  	s5 =	sadd.f32 s7, s5;
	v62 =	vld [tilespmem:$0x980]  }
0x288: {  	s26 =	sadd.f32 s21, s26  }
0x289: {  	s2 =	sadd.f32 s5, s2  }
0x28a: {  	s10 =	sadd.f32 s10, s22  }
0x28b: {  	s28 =	sadd.f32 s30, s29  }
0x28c: {  	s29 =	sadd.f32 s26, s24;
	(v2sf) =	vpush v62, $0x0  }
0x28d: {  	s18 =	rddreg [dreg:$0x10];
	(v2sf) =	vpush v62, $0x1  }
0x28e: {  	s19 =	rddreg [dreg:$0xf];
	(v2sf) =	vpush v62, $0x2  }
0x28f: {  	s20 =	rddreg [dreg:$0x12];
	(v2sf) =	vpush v62, $0x3  }
0x290: {  	s30 =	sadd.f32 s28, s10  }
0x291: {  	s21 =	rddreg [dreg:$0x11];
	(v2sf) =	vpush v62, $0x4  }
0x292: {  	s14 =	sadd.f32 s30, s29;
	(v2sf) =	vpush v62, $0x5  }
0x293: {  	s10 =	sadd.f32 s15, s11;
	(v2sf) =	vpush v62, $0x6  }
0x294: {  	s2 =	sadd.f32 s14, s2  }
0x295: {  	s31 =	sadd.f32 s16, s11  }
0x296: {  	s2 =	sadd.f32 s2, s11  }
0x297: {  	p0 =	seq.s32 s18, s9;
	p1 =	seq.s32 s18, s19;
	s12 =	sadd.f32 s0, s31  }
0x298: {  	p2 =	seq.s32 s21, s20;
	p3 =	seq.s32 s21, s9;
	s13 =	sadd.f32 s2, s1  }
0x299: {  	p0 =	por p0, p1;
	p1 =	por p2, p3  }
0x29a: {  	s12 =	smov.u32 @p0 s10;
	s13 =	smov.u32 @p1 s3  }
0x29b: {  	s12 =	sadd.f32 s13, s12;
	s4 =	spop (v2sf)  }
0x29c: {  	s5 =	spop (v2sf);
	s24 =	ssub.f32 s8, s4  }
0x29d: {  	s15 =	spop (v2sf);
	s10 =	ssub.f32 s10, s5  }
0x29e: {  	s16 =	spop (v2sf);
	s17 =	ssub.f32 s31, s15  }
0x29f: {  	s0 =	ssub.f32 s0, s16  }
0x2a0: {  	s14 =	spop (v2sf);
	s6 =	sadd.f32 s16, s15  }
0x2a1: {  	s22 =	spop (v2sf);
	s3 =	ssub.f32 s3, s14  }
0x2a2: {  	p5 =	seq.s32 s9, s20;
	s23 =	spop (v2sf);
	s1 =	ssub.f32 s1, s22  }
0x2a3: {  	p6 =	seq.s32 s9, s19;
	s11 =	sand.u32 $0x7FFFFFFF, s17;
	s2 =	ssub.f32 s2, s23  }
0x2a4: {  	s0 =	sand.u32 $0x7FFFFFFF, s0;
	s6 =	smov.u32 @p0 s5;
	s7 =	sadd.f32 s23, s22  }
0x2a5: {  	s0 =	sadd.f32 s0, s11;
	s1 =	sand.u32 $0x7FFFFFFF, s1;
	s2 =	sand.u32 $0x7FFFFFFF, s2  }
0x2a6: {  	s5 =	sand.u32 $0x7FFFFFFF, s10;
	s3 =	sand.u32 $0x7FFFFFFF, s3;
	s1 =	sadd.f32 s2, s1  }
0x2a7: {  	s7 =	smov.u32 @p1 s14;
	s0 =	smov.u32 @p0 s5;
	p0 =	por p5, p6  }
0x2a8: {  	s2 =	sadd.f32 s7, s6;
	s12 =	smov.u32 @p0 s8;
	s1 =	smov.u32 @p1 s3  }
0x2a9: {  	v63 =	vmov s12;
	s0 =	sadd.f32 s1, s0  }
0x2aa: {  	s25 =	rddreg [dreg:$0xc];
	s2 =	smov.u32 @p0 s4;
	v0 =	vnsel vm0, $0x0, v63;
	s1 =	sand.u32 $0x7FFFFFFF, s24  }
0x2ab: {  	s26 =	rddreg [dreg:$0xe];
	v0 =	vsel vm1, s2, v0;
	s0 =	smov.u32 @p0 s1  }
0x2ac: {  	s28 =	rddreg [dreg:$0xd];
	p0 =	sne.s32 s26, $0x1;
	v0 =	vsel vm2, s0, v0  }
.Ltmp1:
0x2ad: {  	s29 =	simm.s32 $0x0;
	s30 =	simm.s32 $0x3;
	[tilespmem:$0xA00] =	vst v0;
	(pc) =	sbr.rel @p0 .LBB2_2-.Ltmp1, $4  }
0x2ae: {  	[hbm4b:s25+s29] =	stream.linear.scatter [tilespmem:s28], [sflag:$0x3], $0x80, $0x38;
	[tilespmem:$0xA80] =	vst v63  }
0x2af: {  	_ =	swait.ge [sflag:s30], $0x80  }
0x2b0: {  	s31 =	simm.s32 $0x3;
	[sflag:s30] =	ssyncset.done $0x0  }
0x2b1: {  	s2 =	sadd.s32 $0xFFFFFFFF, s26;
	[sflag:s31] =	ssyncadd.s32 $0xFFFFFF80  }
.LBB2_3:
0x2b2: {  	_ =	sfence.sel $0x180000  }
0x2b3: {  	[bflag:$0x0] =	sbarrier.arrive $0xFFFF  }
0x2b4: {  	_ =	strace $0x9000004A  }
0x2b5: {  	s0 =	stileid.u32;
	[bflag:$0x2] =	sbarrier.arrive $0xFFFF  }
0x2b6: {  	p0 =	sne.s32 s0, $0x0;
	s0 =	rddreg [dreg:$0x3]  }
0x2b7: {  	s0 =	sadd.s32 @!p0 $0x100000, s0  }
0x2b8: {  	[sflag:s0] =	ssyncadd.tile.s32 @!p0 $0x1;
	_ =	shalt  }
.Lfunc_end2:
_tile_overlayer_lowered:
.L_overlay_start_2:
0x2b9: {  	(tag) =	ssettag $0x2  }
0x2ba: {  	s0 =	rddreg [dreg:$0x0];
	s2 =	stileid.u32  }
0x2bb: {  	s1 =	rddreg [dreg:$0x1];
	p0 =	sne.s32 s2, $0x0  }
0x2bc: {  	s3 =	rddreg [dreg:$0x2];
	[bflag:$0x3] =	sbarrier.arrive $0xFFFF;
	s2 =	simm.s32 @!p0 $0x1C03  }
0x2bd: {  	[timem:s3], [sflag:s2] =	dma.local @!p0 [hbm:s0], s1  }
0x2be: {  	s0 =	simm.s32 @!p0 $0x3  }
0x2bf: {  	_ =	swait.ge @!p0 [sflag:s0], s1  }
0x2c0: {  	s1 =	ssub.s32 @!p0 $0x0, s1;
	[sflag:s0] =	ssyncset.done @!p0 $0x0  }
0x2c1: {  	[sflag:s0] =	ssyncadd.s32 @!p0 s1  }
0x2c2: {  	[bflag:$0x3] =	sbarrier.arrive $0xFFFF  }
0x2c3: {  	_ =	shalt  }

// kernel: sparse-core-data-format-call.cloned.1.call-start
scs
called_computation_lowered:
.L_overlay_start_0:
0x0: {  	s2 =	sld [smem:$0x3FD9]  }
0x1: {  	s3 =	sld [smem:$0x3FFE];
	_ =	sdelay $0x1  }
0x2: {  	s1 =	srdreg.scid  }
0x3: {  	s0 =	sand.u32 $0x1, s1  }
0x4: {  	s18 =	sshll.u32 s0, $0xA;
	s2 =	sadd.s32 s3, s2  }
0x5: {  	s2 =	sadd.s32 s2, s18  }
0x6: {  	[smem:$0x3FB9] =	sst s2  }
0x7: {  	_ = 	snop  }
0x8: {  	s2 =	sld [smem:$0x3FBC];
	(tm) =	ssettm $0x1  }
0x9: {  	s19 =	sld [smem:$0x3FFB];
	_ =	sdelay $0x3  }
0xa: {  	_ =	strace s19  }
0xb: {  	s3 =	sld [smem:$0x3FFC];
	_ =	sdelay $0x3  }
0xc: {  	_ =	strace s3  }
0xd: {  	s3 =	sld [smem:$0x3FFD];
	_ =	sdelay $0x3  }
0xe: {  	_ =	strace s3  }
0xf: {  	_ =	strace $0x8FFFFFFF  }
0x10: {  	s20 =	sld [smem:$0x3FDB];
	_ =	sdelay $0x1  }
0x11: {  	s4 =	simm.s32 $_scs_section_size  }
0x12: {  	s5 =	simm.s32 $_size__tile_overlayer_lowered;
	s6 =	simm.s32 $_tile_overlayer_lowered  }
0x13: {  	s23 =	simm.s32 $0x1BFF;
	s22 =	sshll.u32 s6, $0x1;
	s3 =	sadd.s32 s4, s20  }
0x14: {  	s7 =	simm.s32 $0x0;
	s21 =	sshll.u32 s5, $0x1;
	s5 =	sadd.s32 s22, s3  }
0x15: {  	[timem:s7], [sflag:s23] =	dma.local [hbm:s5], s21  }
0x16: {  	_ =	swait.ge [sflag:s23], s21  }
0x17: {  	s4 =	ssub.s32 $0x0, s21;
	[sflag:s23] =	ssyncset.done $0x0  }
0x18: {  	[sflag:s23] =	ssyncadd.s32 s4;
	_ =	sdelay $0x1  }
0x19: {  	s24 =	simm.s32 $0x1B8B  }
0x1a: {  	_ =	swait.ge [sflag:s24], $0x1  }
0x1b: {  	[sflag:s24] =	ssyncset.done $0x0  }
0x1c: {  	s26 =	simm.s32 $0x1B8E;
	s25 =	sld [smem:$0x3FFE];
	[sflag:s24] =	ssyncadd.s32 $0xFFFFFFFF  }
0x1d: {  	s27 =	simm.s32 $execute0_lowered;
	[smem:$0x3FD2] =	sst s26  }
0x1e: {  	s5 =	sshll.u32 s27, $0x1;
	_ =	strace $0x80000046;
	[dreg:$0x1] =	wrdreg $0xFFFFFFFF  }
0x1f: {  	s28 =	simm.s32 $_size_execute0_lowered;
	s3 =	sadd.s32 s3, s5;
	[dreg:$0x0] =	wrdreg $0x0  }
0x20: {  	s5 =	sshll.u32 s28, $0x1;
	[dreg:$0x2] =	wrdreg s3  }
0x21: {  	[dreg:$0x3] =	wrdreg s5  }
0x22: {  	[dreg:$0x4] =	wrdreg $0xC0  }
0x23: {  	_ =	task [dreg:s7], $0x5FFFF  }
0x24: {  	[dreg:$0x1] =	wrdreg $0xFFFFFFFF  }
0x25: {  	[dreg:$0x0] =	wrdreg $0x60  }
0x26: {  	[dreg:$0x2] =	wrdreg s2  }
0x27: {  	[dreg:$0x3] =	wrdreg s25  }
0x28: {  	[dreg:$0x4] =	wrdreg $0x9  }
0x29: {  	_ =	task.clear_ibuf [dreg:s7], $0x5FFFF;
	_ =	strace $0x90000046  }
0x2a: {  	s29 =	simm.s32 $0x9;
	_ =	strace $0x80000048  }
0x2b: {  	_ =	swait.ge [sflag:s29], $0x1  }
0x2c: {  	[sflag:s29] =	ssyncadd.s32 $0xFFFFFFFF  }
0x2d: {  	_ =	strace $0x90000048  }
0x2e: {  	_ =	sfence  }
0x2f: {  	s30 =	sld [smem:$0x0];
	_ =	sdelay $0x2  }
0x30: {  	s31 =	sshll.u32 s1, $0xD;
	s1 =	sshrl.u32 s1, $0x2  }
0x31: {  	s3 =	sand.u32 $0x4000, s31;
	s1 =	sadd.s32 s1, s30  }
0x32: {  	s0 =	sor.u32 s3, s0;
	s1 =	sshll.u32 s1, $0x11  }
0x33: {  	s0 =	sor.u32 s1, s0  }
0x34: {  	s0 =	sadd.s32 $0x8F2B, s0  }
0x35: {  	[sflag:s0] =	ssyncadd.remote.s32 $0x1  }
0x36: {  	_ =	sfence.sel $0xFFFF  }
0x37: {  	[dreg:$0x0] =	wrdreg $0xFFFFFFFF;
	(pc) =	sbr.abs _section_cstart, $3  }
0x38: {  	[dreg:$0x1] =	wrdreg $0xFFFFFFFF  }
0x39: {  	_ =	task.clear_ibuf [dreg:s7], $0x2FFFF;
	_ =	strace $0x9FFFFFFF  }
0x3a: {  	(tm) =	ssettm $0x7FFFFFFF  }
0x3b: {  	_ =	shalt  }
tec
execute0_lowered:
.L_overlay_start_1:
0x0: {  	(tag) =	ssettag $0x1  }
0x1: {  	s2 =	rddreg [dreg:$0x0]  }
0x2: {  	s3 =	rddreg [dreg:$0x1]  }
0x3: {  	s0 =	rddreg [dreg:$0x2];
	_ =	strace $0x80000047  }
0x4: {  	s4 =	srdreg.scid;
	s1 =	stileid.u32;
	s6 =	simm.s32 $0x2  }
.Ltmp0:
0x5: {  	s11 =	simm.s32 $0x0;
	p0 =	por $0x0, $0x0;
	(pc) =	sbr.rel .LBB1_1-.Ltmp0, $4  }
0x6: {  	s7 =	simm.s32 $0x1000;
	s12 =	simm.s32 $0x0;
	s5 =	sshll.u32 s4, $0x4  }
0x7: {  	s9 =	simm.s32 $0x0;
	s4 =	simm.s32 $0x1;
	s5 =	sand.u32 $0x10, s5  }
0x8: {  	s8 =	simm.s32 $0x0;
	[sflag:s4] =	ssyncpa.u1 $0x0;
	s5 =	sor.u32 s1, s5  }
0x9: {  	[sflag:s6] =	ssyncpa.u1 $0x0;
	s6 =	simm.s32 $0x800;
	s10 =	smov.u32 s5  }
.LBB1_7:
0xa: {  	s13 =	sadd.s32 $0x10, s9  }
0xb: {  	s11 =	sadd.s32 $0x20, s10;
	s15 =	smov.u32 s10;
	p2 =	sgt.s32 s13, $0x1F  }
0xc: {  	p1 =	slt.u32 s8, $0x2;
	s15 =	smov.u32 @p2 s11  }
0xd: {  	s8 =	sadd.s32 $0x1, s8;
	s13 =	simm.s32 @p2 $0x0;
	p2 =	sgt.s32 s15, $0x1FF  }
0xe: {  	s15 =	smov.u32 @p2 s5;
	p2 =	sne.s32 s8, $0x22  }
.Ltmp1:
0xf: {  	_ = 	snop;
	(pc) =	sbr.rel @!p2 .LBB1_8-.Ltmp1, $4  }
0x10: {  	s14 =	simm.s32 @!p1 $0x2  }
0x11: {  	s12 =	smov.u32 s10;
	_ =	swait.ge @!p1 [sflag:s14], $0x4000  }
0x12: {  	p0 =	por !p0, !p0;
	s11 =	smov.u32 s9;
	[sflag:s14] =	ssyncset.done @!p1 $0x0  }
0x13: {  	s9 =	smov.u32 s13;
	[sflag:s14] =	ssyncadd.s32 @!p1 $0xFFFFC000;
	s10 =	smov.u32 s15  }
.LBB1_1:
0x14: {  	p1 =	sgt.u32 s8, $0x1F  }
0x15: {  	s13 =	sxor.u32 @!p1 $0xFFFFFFFF, s8;
	s14 =	sshll.u32 @!p1 s10, $0xC  }
0x16: {  	s15 =	sshll.u32 @!p1 s9, $0x7;
	s13 =	sshll.u32 @!p1 s13, $0xE;
	s14 =	sadd.s32 @!p1 s2, s14  }
0x17: {  	s13 =	sand.u32 @!p1 $0x4000, s13;
	s14 =	sadd.s32 @!p1 s15, s14;
	s15 =	simm.s32 @!p1 $0x0  }
0x18: {  	[tilespmem:s13], [sflag:$0x1] =	stream.linear.gather @!p1 [hbm4b:s14+s15], $0x4000, $0x38;
	[tilespmem:$0x10000] =	vst v63  }
0x19: {  	p1 =	seq.s32 s8, $0x0  }
0x1a: {  	p2 =	seq.s32 @!p1 s8, $0x21  }
0x1b: {  	p1 =	por p1, p2  }
.Ltmp2:
0x1c: {  	_ = 	snop;
	(pc) =	sbr.rel @p1 .LBB1_7-.Ltmp2, $1  }
0x1d: {  	_ =	sdelay $0x3  }
0x1e: {  	s13 =	simm.s32 $0x1;
	_ =	swait.ge [sflag:s4], $0x4000;
	s16 =	sshll.u32 s8, $0xE  }
0x1f: {  	s13 =	simm.s32 @!p0 $0x0;
	[sflag:s4] =	ssyncset.done $0x0;
	s31 =	sand.u32 $0x4000, s16  }
0x20: {  	s16 =	simm.s32 $0x0;
	s14 =	sshll.u32 s13, $0xE;
	[sflag:s4] =	ssyncadd.s32 $0xFFFFC000  }
0x21: {  	s13 =	sor.u32 $0x8040, s14;
	s15 =	sor.u32 $0x40, s14;
	s14 =	sor.u32 $0x8000, s31  }
.LBB1_3:
0x22: {  	v0 =	vmov s15;
	_ =	sdelay $0x3  }
0x23: {  	s18 =	simm.s32 $0x0  }
0x24: {  	v6 =	vld.idx.msk [tilespmem:v0+s18+$0x30 ss:$0x1], $0xffff  }
0x25: {  	v7 =	vld.idx.msk [tilespmem:v0+s18+$0xFFFFFFC0 ss:$0x1], $0xffff  }
0x26: {  	v5 =	vld.idx.msk [tilespmem:v0+s18+$0xFFFFFFD0 ss:$0x1], $0xffff  }
0x27: {  	v4 =	vld.idx.msk [tilespmem:v0+s18+$0xFFFFFFE0 ss:$0x1], $0xffff  }
0x28: {  	v3 =	vld.idx.msk [tilespmem:v0+s18+$0xFFFFFFF0 ss:$0x1], $0xffff  }
0x29: {  	v1 =	vld.idx.msk [tilespmem:v0+s18+$0x0 ss:$0x1], $0xffff  }
0x2a: {  	v2 =	vld.idx.msk [tilespmem:v0+s18+$0x10 ss:$0x1], $0xffff;
	[tilespmem:s13+$0x30] =	vst v6  }
0x2b: {  	s17 =	simm.s32 $0x80;
	s19 =	simm.s32 $0x400;
	[tilespmem:s13+$0xFFFFFFC0] =	vst v7;
	v6 =	vld.idx.msk [tilespmem:v0+s18+$0x20 ss:$0x1], $0xffff;
	s18 =	smov.u32 s13  }
.LBB1_4:
0x2c: {  	p1 =	sne.s32 s19, $0xE00;
	v7 =	vld.idx.msk [tilespmem:v0+s17+$0x30 ss:$0x1], $0xffff;
	[tilespmem:s18+$0xFFFFFFD0] =	vst v5  }
0x2d: {  	v8 =	vld.idx.msk [tilespmem:v0+s17+$0xFFFFFFC0 ss:$0x1], $0xffff;
	[tilespmem:s18+$0xFFFFFFE0] =	vst v4  }
0x2e: {  	v5 =	vld.idx.msk [tilespmem:v0+s17+$0xFFFFFFD0 ss:$0x1], $0xffff;
	[tilespmem:s18+$0xFFFFFFF0] =	vst v3  }
.Ltmp3:
0x2f: {  	v4 =	vld.idx.msk [tilespmem:v0+s17+$0xFFFFFFE0 ss:$0x1], $0xffff;
	[tilespmem:s18+$0x0] =	vst v1;
	(pc) =	sbr.rel @p1 .LBB1_4-.Ltmp3, $4  }
0x30: {  	v3 =	vld.idx.msk [tilespmem:v0+s17+$0xFFFFFFF0 ss:$0x1], $0xffff;
	[tilespmem:s18+$0x10] =	vst v2  }
0x31: {  	v1 =	vld.idx.msk [tilespmem:v0+s17+$0x0 ss:$0x1], $0xffff;
	[tilespmem:s18+$0x20] =	vst v6;
	s18 =	sadd.s32 $0x800, s18  }
0x32: {  	v2 =	vld.idx.msk [tilespmem:v0+s17+$0x10 ss:$0x1], $0xffff;
	[tilespmem:s18+$0x30] =	vst v7  }
0x33: {  	[tilespmem:s18+$0xFFFFFFC0] =	vst v8;
	v6 =	vld.idx.msk [tilespmem:v0+s17+$0x20 ss:$0x1], $0xffff;
	s17 =	sshra.s32 s19, $0x2;
	s19 =	sadd.s32 $0x200, s19  }
0x34: {  	_ =	sdelay $0x2  }
0x35: {  	[tilespmem:s18+$0xFFFFFFD0] =	vst v5  }
0x36: {  	v56 =	vld.idx.msk [tilespmem:v0+s17+$0x30 ss:$0x1], $0xffff;
	[tilespmem:s18+$0xFFFFFFE0] =	vst v4  }
0x37: {  	v57 =	vld.idx.msk [tilespmem:v0+s17+$0xFFFFFFC0 ss:$0x1], $0xffff;
	[tilespmem:s18+$0xFFFFFFF0] =	vst v3  }
0x38: {  	v58 =	vld.idx.msk [tilespmem:v0+s17+$0xFFFFFFD0 ss:$0x1], $0xffff;
	[tilespmem:s18+$0x0] =	vst v1  }
0x39: {  	v59 =	vld.idx.msk [tilespmem:v0+s17+$0xFFFFFFE0 ss:$0x1], $0xffff;
	[tilespmem:s18+$0x10] =	vst v2  }
0x3a: {  	v60 =	vld.idx.msk [tilespmem:v0+s17+$0xFFFFFFF0 ss:$0x1], $0xffff;
	s31 =	sadd.s32 $0x800, s18;
	[tilespmem:s18+$0x20] =	vst v6  }
0x3b: {  	v61 =	vld.idx.msk [tilespmem:v0+s17+$0x0 ss:$0x1], $0xffff;
	[tilespmem:s31+$0x30] =	vst v56  }
0x3c: {  	v62 =	vld.idx.msk [tilespmem:v0+s17+$0x10 ss:$0x1], $0xffff;
	s16 =	sadd.s32 $0x1, s16;
	[tilespmem:s31+$0xFFFFFFC0] =	vst v57  }
0x3d: {  	v63 =	vld.idx.msk [tilespmem:v0+s17+$0x20 ss:$0x1], $0xffff;
	p1 =	sne.s32 s16, $0x10;
	[tilespmem:s31+$0xFFFFFFD0] =	vst v58  }
.Ltmp4:
0x3e: {  	[tilespmem:s31+$0xFFFFFFE0] =	vst v59;
	(pc) =	sbr.rel @p1 .LBB1_3-.Ltmp4, $4  }
0x3f: {  	[tilespmem:s31+$0xFFFFFFF0] =	vst v60  }
0x40: {  	[tilespmem:s31+$0x0] =	vst v61  }
0x41: {  	[tilespmem:s31+$0x10] =	vst v62  }
0x42: {  	s13 =	sadd.s32 $0x80, s13;
	s15 =	sadd.s32 $0x400, s15;
	[tilespmem:s31+$0x20] =	vst v63  }
.Ltmp5:
0x43: {  	(pc) =	sbr.rel .LBB1_7-.Ltmp5, $4  }
0x44: {  	s12 =	sshll.u32 s12, $0xC;
	s11 =	sshll.u32 s11, $0x4  }
0x45: {  	s11 =	sand.u32 $0x1F0, s11;
	s12 =	sadd.s32 s3, s12  }
0x46: {  	s11 =	sadd.s32 s11, s12  }
0x47: {  	[hbm4b:s11+s6] =	stream.strided.scatter [tilespmem:s14], [sflag:$0x2], $0x4000, s7, s6, $0x38;
	[tilespmem:$0x10000] =	vst v63  }
.LBB1_8:
0x48: {  	_ =	sfence.sel $0x180000  }
0x49: {  	s2 =	simm.s32 $0x1;
	[bflag:$0x0] =	sbarrier.arrive $0xFFFF  }
0x4a: {  	s31 =	simm.s32 $0x2;
	[sflag:s2] =	ssyncpa.u1 $0x1  }
0x4b: {  	[sflag:s31] =	ssyncpa.u1 $0x1  }
0x4c: {  	p0 =	sne.s32 s1, $0x0;
	_ =	strace $0x90000047  }
0x4d: {  	s0 =	sadd.s32 @!p0 $0x100000, s0;
	[bflag:$0x2] =	sbarrier.arrive $0xFFFF  }
0x4e: {  	[sflag:s0] =	ssyncadd.tile.s32 @!p0 $0x1;
	_ =	shalt  }
.Lfunc_end1:
_tile_overlayer_lowered:
.L_overlay_start_2:
0x4f: {  	(tag) =	ssettag $0x2  }
0x50: {  	s0 =	rddreg [dreg:$0x0];
	s2 =	stileid.u32  }
0x51: {  	s1 =	rddreg [dreg:$0x1];
	p0 =	sne.s32 s2, $0x0  }
0x52: {  	s3 =	rddreg [dreg:$0x2];
	[bflag:$0x3] =	sbarrier.arrive $0xFFFF;
	s2 =	simm.s32 @!p0 $0x1C01  }
0x53: {  	[timem:s3], [sflag:s2] =	dma.local @!p0 [hbm:s0], s1  }
0x54: {  	s0 =	simm.s32 @!p0 $0x1  }
0x55: {  	_ =	swait.ge @!p0 [sflag:s0], s1  }
0x56: {  	s1 =	ssub.s32 @!p0 $0x0, s1;
	[sflag:s0] =	ssyncset.done @!p0 $0x0  }
0x57: {  	[sflag:s0] =	ssyncadd.s32 @!p0 s1  }
0x58: {  	[bflag:$0x3] =	sbarrier.arrive $0xFFFF  }
0x59: {  	_ =	shalt  }

</sc_bundles>
